<compile_context>
chip_gen: v7x
topology: tpu7x:2x2x1
jax: 0.10.2.dev20260603
libtpu: 0.0.44.dev20260713+nightly
codegen_flags: <defaults>
</compile_context>

<pallas_src>
import functools

import jax
import jax.numpy as jnp
from jax import lax
from jax.experimental import pallas as pl
from jax.experimental.pallas import tpu as pltpu
from jax.experimental.pallas import tpu_sc as plsc

_NUM_CORES = 2
_NUM_SUBCORES = 16
_NW = _NUM_CORES * _NUM_SUBCORES
_L = 16
_V = 100000
_VP = 100096
_ROWS_F = _VP // 8
_FULLW = 1024
_NFULL = 96
_TAILW = 1792
_CHUNK = 256


def _sc_fused(e_t, e_tail, idx):
  f = e_t.shape[0]
  fh = f // 2
  n, = idx.shape
  per_w = n // _NW
  n_chunks = per_w // _CHUNK

  mesh = plsc.VectorSubcoreMesh(core_axis_name="c", subcore_axis_name="s")

  @functools.partial(
      pl.kernel,
      out_type=[
          jax.ShapeDtypeStruct((n * 16 // 128, 128), jnp.float32),
          jax.ShapeDtypeStruct((f * _ROWS_F, 128), jnp.float32),
      ],
      mesh=mesh,
      scratch_types=[
          pltpu.SemaphoreType.DMA,
          pltpu.SemaphoreType.DMA,
          pltpu.SemaphoreType.DMA,
          pltpu.SemaphoreType.DMA,
      ],
      compiler_params=pltpu.CompilerParams(use_tc_tiling_on_sc=True,
                                           needs_layout_passes=False),
  )
  def fused_kernel(et_hbm, etail_hbm, idx_hbm, out_hbm, tab_hbm,
                   sem_a, sem_b, sem_c, sem_d):
    c = lax.axis_index("c")
    s = lax.axis_index("s")
    lanes = lax.iota(jnp.int32, _L)

    def stage(src, dst, width, vcol0, fg, sem):
      a = pltpu.async_copy(
          src.at[fg, pl.ds(0, 8), pl.ds(vcol0, width)],
          dst.at[pl.ds(0, 8), pl.ds(0, width)], sem)
      b = pltpu.async_copy(
          src.at[fg, pl.ds(8, 8), pl.ds(vcol0, width)],
          dst.at[pl.ds(8, 8), pl.ds(0, width)], sem)
      return a, b

    def phase1(ina_v, inb_v, linea_v, lineb_v):
      def repack(src_v, line_v, width, row0, prev):
        if prev is not None:
          prev.wait()

        def grp(go, carry):
          g0 = go * 8
          vs = [plsc.load_gather(src_v,
                                 [lanes, jnp.full((_L,), g0 + i, jnp.int32)])
                for i in range(8)]
          for i in range(8):
            line_v[go, pl.ds(i * 16, _L)] = vs[i]
          return carry

        lax.fori_loop(0, width // 8, grp, 0, unroll=2)
        return pltpu.async_copy(
            line_v.at[pl.ds(0, width // 8)],
            tab_hbm.at[pl.ds(pl.multiple_of(row0, 8), width // 8)], sem_c)

      def field_body(fl, carry):
        fg = c * fh + fl
        frow = fg * _ROWS_F
        ha = stage(et_hbm, ina_v, _FULLW, s * _FULLW, fg, sem_a)
        pend = [None, None]
        for k in range(_NFULL // _NUM_SUBCORES):
          task = s + k * _NUM_SUBCORES
          cur = ina_v if k % 2 == 0 else inb_v
          line = linea_v if k % 2 == 0 else lineb_v
          hn = None
          if k + 1 < _NFULL // _NUM_SUBCORES:
            hn = stage(et_hbm, inb_v if k % 2 == 0 else ina_v, _FULLW,
                       (s + (k + 1) * _NUM_SUBCORES) * _FULLW, fg,
                       sem_b if k % 2 == 0 else sem_a)
          ha[0].wait()
          ha[1].wait()
          pend[k % 2] = repack(cur, line, _FULLW,
                               frow + task * (_FULLW // 8), pend[k % 2])
          if hn is not None:
            ha = hn
        pend[0].wait()
        pend[1].wait()
        return carry

      lax.fori_loop(0, fh, field_body, 0)

      @pl.when(s < fh)
      def _tail():
        fg = c * fh + s
        for part in range(2):
          ta, tb = stage(etail_hbm, ina_v, _TAILW // 2,
                         part * (_TAILW // 2), fg, sem_a)
          ta.wait()
          tb.wait()
          h = repack(ina_v, linea_v, _TAILW // 2,
                     fg * _ROWS_F + _NFULL * (_FULLW // 8)
                     + part * (_TAILW // 16), None)
          h.wait()

    pl.run_scoped(phase1,
                  pltpu.VMEM((_L, _FULLW), jnp.float32),
                  pltpu.VMEM((_L, _FULLW), jnp.float32),
                  pltpu.VMEM((_FULLW // 8, 128), jnp.float32),
                  pltpu.VMEM((_FULLW // 8, 128), jnp.float32))

    plsc.subcore_barrier()

    wid = c * _NUM_SUBCORES + s
    base = pl.multiple_of(wid * per_w, per_w)

    def phase2(idx0_v, idx1_v, q0_v, q1_v, r0_v, r1_v, buf0_v, buf1_v,
               outc_v):
      idx_vs = (idx0_v, idx1_v)
      q_vs = (q0_v, q1_v)
      r_vs = (r0_v, r1_v)
      buf_vs = (buf0_v, buf1_v)
      sems = (sem_a, sem_b)
      isems = (sem_c, sem_d)

      def fire_idx(ci, k):
        off = base + ci * _CHUNK
        pltpu.async_copy(idx_hbm.at[pl.ds(off, _CHUNK)], idx_vs[k],
                         isems[k])

      def launch(ci, k):
        off = base + ci * _CHUNK
        pltpu.make_async_copy(idx_hbm.at[pl.ds(off, _CHUNK)], idx_vs[k],
                              isems[k]).wait()

        def split_body(i, carry2):
          ix = idx_vs[k][pl.ds(i * _L, _L)]
          q_vs[k][pl.ds(i * _L, _L)] = lax.shift_right_logical(ix, 3)
          r_vs[k][pl.ds(i * _L, _L)] = lax.shift_left(
              jnp.bitwise_and(ix, 7), 4)
          return carry2

        lax.fori_loop(0, _CHUNK // _L, split_body, 0)
        pltpu.async_copy(tab_hbm.at[q_vs[k]], buf_vs[k], sems[k])

      def wait_chunk(k):
        pltpu.make_async_copy(tab_hbm.at[q_vs[k]], buf_vs[k],
                              sems[k]).wait()

      def compact_chunk(ci, k):
        def group_body(g, carry2):
          i0 = g * _L
          ivec = lanes + i0
          rvec = r_vs[k][pl.ds(i0, _L)]
          orow = lax.shift_right_logical(ivec, 3)
          ocol = lax.shift_left(jnp.bitwise_and(ivec, 7), 4)
          vals = [plsc.load_gather(buf_vs[k], [ivec, rvec + w])
                  for w in range(16)]
          for w in range(16):
            plsc.store_scatter(outc_v, [orow, ocol + w], vals[w])
          return carry2

        lax.fori_loop(0, _CHUNK // _L, group_body, 0)
        orow0 = (base + ci * _CHUNK) // 8
        pltpu.sync_copy(
            outc_v,
            out_hbm.at[pl.ds(pl.multiple_of(orow0, _CHUNK // 8),
                             _CHUNK // 8)])

      fire_idx(0, 0)
      fire_idx(1, 1)
      launch(0, 0)

      def pair_body(i, carry):
        c0 = i * 2
        launch(c0 + 1, 1)
        fire_idx(lax.rem(c0 + 2, n_chunks), 0)
        wait_chunk(0)
        compact_chunk(c0, 0)
        launch(lax.rem(c0 + 2, n_chunks), 0)
        fire_idx(lax.rem(c0 + 3, n_chunks), 1)
        wait_chunk(1)
        compact_chunk(c0 + 1, 1)
        return carry

      lax.fori_loop(0, n_chunks // 2, pair_body, 0)
      wait_chunk(0)
      pltpu.make_async_copy(idx_hbm.at[pl.ds(base + _CHUNK, _CHUNK)],
                            idx_vs[1], isems[1]).wait()

    pl.run_scoped(phase2,
                  pltpu.VMEM((_CHUNK,), jnp.int32),
                  pltpu.VMEM((_CHUNK,), jnp.int32),
                  pltpu.VMEM((_CHUNK,), jnp.int32),
                  pltpu.VMEM((_CHUNK,), jnp.int32),
                  pltpu.VMEM((_CHUNK,), jnp.int32),
                  pltpu.VMEM((_CHUNK,), jnp.int32),
                  pltpu.VMEM((_CHUNK, 128), jnp.float32),
                  pltpu.VMEM((_CHUNK, 128), jnp.float32),
                  pltpu.VMEM((_CHUNK // 8, 128), jnp.float32))

  return fused_kernel(e_t, e_tail, idx)


def _tc_mlp(x_num, emb3, w1n, w1c, b1, w2, b2, w3, b3, wab, bab, bm):
  b, nd = x_num.shape
  grid = (b // bm,)

  def body(xn_ref, emb_ref, w1n_ref, w1c_ref, b1_ref, w2_ref, b2_ref,
           w3_ref, b3_ref, wab_ref, bab_ref, out_ref):
    h = jnp.dot(xn_ref[...], w1n_ref[...], preferred_element_type=jnp.float32)
    for g in range(4):
      h = h + jnp.dot(emb_ref[g], w1c_ref[g],
                      preferred_element_type=jnp.float32)
    h = jnp.maximum(h + b1_ref[...], 0.0)
    h = jnp.maximum(
        jnp.dot(h, w2_ref[...], preferred_element_type=jnp.float32)
        + b2_ref[...], 0.0)
    h = jnp.maximum(
        jnp.dot(h, w3_ref[...], preferred_element_type=jnp.float32)
        + b3_ref[...], 0.0)
    out_ref[...] = (
        jnp.dot(h, wab_ref[...], preferred_element_type=jnp.float32)
        + bab_ref[...])

  full2 = lambda shape: pl.BlockSpec(shape, lambda i: (0, 0))
  full3 = lambda shape: pl.BlockSpec(shape, lambda i: (0, 0, 0))
  return pl.pallas_call(
      body,
      grid=grid,
      in_specs=[
          pl.BlockSpec((bm, nd), lambda i: (i, 0)),
          pl.BlockSpec((4, bm, 128), lambda i: (0, i, 0)),
          full2(w1n.shape),
          full3(w1c.shape),
          full2(b1.shape),
          full2(w2.shape),
          full2(b2.shape),
          full2(w3.shape),
          full2(b3.shape),
          full2(wab.shape),
          full2(bab.shape),
      ],
      out_specs=pl.BlockSpec((bm, 2), lambda i: (i, 0)),
      out_shape=jax.ShapeDtypeStruct((b, 2), jnp.float32),
  )(x_num, emb3, w1n, w1c, b1, w2, b2, w3, b3, wab, bab)


_PLANE_FIELDS = (list(range(0, 8)),
                 [8, 9, 10, 11, 12, 0, 1, 2],
                 list(range(13, 21)),
                 [21, 22, 23, 24, 25, 13, 14, 15])
_REAL_SLOTS = (8, 5, 8, 5)


def kernel(x_num, x_cat, E, W1, b1, W2, b2, W3, b3, WA, bA, WB, bB):
  f, v, d = E.shape
  b = x_cat.shape[0]
  nd = x_num.shape[1]

  e_t = jnp.transpose(E, (0, 2, 1))
  e_tail = jnp.pad(e_t[:, :, _NFULL * _FULLW:],
                   ((0, 0), (0, 0), (0, _TAILW - (v - _NFULL * _FULLW))))

  idx_all = x_cat + (jnp.arange(f, dtype=jnp.int32) * _VP)[None, :]
  cols = jnp.asarray(sum(_PLANE_FIELDS, []), dtype=jnp.int32)
  idx3 = jnp.take(idx_all, cols, axis=1).reshape(b, 4, 8)
  idx3 = idx3.transpose(1, 0, 2).reshape(-1)

  emb, _ = _sc_fused(e_t, e_tail, idx3)
  emb3 = emb.reshape(4, b, 8 * d)

  w1e = W1[nd:]
  blocks = []
  r0 = 0
  for p in range(4):
    nreal = _REAL_SLOTS[p] * d
    blk = w1e[r0:r0 + nreal]
    r0 += nreal
    if nreal < 128:
      blk = jnp.pad(blk, ((0, 128 - nreal), (0, 0)))
    blocks.append(blk)
  w1c = jnp.stack(blocks)

  wab = jnp.concatenate([WA, WB], axis=1)
  bab = jnp.concatenate([bA, bB])[None, :]
  out = _tc_mlp(x_num, emb3, W1[:nd], w1c, b1[None, :], W2, b2[None, :],
                W3, b3[None, :], wab, bab, bm=2048)
  return out[:, 0], out[:, 1]

# --- scband reference (transcript-rebuilt; emitter-appended) ---
"""Pipeline reference for scband-mtmlmodel-8744553415319 (READ-ONLY COPY).

The authoritative reference and input builder live on the scoring server;
editing this copy changes nothing except your own understanding.
"""

import jax, jax.numpy as jnp
import numpy as np

B = 16384
F = 26
V = 100000
D = 16
NUM_DIM = 13
HIDDEN = (256, 128, 64)


def setup_inputs(seed: int = 0) -> dict:
    key = jax.random.key(seed)
    ks = jax.random.split(key, 16)
    x_num = jax.random.normal(ks[0], (B, NUM_DIM), dtype=jnp.float32)
    x_cat = jax.random.randint(ks[1], (B, F), 0, V, dtype=jnp.int32)
    # Embedding tables: one per sparse field, all same vocab size -> stacked [F, V, D]
    E = jax.random.normal(ks[2], (F, V, D), dtype=jnp.float32) * 0.05
    in_dim = NUM_DIM + F * D  # 429
    dims = (in_dim,) + HIDDEN
    params = {}
    for li in range(len(HIDDEN)):
        i, o = dims[li], dims[li + 1]
        params['W%d' % (li + 1)] = jax.random.normal(ks[3 + 2 * li], (i, o), dtype=jnp.float32) * (1.0 / np.sqrt(i))
        params['b%d' % (li + 1)] = jnp.zeros((o,), dtype=jnp.float32)
    params['WA'] = jax.random.normal(ks[12], (HIDDEN[-1], 1), dtype=jnp.float32) * (1.0 / np.sqrt(HIDDEN[-1]))
    params['bA'] = jnp.zeros((1,), dtype=jnp.float32)
    params['WB'] = jax.random.normal(ks[13], (HIDDEN[-1], 1), dtype=jnp.float32) * (1.0 / np.sqrt(HIDDEN[-1]))
    params['bB'] = jnp.zeros((1,), dtype=jnp.float32)
    out = {'x_num': x_num, 'x_cat': x_cat, 'E': E}
    out.update(params)
    return out


def reference(x_num, x_cat, E, W1, b1, W2, b2, W3, b3, WA, bA, WB, bB):
    # embedding lookups, one table per sparse field
    emb_list = [jnp.take(E[i], x_cat[:, i], axis=0) for i in range(F)]
    x = jnp.concatenate([x_num] + emb_list, axis=1)
    # shared MLP (dropout is identity in eval mode)
    h = jax.nn.relu(x @ W1 + b1)
    h = jax.nn.relu(h @ W2 + b2)
    h = jax.nn.relu(h @ W3 + b3)
    outA = (h @ WA + bA)[:, 0]
    outB = (h @ WB + bB)[:, 0]
    return (outA, outB)

if __name__ == "__main__":
    import jax
    _d = setup_inputs()
    print(jax.jit(kernel)(*tuple(_d.values())))

</pallas_src>

<mosaic_0001>
#map = affine_map<(d0, d1) -> (0, 0, 0)>
#map1 = affine_map<(d0, d1) -> (0)>
#map2 = affine_map<(d0, d1) -> (0, 0)>
module attributes {stable_mosaic.version = 14 : i64} {
  func.func @fused_kernel(%arg0: i32, %arg1: i32, %arg2: memref<26x16x100000xf32, #tpu.memory_space<hbm>>, %arg3: memref<26x16x1792xf32, #tpu.memory_space<hbm>>, %arg4: memref<524288xi32, #tpu.memory_space<hbm>>, %arg5: memref<65536x128xf32, #tpu.memory_space<hbm>>, %arg6: memref<325312x128xf32, #tpu.memory_space<hbm>>, %arg7: memref<!tpu.dma_semaphore, #tpu.memory_space<semaphore_mem>>, %arg8: memref<!tpu.dma_semaphore, #tpu.memory_space<semaphore_mem>>, %arg9: memref<!tpu.dma_semaphore, #tpu.memory_space<semaphore_mem>>, %arg10: memref<!tpu.dma_semaphore, #tpu.memory_space<semaphore_mem>>) attributes {dimension_semantics = [#tpu.dimension_semantics<core_parallel>, #tpu.dimension_semantics<subcore_parallel>], iteration_bounds = array<i64: 2, 16>, scalar_prefetch = 0 : i64, scratch_operands = 4 : i64, tpu.core_type = #tpu.core_type<sc_vector_subcore>, window_params = [{transform_indices = #map}, {transform_indices = #map}, {transform_indices = #map1}, {transform_indices = #map2}, {transform_indices = #map2}]} {
    %iota3A = tpu.iota {dimensions = array<i32: 0>} : vector<16xi32>
    "tpu.region"() ({
      %run_scoped3A = memref.alloca() : memref<16x1024xf32, #tpu.memory_space<vmem>>
      %run_scoped3A_3 = memref.alloca() : memref<16x1024xf32, #tpu.memory_space<vmem>>
      %run_scoped3A_4 = memref.alloca() : memref<128x128xf32, #tpu.memory_space<vmem>>
      %run_scoped3A_5 = memref.alloca() : memref<128x128xf32, #tpu.memory_space<vmem>>
      %scan3A = arith.constant 0 : i32
      %scan3A_6 = arith.constant 0 : i32
      %scan3A_7 = arith.constant 13 : i32
      %scan3A_8 = arith.addi %scan3A_6, %scan3A_7 : i32
      %scan3A_9 = arith.constant 1 : i32
      scf.for %scan3A_13 = %scan3A_6 to %scan3A_8 step %scan3A_9  : i32 {
        %mul3A_14 = arith.constant 13 : i32
        %mul3A_15 = arith.muli %arg0, %mul3A_14 : i32
        %add3A_16 = arith.addi %mul3A_15, %scan3A_13 : i32
        %mul3A_17 = arith.constant 12512 : i32
        %mul3A_18 = arith.muli %add3A_16, %mul3A_17 : i32
        %mul3A_19 = arith.constant 1024 : i32
        %mul3A_20 = arith.muli %arg1, %mul3A_19 : i32
        %dma_start3A = arith.constant 0 : i32
        %dma_start3A_21 = arith.constant 0 : i32
        %dma_start3A_22 = tpu.memref_slice %run_scoped3A[%dma_start3A, %dma_start3A_21] : memref<16x1024xf32, #tpu.memory_space<vmem>> -> memref<8x1024xf32, #tpu.memory_space<vmem>>
        %dma_start3A_23 = arith.constant 0 : i32
        %dma_start3A_24 = tpu.memref_slice %arg2[%add3A_16, %dma_start3A_23, %mul3A_20] : memref<26x16x100000xf32, #tpu.memory_space<hbm>> -> memref<1x8x1024xf32, #tpu.memory_space<hbm>>
        %dma_start3A_25 = tpu.memref_squeeze %dma_start3A_24 : memref<1x8x1024xf32, #tpu.memory_space<hbm>> -> memref<8x1024xf32, #tpu.memory_space<hbm>>
        %dma_start3A_26 = arith.constant 0 : i32
        %dma_start3A_27 = arith.constant 0 : i32
        %dma_start3A_28 = tpu.memref_slice %run_scoped3A[%dma_start3A_26, %dma_start3A_27] : memref<16x1024xf32, #tpu.memory_space<vmem>> -> memref<8x1024xf32, #tpu.memory_space<vmem>>
        %dma_start3A_29 = arith.constant 0 : i32
        %dma_start3A_30 = tpu.memref_slice %arg2[%add3A_16, %dma_start3A_29, %mul3A_20] : memref<26x16x100000xf32, #tpu.memory_space<hbm>> -> memref<1x8x1024xf32, #tpu.memory_space<hbm>>
        %dma_start3A_31 = tpu.memref_squeeze %dma_start3A_30 : memref<1x8x1024xf32, #tpu.memory_space<hbm>> -> memref<8x1024xf32, #tpu.memory_space<hbm>>
        tpu.enqueue_dma source(%dma_start3A_31 : memref<8x1024xf32, #tpu.memory_space<hbm>>) target(%dma_start3A_28 : memref<8x1024xf32, #tpu.memory_space<vmem>>) target_semaphore(%arg7 : memref<!tpu.dma_semaphore, #tpu.memory_space<semaphore_mem>>)
        %dma_start3A_32 = arith.constant 8 : i32
        %dma_start3A_33 = arith.constant 0 : i32
        %dma_start3A_34 = tpu.memref_slice %run_scoped3A[%dma_start3A_32, %dma_start3A_33] : memref<16x1024xf32, #tpu.memory_space<vmem>> -> memref<8x1024xf32, #tpu.memory_space<vmem>>
        %dma_start3A_35 = arith.constant 8 : i32
        %dma_start3A_36 = tpu.memref_slice %arg2[%add3A_16, %dma_start3A_35, %mul3A_20] : memref<26x16x100000xf32, #tpu.memory_space<hbm>> -> memref<1x8x1024xf32, #tpu.memory_space<hbm>>
        %dma_start3A_37 = tpu.memref_squeeze %dma_start3A_36 : memref<1x8x1024xf32, #tpu.memory_space<hbm>> -> memref<8x1024xf32, #tpu.memory_space<hbm>>
        %dma_start3A_38 = arith.constant 8 : i32
        %dma_start3A_39 = arith.constant 0 : i32
        %dma_start3A_40 = tpu.memref_slice %run_scoped3A[%dma_start3A_38, %dma_start3A_39] : memref<16x1024xf32, #tpu.memory_space<vmem>> -> memref<8x1024xf32, #tpu.memory_space<vmem>>
        %dma_start3A_41 = arith.constant 8 : i32
        %dma_start3A_42 = tpu.memref_slice %arg2[%add3A_16, %dma_start3A_41, %mul3A_20] : memref<26x16x100000xf32, #tpu.memory_space<hbm>> -> memref<1x8x1024xf32, #tpu.memory_space<hbm>>
        %dma_start3A_43 = tpu.memref_squeeze %dma_start3A_42 : memref<1x8x1024xf32, #tpu.memory_space<hbm>> -> memref<8x1024xf32, #tpu.memory_space<hbm>>
        tpu.enqueue_dma source(%dma_start3A_43 : memref<8x1024xf32, #tpu.memory_space<hbm>>) target(%dma_start3A_40 : memref<8x1024xf32, #tpu.memory_space<vmem>>) target_semaphore(%arg7 : memref<!tpu.dma_semaphore, #tpu.memory_space<semaphore_mem>>)
        %add3A_44 = arith.constant 0 : i32
        %add3A_45 = arith.addi %arg1, %add3A_44 : i32
        %add3A_46 = arith.constant 16 : i32
        %add3A_47 = arith.addi %arg1, %add3A_46 : i32
        %mul3A_48 = arith.constant 1024 : i32
        %mul3A_49 = arith.muli %add3A_47, %mul3A_48 : i32
        %dma_start3A_50 = arith.constant 0 : i32
        %dma_start3A_51 = arith.constant 0 : i32
        %dma_start3A_52 = tpu.memref_slice %run_scoped3A_3[%dma_start3A_50, %dma_start3A_51] : memref<16x1024xf32, #tpu.memory_space<vmem>> -> memref<8x1024xf32, #tpu.memory_space<vmem>>
        %dma_start3A_53 = arith.constant 0 : i32
        %dma_start3A_54 = tpu.memref_slice %arg2[%add3A_16, %dma_start3A_53, %mul3A_49] : memref<26x16x100000xf32, #tpu.memory_space<hbm>> -> memref<1x8x1024xf32, #tpu.memory_space<hbm>>
        %dma_start3A_55 = tpu.memref_squeeze %dma_start3A_54 : memref<1x8x1024xf32, #tpu.memory_space<hbm>> -> memref<8x1024xf32, #tpu.memory_space<hbm>>
        %dma_start3A_56 = arith.constant 0 : i32
        %dma_start3A_57 = arith.constant 0 : i32
        %dma_start3A_58 = tpu.memref_slice %run_scoped3A_3[%dma_start3A_56, %dma_start3A_57] : memref<16x1024xf32, #tpu.memory_space<vmem>> -> memref<8x1024xf32, #tpu.memory_space<vmem>>
        %dma_start3A_59 = arith.constant 0 : i32
        %dma_start3A_60 = tpu.memref_slice %arg2[%add3A_16, %dma_start3A_59, %mul3A_49] : memref<26x16x100000xf32, #tpu.memory_space<hbm>> -> memref<1x8x1024xf32, #tpu.memory_space<hbm>>
        %dma_start3A_61 = tpu.memref_squeeze %dma_start3A_60 : memref<1x8x1024xf32, #tpu.memory_space<hbm>> -> memref<8x1024xf32, #tpu.memory_space<hbm>>
        tpu.enqueue_dma source(%dma_start3A_61 : memref<8x1024xf32, #tpu.memory_space<hbm>>) target(%dma_start3A_58 : memref<8x1024xf32, #tpu.memory_space<vmem>>) target_semaphore(%arg8 : memref<!tpu.dma_semaphore, #tpu.memory_space<semaphore_mem>>)
        %dma_start3A_62 = arith.constant 8 : i32
        %dma_start3A_63 = arith.constant 0 : i32
        %dma_start3A_64 = tpu.memref_slice %run_scoped3A_3[%dma_start3A_62, %dma_start3A_63] : memref<16x1024xf32, #tpu.memory_space<vmem>> -> memref<8x1024xf32, #tpu.memory_space<vmem>>
        %dma_start3A_65 = arith.constant 8 : i32
        %dma_start3A_66 = tpu.memref_slice %arg2[%add3A_16, %dma_start3A_65, %mul3A_49] : memref<26x16x100000xf32, #tpu.memory_space<hbm>> -> memref<1x8x1024xf32, #tpu.memory_space<hbm>>
        %dma_start3A_67 = tpu.memref_squeeze %dma_start3A_66 : memref<1x8x1024xf32, #tpu.memory_space<hbm>> -> memref<8x1024xf32, #tpu.memory_space<hbm>>
        %dma_start3A_68 = arith.constant 8 : i32
        %dma_start3A_69 = arith.constant 0 : i32
        %dma_start3A_70 = tpu.memref_slice %run_scoped3A_3[%dma_start3A_68, %dma_start3A_69] : memref<16x1024xf32, #tpu.memory_space<vmem>> -> memref<8x1024xf32, #tpu.memory_space<vmem>>
        %dma_start3A_71 = arith.constant 8 : i32
        %dma_start3A_72 = tpu.memref_slice %arg2[%add3A_16, %dma_start3A_71, %mul3A_49] : memref<26x16x100000xf32, #tpu.memory_space<hbm>> -> memref<1x8x1024xf32, #tpu.memory_space<hbm>>
        %dma_start3A_73 = tpu.memref_squeeze %dma_start3A_72 : memref<1x8x1024xf32, #tpu.memory_space<hbm>> -> memref<8x1024xf32, #tpu.memory_space<hbm>>
        tpu.enqueue_dma source(%dma_start3A_73 : memref<8x1024xf32, #tpu.memory_space<hbm>>) target(%dma_start3A_70 : memref<8x1024xf32, #tpu.memory_space<vmem>>) target_semaphore(%arg8 : memref<!tpu.dma_semaphore, #tpu.memory_space<semaphore_mem>>)
        %dma_wait3A = arith.constant 0 : i32
        %dma_wait3A_74 = arith.constant 0 : i32
        %dma_wait3A_75 = tpu.memref_slice %run_scoped3A[%dma_wait3A, %dma_wait3A_74] : memref<16x1024xf32, #tpu.memory_space<vmem>> -> memref<8x1024xf32, #tpu.memory_space<vmem>>
        %dma_wait3A_76 = arith.constant 0 : i32
        %dma_wait3A_77 = tpu.memref_slice %arg2[%add3A_16, %dma_wait3A_76, %mul3A_20] : memref<26x16x100000xf32, #tpu.memory_space<hbm>> -> memref<1x8x1024xf32, #tpu.memory_space<hbm>>
        %dma_wait3A_78 = tpu.memref_squeeze %dma_wait3A_77 : memref<1x8x1024xf32, #tpu.memory_space<hbm>> -> memref<8x1024xf32, #tpu.memory_space<hbm>>
        %dma_wait3A_79 = arith.constant 0 : i32
        %dma_wait3A_80 = arith.constant 0 : i32
        %dma_wait3A_81 = tpu.memref_slice %run_scoped3A[%dma_wait3A_79, %dma_wait3A_80] : memref<16x1024xf32, #tpu.memory_space<vmem>> -> memref<8x1024xf32, #tpu.memory_space<vmem>>
        %dma_wait3A_82 = arith.constant 0 : i32
        %dma_wait3A_83 = tpu.memref_slice %arg2[%add3A_16, %dma_wait3A_82, %mul3A_20] : memref<26x16x100000xf32, #tpu.memory_space<hbm>> -> memref<1x8x1024xf32, #tpu.memory_space<hbm>>
        %dma_wait3A_84 = tpu.memref_squeeze %dma_wait3A_83 : memref<1x8x1024xf32, #tpu.memory_space<hbm>> -> memref<8x1024xf32, #tpu.memory_space<hbm>>
        tpu.wait_dma2 semaphore(%arg7 : memref<!tpu.dma_semaphore, #tpu.memory_space<semaphore_mem>>) src(%dma_wait3A_84 : memref<8x1024xf32, #tpu.memory_space<hbm>>) dst(%dma_wait3A_81 : memref<8x1024xf32, #tpu.memory_space<vmem>>)
        %dma_wait3A_85 = arith.constant 8 : i32
        %dma_wait3A_86 = arith.constant 0 : i32
        %dma_wait3A_87 = tpu.memref_slice %run_scoped3A[%dma_wait3A_85, %dma_wait3A_86] : memref<16x1024xf32, #tpu.memory_space<vmem>> -> memref<8x1024xf32, #tpu.memory_space<vmem>>
        %dma_wait3A_88 = arith.constant 8 : i32
        %dma_wait3A_89 = tpu.memref_slice %arg2[%add3A_16, %dma_wait3A_88, %mul3A_20] : memref<26x16x100000xf32, #tpu.memory_space<hbm>> -> memref<1x8x1024xf32, #tpu.memory_space<hbm>>
        %dma_wait3A_90 = tpu.memref_squeeze %dma_wait3A_89 : memref<1x8x1024xf32, #tpu.memory_space<hbm>> -> memref<8x1024xf32, #tpu.memory_space<hbm>>
        %dma_wait3A_91 = arith.constant 8 : i32
        %dma_wait3A_92 = arith.constant 0 : i32
        %dma_wait3A_93 = tpu.memref_slice %run_scoped3A[%dma_wait3A_91, %dma_wait3A_92] : memref<16x1024xf32, #tpu.memory_space<vmem>> -> memref<8x1024xf32, #tpu.memory_space<vmem>>
        %dma_wait3A_94 = arith.constant 8 : i32
        %dma_wait3A_95 = tpu.memref_slice %arg2[%add3A_16, %dma_wait3A_94, %mul3A_20] : memref<26x16x100000xf32, #tpu.memory_space<hbm>> -> memref<1x8x1024xf32, #tpu.memory_space<hbm>>
        %dma_wait3A_96 = tpu.memref_squeeze %dma_wait3A_95 : memref<1x8x1024xf32, #tpu.memory_space<hbm>> -> memref<8x1024xf32, #tpu.memory_space<hbm>>
        tpu.wait_dma2 semaphore(%arg7 : memref<!tpu.dma_semaphore, #tpu.memory_space<semaphore_mem>>) src(%dma_wait3A_96 : memref<8x1024xf32, #tpu.memory_space<hbm>>) dst(%dma_wait3A_93 : memref<8x1024xf32, #tpu.memory_space<vmem>>)
        %mul3A_97 = arith.constant 128 : i32
        %mul3A_98 = arith.muli %add3A_45, %mul3A_97 : i32
        %add3A_99 = arith.addi %mul3A_18, %mul3A_98 : i32
        %scan3A_100 = arith.constant 0 : i32
        %scan3A_101 = arith.constant 0 : i32
        %scan3A_102 = arith.constant 128 : i32
        %scan3A_103 = arith.addi %scan3A_101, %scan3A_102 : i32
        %scan3A_104 = arith.constant 2 : i32
        scf.for %scan3A_519 = %scan3A_101 to %scan3A_103 step %scan3A_104  : i32 {
          %mul3A_520 = arith.constant 8 : i32
          %mul3A_521 = arith.muli %scan3A_519, %mul3A_520 : i32
          %add3A_522 = arith.constant 0 : i32
          %add3A_523 = arith.addi %mul3A_521, %add3A_522 : i32
          %broadcast_in_dim3A = vector.broadcast %add3A_523 : i32 to vector<16xi32>
          %gather3A = tpu.vector_load_idx %run_scoped3A[%iota3A, %broadcast_in_dim3A] : memref<16x1024xf32, #tpu.memory_space<vmem>>[vector<16xi32>, vector<16xi32>], vector<16xf32>,
          %add3A_524 = arith.constant 1 : i32
          %add3A_525 = arith.addi %mul3A_521, %add3A_524 : i32
          %broadcast_in_dim3A_526 = vector.broadcast %add3A_525 : i32 to vector<16xi32>
          %gather3A_527 = tpu.vector_load_idx %run_scoped3A[%iota3A, %broadcast_in_dim3A_526] : memref<16x1024xf32, #tpu.memory_space<vmem>>[vector<16xi32>, vector<16xi32>], vector<16xf32>,
          %add3A_528 = arith.constant 2 : i32
          %add3A_529 = arith.addi %mul3A_521, %add3A_528 : i32
          %broadcast_in_dim3A_530 = vector.broadcast %add3A_529 : i32 to vector<16xi32>
          %gather3A_531 = tpu.vector_load_idx %run_scoped3A[%iota3A, %broadcast_in_dim3A_530] : memref<16x1024xf32, #tpu.memory_space<vmem>>[vector<16xi32>, vector<16xi32>], vector<16xf32>,
          %add3A_532 = arith.constant 3 : i32
          %add3A_533 = arith.addi %mul3A_521, %add3A_532 : i32
          %broadcast_in_dim3A_534 = vector.broadcast %add3A_533 : i32 to vector<16xi32>
          %gather3A_535 = tpu.vector_load_idx %run_scoped3A[%iota3A, %broadcast_in_dim3A_534] : memref<16x1024xf32, #tpu.memory_space<vmem>>[vector<16xi32>, vector<16xi32>], vector<16xf32>,
          %add3A_536 = arith.constant 4 : i32
          %add3A_537 = arith.addi %mul3A_521, %add3A_536 : i32
          %broadcast_in_dim3A_538 = vector.broadcast %add3A_537 : i32 to vector<16xi32>
          %gather3A_539 = tpu.vector_load_idx %run_scoped3A[%iota3A, %broadcast_in_dim3A_538] : memref<16x1024xf32, #tpu.memory_space<vmem>>[vector<16xi32>, vector<16xi32>], vector<16xf32>,
          %add3A_540 = arith.constant 5 : i32
          %add3A_541 = arith.addi %mul3A_521, %add3A_540 : i32
          %broadcast_in_dim3A_542 = vector.broadcast %add3A_541 : i32 to vector<16xi32>
          %gather3A_543 = tpu.vector_load_idx %run_scoped3A[%iota3A, %broadcast_in_dim3A_542] : memref<16x1024xf32, #tpu.memory_space<vmem>>[vector<16xi32>, vector<16xi32>], vector<16xf32>,
          %add3A_544 = arith.constant 6 : i32
          %add3A_545 = arith.addi %mul3A_521, %add3A_544 : i32
          %broadcast_in_dim3A_546 = vector.broadcast %add3A_545 : i32 to vector<16xi32>
          %gather3A_547 = tpu.vector_load_idx %run_scoped3A[%iota3A, %broadcast_in_dim3A_546] : memref<16x1024xf32, #tpu.memory_space<vmem>>[vector<16xi32>, vector<16xi32>], vector<16xf32>,
          %add3A_548 = arith.constant 7 : i32
          %add3A_549 = arith.addi %mul3A_521, %add3A_548 : i32
          %broadcast_in_dim3A_550 = vector.broadcast %add3A_549 : i32 to vector<16xi32>
          %gather3A_551 = tpu.vector_load_idx %run_scoped3A[%iota3A, %broadcast_in_dim3A_550] : memref<16x1024xf32, #tpu.memory_space<vmem>>[vector<16xi32>, vector<16xi32>], vector<16xf32>,
          %swap3A = arith.index_cast %scan3A_519 : i32 to index
          %swap3A_552 = arith.constant 0 : index
          %swap3A_553 = tpu.vector_load %run_scoped3A_4[%swap3A, %swap3A_552] {strides = array<i32>} : memref<128x128xf32, #tpu.memory_space<vmem>>, vector<16xf32>,
          tpu.vector_store %run_scoped3A_4[%swap3A, %swap3A_552], %gather3A {strides = array<i32>} : memref<128x128xf32, #tpu.memory_space<vmem>>, vector<16xf32>,
          %swap3A_554 = arith.index_cast %scan3A_519 : i32 to index
          %swap3A_555 = arith.constant 16 : index
          %swap3A_556 = tpu.vector_load %run_scoped3A_4[%swap3A_554, %swap3A_555] {strides = array<i32>} : memref<128x128xf32, #tpu.memory_space<vmem>>, vector<16xf32>,
          tpu.vector_store %run_scoped3A_4[%swap3A_554, %swap3A_555], %gather3A_527 {strides = array<i32>} : memref<128x128xf32, #tpu.memory_space<vmem>>, vector<16xf32>,
          %swap3A_557 = arith.index_cast %scan3A_519 : i32 to index
          %swap3A_558 = arith.constant 32 : index
          %swap3A_559 = tpu.vector_load %run_scoped3A_4[%swap3A_557, %swap3A_558] {strides = array<i32>} : memref<128x128xf32, #tpu.memory_space<vmem>>, vector<16xf32>,
          tpu.vector_store %run_scoped3A_4[%swap3A_557, %swap3A_558], %gather3A_531 {strides = array<i32>} : memref<128x128xf32, #tpu.memory_space<vmem>>, vector<16xf32>,
          %swap3A_560 = arith.index_cast %scan3A_519 : i32 to index
          %swap3A_561 = arith.constant 48 : index
          %swap3A_562 = tpu.vector_load %run_scoped3A_4[%swap3A_560, %swap3A_561] {strides = array<i32>} : memref<128x128xf32, #tpu.memory_space<vmem>>, vector<16xf32>,
          tpu.vector_store %run_scoped3A_4[%swap3A_560, %swap3A_561], %gather3A_535 {strides = array<i32>} : memref<128x128xf32, #tpu.memory_space<vmem>>, vector<16xf32>,
          %swap3A_563 = arith.index_cast %scan3A_519 : i32 to index
          %swap3A_564 = arith.constant 64 : index
          %swap3A_565 = tpu.vector_load %run_scoped3A_4[%swap3A_563, %swap3A_564] {strides = array<i32>} : memref<128x128xf32, #tpu.memory_space<vmem>>, vector<16xf32>,
          tpu.vector_store %run_scoped3A_4[%swap3A_563, %swap3A_564], %gather3A_539 {strides = array<i32>} : memref<128x128xf32, #tpu.memory_space<vmem>>, vector<16xf32>,
          %swap3A_566 = arith.index_cast %scan3A_519 : i32 to index
          %swap3A_567 = arith.constant 80 : index
          %swap3A_568 = tpu.vector_load %run_scoped3A_4[%swap3A_566, %swap3A_567] {strides = array<i32>} : memref<128x128xf32, #tpu.memory_space<vmem>>, vector<16xf32>,
          tpu.vector_store %run_scoped3A_4[%swap3A_566, %swap3A_567], %gather3A_543 {strides = array<i32>} : memref<128x128xf32, #tpu.memory_space<vmem>>, vector<16xf32>,
          %swap3A_569 = arith.index_cast %scan3A_519 : i32 to index
          %swap3A_570 = arith.constant 96 : index
          %swap3A_571 = tpu.vector_load %run_scoped3A_4[%swap3A_569, %swap3A_570] {strides = array<i32>} : memref<128x128xf32, #tpu.memory_space<vmem>>, vector<16xf32>,
          tpu.vector_store %run_scoped3A_4[%swap3A_569, %swap3A_570], %gather3A_547 {strides = array<i32>} : memref<128x128xf32, #tpu.memory_space<vmem>>, vector<16xf32>,
          %swap3A_572 = arith.index_cast %scan3A_519 : i32 to index
          %swap3A_573 = arith.constant 112 : index
          %swap3A_574 = tpu.vector_load %run_scoped3A_4[%swap3A_572, %swap3A_573] {strides = array<i32>} : memref<128x128xf32, #tpu.memory_space<vmem>>, vector<16xf32>,
          tpu.vector_store %run_scoped3A_4[%swap3A_572, %swap3A_573], %gather3A_551 {strides = array<i32>} : memref<128x128xf32, #tpu.memory_space<vmem>>, vector<16xf32>,
          %scan3A_575 = arith.constant 1 : i32
          %scan3A_576 = arith.addi %scan3A_519, %scan3A_575 : i32
          %mul3A_577 = arith.constant 8 : i32
          %mul3A_578 = arith.muli %scan3A_576, %mul3A_577 : i32
          %add3A_579 = arith.constant 0 : i32
          %add3A_580 = arith.addi %mul3A_578, %add3A_579 : i32
          %broadcast_in_dim3A_581 = vector.broadcast %add3A_580 : i32 to vector<16xi32>
          %gather3A_582 = tpu.vector_load_idx %run_scoped3A[%iota3A, %broadcast_in_dim3A_581] : memref<16x1024xf32, #tpu.memory_space<vmem>>[vector<16xi32>, vector<16xi32>], vector<16xf32>,
          %add3A_583 = arith.constant 1 : i32
          %add3A_584 = arith.addi %mul3A_578, %add3A_583 : i32
          %broadcast_in_dim3A_585 = vector.broadcast %add3A_584 : i32 to vector<16xi32>
          %gather3A_586 = tpu.vector_load_idx %run_scoped3A[%iota3A, %broadcast_in_dim3A_585] : memref<16x1024xf32, #tpu.memory_space<vmem>>[vector<16xi32>, vector<16xi32>], vector<16xf32>,
          %add3A_587 = arith.constant 2 : i32
          %add3A_588 = arith.addi %mul3A_578, %add3A_587 : i32
          %broadcast_in_dim3A_589 = vector.broadcast %add3A_588 : i32 to vector<16xi32>
          %gather3A_590 = tpu.vector_load_idx %run_scoped3A[%iota3A, %broadcast_in_dim3A_589] : memref<16x1024xf32, #tpu.memory_space<vmem>>[vector<16xi32>, vector<16xi32>], vector<16xf32>,
          %add3A_591 = arith.constant 3 : i32
          %add3A_592 = arith.addi %mul3A_578, %add3A_591 : i32
          %broadcast_in_dim3A_593 = vector.broadcast %add3A_592 : i32 to vector<16xi32>
          %gather3A_594 = tpu.vector_load_idx %run_scoped3A[%iota3A, %broadcast_in_dim3A_593] : memref<16x1024xf32, #tpu.memory_space<vmem>>[vector<16xi32>, vector<16xi32>], vector<16xf32>,
          %add3A_595 = arith.constant 4 : i32
          %add3A_596 = arith.addi %mul3A_578, %add3A_595 : i32
          %broadcast_in_dim3A_597 = vector.broadcast %add3A_596 : i32 to vector<16xi32>
          %gather3A_598 = tpu.vector_load_idx %run_scoped3A[%iota3A, %broadcast_in_dim3A_597] : memref<16x1024xf32, #tpu.memory_space<vmem>>[vector<16xi32>, vector<16xi32>], vector<16xf32>,
          %add3A_599 = arith.constant 5 : i32
          %add3A_600 = arith.addi %mul3A_578, %add3A_599 : i32
          %broadcast_in_dim3A_601 = vector.broadcast %add3A_600 : i32 to vector<16xi32>
          %gather3A_602 = tpu.vector_load_idx %run_scoped3A[%iota3A, %broadcast_in_dim3A_601] : memref<16x1024xf32, #tpu.memory_space<vmem>>[vector<16xi32>, vector<16xi32>], vector<16xf32>,
          %add3A_603 = arith.constant 6 : i32
          %add3A_604 = arith.addi %mul3A_578, %add3A_603 : i32
          %broadcast_in_dim3A_605 = vector.broadcast %add3A_604 : i32 to vector<16xi32>
          %gather3A_606 = tpu.vector_load_idx %run_scoped3A[%iota3A, %broadcast_in_dim3A_605] : memref<16x1024xf32, #tpu.memory_space<vmem>>[vector<16xi32>, vector<16xi32>], vector<16xf32>,
          %add3A_607 = arith.constant 7 : i32
          %add3A_608 = arith.addi %mul3A_578, %add3A_607 : i32
          %broadcast_in_dim3A_609 = vector.broadcast %add3A_608 : i32 to vector<16xi32>
          %gather3A_610 = tpu.vector_load_idx %run_scoped3A[%iota3A, %broadcast_in_dim3A_609] : memref<16x1024xf32, #tpu.memory_space<vmem>>[vector<16xi32>, vector<16xi32>], vector<16xf32>,
          %swap3A_611 = arith.index_cast %scan3A_576 : i32 to index
          %swap3A_612 = arith.constant 0 : index
          %swap3A_613 = tpu.vector_load %run_scoped3A_4[%swap3A_611, %swap3A_612] {strides = array<i32>} : memref<128x128xf32, #tpu.memory_space<vmem>>, vector<16xf32>,
          tpu.vector_store %run_scoped3A_4[%swap3A_611, %swap3A_612], %gather3A_582 {strides = array<i32>} : memref<128x128xf32, #tpu.memory_space<vmem>>, vector<16xf32>,
          %swap3A_614 = arith.index_cast %scan3A_576 : i32 to index
          %swap3A_615 = arith.constant 16 : index
          %swap3A_616 = tpu.vector_load %run_scoped3A_4[%swap3A_614, %swap3A_615] {strides = array<i32>} : memref<128x128xf32, #tpu.memory_space<vmem>>, vector<16xf32>,
          tpu.vector_store %run_scoped3A_4[%swap3A_614, %swap3A_615], %gather3A_586 {strides = array<i32>} : memref<128x128xf32, #tpu.memory_space<vmem>>, vector<16xf32>,
          %swap3A_617 = arith.index_cast %scan3A_576 : i32 to index
          %swap3A_618 = arith.constant 32 : index
          %swap3A_619 = tpu.vector_load %run_scoped3A_4[%swap3A_617, %swap3A_618] {strides = array<i32>} : memref<128x128xf32, #tpu.memory_space<vmem>>, vector<16xf32>,
          tpu.vector_store %run_scoped3A_4[%swap3A_617, %swap3A_618], %gather3A_590 {strides = array<i32>} : memref<128x128xf32, #tpu.memory_space<vmem>>, vector<16xf32>,
          %swap3A_620 = arith.index_cast %scan3A_576 : i32 to index
          %swap3A_621 = arith.constant 48 : index
          %swap3A_622 = tpu.vector_load %run_scoped3A_4[%swap3A_620, %swap3A_621] {strides = array<i32>} : memref<128x128xf32, #tpu.memory_space<vmem>>, vector<16xf32>,
          tpu.vector_store %run_scoped3A_4[%swap3A_620, %swap3A_621], %gather3A_594 {strides = array<i32>} : memref<128x128xf32, #tpu.memory_space<vmem>>, vector<16xf32>,
          %swap3A_623 = arith.index_cast %scan3A_576 : i32 to index
          %swap3A_624 = arith.constant 64 : index
          %swap3A_625 = tpu.vector_load %run_scoped3A_4[%swap3A_623, %swap3A_624] {strides = array<i32>} : memref<128x128xf32, #tpu.memory_space<vmem>>, vector<16xf32>,
          tpu.vector_store %run_scoped3A_4[%swap3A_623, %swap3A_624], %gather3A_598 {strides = array<i32>} : memref<128x128xf32, #tpu.memory_space<vmem>>, vector<16xf32>,
          %swap3A_626 = arith.index_cast %scan3A_576 : i32 to index
          %swap3A_627 = arith.constant 80 : index
          %swap3A_628 = tpu.vector_load %run_scoped3A_4[%swap3A_626, %swap3A_627] {strides = array<i32>} : memref<128x128xf32, #tpu.memory_space<vmem>>, vector<16xf32>,
          tpu.vector_store %run_scoped3A_4[%swap3A_626, %swap3A_627], %gather3A_602 {strides = array<i32>} : memref<128x128xf32, #tpu.memory_space<vmem>>, vector<16xf32>,
          %swap3A_629 = arith.index_cast %scan3A_576 : i32 to index
          %swap3A_630 = arith.constant 96 : index
          %swap3A_631 = tpu.vector_load %run_scoped3A_4[%swap3A_629, %swap3A_630] {strides = array<i32>} : memref<128x128xf32, #tpu.memory_space<vmem>>, vector<16xf32>,
          tpu.vector_store %run_scoped3A_4[%swap3A_629, %swap3A_630], %gather3A_606 {strides = array<i32>} : memref<128x128xf32, #tpu.memory_space<vmem>>, vector<16xf32>,
          %swap3A_632 = arith.index_cast %scan3A_576 : i32 to index
          %swap3A_633 = arith.constant 112 : index
          %swap3A_634 = tpu.vector_load %run_scoped3A_4[%swap3A_632, %swap3A_633] {strides = array<i32>} : memref<128x128xf32, #tpu.memory_space<vmem>>, vector<16xf32>,
          tpu.vector_store %run_scoped3A_4[%swap3A_632, %swap3A_633], %gather3A_610 {strides = array<i32>} : memref<128x128xf32, #tpu.memory_space<vmem>>, vector<16xf32>,
        }
        %scan3A_105 = arith.constant 128 : i32
        %multiple_of3A_106 = tpu.assume_multiple %add3A_99, 8 : i32
        %dma_start3A_107 = arith.constant 0 : i32
        %dma_start3A_108 = arith.constant 0 : i32
        %dma_start3A_109 = tpu.memref_slice %run_scoped3A_4[%dma_start3A_107, %dma_start3A_108] : memref<128x128xf32, #tpu.memory_space<vmem>> -> memref<128x128xf32, #tpu.memory_space<vmem>>
        %dma_start3A_110 = arith.constant 0 : i32
        %dma_start3A_111 = tpu.memref_slice %arg6[%multiple_of3A_106, %dma_start3A_110] : memref<325312x128xf32, #tpu.memory_space<hbm>> -> memref<128x128xf32, #tpu.memory_space<hbm>>
        %dma_start3A_112 = arith.constant 0 : i32
        %dma_start3A_113 = tpu.memref_slice %arg6[%multiple_of3A_106, %dma_start3A_112] : memref<325312x128xf32, #tpu.memory_space<hbm>> -> memref<128x128xf32, #tpu.memory_space<hbm>>
        %dma_start3A_114 = arith.constant 0 : i32
        %dma_start3A_115 = arith.constant 0 : i32
        %dma_start3A_116 = tpu.memref_slice %run_scoped3A_4[%dma_start3A_114, %dma_start3A_115] : memref<128x128xf32, #tpu.memory_space<vmem>> -> memref<128x128xf32, #tpu.memory_space<vmem>>
        tpu.enqueue_dma source(%dma_start3A_116 : memref<128x128xf32, #tpu.memory_space<vmem>>) target(%dma_start3A_113 : memref<128x128xf32, #tpu.memory_space<hbm>>) target_semaphore(%arg9 : memref<!tpu.dma_semaphore, #tpu.memory_space<semaphore_mem>>)
        %add3A_117 = arith.constant 16 : i32
        %add3A_118 = arith.addi %arg1, %add3A_117 : i32
        %add3A_119 = arith.constant 32 : i32
        %add3A_120 = arith.addi %arg1, %add3A_119 : i32
        %mul3A_121 = arith.constant 1024 : i32
        %mul3A_122 = arith.muli %add3A_120, %mul3A_121 : i32
        %dma_start3A_123 = arith.constant 0 : i32
        %dma_start3A_124 = arith.constant 0 : i32
        %dma_start3A_125 = tpu.memref_slice %run_scoped3A[%dma_start3A_123, %dma_start3A_124] : memref<16x1024xf32, #tpu.memory_space<vmem>> -> memref<8x1024xf32, #tpu.memory_space<vmem>>
        %dma_start3A_126 = arith.constant 0 : i32
        %dma_start3A_127 = tpu.memref_slice %arg2[%add3A_16, %dma_start3A_126, %mul3A_122] : memref<26x16x100000xf32, #tpu.memory_space<hbm>> -> memref<1x8x1024xf32, #tpu.memory_space<hbm>>
        %dma_start3A_128 = tpu.memref_squeeze %dma_start3A_127 : memref<1x8x1024xf32, #tpu.memory_space<hbm>> -> memref<8x1024xf32, #tpu.memory_space<hbm>>
        %dma_start3A_129 = arith.constant 0 : i32
        %dma_start3A_130 = arith.constant 0 : i32
        %dma_start3A_131 = tpu.memref_slice %run_scoped3A[%dma_start3A_129, %dma_start3A_130] : memref<16x1024xf32, #tpu.memory_space<vmem>> -> memref<8x1024xf32, #tpu.memory_space<vmem>>
        %dma_start3A_132 = arith.constant 0 : i32
        %dma_start3A_133 = tpu.memref_slice %arg2[%add3A_16, %dma_start3A_132, %mul3A_122] : memref<26x16x100000xf32, #tpu.memory_space<hbm>> -> memref<1x8x1024xf32, #tpu.memory_space<hbm>>
        %dma_start3A_134 = tpu.memref_squeeze %dma_start3A_133 : memref<1x8x1024xf32, #tpu.memory_space<hbm>> -> memref<8x1024xf32, #tpu.memory_space<hbm>>
        tpu.enqueue_dma source(%dma_start3A_134 : memref<8x1024xf32, #tpu.memory_space<hbm>>) target(%dma_start3A_131 : memref<8x1024xf32, #tpu.memory_space<vmem>>) target_semaphore(%arg7 : memref<!tpu.dma_semaphore, #tpu.memory_space<semaphore_mem>>)
        %dma_start3A_135 = arith.constant 8 : i32
        %dma_start3A_136 = arith.constant 0 : i32
        %dma_start3A_137 = tpu.memref_slice %run_scoped3A[%dma_start3A_135, %dma_start3A_136] : memref<16x1024xf32, #tpu.memory_space<vmem>> -> memref<8x1024xf32, #tpu.memory_space<vmem>>
        %dma_start3A_138 = arith.constant 8 : i32
        %dma_start3A_139 = tpu.memref_slice %arg2[%add3A_16, %dma_start3A_138, %mul3A_122] : memref<26x16x100000xf32, #tpu.memory_space<hbm>> -> memref<1x8x1024xf32, #tpu.memory_space<hbm>>
        %dma_start3A_140 = tpu.memref_squeeze %dma_start3A_139 : memref<1x8x1024xf32, #tpu.memory_space<hbm>> -> memref<8x1024xf32, #tpu.memory_space<hbm>>
        %dma_start3A_141 = arith.constant 8 : i32
        %dma_start3A_142 = arith.constant 0 : i32
        %dma_start3A_143 = tpu.memref_slice %run_scoped3A[%dma_start3A_141, %dma_start3A_142] : memref<16x1024xf32, #tpu.memory_space<vmem>> -> memref<8x1024xf32, #tpu.memory_space<vmem>>
        %dma_start3A_144 = arith.constant 8 : i32
        %dma_start3A_145 = tpu.memref_slice %arg2[%add3A_16, %dma_start3A_144, %mul3A_122] : memref<26x16x100000xf32, #tpu.memory_space<hbm>> -> memref<1x8x1024xf32, #tpu.memory_space<hbm>>
        %dma_start3A_146 = tpu.memref_squeeze %dma_start3A_145 : memref<1x8x1024xf32, #tpu.memory_space<hbm>> -> memref<8x1024xf32, #tpu.memory_space<hbm>>
        tpu.enqueue_dma source(%dma_start3A_146 : memref<8x1024xf32, #tpu.memory_space<hbm>>) target(%dma_start3A_143 : memref<8x1024xf32, #tpu.memory_space<vmem>>) target_semaphore(%arg7 : memref<!tpu.dma_semaphore, #tpu.memory_space<semaphore_mem>>)
        %dma_wait3A_147 = arith.constant 0 : i32
        %dma_wait3A_148 = arith.constant 0 : i32
        %dma_wait3A_149 = tpu.memref_slice %run_scoped3A_3[%dma_wait3A_147, %dma_wait3A_148] : memref<16x1024xf32, #tpu.memory_space<vmem>> -> memref<8x1024xf32, #tpu.memory_space<vmem>>
        %dma_wait3A_150 = arith.constant 0 : i32
        %dma_wait3A_151 = tpu.memref_slice %arg2[%add3A_16, %dma_wait3A_150, %mul3A_49] : memref<26x16x100000xf32, #tpu.memory_space<hbm>> -> memref<1x8x1024xf32, #tpu.memory_space<hbm>>
        %dma_wait3A_152 = tpu.memref_squeeze %dma_wait3A_151 : memref<1x8x1024xf32, #tpu.memory_space<hbm>> -> memref<8x1024xf32, #tpu.memory_space<hbm>>
        %dma_wait3A_153 = arith.constant 0 : i32
        %dma_wait3A_154 = arith.constant 0 : i32
        %dma_wait3A_155 = tpu.memref_slice %run_scoped3A_3[%dma_wait3A_153, %dma_wait3A_154] : memref<16x1024xf32, #tpu.memory_space<vmem>> -> memref<8x1024xf32, #tpu.memory_space<vmem>>
        %dma_wait3A_156 = arith.constant 0 : i32
        %dma_wait3A_157 = tpu.memref_slice %arg2[%add3A_16, %dma_wait3A_156, %mul3A_49] : memref<26x16x100000xf32, #tpu.memory_space<hbm>> -> memref<1x8x1024xf32, #tpu.memory_space<hbm>>
        %dma_wait3A_158 = tpu.memref_squeeze %dma_wait3A_157 : memref<1x8x1024xf32, #tpu.memory_space<hbm>> -> memref<8x1024xf32, #tpu.memory_space<hbm>>
        tpu.wait_dma2 semaphore(%arg8 : memref<!tpu.dma_semaphore, #tpu.memory_space<semaphore_mem>>) src(%dma_wait3A_158 : memref<8x1024xf32, #tpu.memory_space<hbm>>) dst(%dma_wait3A_155 : memref<8x1024xf32, #tpu.memory_space<vmem>>)
        %dma_wait3A_159 = arith.constant 8 : i32
        %dma_wait3A_160 = arith.constant 0 : i32
        %dma_wait3A_161 = tpu.memref_slice %run_scoped3A_3[%dma_wait3A_159, %dma_wait3A_160] : memref<16x1024xf32, #tpu.memory_space<vmem>> -> memref<8x1024xf32, #tpu.memory_space<vmem>>
        %dma_wait3A_162 = arith.constant 8 : i32
        %dma_wait3A_163 = tpu.memref_slice %arg2[%add3A_16, %dma_wait3A_162, %mul3A_49] : memref<26x16x100000xf32, #tpu.memory_space<hbm>> -> memref<1x8x1024xf32, #tpu.memory_space<hbm>>
        %dma_wait3A_164 = tpu.memref_squeeze %dma_wait3A_163 : memref<1x8x1024xf32, #tpu.memory_space<hbm>> -> memref<8x1024xf32, #tpu.memory_space<hbm>>
        %dma_wait3A_165 = arith.constant 8 : i32
        %dma_wait3A_166 = arith.constant 0 : i32
        %dma_wait3A_167 = tpu.memref_slice %run_scoped3A_3[%dma_wait3A_165, %dma_wait3A_166] : memref<16x1024xf32, #tpu.memory_space<vmem>> -> memref<8x1024xf32, #tpu.memory_space<vmem>>
        %dma_wait3A_168 = arith.constant 8 : i32
        %dma_wait3A_169 = tpu.memref_slice %arg2[%add3A_16, %dma_wait3A_168, %mul3A_49] : memref<26x16x100000xf32, #tpu.memory_space<hbm>> -> memref<1x8x1024xf32, #tpu.memory_space<hbm>>
        %dma_wait3A_170 = tpu.memref_squeeze %dma_wait3A_169 : memref<1x8x1024xf32, #tpu.memory_space<hbm>> -> memref<8x1024xf32, #tpu.memory_space<hbm>>
        tpu.wait_dma2 semaphore(%arg8 : memref<!tpu.dma_semaphore, #tpu.memory_space<semaphore_mem>>) src(%dma_wait3A_170 : memref<8x1024xf32, #tpu.memory_space<hbm>>) dst(%dma_wait3A_167 : memref<8x1024xf32, #tpu.memory_space<vmem>>)
        %mul3A_171 = arith.constant 128 : i32
        %mul3A_172 = arith.muli %add3A_118, %mul3A_171 : i32
        %add3A_173 = arith.addi %mul3A_18, %mul3A_172 : i32
        %scan3A_174 = arith.constant 0 : i32
        %scan3A_175 = arith.constant 0 : i32
        %scan3A_176 = arith.constant 128 : i32
        %scan3A_177 = arith.addi %scan3A_175, %scan3A_176 : i32
        %scan3A_178 = arith.constant 2 : i32
        scf.for %scan3A_519 = %scan3A_175 to %scan3A_177 step %scan3A_178  : i32 {
          %mul3A_520 = arith.constant 8 : i32
          %mul3A_521 = arith.muli %scan3A_519, %mul3A_520 : i32
          %add3A_522 = arith.constant 0 : i32
          %add3A_523 = arith.addi %mul3A_521, %add3A_522 : i32
          %broadcast_in_dim3A = vector.broadcast %add3A_523 : i32 to vector<16xi32>
          %gather3A = tpu.vector_load_idx %run_scoped3A_3[%iota3A, %broadcast_in_dim3A] : memref<16x1024xf32, #tpu.memory_space<vmem>>[vector<16xi32>, vector<16xi32>], vector<16xf32>,
          %add3A_524 = arith.constant 1 : i32
          %add3A_525 = arith.addi %mul3A_521, %add3A_524 : i32
          %broadcast_in_dim3A_526 = vector.broadcast %add3A_525 : i32 to vector<16xi32>
          %gather3A_527 = tpu.vector_load_idx %run_scoped3A_3[%iota3A, %broadcast_in_dim3A_526] : memref<16x1024xf32, #tpu.memory_space<vmem>>[vector<16xi32>, vector<16xi32>], vector<16xf32>,
          %add3A_528 = arith.constant 2 : i32
          %add3A_529 = arith.addi %mul3A_521, %add3A_528 : i32
          %broadcast_in_dim3A_530 = vector.broadcast %add3A_529 : i32 to vector<16xi32>
          %gather3A_531 = tpu.vector_load_idx %run_scoped3A_3[%iota3A, %broadcast_in_dim3A_530] : memref<16x1024xf32, #tpu.memory_space<vmem>>[vector<16xi32>, vector<16xi32>], vector<16xf32>,
          %add3A_532 = arith.constant 3 : i32
          %add3A_533 = arith.addi %mul3A_521, %add3A_532 : i32
          %broadcast_in_dim3A_534 = vector.broadcast %add3A_533 : i32 to vector<16xi32>
          %gather3A_535 = tpu.vector_load_idx %run_scoped3A_3[%iota3A, %broadcast_in_dim3A_534] : memref<16x1024xf32, #tpu.memory_space<vmem>>[vector<16xi32>, vector<16xi32>], vector<16xf32>,
          %add3A_536 = arith.constant 4 : i32
          %add3A_537 = arith.addi %mul3A_521, %add3A_536 : i32
          %broadcast_in_dim3A_538 = vector.broadcast %add3A_537 : i32 to vector<16xi32>
          %gather3A_539 = tpu.vector_load_idx %run_scoped3A_3[%iota3A, %broadcast_in_dim3A_538] : memref<16x1024xf32, #tpu.memory_space<vmem>>[vector<16xi32>, vector<16xi32>], vector<16xf32>,
          %add3A_540 = arith.constant 5 : i32
          %add3A_541 = arith.addi %mul3A_521, %add3A_540 : i32
          %broadcast_in_dim3A_542 = vector.broadcast %add3A_541 : i32 to vector<16xi32>
          %gather3A_543 = tpu.vector_load_idx %run_scoped3A_3[%iota3A, %broadcast_in_dim3A_542] : memref<16x1024xf32, #tpu.memory_space<vmem>>[vector<16xi32>, vector<16xi32>], vector<16xf32>,
          %add3A_544 = arith.constant 6 : i32
          %add3A_545 = arith.addi %mul3A_521, %add3A_544 : i32
          %broadcast_in_dim3A_546 = vector.broadcast %add3A_545 : i32 to vector<16xi32>
          %gather3A_547 = tpu.vector_load_idx %run_scoped3A_3[%iota3A, %broadcast_in_dim3A_546] : memref<16x1024xf32, #tpu.memory_space<vmem>>[vector<16xi32>, vector<16xi32>], vector<16xf32>,
          %add3A_548 = arith.constant 7 : i32
          %add3A_549 = arith.addi %mul3A_521, %add3A_548 : i32
          %broadcast_in_dim3A_550 = vector.broadcast %add3A_549 : i32 to vector<16xi32>
          %gather3A_551 = tpu.vector_load_idx %run_scoped3A_3[%iota3A, %broadcast_in_dim3A_550] : memref<16x1024xf32, #tpu.memory_space<vmem>>[vector<16xi32>, vector<16xi32>], vector<16xf32>,
          %swap3A = arith.index_cast %scan3A_519 : i32 to index
          %swap3A_552 = arith.constant 0 : index
          %swap3A_553 = tpu.vector_load %run_scoped3A_5[%swap3A, %swap3A_552] {strides = array<i32>} : memref<128x128xf32, #tpu.memory_space<vmem>>, vector<16xf32>,
          tpu.vector_store %run_scoped3A_5[%swap3A, %swap3A_552], %gather3A {strides = array<i32>} : memref<128x128xf32, #tpu.memory_space<vmem>>, vector<16xf32>,
          %swap3A_554 = arith.index_cast %scan3A_519 : i32 to index
          %swap3A_555 = arith.constant 16 : index
          %swap3A_556 = tpu.vector_load %run_scoped3A_5[%swap3A_554, %swap3A_555] {strides = array<i32>} : memref<128x128xf32, #tpu.memory_space<vmem>>, vector<16xf32>,
          tpu.vector_store %run_scoped3A_5[%swap3A_554, %swap3A_555], %gather3A_527 {strides = array<i32>} : memref<128x128xf32, #tpu.memory_space<vmem>>, vector<16xf32>,
          %swap3A_557 = arith.index_cast %scan3A_519 : i32 to index
          %swap3A_558 = arith.constant 32 : index
          %swap3A_559 = tpu.vector_load %run_scoped3A_5[%swap3A_557, %swap3A_558] {strides = array<i32>} : memref<128x128xf32, #tpu.memory_space<vmem>>, vector<16xf32>,
          tpu.vector_store %run_scoped3A_5[%swap3A_557, %swap3A_558], %gather3A_531 {strides = array<i32>} : memref<128x128xf32, #tpu.memory_space<vmem>>, vector<16xf32>,
          %swap3A_560 = arith.index_cast %scan3A_519 : i32 to index
          %swap3A_561 = arith.constant 48 : index
          %swap3A_562 = tpu.vector_load %run_scoped3A_5[%swap3A_560, %swap3A_561] {strides = array<i32>} : memref<128x128xf32, #tpu.memory_space<vmem>>, vector<16xf32>,
          tpu.vector_store %run_scoped3A_5[%swap3A_560, %swap3A_561], %gather3A_535 {strides = array<i32>} : memref<128x128xf32, #tpu.memory_space<vmem>>, vector<16xf32>,
          %swap3A_563 = arith.index_cast %scan3A_519 : i32 to index
          %swap3A_564 = arith.constant 64 : index
          %swap3A_565 = tpu.vector_load %run_scoped3A_5[%swap3A_563, %swap3A_564] {strides = array<i32>} : memref<128x128xf32, #tpu.memory_space<vmem>>, vector<16xf32>,
          tpu.vector_store %run_scoped3A_5[%swap3A_563, %swap3A_564], %gather3A_539 {strides = array<i32>} : memref<128x128xf32, #tpu.memory_space<vmem>>, vector<16xf32>,
          %swap3A_566 = arith.index_cast %scan3A_519 : i32 to index
          %swap3A_567 = arith.constant 80 : index
          %swap3A_568 = tpu.vector_load %run_scoped3A_5[%swap3A_566, %swap3A_567] {strides = array<i32>} : memref<128x128xf32, #tpu.memory_space<vmem>>, vector<16xf32>,
          tpu.vector_store %run_scoped3A_5[%swap3A_566, %swap3A_567], %gather3A_543 {strides = array<i32>} : memref<128x128xf32, #tpu.memory_space<vmem>>, vector<16xf32>,
          %swap3A_569 = arith.index_cast %scan3A_519 : i32 to index
          %swap3A_570 = arith.constant 96 : index
          %swap3A_571 = tpu.vector_load %run_scoped3A_5[%swap3A_569, %swap3A_570] {strides = array<i32>} : memref<128x128xf32, #tpu.memory_space<vmem>>, vector<16xf32>,
          tpu.vector_store %run_scoped3A_5[%swap3A_569, %swap3A_570], %gather3A_547 {strides = array<i32>} : memref<128x128xf32, #tpu.memory_space<vmem>>, vector<16xf32>,
          %swap3A_572 = arith.index_cast %scan3A_519 : i32 to index
          %swap3A_573 = arith.constant 112 : index
          %swap3A_574 = tpu.vector_load %run_scoped3A_5[%swap3A_572, %swap3A_573] {strides = array<i32>} : memref<128x128xf32, #tpu.memory_space<vmem>>, vector<16xf32>,
          tpu.vector_store %run_scoped3A_5[%swap3A_572, %swap3A_573], %gather3A_551 {strides = array<i32>} : memref<128x128xf32, #tpu.memory_space<vmem>>, vector<16xf32>,
          %scan3A_575 = arith.constant 1 : i32
          %scan3A_576 = arith.addi %scan3A_519, %scan3A_575 : i32
          %mul3A_577 = arith.constant 8 : i32
          %mul3A_578 = arith.muli %scan3A_576, %mul3A_577 : i32
          %add3A_579 = arith.constant 0 : i32
          %add3A_580 = arith.addi %mul3A_578, %add3A_579 : i32
          %broadcast_in_dim3A_581 = vector.broadcast %add3A_580 : i32 to vector<16xi32>
          %gather3A_582 = tpu.vector_load_idx %run_scoped3A_3[%iota3A, %broadcast_in_dim3A_581] : memref<16x1024xf32, #tpu.memory_space<vmem>>[vector<16xi32>, vector<16xi32>], vector<16xf32>,
          %add3A_583 = arith.constant 1 : i32
          %add3A_584 = arith.addi %mul3A_578, %add3A_583 : i32
          %broadcast_in_dim3A_585 = vector.broadcast %add3A_584 : i32 to vector<16xi32>
          %gather3A_586 = tpu.vector_load_idx %run_scoped3A_3[%iota3A, %broadcast_in_dim3A_585] : memref<16x1024xf32, #tpu.memory_space<vmem>>[vector<16xi32>, vector<16xi32>], vector<16xf32>,
          %add3A_587 = arith.constant 2 : i32
          %add3A_588 = arith.addi %mul3A_578, %add3A_587 : i32
          %broadcast_in_dim3A_589 = vector.broadcast %add3A_588 : i32 to vector<16xi32>
          %gather3A_590 = tpu.vector_load_idx %run_scoped3A_3[%iota3A, %broadcast_in_dim3A_589] : memref<16x1024xf32, #tpu.memory_space<vmem>>[vector<16xi32>, vector<16xi32>], vector<16xf32>,
          %add3A_591 = arith.constant 3 : i32
          %add3A_592 = arith.addi %mul3A_578, %add3A_591 : i32
          %broadcast_in_dim3A_593 = vector.broadcast %add3A_592 : i32 to vector<16xi32>
          %gather3A_594 = tpu.vector_load_idx %run_scoped3A_3[%iota3A, %broadcast_in_dim3A_593] : memref<16x1024xf32, #tpu.memory_space<vmem>>[vector<16xi32>, vector<16xi32>], vector<16xf32>,
          %add3A_595 = arith.constant 4 : i32
          %add3A_596 = arith.addi %mul3A_578, %add3A_595 : i32
          %broadcast_in_dim3A_597 = vector.broadcast %add3A_596 : i32 to vector<16xi32>
          %gather3A_598 = tpu.vector_load_idx %run_scoped3A_3[%iota3A, %broadcast_in_dim3A_597] : memref<16x1024xf32, #tpu.memory_space<vmem>>[vector<16xi32>, vector<16xi32>], vector<16xf32>,
          %add3A_599 = arith.constant 5 : i32
          %add3A_600 = arith.addi %mul3A_578, %add3A_599 : i32
          %broadcast_in_dim3A_601 = vector.broadcast %add3A_600 : i32 to vector<16xi32>
          %gather3A_602 = tpu.vector_load_idx %run_scoped3A_3[%iota3A, %broadcast_in_dim3A_601] : memref<16x1024xf32, #tpu.memory_space<vmem>>[vector<16xi32>, vector<16xi32>], vector<16xf32>,
          %add3A_603 = arith.constant 6 : i32
          %add3A_604 = arith.addi %mul3A_578, %add3A_603 : i32
          %broadcast_in_dim3A_605 = vector.broadcast %add3A_604 : i32 to vector<16xi32>
          %gather3A_606 = tpu.vector_load_idx %run_scoped3A_3[%iota3A, %broadcast_in_dim3A_605] : memref<16x1024xf32, #tpu.memory_space<vmem>>[vector<16xi32>, vector<16xi32>], vector<16xf32>,
          %add3A_607 = arith.constant 7 : i32
          %add3A_608 = arith.addi %mul3A_578, %add3A_607 : i32
          %broadcast_in_dim3A_609 = vector.broadcast %add3A_608 : i32 to vector<16xi32>
          %gather3A_610 = tpu.vector_load_idx %run_scoped3A_3[%iota3A, %broadcast_in_dim3A_609] : memref<16x1024xf32, #tpu.memory_space<vmem>>[vector<16xi32>, vector<16xi32>], vector<16xf32>,
          %swap3A_611 = arith.index_cast %scan3A_576 : i32 to index
          %swap3A_612 = arith.constant 0 : index
          %swap3A_613 = tpu.vector_load %run_scoped3A_5[%swap3A_611, %swap3A_612] {strides = array<i32>} : memref<128x128xf32, #tpu.memory_space<vmem>>, vector<16xf32>,
          tpu.vector_store %run_scoped3A_5[%swap3A_611, %swap3A_612], %gather3A_582 {strides = array<i32>} : memref<128x128xf32, #tpu.memory_space<vmem>>, vector<16xf32>,
          %swap3A_614 = arith.index_cast %scan3A_576 : i32 to index
          %swap3A_615 = arith.constant 16 : index
          %swap3A_616 = tpu.vector_load %run_scoped3A_5[%swap3A_614, %swap3A_615] {strides = array<i32>} : memref<128x128xf32, #tpu.memory_space<vmem>>, vector<16xf32>,
          tpu.vector_store %run_scoped3A_5[%swap3A_614, %swap3A_615], %gather3A_586 {strides = array<i32>} : memref<128x128xf32, #tpu.memory_space<vmem>>, vector<16xf32>,
          %swap3A_617 = arith.index_cast %scan3A_576 : i32 to index
          %swap3A_618 = arith.constant 32 : index
          %swap3A_619 = tpu.vector_load %run_scoped3A_5[%swap3A_617, %swap3A_618] {strides = array<i32>} : memref<128x128xf32, #tpu.memory_space<vmem>>, vector<16xf32>,
          tpu.vector_store %run_scoped3A_5[%swap3A_617, %swap3A_618], %gather3A_590 {strides = array<i32>} : memref<128x128xf32, #tpu.memory_space<vmem>>, vector<16xf32>,
          %swap3A_620 = arith.index_cast %scan3A_576 : i32 to index
          %swap3A_621 = arith.constant 48 : index
          %swap3A_622 = tpu.vector_load %run_scoped3A_5[%swap3A_620, %swap3A_621] {strides = array<i32>} : memref<128x128xf32, #tpu.memory_space<vmem>>, vector<16xf32>,
          tpu.vector_store %run_scoped3A_5[%swap3A_620, %swap3A_621], %gather3A_594 {strides = array<i32>} : memref<128x128xf32, #tpu.memory_space<vmem>>, vector<16xf32>,
          %swap3A_623 = arith.index_cast %scan3A_576 : i32 to index
          %swap3A_624 = arith.constant 64 : index
          %swap3A_625 = tpu.vector_load %run_scoped3A_5[%swap3A_623, %swap3A_624] {strides = array<i32>} : memref<128x128xf32, #tpu.memory_space<vmem>>, vector<16xf32>,
          tpu.vector_store %run_scoped3A_5[%swap3A_623, %swap3A_624], %gather3A_598 {strides = array<i32>} : memref<128x128xf32, #tpu.memory_space<vmem>>, vector<16xf32>,
          %swap3A_626 = arith.index_cast %scan3A_576 : i32 to index
          %swap3A_627 = arith.constant 80 : index
          %swap3A_628 = tpu.vector_load %run_scoped3A_5[%swap3A_626, %swap3A_627] {strides = array<i32>} : memref<128x128xf32, #tpu.memory_space<vmem>>, vector<16xf32>,
          tpu.vector_store %run_scoped3A_5[%swap3A_626, %swap3A_627], %gather3A_602 {strides = array<i32>} : memref<128x128xf32, #tpu.memory_space<vmem>>, vector<16xf32>,
          %swap3A_629 = arith.index_cast %scan3A_576 : i32 to index
          %swap3A_630 = arith.constant 96 : index
          %swap3A_631 = tpu.vector_load %run_scoped3A_5[%swap3A_629, %swap3A_630] {strides = array<i32>} : memref<128x128xf32, #tpu.memory_space<vmem>>, vector<16xf32>,
          tpu.vector_store %run_scoped3A_5[%swap3A_629, %swap3A_630], %gather3A_606 {strides = array<i32>} : memref<128x128xf32, #tpu.memory_space<vmem>>, vector<16xf32>,
          %swap3A_632 = arith.index_cast %scan3A_576 : i32 to index
          %swap3A_633 = arith.constant 112 : index
          %swap3A_634 = tpu.vector_load %run_scoped3A_5[%swap3A_632, %swap3A_633] {strides = array<i32>} : memref<128x128xf32, #tpu.memory_space<vmem>>, vector<16xf32>,
          tpu.vector_store %run_scoped3A_5[%swap3A_632, %swap3A_633], %gather3A_610 {strides = array<i32>} : memref<128x128xf32, #tpu.memory_space<vmem>>, vector<16xf32>,
        }
        %scan3A_179 = arith.constant 128 : i32
        %multiple_of3A_180 = tpu.assume_multiple %add3A_173, 8 : i32
        %dma_start3A_181 = arith.constant 0 : i32
        %dma_start3A_182 = arith.constant 0 : i32
        %dma_start3A_183 = tpu.memref_slice %run_scoped3A_5[%dma_start3A_181, %dma_start3A_182] : memref<128x128xf32, #tpu.memory_space<vmem>> -> memref<128x128xf32, #tpu.memory_space<vmem>>
        %dma_start3A_184 = arith.constant 0 : i32
        %dma_start3A_185 = tpu.memref_slice %arg6[%multiple_of3A_180, %dma_start3A_184] : memref<325312x128xf32, #tpu.memory_space<hbm>> -> memref<128x128xf32, #tpu.memory_space<hbm>>
        %dma_start3A_186 = arith.constant 0 : i32
        %dma_start3A_187 = tpu.memref_slice %arg6[%multiple_of3A_180, %dma_start3A_186] : memref<325312x128xf32, #tpu.memory_space<hbm>> -> memref<128x128xf32, #tpu.memory_space<hbm>>
        %dma_start3A_188 = arith.constant 0 : i32
        %dma_start3A_189 = arith.constant 0 : i32
        %dma_start3A_190 = tpu.memref_slice %run_scoped3A_5[%dma_start3A_188, %dma_start3A_189] : memref<128x128xf32, #tpu.memory_space<vmem>> -> memref<128x128xf32, #tpu.memory_space<vmem>>
        tpu.enqueue_dma source(%dma_start3A_190 : memref<128x128xf32, #tpu.memory_space<vmem>>) target(%dma_start3A_187 : memref<128x128xf32, #tpu.memory_space<hbm>>) target_semaphore(%arg9 : memref<!tpu.dma_semaphore, #tpu.memory_space<semaphore_mem>>)
        %add3A_191 = arith.constant 32 : i32
        %add3A_192 = arith.addi %arg1, %add3A_191 : i32
        %add3A_193 = arith.constant 48 : i32
        %add3A_194 = arith.addi %arg1, %add3A_193 : i32
        %mul3A_195 = arith.constant 1024 : i32
        %mul3A_196 = arith.muli %add3A_194, %mul3A_195 : i32
        %dma_start3A_197 = arith.constant 0 : i32
        %dma_start3A_198 = arith.constant 0 : i32
        %dma_start3A_199 = tpu.memref_slice %run_scoped3A_3[%dma_start3A_197, %dma_start3A_198] : memref<16x1024xf32, #tpu.memory_space<vmem>> -> memref<8x1024xf32, #tpu.memory_space<vmem>>
        %dma_start3A_200 = arith.constant 0 : i32
        %dma_start3A_201 = tpu.memref_slice %arg2[%add3A_16, %dma_start3A_200, %mul3A_196] : memref<26x16x100000xf32, #tpu.memory_space<hbm>> -> memref<1x8x1024xf32, #tpu.memory_space<hbm>>
        %dma_start3A_202 = tpu.memref_squeeze %dma_start3A_201 : memref<1x8x1024xf32, #tpu.memory_space<hbm>> -> memref<8x1024xf32, #tpu.memory_space<hbm>>
        %dma_start3A_203 = arith.constant 0 : i32
        %dma_start3A_204 = arith.constant 0 : i32
        %dma_start3A_205 = tpu.memref_slice %run_scoped3A_3[%dma_start3A_203, %dma_start3A_204] : memref<16x1024xf32, #tpu.memory_space<vmem>> -> memref<8x1024xf32, #tpu.memory_space<vmem>>
        %dma_start3A_206 = arith.constant 0 : i32
        %dma_start3A_207 = tpu.memref_slice %arg2[%add3A_16, %dma_start3A_206, %mul3A_196] : memref<26x16x100000xf32, #tpu.memory_space<hbm>> -> memref<1x8x1024xf32, #tpu.memory_space<hbm>>
        %dma_start3A_208 = tpu.memref_squeeze %dma_start3A_207 : memref<1x8x1024xf32, #tpu.memory_space<hbm>> -> memref<8x1024xf32, #tpu.memory_space<hbm>>
        tpu.enqueue_dma source(%dma_start3A_208 : memref<8x1024xf32, #tpu.memory_space<hbm>>) target(%dma_start3A_205 : memref<8x1024xf32, #tpu.memory_space<vmem>>) target_semaphore(%arg8 : memref<!tpu.dma_semaphore, #tpu.memory_space<semaphore_mem>>)
        %dma_start3A_209 = arith.constant 8 : i32
        %dma_start3A_210 = arith.constant 0 : i32
        %dma_start3A_211 = tpu.memref_slice %run_scoped3A_3[%dma_start3A_209, %dma_start3A_210] : memref<16x1024xf32, #tpu.memory_space<vmem>> -> memref<8x1024xf32, #tpu.memory_space<vmem>>
        %dma_start3A_212 = arith.constant 8 : i32
        %dma_start3A_213 = tpu.memref_slice %arg2[%add3A_16, %dma_start3A_212, %mul3A_196] : memref<26x16x100000xf32, #tpu.memory_space<hbm>> -> memref<1x8x1024xf32, #tpu.memory_space<hbm>>
        %dma_start3A_214 = tpu.memref_squeeze %dma_start3A_213 : memref<1x8x1024xf32, #tpu.memory_space<hbm>> -> memref<8x1024xf32, #tpu.memory_space<hbm>>
        %dma_start3A_215 = arith.constant 8 : i32
        %dma_start3A_216 = arith.constant 0 : i32
        %dma_start3A_217 = tpu.memref_slice %run_scoped3A_3[%dma_start3A_215, %dma_start3A_216] : memref<16x1024xf32, #tpu.memory_space<vmem>> -> memref<8x1024xf32, #tpu.memory_space<vmem>>
        %dma_start3A_218 = arith.constant 8 : i32
        %dma_start3A_219 = tpu.memref_slice %arg2[%add3A_16, %dma_start3A_218, %mul3A_196] : memref<26x16x100000xf32, #tpu.memory_space<hbm>> -> memref<1x8x1024xf32, #tpu.memory_space<hbm>>
        %dma_start3A_220 = tpu.memref_squeeze %dma_start3A_219 : memref<1x8x1024xf32, #tpu.memory_space<hbm>> -> memref<8x1024xf32, #tpu.memory_space<hbm>>
        tpu.enqueue_dma source(%dma_start3A_220 : memref<8x1024xf32, #tpu.memory_space<hbm>>) target(%dma_start3A_217 : memref<8x1024xf32, #tpu.memory_space<vmem>>) target_semaphore(%arg8 : memref<!tpu.dma_semaphore, #tpu.memory_space<semaphore_mem>>)
        %dma_wait3A_221 = arith.constant 0 : i32
        %dma_wait3A_222 = arith.constant 0 : i32
        %dma_wait3A_223 = tpu.memref_slice %run_scoped3A[%dma_wait3A_221, %dma_wait3A_222] : memref<16x1024xf32, #tpu.memory_space<vmem>> -> memref<8x1024xf32, #tpu.memory_space<vmem>>
        %dma_wait3A_224 = arith.constant 0 : i32
        %dma_wait3A_225 = tpu.memref_slice %arg2[%add3A_16, %dma_wait3A_224, %mul3A_122] : memref<26x16x100000xf32, #tpu.memory_space<hbm>> -> memref<1x8x1024xf32, #tpu.memory_space<hbm>>
        %dma_wait3A_226 = tpu.memref_squeeze %dma_wait3A_225 : memref<1x8x1024xf32, #tpu.memory_space<hbm>> -> memref<8x1024xf32, #tpu.memory_space<hbm>>
        %dma_wait3A_227 = arith.constant 0 : i32
        %dma_wait3A_228 = arith.constant 0 : i32
        %dma_wait3A_229 = tpu.memref_slice %run_scoped3A[%dma_wait3A_227, %dma_wait3A_228] : memref<16x1024xf32, #tpu.memory_space<vmem>> -> memref<8x1024xf32, #tpu.memory_space<vmem>>
        %dma_wait3A_230 = arith.constant 0 : i32
        %dma_wait3A_231 = tpu.memref_slice %arg2[%add3A_16, %dma_wait3A_230, %mul3A_122] : memref<26x16x100000xf32, #tpu.memory_space<hbm>> -> memref<1x8x1024xf32, #tpu.memory_space<hbm>>
        %dma_wait3A_232 = tpu.memref_squeeze %dma_wait3A_231 : memref<1x8x1024xf32, #tpu.memory_space<hbm>> -> memref<8x1024xf32, #tpu.memory_space<hbm>>
        tpu.wait_dma2 semaphore(%arg7 : memref<!tpu.dma_semaphore, #tpu.memory_space<semaphore_mem>>) src(%dma_wait3A_232 : memref<8x1024xf32, #tpu.memory_space<hbm>>) dst(%dma_wait3A_229 : memref<8x1024xf32, #tpu.memory_space<vmem>>)
        %dma_wait3A_233 = arith.constant 8 : i32
        %dma_wait3A_234 = arith.constant 0 : i32
        %dma_wait3A_235 = tpu.memref_slice %run_scoped3A[%dma_wait3A_233, %dma_wait3A_234] : memref<16x1024xf32, #tpu.memory_space<vmem>> -> memref<8x1024xf32, #tpu.memory_space<vmem>>
        %dma_wait3A_236 = arith.constant 8 : i32
        %dma_wait3A_237 = tpu.memref_slice %arg2[%add3A_16, %dma_wait3A_236, %mul3A_122] : memref<26x16x100000xf32, #tpu.memory_space<hbm>> -> memref<1x8x1024xf32, #tpu.memory_space<hbm>>
        %dma_wait3A_238 = tpu.memref_squeeze %dma_wait3A_237 : memref<1x8x1024xf32, #tpu.memory_space<hbm>> -> memref<8x1024xf32, #tpu.memory_space<hbm>>
        %dma_wait3A_239 = arith.constant 8 : i32
        %dma_wait3A_240 = arith.constant 0 : i32
        %dma_wait3A_241 = tpu.memref_slice %run_scoped3A[%dma_wait3A_239, %dma_wait3A_240] : memref<16x1024xf32, #tpu.memory_space<vmem>> -> memref<8x1024xf32, #tpu.memory_space<vmem>>
        %dma_wait3A_242 = arith.constant 8 : i32
        %dma_wait3A_243 = tpu.memref_slice %arg2[%add3A_16, %dma_wait3A_242, %mul3A_122] : memref<26x16x100000xf32, #tpu.memory_space<hbm>> -> memref<1x8x1024xf32, #tpu.memory_space<hbm>>
        %dma_wait3A_244 = tpu.memref_squeeze %dma_wait3A_243 : memref<1x8x1024xf32, #tpu.memory_space<hbm>> -> memref<8x1024xf32, #tpu.memory_space<hbm>>
        tpu.wait_dma2 semaphore(%arg7 : memref<!tpu.dma_semaphore, #tpu.memory_space<semaphore_mem>>) src(%dma_wait3A_244 : memref<8x1024xf32, #tpu.memory_space<hbm>>) dst(%dma_wait3A_241 : memref<8x1024xf32, #tpu.memory_space<vmem>>)
        %mul3A_245 = arith.constant 128 : i32
        %mul3A_246 = arith.muli %add3A_192, %mul3A_245 : i32
        %add3A_247 = arith.addi %mul3A_18, %mul3A_246 : i32
        %dma_wait3A_248 = arith.constant 0 : i32
        %dma_wait3A_249 = arith.constant 0 : i32
        %dma_wait3A_250 = tpu.memref_slice %run_scoped3A_4[%dma_wait3A_248, %dma_wait3A_249] : memref<128x128xf32, #tpu.memory_space<vmem>> -> memref<128x128xf32, #tpu.memory_space<vmem>>
        %dma_wait3A_251 = arith.constant 0 : i32
        %dma_wait3A_252 = tpu.memref_slice %arg6[%multiple_of3A_106, %dma_wait3A_251] : memref<325312x128xf32, #tpu.memory_space<hbm>> -> memref<128x128xf32, #tpu.memory_space<hbm>>
        %dma_wait3A_253 = arith.constant 0 : i32
        %dma_wait3A_254 = tpu.memref_slice %arg6[%multiple_of3A_106, %dma_wait3A_253] : memref<325312x128xf32, #tpu.memory_space<hbm>> -> memref<128x128xf32, #tpu.memory_space<hbm>>
        %dma_wait3A_255 = arith.constant 0 : i32
        %dma_wait3A_256 = arith.constant 0 : i32
        %dma_wait3A_257 = tpu.memref_slice %run_scoped3A_4[%dma_wait3A_255, %dma_wait3A_256] : memref<128x128xf32, #tpu.memory_space<vmem>> -> memref<128x128xf32, #tpu.memory_space<vmem>>
        tpu.wait_dma2 semaphore(%arg9 : memref<!tpu.dma_semaphore, #tpu.memory_space<semaphore_mem>>) src(%dma_wait3A_257 : memref<128x128xf32, #tpu.memory_space<vmem>>) dst(%dma_wait3A_254 : memref<128x128xf32, #tpu.memory_space<hbm>>)
        %scan3A_258 = arith.constant 0 : i32
        %scan3A_259 = arith.constant 0 : i32
        %scan3A_260 = arith.constant 128 : i32
        %scan3A_261 = arith.addi %scan3A_259, %scan3A_260 : i32
        %scan3A_262 = arith.constant 2 : i32
        scf.for %scan3A_519 = %scan3A_259 to %scan3A_261 step %scan3A_262  : i32 {
          %mul3A_520 = arith.constant 8 : i32
          %mul3A_521 = arith.muli %scan3A_519, %mul3A_520 : i32
          %add3A_522 = arith.constant 0 : i32
          %add3A_523 = arith.addi %mul3A_521, %add3A_522 : i32
          %broadcast_in_dim3A = vector.broadcast %add3A_523 : i32 to vector<16xi32>
          %gather3A = tpu.vector_load_idx %run_scoped3A[%iota3A, %broadcast_in_dim3A] : memref<16x1024xf32, #tpu.memory_space<vmem>>[vector<16xi32>, vector<16xi32>], vector<16xf32>,
          %add3A_524 = arith.constant 1 : i32
          %add3A_525 = arith.addi %mul3A_521, %add3A_524 : i32
          %broadcast_in_dim3A_526 = vector.broadcast %add3A_525 : i32 to vector<16xi32>
          %gather3A_527 = tpu.vector_load_idx %run_scoped3A[%iota3A, %broadcast_in_dim3A_526] : memref<16x1024xf32, #tpu.memory_space<vmem>>[vector<16xi32>, vector<16xi32>], vector<16xf32>,
          %add3A_528 = arith.constant 2 : i32
          %add3A_529 = arith.addi %mul3A_521, %add3A_528 : i32
          %broadcast_in_dim3A_530 = vector.broadcast %add3A_529 : i32 to vector<16xi32>
          %gather3A_531 = tpu.vector_load_idx %run_scoped3A[%iota3A, %broadcast_in_dim3A_530] : memref<16x1024xf32, #tpu.memory_space<vmem>>[vector<16xi32>, vector<16xi32>], vector<16xf32>,
          %add3A_532 = arith.constant 3 : i32
          %add3A_533 = arith.addi %mul3A_521, %add3A_532 : i32
          %broadcast_in_dim3A_534 = vector.broadcast %add3A_533 : i32 to vector<16xi32>
          %gather3A_535 = tpu.vector_load_idx %run_scoped3A[%iota3A, %broadcast_in_dim3A_534] : memref<16x1024xf32, #tpu.memory_space<vmem>>[vector<16xi32>, vector<16xi32>], vector<16xf32>,
          %add3A_536 = arith.constant 4 : i32
          %add3A_537 = arith.addi %mul3A_521, %add3A_536 : i32
          %broadcast_in_dim3A_538 = vector.broadcast %add3A_537 : i32 to vector<16xi32>
          %gather3A_539 = tpu.vector_load_idx %run_scoped3A[%iota3A, %broadcast_in_dim3A_538] : memref<16x1024xf32, #tpu.memory_space<vmem>>[vector<16xi32>, vector<16xi32>], vector<16xf32>,
          %add3A_540 = arith.constant 5 : i32
          %add3A_541 = arith.addi %mul3A_521, %add3A_540 : i32
          %broadcast_in_dim3A_542 = vector.broadcast %add3A_541 : i32 to vector<16xi32>
          %gather3A_543 = tpu.vector_load_idx %run_scoped3A[%iota3A, %broadcast_in_dim3A_542] : memref<16x1024xf32, #tpu.memory_space<vmem>>[vector<16xi32>, vector<16xi32>], vector<16xf32>,
          %add3A_544 = arith.constant 6 : i32
          %add3A_545 = arith.addi %mul3A_521, %add3A_544 : i32
          %broadcast_in_dim3A_546 = vector.broadcast %add3A_545 : i32 to vector<16xi32>
          %gather3A_547 = tpu.vector_load_idx %run_scoped3A[%iota3A, %broadcast_in_dim3A_546] : memref<16x1024xf32, #tpu.memory_space<vmem>>[vector<16xi32>, vector<16xi32>], vector<16xf32>,
          %add3A_548 = arith.constant 7 : i32
          %add3A_549 = arith.addi %mul3A_521, %add3A_548 : i32
          %broadcast_in_dim3A_550 = vector.broadcast %add3A_549 : i32 to vector<16xi32>
          %gather3A_551 = tpu.vector_load_idx %run_scoped3A[%iota3A, %broadcast_in_dim3A_550] : memref<16x1024xf32, #tpu.memory_space<vmem>>[vector<16xi32>, vector<16xi32>], vector<16xf32>,
          %swap3A = arith.index_cast %scan3A_519 : i32 to index
          %swap3A_552 = arith.constant 0 : index
          %swap3A_553 = tpu.vector_load %run_scoped3A_4[%swap3A, %swap3A_552] {strides = array<i32>} : memref<128x128xf32, #tpu.memory_space<vmem>>, vector<16xf32>,
          tpu.vector_store %run_scoped3A_4[%swap3A, %swap3A_552], %gather3A {strides = array<i32>} : memref<128x128xf32, #tpu.memory_space<vmem>>, vector<16xf32>,
          %swap3A_554 = arith.index_cast %scan3A_519 : i32 to index
          %swap3A_555 = arith.constant 16 : index
          %swap3A_556 = tpu.vector_load %run_scoped3A_4[%swap3A_554, %swap3A_555] {strides = array<i32>} : memref<128x128xf32, #tpu.memory_space<vmem>>, vector<16xf32>,
          tpu.vector_store %run_scoped3A_4[%swap3A_554, %swap3A_555], %gather3A_527 {strides = array<i32>} : memref<128x128xf32, #tpu.memory_space<vmem>>, vector<16xf32>,
          %swap3A_557 = arith.index_cast %scan3A_519 : i32 to index
          %swap3A_558 = arith.constant 32 : index
          %swap3A_559 = tpu.vector_load %run_scoped3A_4[%swap3A_557, %swap3A_558] {strides = array<i32>} : memref<128x128xf32, #tpu.memory_space<vmem>>, vector<16xf32>,
          tpu.vector_store %run_scoped3A_4[%swap3A_557, %swap3A_558], %gather3A_531 {strides = array<i32>} : memref<128x128xf32, #tpu.memory_space<vmem>>, vector<16xf32>,
          %swap3A_560 = arith.index_cast %scan3A_519 : i32 to index
          %swap3A_561 = arith.constant 48 : index
          %swap3A_562 = tpu.vector_load %run_scoped3A_4[%swap3A_560, %swap3A_561] {strides = array<i32>} : memref<128x128xf32, #tpu.memory_space<vmem>>, vector<16xf32>,
          tpu.vector_store %run_scoped3A_4[%swap3A_560, %swap3A_561], %gather3A_535 {strides = array<i32>} : memref<128x128xf32, #tpu.memory_space<vmem>>, vector<16xf32>,
          %swap3A_563 = arith.index_cast %scan3A_519 : i32 to index
          %swap3A_564 = arith.constant 64 : index
          %swap3A_565 = tpu.vector_load %run_scoped3A_4[%swap3A_563, %swap3A_564] {strides = array<i32>} : memref<128x128xf32, #tpu.memory_space<vmem>>, vector<16xf32>,
          tpu.vector_store %run_scoped3A_4[%swap3A_563, %swap3A_564], %gather3A_539 {strides = array<i32>} : memref<128x128xf32, #tpu.memory_space<vmem>>, vector<16xf32>,
          %swap3A_566 = arith.index_cast %scan3A_519 : i32 to index
          %swap3A_567 = arith.constant 80 : index
          %swap3A_568 = tpu.vector_load %run_scoped3A_4[%swap3A_566, %swap3A_567] {strides = array<i32>} : memref<128x128xf32, #tpu.memory_space<vmem>>, vector<16xf32>,
          tpu.vector_store %run_scoped3A_4[%swap3A_566, %swap3A_567], %gather3A_543 {strides = array<i32>} : memref<128x128xf32, #tpu.memory_space<vmem>>, vector<16xf32>,
          %swap3A_569 = arith.index_cast %scan3A_519 : i32 to index
          %swap3A_570 = arith.constant 96 : index
          %swap3A_571 = tpu.vector_load %run_scoped3A_4[%swap3A_569, %swap3A_570] {strides = array<i32>} : memref<128x128xf32, #tpu.memory_space<vmem>>, vector<16xf32>,
          tpu.vector_store %run_scoped3A_4[%swap3A_569, %swap3A_570], %gather3A_547 {strides = array<i32>} : memref<128x128xf32, #tpu.memory_space<vmem>>, vector<16xf32>,
          %swap3A_572 = arith.index_cast %scan3A_519 : i32 to index
          %swap3A_573 = arith.constant 112 : index
          %swap3A_574 = tpu.vector_load %run_scoped3A_4[%swap3A_572, %swap3A_573] {strides = array<i32>} : memref<128x128xf32, #tpu.memory_space<vmem>>, vector<16xf32>,
          tpu.vector_store %run_scoped3A_4[%swap3A_572, %swap3A_573], %gather3A_551 {strides = array<i32>} : memref<128x128xf32, #tpu.memory_space<vmem>>, vector<16xf32>,
          %scan3A_575 = arith.constant 1 : i32
          %scan3A_576 = arith.addi %scan3A_519, %scan3A_575 : i32
          %mul3A_577 = arith.constant 8 : i32
          %mul3A_578 = arith.muli %scan3A_576, %mul3A_577 : i32
          %add3A_579 = arith.constant 0 : i32
          %add3A_580 = arith.addi %mul3A_578, %add3A_579 : i32
          %broadcast_in_dim3A_581 = vector.broadcast %add3A_580 : i32 to vector<16xi32>
          %gather3A_582 = tpu.vector_load_idx %run_scoped3A[%iota3A, %broadcast_in_dim3A_581] : memref<16x1024xf32, #tpu.memory_space<vmem>>[vector<16xi32>, vector<16xi32>], vector<16xf32>,
          %add3A_583 = arith.constant 1 : i32
          %add3A_584 = arith.addi %mul3A_578, %add3A_583 : i32
          %broadcast_in_dim3A_585 = vector.broadcast %add3A_584 : i32 to vector<16xi32>
          %gather3A_586 = tpu.vector_load_idx %run_scoped3A[%iota3A, %broadcast_in_dim3A_585] : memref<16x1024xf32, #tpu.memory_space<vmem>>[vector<16xi32>, vector<16xi32>], vector<16xf32>,
          %add3A_587 = arith.constant 2 : i32
          %add3A_588 = arith.addi %mul3A_578, %add3A_587 : i32
          %broadcast_in_dim3A_589 = vector.broadcast %add3A_588 : i32 to vector<16xi32>
          %gather3A_590 = tpu.vector_load_idx %run_scoped3A[%iota3A, %broadcast_in_dim3A_589] : memref<16x1024xf32, #tpu.memory_space<vmem>>[vector<16xi32>, vector<16xi32>], vector<16xf32>,
          %add3A_591 = arith.constant 3 : i32
          %add3A_592 = arith.addi %mul3A_578, %add3A_591 : i32
          %broadcast_in_dim3A_593 = vector.broadcast %add3A_592 : i32 to vector<16xi32>
          %gather3A_594 = tpu.vector_load_idx %run_scoped3A[%iota3A, %broadcast_in_dim3A_593] : memref<16x1024xf32, #tpu.memory_space<vmem>>[vector<16xi32>, vector<16xi32>], vector<16xf32>,
          %add3A_595 = arith.constant 4 : i32
          %add3A_596 = arith.addi %mul3A_578, %add3A_595 : i32
          %broadcast_in_dim3A_597 = vector.broadcast %add3A_596 : i32 to vector<16xi32>
          %gather3A_598 = tpu.vector_load_idx %run_scoped3A[%iota3A, %broadcast_in_dim3A_597] : memref<16x1024xf32, #tpu.memory_space<vmem>>[vector<16xi32>, vector<16xi32>], vector<16xf32>,
          %add3A_599 = arith.constant 5 : i32
          %add3A_600 = arith.addi %mul3A_578, %add3A_599 : i32
          %broadcast_in_dim3A_601 = vector.broadcast %add3A_600 : i32 to vector<16xi32>
          %gather3A_602 = tpu.vector_load_idx %run_scoped3A[%iota3A, %broadcast_in_dim3A_601] : memref<16x1024xf32, #tpu.memory_space<vmem>>[vector<16xi32>, vector<16xi32>], vector<16xf32>,
          %add3A_603 = arith.constant 6 : i32
          %add3A_604 = arith.addi %mul3A_578, %add3A_603 : i32
          %broadcast_in_dim3A_605 = vector.broadcast %add3A_604 : i32 to vector<16xi32>
          %gather3A_606 = tpu.vector_load_idx %run_scoped3A[%iota3A, %broadcast_in_dim3A_605] : memref<16x1024xf32, #tpu.memory_space<vmem>>[vector<16xi32>, vector<16xi32>], vector<16xf32>,
          %add3A_607 = arith.constant 7 : i32
          %add3A_608 = arith.addi %mul3A_578, %add3A_607 : i32
          %broadcast_in_dim3A_609 = vector.broadcast %add3A_608 : i32 to vector<16xi32>
          %gather3A_610 = tpu.vector_load_idx %run_scoped3A[%iota3A, %broadcast_in_dim3A_609] : memref<16x1024xf32, #tpu.memory_space<vmem>>[vector<16xi32>, vector<16xi32>], vector<16xf32>,
          %swap3A_611 = arith.index_cast %scan3A_576 : i32 to index
          %swap3A_612 = arith.constant 0 : index
          %swap3A_613 = tpu.vector_load %run_scoped3A_4[%swap3A_611, %swap3A_612] {strides = array<i32>} : memref<128x128xf32, #tpu.memory_space<vmem>>, vector<16xf32>,
          tpu.vector_store %run_scoped3A_4[%swap3A_611, %swap3A_612], %gather3A_582 {strides = array<i32>} : memref<128x128xf32, #tpu.memory_space<vmem>>, vector<16xf32>,
          %swap3A_614 = arith.index_cast %scan3A_576 : i32 to index
          %swap3A_615 = arith.constant 16 : index
          %swap3A_616 = tpu.vector_load %run_scoped3A_4[%swap3A_614, %swap3A_615] {strides = array<i32>} : memref<128x128xf32, #tpu.memory_space<vmem>>, vector<16xf32>,
          tpu.vector_store %run_scoped3A_4[%swap3A_614, %swap3A_615], %gather3A_586 {strides = array<i32>} : memref<128x128xf32, #tpu.memory_space<vmem>>, vector<16xf32>,
          %swap3A_617 = arith.index_cast %scan3A_576 : i32 to index
          %swap3A_618 = arith.constant 32 : index
          %swap3A_619 = tpu.vector_load %run_scoped3A_4[%swap3A_617, %swap3A_618] {strides = array<i32>} : memref<128x128xf32, #tpu.memory_space<vmem>>, vector<16xf32>,
          tpu.vector_store %run_scoped3A_4[%swap3A_617, %swap3A_618], %gather3A_590 {strides = array<i32>} : memref<128x128xf32, #tpu.memory_space<vmem>>, vector<16xf32>,
          %swap3A_620 = arith.index_cast %scan3A_576 : i32 to index
          %swap3A_621 = arith.constant 48 : index
          %swap3A_622 = tpu.vector_load %run_scoped3A_4[%swap3A_620, %swap3A_621] {strides = array<i32>} : memref<128x128xf32, #tpu.memory_space<vmem>>, vector<16xf32>,
          tpu.vector_store %run_scoped3A_4[%swap3A_620, %swap3A_621], %gather3A_594 {strides = array<i32>} : memref<128x128xf32, #tpu.memory_space<vmem>>, vector<16xf32>,
          %swap3A_623 = arith.index_cast %scan3A_576 : i32 to index
          %swap3A_624 = arith.constant 64 : index
          %swap3A_625 = tpu.vector_load %run_scoped3A_4[%swap3A_623, %swap3A_624] {strides = array<i32>} : memref<128x128xf32, #tpu.memory_space<vmem>>, vector<16xf32>,
          tpu.vector_store %run_scoped3A_4[%swap3A_623, %swap3A_624], %gather3A_598 {strides = array<i32>} : memref<128x128xf32, #tpu.memory_space<vmem>>, vector<16xf32>,
          %swap3A_626 = arith.index_cast %scan3A_576 : i32 to index
          %swap3A_627 = arith.constant 80 : index
          %swap3A_628 = tpu.vector_load %run_scoped3A_4[%swap3A_626, %swap3A_627] {strides = array<i32>} : memref<128x128xf32, #tpu.memory_space<vmem>>, vector<16xf32>,
          tpu.vector_store %run_scoped3A_4[%swap3A_626, %swap3A_627], %gather3A_602 {strides = array<i32>} : memref<128x128xf32, #tpu.memory_space<vmem>>, vector<16xf32>,
          %swap3A_629 = arith.index_cast %scan3A_576 : i32 to index
          %swap3A_630 = arith.constant 96 : index
          %swap3A_631 = tpu.vector_load %run_scoped3A_4[%swap3A_629, %swap3A_630] {strides = array<i32>} : memref<128x128xf32, #tpu.memory_space<vmem>>, vector<16xf32>,
          tpu.vector_store %run_scoped3A_4[%swap3A_629, %swap3A_630], %gather3A_606 {strides = array<i32>} : memref<128x128xf32, #tpu.memory_space<vmem>>, vector<16xf32>,
          %swap3A_632 = arith.index_cast %scan3A_576 : i32 to index
          %swap3A_633 = arith.constant 112 : index
          %swap3A_634 = tpu.vector_load %run_scoped3A_4[%swap3A_632, %swap3A_633] {strides = array<i32>} : memref<128x128xf32, #tpu.memory_space<vmem>>, vector<16xf32>,
          tpu.vector_store %run_scoped3A_4[%swap3A_632, %swap3A_633], %gather3A_610 {strides = array<i32>} : memref<128x128xf32, #tpu.memory_space<vmem>>, vector<16xf32>,
        }
        %scan3A_263 = arith.constant 128 : i32
        %multiple_of3A_264 = tpu.assume_multiple %add3A_247, 8 : i32
        %dma_start3A_265 = arith.constant 0 : i32
        %dma_start3A_266 = arith.constant 0 : i32
        %dma_start3A_267 = tpu.memref_slice %run_scoped3A_4[%dma_start3A_265, %dma_start3A_266] : memref<128x128xf32, #tpu.memory_space<vmem>> -> memref<128x128xf32, #tpu.memory_space<vmem>>
        %dma_start3A_268 = arith.constant 0 : i32
        %dma_start3A_269 = tpu.memref_slice %arg6[%multiple_of3A_264, %dma_start3A_268] : memref<325312x128xf32, #tpu.memory_space<hbm>> -> memref<128x128xf32, #tpu.memory_space<hbm>>
        %dma_start3A_270 = arith.constant 0 : i32
        %dma_start3A_271 = tpu.memref_slice %arg6[%multiple_of3A_264, %dma_start3A_270] : memref<325312x128xf32, #tpu.memory_space<hbm>> -> memref<128x128xf32, #tpu.memory_space<hbm>>
        %dma_start3A_272 = arith.constant 0 : i32
        %dma_start3A_273 = arith.constant 0 : i32
        %dma_start3A_274 = tpu.memref_slice %run_scoped3A_4[%dma_start3A_272, %dma_start3A_273] : memref<128x128xf32, #tpu.memory_space<vmem>> -> memref<128x128xf32, #tpu.memory_space<vmem>>
        tpu.enqueue_dma source(%dma_start3A_274 : memref<128x128xf32, #tpu.memory_space<vmem>>) target(%dma_start3A_271 : memref<128x128xf32, #tpu.memory_space<hbm>>) target_semaphore(%arg9 : memref<!tpu.dma_semaphore, #tpu.memory_space<semaphore_mem>>)
        %add3A_275 = arith.constant 48 : i32
        %add3A_276 = arith.addi %arg1, %add3A_275 : i32
        %add3A_277 = arith.constant 64 : i32
        %add3A_278 = arith.addi %arg1, %add3A_277 : i32
        %mul3A_279 = arith.constant 1024 : i32
        %mul3A_280 = arith.muli %add3A_278, %mul3A_279 : i32
        %dma_start3A_281 = arith.constant 0 : i32
        %dma_start3A_282 = arith.constant 0 : i32
        %dma_start3A_283 = tpu.memref_slice %run_scoped3A[%dma_start3A_281, %dma_start3A_282] : memref<16x1024xf32, #tpu.memory_space<vmem>> -> memref<8x1024xf32, #tpu.memory_space<vmem>>
        %dma_start3A_284 = arith.constant 0 : i32
        %dma_start3A_285 = tpu.memref_slice %arg2[%add3A_16, %dma_start3A_284, %mul3A_280] : memref<26x16x100000xf32, #tpu.memory_space<hbm>> -> memref<1x8x1024xf32, #tpu.memory_space<hbm>>
        %dma_start3A_286 = tpu.memref_squeeze %dma_start3A_285 : memref<1x8x1024xf32, #tpu.memory_space<hbm>> -> memref<8x1024xf32, #tpu.memory_space<hbm>>
        %dma_start3A_287 = arith.constant 0 : i32
        %dma_start3A_288 = arith.constant 0 : i32
        %dma_start3A_289 = tpu.memref_slice %run_scoped3A[%dma_start3A_287, %dma_start3A_288] : memref<16x1024xf32, #tpu.memory_space<vmem>> -> memref<8x1024xf32, #tpu.memory_space<vmem>>
        %dma_start3A_290 = arith.constant 0 : i32
        %dma_start3A_291 = tpu.memref_slice %arg2[%add3A_16, %dma_start3A_290, %mul3A_280] : memref<26x16x100000xf32, #tpu.memory_space<hbm>> -> memref<1x8x1024xf32, #tpu.memory_space<hbm>>
        %dma_start3A_292 = tpu.memref_squeeze %dma_start3A_291 : memref<1x8x1024xf32, #tpu.memory_space<hbm>> -> memref<8x1024xf32, #tpu.memory_space<hbm>>
        tpu.enqueue_dma source(%dma_start3A_292 : memref<8x1024xf32, #tpu.memory_space<hbm>>) target(%dma_start3A_289 : memref<8x1024xf32, #tpu.memory_space<vmem>>) target_semaphore(%arg7 : memref<!tpu.dma_semaphore, #tpu.memory_space<semaphore_mem>>)
        %dma_start3A_293 = arith.constant 8 : i32
        %dma_start3A_294 = arith.constant 0 : i32
        %dma_start3A_295 = tpu.memref_slice %run_scoped3A[%dma_start3A_293, %dma_start3A_294] : memref<16x1024xf32, #tpu.memory_space<vmem>> -> memref<8x1024xf32, #tpu.memory_space<vmem>>
        %dma_start3A_296 = arith.constant 8 : i32
        %dma_start3A_297 = tpu.memref_slice %arg2[%add3A_16, %dma_start3A_296, %mul3A_280] : memref<26x16x100000xf32, #tpu.memory_space<hbm>> -> memref<1x8x1024xf32, #tpu.memory_space<hbm>>
        %dma_start3A_298 = tpu.memref_squeeze %dma_start3A_297 : memref<1x8x1024xf32, #tpu.memory_space<hbm>> -> memref<8x1024xf32, #tpu.memory_space<hbm>>
        %dma_start3A_299 = arith.constant 8 : i32
        %dma_start3A_300 = arith.constant 0 : i32
        %dma_start3A_301 = tpu.memref_slice %run_scoped3A[%dma_start3A_299, %dma_start3A_300] : memref<16x1024xf32, #tpu.memory_space<vmem>> -> memref<8x1024xf32, #tpu.memory_space<vmem>>
        %dma_start3A_302 = arith.constant 8 : i32
        %dma_start3A_303 = tpu.memref_slice %arg2[%add3A_16, %dma_start3A_302, %mul3A_280] : memref<26x16x100000xf32, #tpu.memory_space<hbm>> -> memref<1x8x1024xf32, #tpu.memory_space<hbm>>
        %dma_start3A_304 = tpu.memref_squeeze %dma_start3A_303 : memref<1x8x1024xf32, #tpu.memory_space<hbm>> -> memref<8x1024xf32, #tpu.memory_space<hbm>>
        tpu.enqueue_dma source(%dma_start3A_304 : memref<8x1024xf32, #tpu.memory_space<hbm>>) target(%dma_start3A_301 : memref<8x1024xf32, #tpu.memory_space<vmem>>) target_semaphore(%arg7 : memref<!tpu.dma_semaphore, #tpu.memory_space<semaphore_mem>>)
        %dma_wait3A_305 = arith.constant 0 : i32
        %dma_wait3A_306 = arith.constant 0 : i32
        %dma_wait3A_307 = tpu.memref_slice %run_scoped3A_3[%dma_wait3A_305, %dma_wait3A_306] : memref<16x1024xf32, #tpu.memory_space<vmem>> -> memref<8x1024xf32, #tpu.memory_space<vmem>>
        %dma_wait3A_308 = arith.constant 0 : i32
        %dma_wait3A_309 = tpu.memref_slice %arg2[%add3A_16, %dma_wait3A_308, %mul3A_196] : memref<26x16x100000xf32, #tpu.memory_space<hbm>> -> memref<1x8x1024xf32, #tpu.memory_space<hbm>>
        %dma_wait3A_310 = tpu.memref_squeeze %dma_wait3A_309 : memref<1x8x1024xf32, #tpu.memory_space<hbm>> -> memref<8x1024xf32, #tpu.memory_space<hbm>>
        %dma_wait3A_311 = arith.constant 0 : i32
        %dma_wait3A_312 = arith.constant 0 : i32
        %dma_wait3A_313 = tpu.memref_slice %run_scoped3A_3[%dma_wait3A_311, %dma_wait3A_312] : memref<16x1024xf32, #tpu.memory_space<vmem>> -> memref<8x1024xf32, #tpu.memory_space<vmem>>
        %dma_wait3A_314 = arith.constant 0 : i32
        %dma_wait3A_315 = tpu.memref_slice %arg2[%add3A_16, %dma_wait3A_314, %mul3A_196] : memref<26x16x100000xf32, #tpu.memory_space<hbm>> -> memref<1x8x1024xf32, #tpu.memory_space<hbm>>
        %dma_wait3A_316 = tpu.memref_squeeze %dma_wait3A_315 : memref<1x8x1024xf32, #tpu.memory_space<hbm>> -> memref<8x1024xf32, #tpu.memory_space<hbm>>
        tpu.wait_dma2 semaphore(%arg8 : memref<!tpu.dma_semaphore, #tpu.memory_space<semaphore_mem>>) src(%dma_wait3A_316 : memref<8x1024xf32, #tpu.memory_space<hbm>>) dst(%dma_wait3A_313 : memref<8x1024xf32, #tpu.memory_space<vmem>>)
        %dma_wait3A_317 = arith.constant 8 : i32
        %dma_wait3A_318 = arith.constant 0 : i32
        %dma_wait3A_319 = tpu.memref_slice %run_scoped3A_3[%dma_wait3A_317, %dma_wait3A_318] : memref<16x1024xf32, #tpu.memory_space<vmem>> -> memref<8x1024xf32, #tpu.memory_space<vmem>>
        %dma_wait3A_320 = arith.constant 8 : i32
        %dma_wait3A_321 = tpu.memref_slice %arg2[%add3A_16, %dma_wait3A_320, %mul3A_196] : memref<26x16x100000xf32, #tpu.memory_space<hbm>> -> memref<1x8x1024xf32, #tpu.memory_space<hbm>>
        %dma_wait3A_322 = tpu.memref_squeeze %dma_wait3A_321 : memref<1x8x1024xf32, #tpu.memory_space<hbm>> -> memref<8x1024xf32, #tpu.memory_space<hbm>>
        %dma_wait3A_323 = arith.constant 8 : i32
        %dma_wait3A_324 = arith.constant 0 : i32
        %dma_wait3A_325 = tpu.memref_slice %run_scoped3A_3[%dma_wait3A_323, %dma_wait3A_324] : memref<16x1024xf32, #tpu.memory_space<vmem>> -> memref<8x1024xf32, #tpu.memory_space<vmem>>
        %dma_wait3A_326 = arith.constant 8 : i32
        %dma_wait3A_327 = tpu.memref_slice %arg2[%add3A_16, %dma_wait3A_326, %mul3A_196] : memref<26x16x100000xf32, #tpu.memory_space<hbm>> -> memref<1x8x1024xf32, #tpu.memory_space<hbm>>
        %dma_wait3A_328 = tpu.memref_squeeze %dma_wait3A_327 : memref<1x8x1024xf32, #tpu.memory_space<hbm>> -> memref<8x1024xf32, #tpu.memory_space<hbm>>
        tpu.wait_dma2 semaphore(%arg8 : memref<!tpu.dma_semaphore, #tpu.memory_space<semaphore_mem>>) src(%dma_wait3A_328 : memref<8x1024xf32, #tpu.memory_space<hbm>>) dst(%dma_wait3A_325 : memref<8x1024xf32, #tpu.memory_space<vmem>>)
        %mul3A_329 = arith.constant 128 : i32
        %mul3A_330 = arith.muli %add3A_276, %mul3A_329 : i32
        %add3A_331 = arith.addi %mul3A_18, %mul3A_330 : i32
        %dma_wait3A_332 = arith.constant 0 : i32
        %dma_wait3A_333 = arith.constant 0 : i32
        %dma_wait3A_334 = tpu.memref_slice %run_scoped3A_5[%dma_wait3A_332, %dma_wait3A_333] : memref<128x128xf32, #tpu.memory_space<vmem>> -> memref<128x128xf32, #tpu.memory_space<vmem>>
        %dma_wait3A_335 = arith.constant 0 : i32
        %dma_wait3A_336 = tpu.memref_slice %arg6[%multiple_of3A_180, %dma_wait3A_335] : memref<325312x128xf32, #tpu.memory_space<hbm>> -> memref<128x128xf32, #tpu.memory_space<hbm>>
        %dma_wait3A_337 = arith.constant 0 : i32
        %dma_wait3A_338 = tpu.memref_slice %arg6[%multiple_of3A_180, %dma_wait3A_337] : memref<325312x128xf32, #tpu.memory_space<hbm>> -> memref<128x128xf32, #tpu.memory_space<hbm>>
        %dma_wait3A_339 = arith.constant 0 : i32
        %dma_wait3A_340 = arith.constant 0 : i32
        %dma_wait3A_341 = tpu.memref_slice %run_scoped3A_5[%dma_wait3A_339, %dma_wait3A_340] : memref<128x128xf32, #tpu.memory_space<vmem>> -> memref<128x128xf32, #tpu.memory_space<vmem>>
        tpu.wait_dma2 semaphore(%arg9 : memref<!tpu.dma_semaphore, #tpu.memory_space<semaphore_mem>>) src(%dma_wait3A_341 : memref<128x128xf32, #tpu.memory_space<vmem>>) dst(%dma_wait3A_338 : memref<128x128xf32, #tpu.memory_space<hbm>>)
        %scan3A_342 = arith.constant 0 : i32
        %scan3A_343 = arith.constant 0 : i32
        %scan3A_344 = arith.constant 128 : i32
        %scan3A_345 = arith.addi %scan3A_343, %scan3A_344 : i32
        %scan3A_346 = arith.constant 2 : i32
        scf.for %scan3A_519 = %scan3A_343 to %scan3A_345 step %scan3A_346  : i32 {
          %mul3A_520 = arith.constant 8 : i32
          %mul3A_521 = arith.muli %scan3A_519, %mul3A_520 : i32
          %add3A_522 = arith.constant 0 : i32
          %add3A_523 = arith.addi %mul3A_521, %add3A_522 : i32
          %broadcast_in_dim3A = vector.broadcast %add3A_523 : i32 to vector<16xi32>
          %gather3A = tpu.vector_load_idx %run_scoped3A_3[%iota3A, %broadcast_in_dim3A] : memref<16x1024xf32, #tpu.memory_space<vmem>>[vector<16xi32>, vector<16xi32>], vector<16xf32>,
          %add3A_524 = arith.constant 1 : i32
          %add3A_525 = arith.addi %mul3A_521, %add3A_524 : i32
          %broadcast_in_dim3A_526 = vector.broadcast %add3A_525 : i32 to vector<16xi32>
          %gather3A_527 = tpu.vector_load_idx %run_scoped3A_3[%iota3A, %broadcast_in_dim3A_526] : memref<16x1024xf32, #tpu.memory_space<vmem>>[vector<16xi32>, vector<16xi32>], vector<16xf32>,
          %add3A_528 = arith.constant 2 : i32
          %add3A_529 = arith.addi %mul3A_521, %add3A_528 : i32
          %broadcast_in_dim3A_530 = vector.broadcast %add3A_529 : i32 to vector<16xi32>
          %gather3A_531 = tpu.vector_load_idx %run_scoped3A_3[%iota3A, %broadcast_in_dim3A_530] : memref<16x1024xf32, #tpu.memory_space<vmem>>[vector<16xi32>, vector<16xi32>], vector<16xf32>,
          %add3A_532 = arith.constant 3 : i32
          %add3A_533 = arith.addi %mul3A_521, %add3A_532 : i32
          %broadcast_in_dim3A_534 = vector.broadcast %add3A_533 : i32 to vector<16xi32>
          %gather3A_535 = tpu.vector_load_idx %run_scoped3A_3[%iota3A, %broadcast_in_dim3A_534] : memref<16x1024xf32, #tpu.memory_space<vmem>>[vector<16xi32>, vector<16xi32>], vector<16xf32>,
          %add3A_536 = arith.constant 4 : i32
          %add3A_537 = arith.addi %mul3A_521, %add3A_536 : i32
          %broadcast_in_dim3A_538 = vector.broadcast %add3A_537 : i32 to vector<16xi32>
          %gather3A_539 = tpu.vector_load_idx %run_scoped3A_3[%iota3A, %broadcast_in_dim3A_538] : memref<16x1024xf32, #tpu.memory_space<vmem>>[vector<16xi32>, vector<16xi32>], vector<16xf32>,
          %add3A_540 = arith.constant 5 : i32
          %add3A_541 = arith.addi %mul3A_521, %add3A_540 : i32
          %broadcast_in_dim3A_542 = vector.broadcast %add3A_541 : i32 to vector<16xi32>
          %gather3A_543 = tpu.vector_load_idx %run_scoped3A_3[%iota3A, %broadcast_in_dim3A_542] : memref<16x1024xf32, #tpu.memory_space<vmem>>[vector<16xi32>, vector<16xi32>], vector<16xf32>,
          %add3A_544 = arith.constant 6 : i32
          %add3A_545 = arith.addi %mul3A_521, %add3A_544 : i32
          %broadcast_in_dim3A_546 = vector.broadcast %add3A_545 : i32 to vector<16xi32>
          %gather3A_547 = tpu.vector_load_idx %run_scoped3A_3[%iota3A, %broadcast_in_dim3A_546] : memref<16x1024xf32, #tpu.memory_space<vmem>>[vector<16xi32>, vector<16xi32>], vector<16xf32>,
          %add3A_548 = arith.constant 7 : i32
          %add3A_549 = arith.addi %mul3A_521, %add3A_548 : i32
          %broadcast_in_dim3A_550 = vector.broadcast %add3A_549 : i32 to vector<16xi32>
          %gather3A_551 = tpu.vector_load_idx %run_scoped3A_3[%iota3A, %broadcast_in_dim3A_550] : memref<16x1024xf32, #tpu.memory_space<vmem>>[vector<16xi32>, vector<16xi32>], vector<16xf32>,
          %swap3A = arith.index_cast %scan3A_519 : i32 to index
          %swap3A_552 = arith.constant 0 : index
          %swap3A_553 = tpu.vector_load %run_scoped3A_5[%swap3A, %swap3A_552] {strides = array<i32>} : memref<128x128xf32, #tpu.memory_space<vmem>>, vector<16xf32>,
          tpu.vector_store %run_scoped3A_5[%swap3A, %swap3A_552], %gather3A {strides = array<i32>} : memref<128x128xf32, #tpu.memory_space<vmem>>, vector<16xf32>,
          %swap3A_554 = arith.index_cast %scan3A_519 : i32 to index
          %swap3A_555 = arith.constant 16 : index
          %swap3A_556 = tpu.vector_load %run_scoped3A_5[%swap3A_554, %swap3A_555] {strides = array<i32>} : memref<128x128xf32, #tpu.memory_space<vmem>>, vector<16xf32>,
          tpu.vector_store %run_scoped3A_5[%swap3A_554, %swap3A_555], %gather3A_527 {strides = array<i32>} : memref<128x128xf32, #tpu.memory_space<vmem>>, vector<16xf32>,
          %swap3A_557 = arith.index_cast %scan3A_519 : i32 to index
          %swap3A_558 = arith.constant 32 : index
          %swap3A_559 = tpu.vector_load %run_scoped3A_5[%swap3A_557, %swap3A_558] {strides = array<i32>} : memref<128x128xf32, #tpu.memory_space<vmem>>, vector<16xf32>,
          tpu.vector_store %run_scoped3A_5[%swap3A_557, %swap3A_558], %gather3A_531 {strides = array<i32>} : memref<128x128xf32, #tpu.memory_space<vmem>>, vector<16xf32>,
          %swap3A_560 = arith.index_cast %scan3A_519 : i32 to index
          %swap3A_561 = arith.constant 48 : index
          %swap3A_562 = tpu.vector_load %run_scoped3A_5[%swap3A_560, %swap3A_561] {strides = array<i32>} : memref<128x128xf32, #tpu.memory_space<vmem>>, vector<16xf32>,
          tpu.vector_store %run_scoped3A_5[%swap3A_560, %swap3A_561], %gather3A_535 {strides = array<i32>} : memref<128x128xf32, #tpu.memory_space<vmem>>, vector<16xf32>,
          %swap3A_563 = arith.index_cast %scan3A_519 : i32 to index
          %swap3A_564 = arith.constant 64 : index
          %swap3A_565 = tpu.vector_load %run_scoped3A_5[%swap3A_563, %swap3A_564] {strides = array<i32>} : memref<128x128xf32, #tpu.memory_space<vmem>>, vector<16xf32>,
          tpu.vector_store %run_scoped3A_5[%swap3A_563, %swap3A_564], %gather3A_539 {strides = array<i32>} : memref<128x128xf32, #tpu.memory_space<vmem>>, vector<16xf32>,
          %swap3A_566 = arith.index_cast %scan3A_519 : i32 to index
          %swap3A_567 = arith.constant 80 : index
          %swap3A_568 = tpu.vector_load %run_scoped3A_5[%swap3A_566, %swap3A_567] {strides = array<i32>} : memref<128x128xf32, #tpu.memory_space<vmem>>, vector<16xf32>,
          tpu.vector_store %run_scoped3A_5[%swap3A_566, %swap3A_567], %gather3A_543 {strides = array<i32>} : memref<128x128xf32, #tpu.memory_space<vmem>>, vector<16xf32>,
          %swap3A_569 = arith.index_cast %scan3A_519 : i32 to index
          %swap3A_570 = arith.constant 96 : index
          %swap3A_571 = tpu.vector_load %run_scoped3A_5[%swap3A_569, %swap3A_570] {strides = array<i32>} : memref<128x128xf32, #tpu.memory_space<vmem>>, vector<16xf32>,
          tpu.vector_store %run_scoped3A_5[%swap3A_569, %swap3A_570], %gather3A_547 {strides = array<i32>} : memref<128x128xf32, #tpu.memory_space<vmem>>, vector<16xf32>,
          %swap3A_572 = arith.index_cast %scan3A_519 : i32 to index
          %swap3A_573 = arith.constant 112 : index
          %swap3A_574 = tpu.vector_load %run_scoped3A_5[%swap3A_572, %swap3A_573] {strides = array<i32>} : memref<128x128xf32, #tpu.memory_space<vmem>>, vector<16xf32>,
          tpu.vector_store %run_scoped3A_5[%swap3A_572, %swap3A_573], %gather3A_551 {strides = array<i32>} : memref<128x128xf32, #tpu.memory_space<vmem>>, vector<16xf32>,
          %scan3A_575 = arith.constant 1 : i32
          %scan3A_576 = arith.addi %scan3A_519, %scan3A_575 : i32
          %mul3A_577 = arith.constant 8 : i32
          %mul3A_578 = arith.muli %scan3A_576, %mul3A_577 : i32
          %add3A_579 = arith.constant 0 : i32
          %add3A_580 = arith.addi %mul3A_578, %add3A_579 : i32
          %broadcast_in_dim3A_581 = vector.broadcast %add3A_580 : i32 to vector<16xi32>
          %gather3A_582 = tpu.vector_load_idx %run_scoped3A_3[%iota3A, %broadcast_in_dim3A_581] : memref<16x1024xf32, #tpu.memory_space<vmem>>[vector<16xi32>, vector<16xi32>], vector<16xf32>,
          %add3A_583 = arith.constant 1 : i32
          %add3A_584 = arith.addi %mul3A_578, %add3A_583 : i32
          %broadcast_in_dim3A_585 = vector.broadcast %add3A_584 : i32 to vector<16xi32>
          %gather3A_586 = tpu.vector_load_idx %run_scoped3A_3[%iota3A, %broadcast_in_dim3A_585] : memref<16x1024xf32, #tpu.memory_space<vmem>>[vector<16xi32>, vector<16xi32>], vector<16xf32>,
          %add3A_587 = arith.constant 2 : i32
          %add3A_588 = arith.addi %mul3A_578, %add3A_587 : i32
          %broadcast_in_dim3A_589 = vector.broadcast %add3A_588 : i32 to vector<16xi32>
          %gather3A_590 = tpu.vector_load_idx %run_scoped3A_3[%iota3A, %broadcast_in_dim3A_589] : memref<16x1024xf32, #tpu.memory_space<vmem>>[vector<16xi32>, vector<16xi32>], vector<16xf32>,
          %add3A_591 = arith.constant 3 : i32
          %add3A_592 = arith.addi %mul3A_578, %add3A_591 : i32
          %broadcast_in_dim3A_593 = vector.broadcast %add3A_592 : i32 to vector<16xi32>
          %gather3A_594 = tpu.vector_load_idx %run_scoped3A_3[%iota3A, %broadcast_in_dim3A_593] : memref<16x1024xf32, #tpu.memory_space<vmem>>[vector<16xi32>, vector<16xi32>], vector<16xf32>,
          %add3A_595 = arith.constant 4 : i32
          %add3A_596 = arith.addi %mul3A_578, %add3A_595 : i32
          %broadcast_in_dim3A_597 = vector.broadcast %add3A_596 : i32 to vector<16xi32>
          %gather3A_598 = tpu.vector_load_idx %run_scoped3A_3[%iota3A, %broadcast_in_dim3A_597] : memref<16x1024xf32, #tpu.memory_space<vmem>>[vector<16xi32>, vector<16xi32>], vector<16xf32>,
          %add3A_599 = arith.constant 5 : i32
          %add3A_600 = arith.addi %mul3A_578, %add3A_599 : i32
          %broadcast_in_dim3A_601 = vector.broadcast %add3A_600 : i32 to vector<16xi32>
          %gather3A_602 = tpu.vector_load_idx %run_scoped3A_3[%iota3A, %broadcast_in_dim3A_601] : memref<16x1024xf32, #tpu.memory_space<vmem>>[vector<16xi32>, vector<16xi32>], vector<16xf32>,
          %add3A_603 = arith.constant 6 : i32
          %add3A_604 = arith.addi %mul3A_578, %add3A_603 : i32
          %broadcast_in_dim3A_605 = vector.broadcast %add3A_604 : i32 to vector<16xi32>
          %gather3A_606 = tpu.vector_load_idx %run_scoped3A_3[%iota3A, %broadcast_in_dim3A_605] : memref<16x1024xf32, #tpu.memory_space<vmem>>[vector<16xi32>, vector<16xi32>], vector<16xf32>,
          %add3A_607 = arith.constant 7 : i32
          %add3A_608 = arith.addi %mul3A_578, %add3A_607 : i32
          %broadcast_in_dim3A_609 = vector.broadcast %add3A_608 : i32 to vector<16xi32>
          %gather3A_610 = tpu.vector_load_idx %run_scoped3A_3[%iota3A, %broadcast_in_dim3A_609] : memref<16x1024xf32, #tpu.memory_space<vmem>>[vector<16xi32>, vector<16xi32>], vector<16xf32>,
          %swap3A_611 = arith.index_cast %scan3A_576 : i32 to index
          %swap3A_612 = arith.constant 0 : index
          %swap3A_613 = tpu.vector_load %run_scoped3A_5[%swap3A_611, %swap3A_612] {strides = array<i32>} : memref<128x128xf32, #tpu.memory_space<vmem>>, vector<16xf32>,
          tpu.vector_store %run_scoped3A_5[%swap3A_611, %swap3A_612], %gather3A_582 {strides = array<i32>} : memref<128x128xf32, #tpu.memory_space<vmem>>, vector<16xf32>,
          %swap3A_614 = arith.index_cast %scan3A_576 : i32 to index
          %swap3A_615 = arith.constant 16 : index
          %swap3A_616 = tpu.vector_load %run_scoped3A_5[%swap3A_614, %swap3A_615] {strides = array<i32>} : memref<128x128xf32, #tpu.memory_space<vmem>>, vector<16xf32>,
          tpu.vector_store %run_scoped3A_5[%swap3A_614, %swap3A_615], %gather3A_586 {strides = array<i32>} : memref<128x128xf32, #tpu.memory_space<vmem>>, vector<16xf32>,
          %swap3A_617 = arith.index_cast %scan3A_576 : i32 to index
          %swap3A_618 = arith.constant 32 : index
          %swap3A_619 = tpu.vector_load %run_scoped3A_5[%swap3A_617, %swap3A_618] {strides = array<i32>} : memref<128x128xf32, #tpu.memory_space<vmem>>, vector<16xf32>,
          tpu.vector_store %run_scoped3A_5[%swap3A_617, %swap3A_618], %gather3A_590 {strides = array<i32>} : memref<128x128xf32, #tpu.memory_space<vmem>>, vector<16xf32>,
          %swap3A_620 = arith.index_cast %scan3A_576 : i32 to index
          %swap3A_621 = arith.constant 48 : index
          %swap3A_622 = tpu.vector_load %run_scoped3A_5[%swap3A_620, %swap3A_621] {strides = array<i32>} : memref<128x128xf32, #tpu.memory_space<vmem>>, vector<16xf32>,
          tpu.vector_store %run_scoped3A_5[%swap3A_620, %swap3A_621], %gather3A_594 {strides = array<i32>} : memref<128x128xf32, #tpu.memory_space<vmem>>, vector<16xf32>,
          %swap3A_623 = arith.index_cast %scan3A_576 : i32 to index
          %swap3A_624 = arith.constant 64 : index
          %swap3A_625 = tpu.vector_load %run_scoped3A_5[%swap3A_623, %swap3A_624] {strides = array<i32>} : memref<128x128xf32, #tpu.memory_space<vmem>>, vector<16xf32>,
          tpu.vector_store %run_scoped3A_5[%swap3A_623, %swap3A_624], %gather3A_598 {strides = array<i32>} : memref<128x128xf32, #tpu.memory_space<vmem>>, vector<16xf32>,
          %swap3A_626 = arith.index_cast %scan3A_576 : i32 to index
          %swap3A_627 = arith.constant 80 : index
          %swap3A_628 = tpu.vector_load %run_scoped3A_5[%swap3A_626, %swap3A_627] {strides = array<i32>} : memref<128x128xf32, #tpu.memory_space<vmem>>, vector<16xf32>,
          tpu.vector_store %run_scoped3A_5[%swap3A_626, %swap3A_627], %gather3A_602 {strides = array<i32>} : memref<128x128xf32, #tpu.memory_space<vmem>>, vector<16xf32>,
          %swap3A_629 = arith.index_cast %scan3A_576 : i32 to index
          %swap3A_630 = arith.constant 96 : index
          %swap3A_631 = tpu.vector_load %run_scoped3A_5[%swap3A_629, %swap3A_630] {strides = array<i32>} : memref<128x128xf32, #tpu.memory_space<vmem>>, vector<16xf32>,
          tpu.vector_store %run_scoped3A_5[%swap3A_629, %swap3A_630], %gather3A_606 {strides = array<i32>} : memref<128x128xf32, #tpu.memory_space<vmem>>, vector<16xf32>,
          %swap3A_632 = arith.index_cast %scan3A_576 : i32 to index
          %swap3A_633 = arith.constant 112 : index
          %swap3A_634 = tpu.vector_load %run_scoped3A_5[%swap3A_632, %swap3A_633] {strides = array<i32>} : memref<128x128xf32, #tpu.memory_space<vmem>>, vector<16xf32>,
          tpu.vector_store %run_scoped3A_5[%swap3A_632, %swap3A_633], %gather3A_610 {strides = array<i32>} : memref<128x128xf32, #tpu.memory_space<vmem>>, vector<16xf32>,
        }
        %scan3A_347 = arith.constant 128 : i32
        %multiple_of3A_348 = tpu.assume_multiple %add3A_331, 8 : i32
        %dma_start3A_349 = arith.constant 0 : i32
        %dma_start3A_350 = arith.constant 0 : i32
        %dma_start3A_351 = tpu.memref_slice %run_scoped3A_5[%dma_start3A_349, %dma_start3A_350] : memref<128x128xf32, #tpu.memory_space<vmem>> -> memref<128x128xf32, #tpu.memory_space<vmem>>
        %dma_start3A_352 = arith.constant 0 : i32
        %dma_start3A_353 = tpu.memref_slice %arg6[%multiple_of3A_348, %dma_start3A_352] : memref<325312x128xf32, #tpu.memory_space<hbm>> -> memref<128x128xf32, #tpu.memory_space<hbm>>
        %dma_start3A_354 = arith.constant 0 : i32
        %dma_start3A_355 = tpu.memref_slice %arg6[%multiple_of3A_348, %dma_start3A_354] : memref<325312x128xf32, #tpu.memory_space<hbm>> -> memref<128x128xf32, #tpu.memory_space<hbm>>
        %dma_start3A_356 = arith.constant 0 : i32
        %dma_start3A_357 = arith.constant 0 : i32
        %dma_start3A_358 = tpu.memref_slice %run_scoped3A_5[%dma_start3A_356, %dma_start3A_357] : memref<128x128xf32, #tpu.memory_space<vmem>> -> memref<128x128xf32, #tpu.memory_space<vmem>>
        tpu.enqueue_dma source(%dma_start3A_358 : memref<128x128xf32, #tpu.memory_space<vmem>>) target(%dma_start3A_355 : memref<128x128xf32, #tpu.memory_space<hbm>>) target_semaphore(%arg9 : memref<!tpu.dma_semaphore, #tpu.memory_space<semaphore_mem>>)
        %add3A_359 = arith.constant 64 : i32
        %add3A_360 = arith.addi %arg1, %add3A_359 : i32
        %add3A_361 = arith.constant 80 : i32
        %add3A_362 = arith.addi %arg1, %add3A_361 : i32
        %mul3A_363 = arith.constant 1024 : i32
        %mul3A_364 = arith.muli %add3A_362, %mul3A_363 : i32
        %dma_start3A_365 = arith.constant 0 : i32
        %dma_start3A_366 = arith.constant 0 : i32
        %dma_start3A_367 = tpu.memref_slice %run_scoped3A_3[%dma_start3A_365, %dma_start3A_366] : memref<16x1024xf32, #tpu.memory_space<vmem>> -> memref<8x1024xf32, #tpu.memory_space<vmem>>
        %dma_start3A_368 = arith.constant 0 : i32
        %dma_start3A_369 = tpu.memref_slice %arg2[%add3A_16, %dma_start3A_368, %mul3A_364] : memref<26x16x100000xf32, #tpu.memory_space<hbm>> -> memref<1x8x1024xf32, #tpu.memory_space<hbm>>
        %dma_start3A_370 = tpu.memref_squeeze %dma_start3A_369 : memref<1x8x1024xf32, #tpu.memory_space<hbm>> -> memref<8x1024xf32, #tpu.memory_space<hbm>>
        %dma_start3A_371 = arith.constant 0 : i32
        %dma_start3A_372 = arith.constant 0 : i32
        %dma_start3A_373 = tpu.memref_slice %run_scoped3A_3[%dma_start3A_371, %dma_start3A_372] : memref<16x1024xf32, #tpu.memory_space<vmem>> -> memref<8x1024xf32, #tpu.memory_space<vmem>>
        %dma_start3A_374 = arith.constant 0 : i32
        %dma_start3A_375 = tpu.memref_slice %arg2[%add3A_16, %dma_start3A_374, %mul3A_364] : memref<26x16x100000xf32, #tpu.memory_space<hbm>> -> memref<1x8x1024xf32, #tpu.memory_space<hbm>>
        %dma_start3A_376 = tpu.memref_squeeze %dma_start3A_375 : memref<1x8x1024xf32, #tpu.memory_space<hbm>> -> memref<8x1024xf32, #tpu.memory_space<hbm>>
        tpu.enqueue_dma source(%dma_start3A_376 : memref<8x1024xf32, #tpu.memory_space<hbm>>) target(%dma_start3A_373 : memref<8x1024xf32, #tpu.memory_space<vmem>>) target_semaphore(%arg8 : memref<!tpu.dma_semaphore, #tpu.memory_space<semaphore_mem>>)
        %dma_start3A_377 = arith.constant 8 : i32
        %dma_start3A_378 = arith.constant 0 : i32
        %dma_start3A_379 = tpu.memref_slice %run_scoped3A_3[%dma_start3A_377, %dma_start3A_378] : memref<16x1024xf32, #tpu.memory_space<vmem>> -> memref<8x1024xf32, #tpu.memory_space<vmem>>
        %dma_start3A_380 = arith.constant 8 : i32
        %dma_start3A_381 = tpu.memref_slice %arg2[%add3A_16, %dma_start3A_380, %mul3A_364] : memref<26x16x100000xf32, #tpu.memory_space<hbm>> -> memref<1x8x1024xf32, #tpu.memory_space<hbm>>
        %dma_start3A_382 = tpu.memref_squeeze %dma_start3A_381 : memref<1x8x1024xf32, #tpu.memory_space<hbm>> -> memref<8x1024xf32, #tpu.memory_space<hbm>>
        %dma_start3A_383 = arith.constant 8 : i32
        %dma_start3A_384 = arith.constant 0 : i32
        %dma_start3A_385 = tpu.memref_slice %run_scoped3A_3[%dma_start3A_383, %dma_start3A_384] : memref<16x1024xf32, #tpu.memory_space<vmem>> -> memref<8x1024xf32, #tpu.memory_space<vmem>>
        %dma_start3A_386 = arith.constant 8 : i32
        %dma_start3A_387 = tpu.memref_slice %arg2[%add3A_16, %dma_start3A_386, %mul3A_364] : memref<26x16x100000xf32, #tpu.memory_space<hbm>> -> memref<1x8x1024xf32, #tpu.memory_space<hbm>>
        %dma_start3A_388 = tpu.memref_squeeze %dma_start3A_387 : memref<1x8x1024xf32, #tpu.memory_space<hbm>> -> memref<8x1024xf32, #tpu.memory_space<hbm>>
        tpu.enqueue_dma source(%dma_start3A_388 : memref<8x1024xf32, #tpu.memory_space<hbm>>) target(%dma_start3A_385 : memref<8x1024xf32, #tpu.memory_space<vmem>>) target_semaphore(%arg8 : memref<!tpu.dma_semaphore, #tpu.memory_space<semaphore_mem>>)
        %dma_wait3A_389 = arith.constant 0 : i32
        %dma_wait3A_390 = arith.constant 0 : i32
        %dma_wait3A_391 = tpu.memref_slice %run_scoped3A[%dma_wait3A_389, %dma_wait3A_390] : memref<16x1024xf32, #tpu.memory_space<vmem>> -> memref<8x1024xf32, #tpu.memory_space<vmem>>
        %dma_wait3A_392 = arith.constant 0 : i32
        %dma_wait3A_393 = tpu.memref_slice %arg2[%add3A_16, %dma_wait3A_392, %mul3A_280] : memref<26x16x100000xf32, #tpu.memory_space<hbm>> -> memref<1x8x1024xf32, #tpu.memory_space<hbm>>
        %dma_wait3A_394 = tpu.memref_squeeze %dma_wait3A_393 : memref<1x8x1024xf32, #tpu.memory_space<hbm>> -> memref<8x1024xf32, #tpu.memory_space<hbm>>
        %dma_wait3A_395 = arith.constant 0 : i32
        %dma_wait3A_396 = arith.constant 0 : i32
        %dma_wait3A_397 = tpu.memref_slice %run_scoped3A[%dma_wait3A_395, %dma_wait3A_396] : memref<16x1024xf32, #tpu.memory_space<vmem>> -> memref<8x1024xf32, #tpu.memory_space<vmem>>
        %dma_wait3A_398 = arith.constant 0 : i32
        %dma_wait3A_399 = tpu.memref_slice %arg2[%add3A_16, %dma_wait3A_398, %mul3A_280] : memref<26x16x100000xf32, #tpu.memory_space<hbm>> -> memref<1x8x1024xf32, #tpu.memory_space<hbm>>
        %dma_wait3A_400 = tpu.memref_squeeze %dma_wait3A_399 : memref<1x8x1024xf32, #tpu.memory_space<hbm>> -> memref<8x1024xf32, #tpu.memory_space<hbm>>
        tpu.wait_dma2 semaphore(%arg7 : memref<!tpu.dma_semaphore, #tpu.memory_space<semaphore_mem>>) src(%dma_wait3A_400 : memref<8x1024xf32, #tpu.memory_space<hbm>>) dst(%dma_wait3A_397 : memref<8x1024xf32, #tpu.memory_space<vmem>>)
        %dma_wait3A_401 = arith.constant 8 : i32
        %dma_wait3A_402 = arith.constant 0 : i32
        %dma_wait3A_403 = tpu.memref_slice %run_scoped3A[%dma_wait3A_401, %dma_wait3A_402] : memref<16x1024xf32, #tpu.memory_space<vmem>> -> memref<8x1024xf32, #tpu.memory_space<vmem>>
        %dma_wait3A_404 = arith.constant 8 : i32
        %dma_wait3A_405 = tpu.memref_slice %arg2[%add3A_16, %dma_wait3A_404, %mul3A_280] : memref<26x16x100000xf32, #tpu.memory_space<hbm>> -> memref<1x8x1024xf32, #tpu.memory_space<hbm>>
        %dma_wait3A_406 = tpu.memref_squeeze %dma_wait3A_405 : memref<1x8x1024xf32, #tpu.memory_space<hbm>> -> memref<8x1024xf32, #tpu.memory_space<hbm>>
        %dma_wait3A_407 = arith.constant 8 : i32
        %dma_wait3A_408 = arith.constant 0 : i32
        %dma_wait3A_409 = tpu.memref_slice %run_scoped3A[%dma_wait3A_407, %dma_wait3A_408] : memref<16x1024xf32, #tpu.memory_space<vmem>> -> memref<8x1024xf32, #tpu.memory_space<vmem>>
        %dma_wait3A_410 = arith.constant 8 : i32
        %dma_wait3A_411 = tpu.memref_slice %arg2[%add3A_16, %dma_wait3A_410, %mul3A_280] : memref<26x16x100000xf32, #tpu.memory_space<hbm>> -> memref<1x8x1024xf32, #tpu.memory_space<hbm>>
        %dma_wait3A_412 = tpu.memref_squeeze %dma_wait3A_411 : memref<1x8x1024xf32, #tpu.memory_space<hbm>> -> memref<8x1024xf32, #tpu.memory_space<hbm>>
        tpu.wait_dma2 semaphore(%arg7 : memref<!tpu.dma_semaphore, #tpu.memory_space<semaphore_mem>>) src(%dma_wait3A_412 : memref<8x1024xf32, #tpu.memory_space<hbm>>) dst(%dma_wait3A_409 : memref<8x1024xf32, #tpu.memory_space<vmem>>)
        %mul3A_413 = arith.constant 128 : i32
        %mul3A_414 = arith.muli %add3A_360, %mul3A_413 : i32
        %add3A_415 = arith.addi %mul3A_18, %mul3A_414 : i32
        %dma_wait3A_416 = arith.constant 0 : i32
        %dma_wait3A_417 = arith.constant 0 : i32
        %dma_wait3A_418 = tpu.memref_slice %run_scoped3A_4[%dma_wait3A_416, %dma_wait3A_417] : memref<128x128xf32, #tpu.memory_space<vmem>> -> memref<128x128xf32, #tpu.memory_space<vmem>>
        %dma_wait3A_419 = arith.constant 0 : i32
        %dma_wait3A_420 = tpu.memref_slice %arg6[%multiple_of3A_264, %dma_wait3A_419] : memref<325312x128xf32, #tpu.memory_space<hbm>> -> memref<128x128xf32, #tpu.memory_space<hbm>>
        %dma_wait3A_421 = arith.constant 0 : i32
        %dma_wait3A_422 = tpu.memref_slice %arg6[%multiple_of3A_264, %dma_wait3A_421] : memref<325312x128xf32, #tpu.memory_space<hbm>> -> memref<128x128xf32, #tpu.memory_space<hbm>>
        %dma_wait3A_423 = arith.constant 0 : i32
        %dma_wait3A_424 = arith.constant 0 : i32
        %dma_wait3A_425 = tpu.memref_slice %run_scoped3A_4[%dma_wait3A_423, %dma_wait3A_424] : memref<128x128xf32, #tpu.memory_space<vmem>> -> memref<128x128xf32, #tpu.memory_space<vmem>>
        tpu.wait_dma2 semaphore(%arg9 : memref<!tpu.dma_semaphore, #tpu.memory_space<semaphore_mem>>) src(%dma_wait3A_425 : memref<128x128xf32, #tpu.memory_space<vmem>>) dst(%dma_wait3A_422 : memref<128x128xf32, #tpu.memory_space<hbm>>)
        %scan3A_426 = arith.constant 0 : i32
        %scan3A_427 = arith.constant 0 : i32
        %scan3A_428 = arith.constant 128 : i32
        %scan3A_429 = arith.addi %scan3A_427, %scan3A_428 : i32
        %scan3A_430 = arith.constant 2 : i32
        scf.for %scan3A_519 = %scan3A_427 to %scan3A_429 step %scan3A_430  : i32 {
          %mul3A_520 = arith.constant 8 : i32
          %mul3A_521 = arith.muli %scan3A_519, %mul3A_520 : i32
          %add3A_522 = arith.constant 0 : i32
          %add3A_523 = arith.addi %mul3A_521, %add3A_522 : i32
          %broadcast_in_dim3A = vector.broadcast %add3A_523 : i32 to vector<16xi32>
          %gather3A = tpu.vector_load_idx %run_scoped3A[%iota3A, %broadcast_in_dim3A] : memref<16x1024xf32, #tpu.memory_space<vmem>>[vector<16xi32>, vector<16xi32>], vector<16xf32>,
          %add3A_524 = arith.constant 1 : i32
          %add3A_525 = arith.addi %mul3A_521, %add3A_524 : i32
          %broadcast_in_dim3A_526 = vector.broadcast %add3A_525 : i32 to vector<16xi32>
          %gather3A_527 = tpu.vector_load_idx %run_scoped3A[%iota3A, %broadcast_in_dim3A_526] : memref<16x1024xf32, #tpu.memory_space<vmem>>[vector<16xi32>, vector<16xi32>], vector<16xf32>,
          %add3A_528 = arith.constant 2 : i32
          %add3A_529 = arith.addi %mul3A_521, %add3A_528 : i32
          %broadcast_in_dim3A_530 = vector.broadcast %add3A_529 : i32 to vector<16xi32>
          %gather3A_531 = tpu.vector_load_idx %run_scoped3A[%iota3A, %broadcast_in_dim3A_530] : memref<16x1024xf32, #tpu.memory_space<vmem>>[vector<16xi32>, vector<16xi32>], vector<16xf32>,
          %add3A_532 = arith.constant 3 : i32
          %add3A_533 = arith.addi %mul3A_521, %add3A_532 : i32
          %broadcast_in_dim3A_534 = vector.broadcast %add3A_533 : i32 to vector<16xi32>
          %gather3A_535 = tpu.vector_load_idx %run_scoped3A[%iota3A, %broadcast_in_dim3A_534] : memref<16x1024xf32, #tpu.memory_space<vmem>>[vector<16xi32>, vector<16xi32>], vector<16xf32>,
          %add3A_536 = arith.constant 4 : i32
          %add3A_537 = arith.addi %mul3A_521, %add3A_536 : i32
          %broadcast_in_dim3A_538 = vector.broadcast %add3A_537 : i32 to vector<16xi32>
          %gather3A_539 = tpu.vector_load_idx %run_scoped3A[%iota3A, %broadcast_in_dim3A_538] : memref<16x1024xf32, #tpu.memory_space<vmem>>[vector<16xi32>, vector<16xi32>], vector<16xf32>,
          %add3A_540 = arith.constant 5 : i32
          %add3A_541 = arith.addi %mul3A_521, %add3A_540 : i32
          %broadcast_in_dim3A_542 = vector.broadcast %add3A_541 : i32 to vector<16xi32>
          %gather3A_543 = tpu.vector_load_idx %run_scoped3A[%iota3A, %broadcast_in_dim3A_542] : memref<16x1024xf32, #tpu.memory_space<vmem>>[vector<16xi32>, vector<16xi32>], vector<16xf32>,
          %add3A_544 = arith.constant 6 : i32
          %add3A_545 = arith.addi %mul3A_521, %add3A_544 : i32
          %broadcast_in_dim3A_546 = vector.broadcast %add3A_545 : i32 to vector<16xi32>
          %gather3A_547 = tpu.vector_load_idx %run_scoped3A[%iota3A, %broadcast_in_dim3A_546] : memref<16x1024xf32, #tpu.memory_space<vmem>>[vector<16xi32>, vector<16xi32>], vector<16xf32>,
          %add3A_548 = arith.constant 7 : i32
          %add3A_549 = arith.addi %mul3A_521, %add3A_548 : i32
          %broadcast_in_dim3A_550 = vector.broadcast %add3A_549 : i32 to vector<16xi32>
          %gather3A_551 = tpu.vector_load_idx %run_scoped3A[%iota3A, %broadcast_in_dim3A_550] : memref<16x1024xf32, #tpu.memory_space<vmem>>[vector<16xi32>, vector<16xi32>], vector<16xf32>,
          %swap3A = arith.index_cast %scan3A_519 : i32 to index
          %swap3A_552 = arith.constant 0 : index
          %swap3A_553 = tpu.vector_load %run_scoped3A_4[%swap3A, %swap3A_552] {strides = array<i32>} : memref<128x128xf32, #tpu.memory_space<vmem>>, vector<16xf32>,
          tpu.vector_store %run_scoped3A_4[%swap3A, %swap3A_552], %gather3A {strides = array<i32>} : memref<128x128xf32, #tpu.memory_space<vmem>>, vector<16xf32>,
          %swap3A_554 = arith.index_cast %scan3A_519 : i32 to index
          %swap3A_555 = arith.constant 16 : index
          %swap3A_556 = tpu.vector_load %run_scoped3A_4[%swap3A_554, %swap3A_555] {strides = array<i32>} : memref<128x128xf32, #tpu.memory_space<vmem>>, vector<16xf32>,
          tpu.vector_store %run_scoped3A_4[%swap3A_554, %swap3A_555], %gather3A_527 {strides = array<i32>} : memref<128x128xf32, #tpu.memory_space<vmem>>, vector<16xf32>,
          %swap3A_557 = arith.index_cast %scan3A_519 : i32 to index
          %swap3A_558 = arith.constant 32 : index
          %swap3A_559 = tpu.vector_load %run_scoped3A_4[%swap3A_557, %swap3A_558] {strides = array<i32>} : memref<128x128xf32, #tpu.memory_space<vmem>>, vector<16xf32>,
          tpu.vector_store %run_scoped3A_4[%swap3A_557, %swap3A_558], %gather3A_531 {strides = array<i32>} : memref<128x128xf32, #tpu.memory_space<vmem>>, vector<16xf32>,
          %swap3A_560 = arith.index_cast %scan3A_519 : i32 to index
          %swap3A_561 = arith.constant 48 : index
          %swap3A_562 = tpu.vector_load %run_scoped3A_4[%swap3A_560, %swap3A_561] {strides = array<i32>} : memref<128x128xf32, #tpu.memory_space<vmem>>, vector<16xf32>,
          tpu.vector_store %run_scoped3A_4[%swap3A_560, %swap3A_561], %gather3A_535 {strides = array<i32>} : memref<128x128xf32, #tpu.memory_space<vmem>>, vector<16xf32>,
          %swap3A_563 = arith.index_cast %scan3A_519 : i32 to index
          %swap3A_564 = arith.constant 64 : index
          %swap3A_565 = tpu.vector_load %run_scoped3A_4[%swap3A_563, %swap3A_564] {strides = array<i32>} : memref<128x128xf32, #tpu.memory_space<vmem>>, vector<16xf32>,
          tpu.vector_store %run_scoped3A_4[%swap3A_563, %swap3A_564], %gather3A_539 {strides = array<i32>} : memref<128x128xf32, #tpu.memory_space<vmem>>, vector<16xf32>,
          %swap3A_566 = arith.index_cast %scan3A_519 : i32 to index
          %swap3A_567 = arith.constant 80 : index
          %swap3A_568 = tpu.vector_load %run_scoped3A_4[%swap3A_566, %swap3A_567] {strides = array<i32>} : memref<128x128xf32, #tpu.memory_space<vmem>>, vector<16xf32>,
          tpu.vector_store %run_scoped3A_4[%swap3A_566, %swap3A_567], %gather3A_543 {strides = array<i32>} : memref<128x128xf32, #tpu.memory_space<vmem>>, vector<16xf32>,
          %swap3A_569 = arith.index_cast %scan3A_519 : i32 to index
          %swap3A_570 = arith.constant 96 : index
          %swap3A_571 = tpu.vector_load %run_scoped3A_4[%swap3A_569, %swap3A_570] {strides = array<i32>} : memref<128x128xf32, #tpu.memory_space<vmem>>, vector<16xf32>,
          tpu.vector_store %run_scoped3A_4[%swap3A_569, %swap3A_570], %gather3A_547 {strides = array<i32>} : memref<128x128xf32, #tpu.memory_space<vmem>>, vector<16xf32>,
          %swap3A_572 = arith.index_cast %scan3A_519 : i32 to index
          %swap3A_573 = arith.constant 112 : index
          %swap3A_574 = tpu.vector_load %run_scoped3A_4[%swap3A_572, %swap3A_573] {strides = array<i32>} : memref<128x128xf32, #tpu.memory_space<vmem>>, vector<16xf32>,
          tpu.vector_store %run_scoped3A_4[%swap3A_572, %swap3A_573], %gather3A_551 {strides = array<i32>} : memref<128x128xf32, #tpu.memory_space<vmem>>, vector<16xf32>,
          %scan3A_575 = arith.constant 1 : i32
          %scan3A_576 = arith.addi %scan3A_519, %scan3A_575 : i32
          %mul3A_577 = arith.constant 8 : i32
          %mul3A_578 = arith.muli %scan3A_576, %mul3A_577 : i32
          %add3A_579 = arith.constant 0 : i32
          %add3A_580 = arith.addi %mul3A_578, %add3A_579 : i32
          %broadcast_in_dim3A_581 = vector.broadcast %add3A_580 : i32 to vector<16xi32>
          %gather3A_582 = tpu.vector_load_idx %run_scoped3A[%iota3A, %broadcast_in_dim3A_581] : memref<16x1024xf32, #tpu.memory_space<vmem>>[vector<16xi32>, vector<16xi32>], vector<16xf32>,
          %add3A_583 = arith.constant 1 : i32
          %add3A_584 = arith.addi %mul3A_578, %add3A_583 : i32
          %broadcast_in_dim3A_585 = vector.broadcast %add3A_584 : i32 to vector<16xi32>
          %gather3A_586 = tpu.vector_load_idx %run_scoped3A[%iota3A, %broadcast_in_dim3A_585] : memref<16x1024xf32, #tpu.memory_space<vmem>>[vector<16xi32>, vector<16xi32>], vector<16xf32>,
          %add3A_587 = arith.constant 2 : i32
          %add3A_588 = arith.addi %mul3A_578, %add3A_587 : i32
          %broadcast_in_dim3A_589 = vector.broadcast %add3A_588 : i32 to vector<16xi32>
          %gather3A_590 = tpu.vector_load_idx %run_scoped3A[%iota3A, %broadcast_in_dim3A_589] : memref<16x1024xf32, #tpu.memory_space<vmem>>[vector<16xi32>, vector<16xi32>], vector<16xf32>,
          %add3A_591 = arith.constant 3 : i32
          %add3A_592 = arith.addi %mul3A_578, %add3A_591 : i32
          %broadcast_in_dim3A_593 = vector.broadcast %add3A_592 : i32 to vector<16xi32>
          %gather3A_594 = tpu.vector_load_idx %run_scoped3A[%iota3A, %broadcast_in_dim3A_593] : memref<16x1024xf32, #tpu.memory_space<vmem>>[vector<16xi32>, vector<16xi32>], vector<16xf32>,
          %add3A_595 = arith.constant 4 : i32
          %add3A_596 = arith.addi %mul3A_578, %add3A_595 : i32
          %broadcast_in_dim3A_597 = vector.broadcast %add3A_596 : i32 to vector<16xi32>
          %gather3A_598 = tpu.vector_load_idx %run_scoped3A[%iota3A, %broadcast_in_dim3A_597] : memref<16x1024xf32, #tpu.memory_space<vmem>>[vector<16xi32>, vector<16xi32>], vector<16xf32>,
          %add3A_599 = arith.constant 5 : i32
          %add3A_600 = arith.addi %mul3A_578, %add3A_599 : i32
          %broadcast_in_dim3A_601 = vector.broadcast %add3A_600 : i32 to vector<16xi32>
          %gather3A_602 = tpu.vector_load_idx %run_scoped3A[%iota3A, %broadcast_in_dim3A_601] : memref<16x1024xf32, #tpu.memory_space<vmem>>[vector<16xi32>, vector<16xi32>], vector<16xf32>,
          %add3A_603 = arith.constant 6 : i32
          %add3A_604 = arith.addi %mul3A_578, %add3A_603 : i32
          %broadcast_in_dim3A_605 = vector.broadcast %add3A_604 : i32 to vector<16xi32>
          %gather3A_606 = tpu.vector_load_idx %run_scoped3A[%iota3A, %broadcast_in_dim3A_605] : memref<16x1024xf32, #tpu.memory_space<vmem>>[vector<16xi32>, vector<16xi32>], vector<16xf32>,
          %add3A_607 = arith.constant 7 : i32
          %add3A_608 = arith.addi %mul3A_578, %add3A_607 : i32
          %broadcast_in_dim3A_609 = vector.broadcast %add3A_608 : i32 to vector<16xi32>
          %gather3A_610 = tpu.vector_load_idx %run_scoped3A[%iota3A, %broadcast_in_dim3A_609] : memref<16x1024xf32, #tpu.memory_space<vmem>>[vector<16xi32>, vector<16xi32>], vector<16xf32>,
          %swap3A_611 = arith.index_cast %scan3A_576 : i32 to index
          %swap3A_612 = arith.constant 0 : index
          %swap3A_613 = tpu.vector_load %run_scoped3A_4[%swap3A_611, %swap3A_612] {strides = array<i32>} : memref<128x128xf32, #tpu.memory_space<vmem>>, vector<16xf32>,
          tpu.vector_store %run_scoped3A_4[%swap3A_611, %swap3A_612], %gather3A_582 {strides = array<i32>} : memref<128x128xf32, #tpu.memory_space<vmem>>, vector<16xf32>,
          %swap3A_614 = arith.index_cast %scan3A_576 : i32 to index
          %swap3A_615 = arith.constant 16 : index
          %swap3A_616 = tpu.vector_load %run_scoped3A_4[%swap3A_614, %swap3A_615] {strides = array<i32>} : memref<128x128xf32, #tpu.memory_space<vmem>>, vector<16xf32>,
          tpu.vector_store %run_scoped3A_4[%swap3A_614, %swap3A_615], %gather3A_586 {strides = array<i32>} : memref<128x128xf32, #tpu.memory_space<vmem>>, vector<16xf32>,
          %swap3A_617 = arith.index_cast %scan3A_576 : i32 to index
          %swap3A_618 = arith.constant 32 : index
          %swap3A_619 = tpu.vector_load %run_scoped3A_4[%swap3A_617, %swap3A_618] {strides = array<i32>} : memref<128x128xf32, #tpu.memory_space<vmem>>, vector<16xf32>,
          tpu.vector_store %run_scoped3A_4[%swap3A_617, %swap3A_618], %gather3A_590 {strides = array<i32>} : memref<128x128xf32, #tpu.memory_space<vmem>>, vector<16xf32>,
          %swap3A_620 = arith.index_cast %scan3A_576 : i32 to index
          %swap3A_621 = arith.constant 48 : index
          %swap3A_622 = tpu.vector_load %run_scoped3A_4[%swap3A_620, %swap3A_621] {strides = array<i32>} : memref<128x128xf32, #tpu.memory_space<vmem>>, vector<16xf32>,
          tpu.vector_store %run_scoped3A_4[%swap3A_620, %swap3A_621], %gather3A_594 {strides = array<i32>} : memref<128x128xf32, #tpu.memory_space<vmem>>, vector<16xf32>,
          %swap3A_623 = arith.index_cast %scan3A_576 : i32 to index
          %swap3A_624 = arith.constant 64 : index
          %swap3A_625 = tpu.vector_load %run_scoped3A_4[%swap3A_623, %swap3A_624] {strides = array<i32>} : memref<128x128xf32, #tpu.memory_space<vmem>>, vector<16xf32>,
          tpu.vector_store %run_scoped3A_4[%swap3A_623, %swap3A_624], %gather3A_598 {strides = array<i32>} : memref<128x128xf32, #tpu.memory_space<vmem>>, vector<16xf32>,
          %swap3A_626 = arith.index_cast %scan3A_576 : i32 to index
          %swap3A_627 = arith.constant 80 : index
          %swap3A_628 = tpu.vector_load %run_scoped3A_4[%swap3A_626, %swap3A_627] {strides = array<i32>} : memref<128x128xf32, #tpu.memory_space<vmem>>, vector<16xf32>,
          tpu.vector_store %run_scoped3A_4[%swap3A_626, %swap3A_627], %gather3A_602 {strides = array<i32>} : memref<128x128xf32, #tpu.memory_space<vmem>>, vector<16xf32>,
          %swap3A_629 = arith.index_cast %scan3A_576 : i32 to index
          %swap3A_630 = arith.constant 96 : index
          %swap3A_631 = tpu.vector_load %run_scoped3A_4[%swap3A_629, %swap3A_630] {strides = array<i32>} : memref<128x128xf32, #tpu.memory_space<vmem>>, vector<16xf32>,
          tpu.vector_store %run_scoped3A_4[%swap3A_629, %swap3A_630], %gather3A_606 {strides = array<i32>} : memref<128x128xf32, #tpu.memory_space<vmem>>, vector<16xf32>,
          %swap3A_632 = arith.index_cast %scan3A_576 : i32 to index
          %swap3A_633 = arith.constant 112 : index
          %swap3A_634 = tpu.vector_load %run_scoped3A_4[%swap3A_632, %swap3A_633] {strides = array<i32>} : memref<128x128xf32, #tpu.memory_space<vmem>>, vector<16xf32>,
          tpu.vector_store %run_scoped3A_4[%swap3A_632, %swap3A_633], %gather3A_610 {strides = array<i32>} : memref<128x128xf32, #tpu.memory_space<vmem>>, vector<16xf32>,
        }
        %scan3A_431 = arith.constant 128 : i32
        %multiple_of3A_432 = tpu.assume_multiple %add3A_415, 8 : i32
        %dma_start3A_433 = arith.constant 0 : i32
        %dma_start3A_434 = arith.constant 0 : i32
        %dma_start3A_435 = tpu.memref_slice %run_scoped3A_4[%dma_start3A_433, %dma_start3A_434] : memref<128x128xf32, #tpu.memory_space<vmem>> -> memref<128x128xf32, #tpu.memory_space<vmem>>
        %dma_start3A_436 = arith.constant 0 : i32
        %dma_start3A_437 = tpu.memref_slice %arg6[%multiple_of3A_432, %dma_start3A_436] : memref<325312x128xf32, #tpu.memory_space<hbm>> -> memref<128x128xf32, #tpu.memory_space<hbm>>
        %dma_start3A_438 = arith.constant 0 : i32
        %dma_start3A_439 = tpu.memref_slice %arg6[%multiple_of3A_432, %dma_start3A_438] : memref<325312x128xf32, #tpu.memory_space<hbm>> -> memref<128x128xf32, #tpu.memory_space<hbm>>
        %dma_start3A_440 = arith.constant 0 : i32
        %dma_start3A_441 = arith.constant 0 : i32
        %dma_start3A_442 = tpu.memref_slice %run_scoped3A_4[%dma_start3A_440, %dma_start3A_441] : memref<128x128xf32, #tpu.memory_space<vmem>> -> memref<128x128xf32, #tpu.memory_space<vmem>>
        tpu.enqueue_dma source(%dma_start3A_442 : memref<128x128xf32, #tpu.memory_space<vmem>>) target(%dma_start3A_439 : memref<128x128xf32, #tpu.memory_space<hbm>>) target_semaphore(%arg9 : memref<!tpu.dma_semaphore, #tpu.memory_space<semaphore_mem>>)
        %add3A_443 = arith.constant 80 : i32
        %add3A_444 = arith.addi %arg1, %add3A_443 : i32
        %dma_wait3A_445 = arith.constant 0 : i32
        %dma_wait3A_446 = arith.constant 0 : i32
        %dma_wait3A_447 = tpu.memref_slice %run_scoped3A_3[%dma_wait3A_445, %dma_wait3A_446] : memref<16x1024xf32, #tpu.memory_space<vmem>> -> memref<8x1024xf32, #tpu.memory_space<vmem>>
        %dma_wait3A_448 = arith.constant 0 : i32
        %dma_wait3A_449 = tpu.memref_slice %arg2[%add3A_16, %dma_wait3A_448, %mul3A_364] : memref<26x16x100000xf32, #tpu.memory_space<hbm>> -> memref<1x8x1024xf32, #tpu.memory_space<hbm>>
        %dma_wait3A_450 = tpu.memref_squeeze %dma_wait3A_449 : memref<1x8x1024xf32, #tpu.memory_space<hbm>> -> memref<8x1024xf32, #tpu.memory_space<hbm>>
        %dma_wait3A_451 = arith.constant 0 : i32
        %dma_wait3A_452 = arith.constant 0 : i32
        %dma_wait3A_453 = tpu.memref_slice %run_scoped3A_3[%dma_wait3A_451, %dma_wait3A_452] : memref<16x1024xf32, #tpu.memory_space<vmem>> -> memref<8x1024xf32, #tpu.memory_space<vmem>>
        %dma_wait3A_454 = arith.constant 0 : i32
        %dma_wait3A_455 = tpu.memref_slice %arg2[%add3A_16, %dma_wait3A_454, %mul3A_364] : memref<26x16x100000xf32, #tpu.memory_space<hbm>> -> memref<1x8x1024xf32, #tpu.memory_space<hbm>>
        %dma_wait3A_456 = tpu.memref_squeeze %dma_wait3A_455 : memref<1x8x1024xf32, #tpu.memory_space<hbm>> -> memref<8x1024xf32, #tpu.memory_space<hbm>>
        tpu.wait_dma2 semaphore(%arg8 : memref<!tpu.dma_semaphore, #tpu.memory_space<semaphore_mem>>) src(%dma_wait3A_456 : memref<8x1024xf32, #tpu.memory_space<hbm>>) dst(%dma_wait3A_453 : memref<8x1024xf32, #tpu.memory_space<vmem>>)
        %dma_wait3A_457 = arith.constant 8 : i32
        %dma_wait3A_458 = arith.constant 0 : i32
        %dma_wait3A_459 = tpu.memref_slice %run_scoped3A_3[%dma_wait3A_457, %dma_wait3A_458] : memref<16x1024xf32, #tpu.memory_space<vmem>> -> memref<8x1024xf32, #tpu.memory_space<vmem>>
        %dma_wait3A_460 = arith.constant 8 : i32
        %dma_wait3A_461 = tpu.memref_slice %arg2[%add3A_16, %dma_wait3A_460, %mul3A_364] : memref<26x16x100000xf32, #tpu.memory_space<hbm>> -> memref<1x8x1024xf32, #tpu.memory_space<hbm>>
        %dma_wait3A_462 = tpu.memref_squeeze %dma_wait3A_461 : memref<1x8x1024xf32, #tpu.memory_space<hbm>> -> memref<8x1024xf32, #tpu.memory_space<hbm>>
        %dma_wait3A_463 = arith.constant 8 : i32
        %dma_wait3A_464 = arith.constant 0 : i32
        %dma_wait3A_465 = tpu.memref_slice %run_scoped3A_3[%dma_wait3A_463, %dma_wait3A_464] : memref<16x1024xf32, #tpu.memory_space<vmem>> -> memref<8x1024xf32, #tpu.memory_space<vmem>>
        %dma_wait3A_466 = arith.constant 8 : i32
        %dma_wait3A_467 = tpu.memref_slice %arg2[%add3A_16, %dma_wait3A_466, %mul3A_364] : memref<26x16x100000xf32, #tpu.memory_space<hbm>> -> memref<1x8x1024xf32, #tpu.memory_space<hbm>>
        %dma_wait3A_468 = tpu.memref_squeeze %dma_wait3A_467 : memref<1x8x1024xf32, #tpu.memory_space<hbm>> -> memref<8x1024xf32, #tpu.memory_space<hbm>>
        tpu.wait_dma2 semaphore(%arg8 : memref<!tpu.dma_semaphore, #tpu.memory_space<semaphore_mem>>) src(%dma_wait3A_468 : memref<8x1024xf32, #tpu.memory_space<hbm>>) dst(%dma_wait3A_465 : memref<8x1024xf32, #tpu.memory_space<vmem>>)
        %mul3A_469 = arith.constant 128 : i32
        %mul3A_470 = arith.muli %add3A_444, %mul3A_469 : i32
        %add3A_471 = arith.addi %mul3A_18, %mul3A_470 : i32
        %dma_wait3A_472 = arith.constant 0 : i32
        %dma_wait3A_473 = arith.constant 0 : i32
        %dma_wait3A_474 = tpu.memref_slice %run_scoped3A_5[%dma_wait3A_472, %dma_wait3A_473] : memref<128x128xf32, #tpu.memory_space<vmem>> -> memref<128x128xf32, #tpu.memory_space<vmem>>
        %dma_wait3A_475 = arith.constant 0 : i32
        %dma_wait3A_476 = tpu.memref_slice %arg6[%multiple_of3A_348, %dma_wait3A_475] : memref<325312x128xf32, #tpu.memory_space<hbm>> -> memref<128x128xf32, #tpu.memory_space<hbm>>
        %dma_wait3A_477 = arith.constant 0 : i32
        %dma_wait3A_478 = tpu.memref_slice %arg6[%multiple_of3A_348, %dma_wait3A_477] : memref<325312x128xf32, #tpu.memory_space<hbm>> -> memref<128x128xf32, #tpu.memory_space<hbm>>
        %dma_wait3A_479 = arith.constant 0 : i32
        %dma_wait3A_480 = arith.constant 0 : i32
        %dma_wait3A_481 = tpu.memref_slice %run_scoped3A_5[%dma_wait3A_479, %dma_wait3A_480] : memref<128x128xf32, #tpu.memory_space<vmem>> -> memref<128x128xf32, #tpu.memory_space<vmem>>
        tpu.wait_dma2 semaphore(%arg9 : memref<!tpu.dma_semaphore, #tpu.memory_space<semaphore_mem>>) src(%dma_wait3A_481 : memref<128x128xf32, #tpu.memory_space<vmem>>) dst(%dma_wait3A_478 : memref<128x128xf32, #tpu.memory_space<hbm>>)
        %scan3A_482 = arith.constant 0 : i32
        %scan3A_483 = arith.constant 0 : i32
        %scan3A_484 = arith.constant 128 : i32
        %scan3A_485 = arith.addi %scan3A_483, %scan3A_484 : i32
        %scan3A_486 = arith.constant 2 : i32
        scf.for %scan3A_519 = %scan3A_483 to %scan3A_485 step %scan3A_486  : i32 {
          %mul3A_520 = arith.constant 8 : i32
          %mul3A_521 = arith.muli %scan3A_519, %mul3A_520 : i32
          %add3A_522 = arith.constant 0 : i32
          %add3A_523 = arith.addi %mul3A_521, %add3A_522 : i32
          %broadcast_in_dim3A = vector.broadcast %add3A_523 : i32 to vector<16xi32>
          %gather3A = tpu.vector_load_idx %run_scoped3A_3[%iota3A, %broadcast_in_dim3A] : memref<16x1024xf32, #tpu.memory_space<vmem>>[vector<16xi32>, vector<16xi32>], vector<16xf32>,
          %add3A_524 = arith.constant 1 : i32
          %add3A_525 = arith.addi %mul3A_521, %add3A_524 : i32
          %broadcast_in_dim3A_526 = vector.broadcast %add3A_525 : i32 to vector<16xi32>
          %gather3A_527 = tpu.vector_load_idx %run_scoped3A_3[%iota3A, %broadcast_in_dim3A_526] : memref<16x1024xf32, #tpu.memory_space<vmem>>[vector<16xi32>, vector<16xi32>], vector<16xf32>,
          %add3A_528 = arith.constant 2 : i32
          %add3A_529 = arith.addi %mul3A_521, %add3A_528 : i32
          %broadcast_in_dim3A_530 = vector.broadcast %add3A_529 : i32 to vector<16xi32>
          %gather3A_531 = tpu.vector_load_idx %run_scoped3A_3[%iota3A, %broadcast_in_dim3A_530] : memref<16x1024xf32, #tpu.memory_space<vmem>>[vector<16xi32>, vector<16xi32>], vector<16xf32>,
          %add3A_532 = arith.constant 3 : i32
          %add3A_533 = arith.addi %mul3A_521, %add3A_532 : i32
          %broadcast_in_dim3A_534 = vector.broadcast %add3A_533 : i32 to vector<16xi32>
          %gather3A_535 = tpu.vector_load_idx %run_scoped3A_3[%iota3A, %broadcast_in_dim3A_534] : memref<16x1024xf32, #tpu.memory_space<vmem>>[vector<16xi32>, vector<16xi32>], vector<16xf32>,
          %add3A_536 = arith.constant 4 : i32
          %add3A_537 = arith.addi %mul3A_521, %add3A_536 : i32
          %broadcast_in_dim3A_538 = vector.broadcast %add3A_537 : i32 to vector<16xi32>
          %gather3A_539 = tpu.vector_load_idx %run_scoped3A_3[%iota3A, %broadcast_in_dim3A_538] : memref<16x1024xf32, #tpu.memory_space<vmem>>[vector<16xi32>, vector<16xi32>], vector<16xf32>,
          %add3A_540 = arith.constant 5 : i32
          %add3A_541 = arith.addi %mul3A_521, %add3A_540 : i32
          %broadcast_in_dim3A_542 = vector.broadcast %add3A_541 : i32 to vector<16xi32>
          %gather3A_543 = tpu.vector_load_idx %run_scoped3A_3[%iota3A, %broadcast_in_dim3A_542] : memref<16x1024xf32, #tpu.memory_space<vmem>>[vector<16xi32>, vector<16xi32>], vector<16xf32>,
          %add3A_544 = arith.constant 6 : i32
          %add3A_545 = arith.addi %mul3A_521, %add3A_544 : i32
          %broadcast_in_dim3A_546 = vector.broadcast %add3A_545 : i32 to vector<16xi32>
          %gather3A_547 = tpu.vector_load_idx %run_scoped3A_3[%iota3A, %broadcast_in_dim3A_546] : memref<16x1024xf32, #tpu.memory_space<vmem>>[vector<16xi32>, vector<16xi32>], vector<16xf32>,
          %add3A_548 = arith.constant 7 : i32
          %add3A_549 = arith.addi %mul3A_521, %add3A_548 : i32
          %broadcast_in_dim3A_550 = vector.broadcast %add3A_549 : i32 to vector<16xi32>
          %gather3A_551 = tpu.vector_load_idx %run_scoped3A_3[%iota3A, %broadcast_in_dim3A_550] : memref<16x1024xf32, #tpu.memory_space<vmem>>[vector<16xi32>, vector<16xi32>], vector<16xf32>,
          %swap3A = arith.index_cast %scan3A_519 : i32 to index
          %swap3A_552 = arith.constant 0 : index
          %swap3A_553 = tpu.vector_load %run_scoped3A_5[%swap3A, %swap3A_552] {strides = array<i32>} : memref<128x128xf32, #tpu.memory_space<vmem>>, vector<16xf32>,
          tpu.vector_store %run_scoped3A_5[%swap3A, %swap3A_552], %gather3A {strides = array<i32>} : memref<128x128xf32, #tpu.memory_space<vmem>>, vector<16xf32>,
          %swap3A_554 = arith.index_cast %scan3A_519 : i32 to index
          %swap3A_555 = arith.constant 16 : index
          %swap3A_556 = tpu.vector_load %run_scoped3A_5[%swap3A_554, %swap3A_555] {strides = array<i32>} : memref<128x128xf32, #tpu.memory_space<vmem>>, vector<16xf32>,
          tpu.vector_store %run_scoped3A_5[%swap3A_554, %swap3A_555], %gather3A_527 {strides = array<i32>} : memref<128x128xf32, #tpu.memory_space<vmem>>, vector<16xf32>,
          %swap3A_557 = arith.index_cast %scan3A_519 : i32 to index
          %swap3A_558 = arith.constant 32 : index
          %swap3A_559 = tpu.vector_load %run_scoped3A_5[%swap3A_557, %swap3A_558] {strides = array<i32>} : memref<128x128xf32, #tpu.memory_space<vmem>>, vector<16xf32>,
          tpu.vector_store %run_scoped3A_5[%swap3A_557, %swap3A_558], %gather3A_531 {strides = array<i32>} : memref<128x128xf32, #tpu.memory_space<vmem>>, vector<16xf32>,
          %swap3A_560 = arith.index_cast %scan3A_519 : i32 to index
          %swap3A_561 = arith.constant 48 : index
          %swap3A_562 = tpu.vector_load %run_scoped3A_5[%swap3A_560, %swap3A_561] {strides = array<i32>} : memref<128x128xf32, #tpu.memory_space<vmem>>, vector<16xf32>,
          tpu.vector_store %run_scoped3A_5[%swap3A_560, %swap3A_561], %gather3A_535 {strides = array<i32>} : memref<128x128xf32, #tpu.memory_space<vmem>>, vector<16xf32>,
          %swap3A_563 = arith.index_cast %scan3A_519 : i32 to index
          %swap3A_564 = arith.constant 64 : index
          %swap3A_565 = tpu.vector_load %run_scoped3A_5[%swap3A_563, %swap3A_564] {strides = array<i32>} : memref<128x128xf32, #tpu.memory_space<vmem>>, vector<16xf32>,
          tpu.vector_store %run_scoped3A_5[%swap3A_563, %swap3A_564], %gather3A_539 {strides = array<i32>} : memref<128x128xf32, #tpu.memory_space<vmem>>, vector<16xf32>,
          %swap3A_566 = arith.index_cast %scan3A_519 : i32 to index
          %swap3A_567 = arith.constant 80 : index
          %swap3A_568 = tpu.vector_load %run_scoped3A_5[%swap3A_566, %swap3A_567] {strides = array<i32>} : memref<128x128xf32, #tpu.memory_space<vmem>>, vector<16xf32>,
          tpu.vector_store %run_scoped3A_5[%swap3A_566, %swap3A_567], %gather3A_543 {strides = array<i32>} : memref<128x128xf32, #tpu.memory_space<vmem>>, vector<16xf32>,
          %swap3A_569 = arith.index_cast %scan3A_519 : i32 to index
          %swap3A_570 = arith.constant 96 : index
          %swap3A_571 = tpu.vector_load %run_scoped3A_5[%swap3A_569, %swap3A_570] {strides = array<i32>} : memref<128x128xf32, #tpu.memory_space<vmem>>, vector<16xf32>,
          tpu.vector_store %run_scoped3A_5[%swap3A_569, %swap3A_570], %gather3A_547 {strides = array<i32>} : memref<128x128xf32, #tpu.memory_space<vmem>>, vector<16xf32>,
          %swap3A_572 = arith.index_cast %scan3A_519 : i32 to index
          %swap3A_573 = arith.constant 112 : index
          %swap3A_574 = tpu.vector_load %run_scoped3A_5[%swap3A_572, %swap3A_573] {strides = array<i32>} : memref<128x128xf32, #tpu.memory_space<vmem>>, vector<16xf32>,
          tpu.vector_store %run_scoped3A_5[%swap3A_572, %swap3A_573], %gather3A_551 {strides = array<i32>} : memref<128x128xf32, #tpu.memory_space<vmem>>, vector<16xf32>,
          %scan3A_575 = arith.constant 1 : i32
          %scan3A_576 = arith.addi %scan3A_519, %scan3A_575 : i32
          %mul3A_577 = arith.constant 8 : i32
          %mul3A_578 = arith.muli %scan3A_576, %mul3A_577 : i32
          %add3A_579 = arith.constant 0 : i32
          %add3A_580 = arith.addi %mul3A_578, %add3A_579 : i32
          %broadcast_in_dim3A_581 = vector.broadcast %add3A_580 : i32 to vector<16xi32>
          %gather3A_582 = tpu.vector_load_idx %run_scoped3A_3[%iota3A, %broadcast_in_dim3A_581] : memref<16x1024xf32, #tpu.memory_space<vmem>>[vector<16xi32>, vector<16xi32>], vector<16xf32>,
          %add3A_583 = arith.constant 1 : i32
          %add3A_584 = arith.addi %mul3A_578, %add3A_583 : i32
          %broadcast_in_dim3A_585 = vector.broadcast %add3A_584 : i32 to vector<16xi32>
          %gather3A_586 = tpu.vector_load_idx %run_scoped3A_3[%iota3A, %broadcast_in_dim3A_585] : memref<16x1024xf32, #tpu.memory_space<vmem>>[vector<16xi32>, vector<16xi32>], vector<16xf32>,
          %add3A_587 = arith.constant 2 : i32
          %add3A_588 = arith.addi %mul3A_578, %add3A_587 : i32
          %broadcast_in_dim3A_589 = vector.broadcast %add3A_588 : i32 to vector<16xi32>
          %gather3A_590 = tpu.vector_load_idx %run_scoped3A_3[%iota3A, %broadcast_in_dim3A_589] : memref<16x1024xf32, #tpu.memory_space<vmem>>[vector<16xi32>, vector<16xi32>], vector<16xf32>,
          %add3A_591 = arith.constant 3 : i32
          %add3A_592 = arith.addi %mul3A_578, %add3A_591 : i32
          %broadcast_in_dim3A_593 = vector.broadcast %add3A_592 : i32 to vector<16xi32>
          %gather3A_594 = tpu.vector_load_idx %run_scoped3A_3[%iota3A, %broadcast_in_dim3A_593] : memref<16x1024xf32, #tpu.memory_space<vmem>>[vector<16xi32>, vector<16xi32>], vector<16xf32>,
          %add3A_595 = arith.constant 4 : i32
          %add3A_596 = arith.addi %mul3A_578, %add3A_595 : i32
          %broadcast_in_dim3A_597 = vector.broadcast %add3A_596 : i32 to vector<16xi32>
          %gather3A_598 = tpu.vector_load_idx %run_scoped3A_3[%iota3A, %broadcast_in_dim3A_597] : memref<16x1024xf32, #tpu.memory_space<vmem>>[vector<16xi32>, vector<16xi32>], vector<16xf32>,
          %add3A_599 = arith.constant 5 : i32
          %add3A_600 = arith.addi %mul3A_578, %add3A_599 : i32
          %broadcast_in_dim3A_601 = vector.broadcast %add3A_600 : i32 to vector<16xi32>
          %gather3A_602 = tpu.vector_load_idx %run_scoped3A_3[%iota3A, %broadcast_in_dim3A_601] : memref<16x1024xf32, #tpu.memory_space<vmem>>[vector<16xi32>, vector<16xi32>], vector<16xf32>,
          %add3A_603 = arith.constant 6 : i32
          %add3A_604 = arith.addi %mul3A_578, %add3A_603 : i32
          %broadcast_in_dim3A_605 = vector.broadcast %add3A_604 : i32 to vector<16xi32>
          %gather3A_606 = tpu.vector_load_idx %run_scoped3A_3[%iota3A, %broadcast_in_dim3A_605] : memref<16x1024xf32, #tpu.memory_space<vmem>>[vector<16xi32>, vector<16xi32>], vector<16xf32>,
          %add3A_607 = arith.constant 7 : i32
          %add3A_608 = arith.addi %mul3A_578, %add3A_607 : i32
          %broadcast_in_dim3A_609 = vector.broadcast %add3A_608 : i32 to vector<16xi32>
          %gather3A_610 = tpu.vector_load_idx %run_scoped3A_3[%iota3A, %broadcast_in_dim3A_609] : memref<16x1024xf32, #tpu.memory_space<vmem>>[vector<16xi32>, vector<16xi32>], vector<16xf32>,
          %swap3A_611 = arith.index_cast %scan3A_576 : i32 to index
          %swap3A_612 = arith.constant 0 : index
          %swap3A_613 = tpu.vector_load %run_scoped3A_5[%swap3A_611, %swap3A_612] {strides = array<i32>} : memref<128x128xf32, #tpu.memory_space<vmem>>, vector<16xf32>,
          tpu.vector_store %run_scoped3A_5[%swap3A_611, %swap3A_612], %gather3A_582 {strides = array<i32>} : memref<128x128xf32, #tpu.memory_space<vmem>>, vector<16xf32>,
          %swap3A_614 = arith.index_cast %scan3A_576 : i32 to index
          %swap3A_615 = arith.constant 16 : index
          %swap3A_616 = tpu.vector_load %run_scoped3A_5[%swap3A_614, %swap3A_615] {strides = array<i32>} : memref<128x128xf32, #tpu.memory_space<vmem>>, vector<16xf32>,
          tpu.vector_store %run_scoped3A_5[%swap3A_614, %swap3A_615], %gather3A_586 {strides = array<i32>} : memref<128x128xf32, #tpu.memory_space<vmem>>, vector<16xf32>,
          %swap3A_617 = arith.index_cast %scan3A_576 : i32 to index
          %swap3A_618 = arith.constant 32 : index
          %swap3A_619 = tpu.vector_load %run_scoped3A_5[%swap3A_617, %swap3A_618] {strides = array<i32>} : memref<128x128xf32, #tpu.memory_space<vmem>>, vector<16xf32>,
          tpu.vector_store %run_scoped3A_5[%swap3A_617, %swap3A_618], %gather3A_590 {strides = array<i32>} : memref<128x128xf32, #tpu.memory_space<vmem>>, vector<16xf32>,
          %swap3A_620 = arith.index_cast %scan3A_576 : i32 to index
          %swap3A_621 = arith.constant 48 : index
          %swap3A_622 = tpu.vector_load %run_scoped3A_5[%swap3A_620, %swap3A_621] {strides = array<i32>} : memref<128x128xf32, #tpu.memory_space<vmem>>, vector<16xf32>,
          tpu.vector_store %run_scoped3A_5[%swap3A_620, %swap3A_621], %gather3A_594 {strides = array<i32>} : memref<128x128xf32, #tpu.memory_space<vmem>>, vector<16xf32>,
          %swap3A_623 = arith.index_cast %scan3A_576 : i32 to index
          %swap3A_624 = arith.constant 64 : index
          %swap3A_625 = tpu.vector_load %run_scoped3A_5[%swap3A_623, %swap3A_624] {strides = array<i32>} : memref<128x128xf32, #tpu.memory_space<vmem>>, vector<16xf32>,
          tpu.vector_store %run_scoped3A_5[%swap3A_623, %swap3A_624], %gather3A_598 {strides = array<i32>} : memref<128x128xf32, #tpu.memory_space<vmem>>, vector<16xf32>,
          %swap3A_626 = arith.index_cast %scan3A_576 : i32 to index
          %swap3A_627 = arith.constant 80 : index
          %swap3A_628 = tpu.vector_load %run_scoped3A_5[%swap3A_626, %swap3A_627] {strides = array<i32>} : memref<128x128xf32, #tpu.memory_space<vmem>>, vector<16xf32>,
          tpu.vector_store %run_scoped3A_5[%swap3A_626, %swap3A_627], %gather3A_602 {strides = array<i32>} : memref<128x128xf32, #tpu.memory_space<vmem>>, vector<16xf32>,
          %swap3A_629 = arith.index_cast %scan3A_576 : i32 to index
          %swap3A_630 = arith.constant 96 : index
          %swap3A_631 = tpu.vector_load %run_scoped3A_5[%swap3A_629, %swap3A_630] {strides = array<i32>} : memref<128x128xf32, #tpu.memory_space<vmem>>, vector<16xf32>,
          tpu.vector_store %run_scoped3A_5[%swap3A_629, %swap3A_630], %gather3A_606 {strides = array<i32>} : memref<128x128xf32, #tpu.memory_space<vmem>>, vector<16xf32>,
          %swap3A_632 = arith.index_cast %scan3A_576 : i32 to index
          %swap3A_633 = arith.constant 112 : index
          %swap3A_634 = tpu.vector_load %run_scoped3A_5[%swap3A_632, %swap3A_633] {strides = array<i32>} : memref<128x128xf32, #tpu.memory_space<vmem>>, vector<16xf32>,
          tpu.vector_store %run_scoped3A_5[%swap3A_632, %swap3A_633], %gather3A_610 {strides = array<i32>} : memref<128x128xf32, #tpu.memory_space<vmem>>, vector<16xf32>,
        }
        %scan3A_487 = arith.constant 128 : i32
        %multiple_of3A_488 = tpu.assume_multiple %add3A_471, 8 : i32
        %dma_start3A_489 = arith.constant 0 : i32
        %dma_start3A_490 = arith.constant 0 : i32
        %dma_start3A_491 = tpu.memref_slice %run_scoped3A_5[%dma_start3A_489, %dma_start3A_490] : memref<128x128xf32, #tpu.memory_space<vmem>> -> memref<128x128xf32, #tpu.memory_space<vmem>>
        %dma_start3A_492 = arith.constant 0 : i32
        %dma_start3A_493 = tpu.memref_slice %arg6[%multiple_of3A_488, %dma_start3A_492] : memref<325312x128xf32, #tpu.memory_space<hbm>> -> memref<128x128xf32, #tpu.memory_space<hbm>>
        %dma_start3A_494 = arith.constant 0 : i32
        %dma_start3A_495 = tpu.memref_slice %arg6[%multiple_of3A_488, %dma_start3A_494] : memref<325312x128xf32, #tpu.memory_space<hbm>> -> memref<128x128xf32, #tpu.memory_space<hbm>>
        %dma_start3A_496 = arith.constant 0 : i32
        %dma_start3A_497 = arith.constant 0 : i32
        %dma_start3A_498 = tpu.memref_slice %run_scoped3A_5[%dma_start3A_496, %dma_start3A_497] : memref<128x128xf32, #tpu.memory_space<vmem>> -> memref<128x128xf32, #tpu.memory_space<vmem>>
        tpu.enqueue_dma source(%dma_start3A_498 : memref<128x128xf32, #tpu.memory_space<vmem>>) target(%dma_start3A_495 : memref<128x128xf32, #tpu.memory_space<hbm>>) target_semaphore(%arg9 : memref<!tpu.dma_semaphore, #tpu.memory_space<semaphore_mem>>)
        %dma_wait3A_499 = arith.constant 0 : i32
        %dma_wait3A_500 = arith.constant 0 : i32
        %dma_wait3A_501 = tpu.memref_slice %run_scoped3A_4[%dma_wait3A_499, %dma_wait3A_500] : memref<128x128xf32, #tpu.memory_space<vmem>> -> memref<128x128xf32, #tpu.memory_space<vmem>>
        %dma_wait3A_502 = arith.constant 0 : i32
        %dma_wait3A_503 = tpu.memref_slice %arg6[%multiple_of3A_432, %dma_wait3A_502] : memref<325312x128xf32, #tpu.memory_space<hbm>> -> memref<128x128xf32, #tpu.memory_space<hbm>>
        %dma_wait3A_504 = arith.constant 0 : i32
        %dma_wait3A_505 = tpu.memref_slice %arg6[%multiple_of3A_432, %dma_wait3A_504] : memref<325312x128xf32, #tpu.memory_space<hbm>> -> memref<128x128xf32, #tpu.memory_space<hbm>>
        %dma_wait3A_506 = arith.constant 0 : i32
        %dma_wait3A_507 = arith.constant 0 : i32
        %dma_wait3A_508 = tpu.memref_slice %run_scoped3A_4[%dma_wait3A_506, %dma_wait3A_507] : memref<128x128xf32, #tpu.memory_space<vmem>> -> memref<128x128xf32, #tpu.memory_space<vmem>>
        tpu.wait_dma2 semaphore(%arg9 : memref<!tpu.dma_semaphore, #tpu.memory_space<semaphore_mem>>) src(%dma_wait3A_508 : memref<128x128xf32, #tpu.memory_space<vmem>>) dst(%dma_wait3A_505 : memref<128x128xf32, #tpu.memory_space<hbm>>)
        %dma_wait3A_509 = arith.constant 0 : i32
        %dma_wait3A_510 = arith.constant 0 : i32
        %dma_wait3A_511 = tpu.memref_slice %run_scoped3A_5[%dma_wait3A_509, %dma_wait3A_510] : memref<128x128xf32, #tpu.memory_space<vmem>> -> memref<128x128xf32, #tpu.memory_space<vmem>>
        %dma_wait3A_512 = arith.constant 0 : i32
        %dma_wait3A_513 = tpu.memref_slice %arg6[%multiple_of3A_488, %dma_wait3A_512] : memref<325312x128xf32, #tpu.memory_space<hbm>> -> memref<128x128xf32, #tpu.memory_space<hbm>>
        %dma_wait3A_514 = arith.constant 0 : i32
        %dma_wait3A_515 = tpu.memref_slice %arg6[%multiple_of3A_488, %dma_wait3A_514] : memref<325312x128xf32, #tpu.memory_space<hbm>> -> memref<128x128xf32, #tpu.memory_space<hbm>>
        %dma_wait3A_516 = arith.constant 0 : i32
        %dma_wait3A_517 = arith.constant 0 : i32
        %dma_wait3A_518 = tpu.memref_slice %run_scoped3A_5[%dma_wait3A_516, %dma_wait3A_517] : memref<128x128xf32, #tpu.memory_space<vmem>> -> memref<128x128xf32, #tpu.memory_space<vmem>>
        tpu.wait_dma2 semaphore(%arg9 : memref<!tpu.dma_semaphore, #tpu.memory_space<semaphore_mem>>) src(%dma_wait3A_518 : memref<128x128xf32, #tpu.memory_space<vmem>>) dst(%dma_wait3A_515 : memref<128x128xf32, #tpu.memory_space<hbm>>)
      }
      %scan3A_10 = arith.constant 13 : i32
      %lt3A = arith.constant 13 : i32
      %lt3A_11 = arith.cmpi slt, %arg1, %lt3A : i32
      %convert_element_type3A = arith.extui %lt3A_11 : i1 to i32
      %cond3A = arith.constant 0 : i32
      %cond3A_12 = arith.cmpi ne, %convert_element_type3A, %cond3A : i32
      scf.if %cond3A_12 {
        %mul3A_13 = arith.constant 13 : i32
        %mul3A_14 = arith.muli %arg0, %mul3A_13 : i32
        %add3A_15 = arith.addi %mul3A_14, %arg1 : i32
        %dma_start3A = arith.constant 0 : i32
        %dma_start3A_16 = arith.constant 0 : i32
        %dma_start3A_17 = tpu.memref_slice %run_scoped3A[%dma_start3A, %dma_start3A_16] : memref<16x1024xf32, #tpu.memory_space<vmem>> -> memref<8x896xf32, #tpu.memory_space<vmem>>
        %dma_start3A_18 = arith.constant 0 : i32
        %dma_start3A_19 = arith.constant 0 : i32
        %dma_start3A_20 = tpu.memref_slice %arg3[%add3A_15, %dma_start3A_18, %dma_start3A_19] : memref<26x16x1792xf32, #tpu.memory_space<hbm>> -> memref<1x8x896xf32, #tpu.memory_space<hbm>>
        %dma_start3A_21 = tpu.memref_squeeze %dma_start3A_20 : memref<1x8x896xf32, #tpu.memory_space<hbm>> -> memref<8x896xf32, #tpu.memory_space<hbm>>
        %dma_start3A_22 = arith.constant 0 : i32
        %dma_start3A_23 = arith.constant 0 : i32
        %dma_start3A_24 = tpu.memref_slice %run_scoped3A[%dma_start3A_22, %dma_start3A_23] : memref<16x1024xf32, #tpu.memory_space<vmem>> -> memref<8x896xf32, #tpu.memory_space<vmem>>
        %dma_start3A_25 = arith.constant 0 : i32
        %dma_start3A_26 = arith.constant 0 : i32
        %dma_start3A_27 = tpu.memref_slice %arg3[%add3A_15, %dma_start3A_25, %dma_start3A_26] : memref<26x16x1792xf32, #tpu.memory_space<hbm>> -> memref<1x8x896xf32, #tpu.memory_space<hbm>>
        %dma_start3A_28 = tpu.memref_squeeze %dma_start3A_27 : memref<1x8x896xf32, #tpu.memory_space<hbm>> -> memref<8x896xf32, #tpu.memory_space<hbm>>
        tpu.enqueue_dma source(%dma_start3A_28 : memref<8x896xf32, #tpu.memory_space<hbm>>) target(%dma_start3A_24 : memref<8x896xf32, #tpu.memory_space<vmem>>) target_semaphore(%arg7 : memref<!tpu.dma_semaphore, #tpu.memory_space<semaphore_mem>>)
        %dma_start3A_29 = arith.constant 8 : i32
        %dma_start3A_30 = arith.constant 0 : i32
        %dma_start3A_31 = tpu.memref_slice %run_scoped3A[%dma_start3A_29, %dma_start3A_30] : memref<16x1024xf32, #tpu.memory_space<vmem>> -> memref<8x896xf32, #tpu.memory_space<vmem>>
        %dma_start3A_32 = arith.constant 8 : i32
        %dma_start3A_33 = arith.constant 0 : i32
        %dma_start3A_34 = tpu.memref_slice %arg3[%add3A_15, %dma_start3A_32, %dma_start3A_33] : memref<26x16x1792xf32, #tpu.memory_space<hbm>> -> memref<1x8x896xf32, #tpu.memory_space<hbm>>
        %dma_start3A_35 = tpu.memref_squeeze %dma_start3A_34 : memref<1x8x896xf32, #tpu.memory_space<hbm>> -> memref<8x896xf32, #tpu.memory_space<hbm>>
        %dma_start3A_36 = arith.constant 8 : i32
        %dma_start3A_37 = arith.constant 0 : i32
        %dma_start3A_38 = tpu.memref_slice %run_scoped3A[%dma_start3A_36, %dma_start3A_37] : memref<16x1024xf32, #tpu.memory_space<vmem>> -> memref<8x896xf32, #tpu.memory_space<vmem>>
        %dma_start3A_39 = arith.constant 8 : i32
        %dma_start3A_40 = arith.constant 0 : i32
        %dma_start3A_41 = tpu.memref_slice %arg3[%add3A_15, %dma_start3A_39, %dma_start3A_40] : memref<26x16x1792xf32, #tpu.memory_space<hbm>> -> memref<1x8x896xf32, #tpu.memory_space<hbm>>
        %dma_start3A_42 = tpu.memref_squeeze %dma_start3A_41 : memref<1x8x896xf32, #tpu.memory_space<hbm>> -> memref<8x896xf32, #tpu.memory_space<hbm>>
        tpu.enqueue_dma source(%dma_start3A_42 : memref<8x896xf32, #tpu.memory_space<hbm>>) target(%dma_start3A_38 : memref<8x896xf32, #tpu.memory_space<vmem>>) target_semaphore(%arg7 : memref<!tpu.dma_semaphore, #tpu.memory_space<semaphore_mem>>)
        %dma_wait3A = arith.constant 0 : i32
        %dma_wait3A_43 = arith.constant 0 : i32
        %dma_wait3A_44 = tpu.memref_slice %run_scoped3A[%dma_wait3A, %dma_wait3A_43] : memref<16x1024xf32, #tpu.memory_space<vmem>> -> memref<8x896xf32, #tpu.memory_space<vmem>>
        %dma_wait3A_45 = arith.constant 0 : i32
        %dma_wait3A_46 = arith.constant 0 : i32
        %dma_wait3A_47 = tpu.memref_slice %arg3[%add3A_15, %dma_wait3A_45, %dma_wait3A_46] : memref<26x16x1792xf32, #tpu.memory_space<hbm>> -> memref<1x8x896xf32, #tpu.memory_space<hbm>>
        %dma_wait3A_48 = tpu.memref_squeeze %dma_wait3A_47 : memref<1x8x896xf32, #tpu.memory_space<hbm>> -> memref<8x896xf32, #tpu.memory_space<hbm>>
        %dma_wait3A_49 = arith.constant 0 : i32
        %dma_wait3A_50 = arith.constant 0 : i32
        %dma_wait3A_51 = tpu.memref_slice %run_scoped3A[%dma_wait3A_49, %dma_wait3A_50] : memref<16x1024xf32, #tpu.memory_space<vmem>> -> memref<8x896xf32, #tpu.memory_space<vmem>>
        %dma_wait3A_52 = arith.constant 0 : i32
        %dma_wait3A_53 = arith.constant 0 : i32
        %dma_wait3A_54 = tpu.memref_slice %arg3[%add3A_15, %dma_wait3A_52, %dma_wait3A_53] : memref<26x16x1792xf32, #tpu.memory_space<hbm>> -> memref<1x8x896xf32, #tpu.memory_space<hbm>>
        %dma_wait3A_55 = tpu.memref_squeeze %dma_wait3A_54 : memref<1x8x896xf32, #tpu.memory_space<hbm>> -> memref<8x896xf32, #tpu.memory_space<hbm>>
        tpu.wait_dma2 semaphore(%arg7 : memref<!tpu.dma_semaphore, #tpu.memory_space<semaphore_mem>>) src(%dma_wait3A_55 : memref<8x896xf32, #tpu.memory_space<hbm>>) dst(%dma_wait3A_51 : memref<8x896xf32, #tpu.memory_space<vmem>>)
        %dma_wait3A_56 = arith.constant 8 : i32
        %dma_wait3A_57 = arith.constant 0 : i32
        %dma_wait3A_58 = tpu.memref_slice %run_scoped3A[%dma_wait3A_56, %dma_wait3A_57] : memref<16x1024xf32, #tpu.memory_space<vmem>> -> memref<8x896xf32, #tpu.memory_space<vmem>>
        %dma_wait3A_59 = arith.constant 8 : i32
        %dma_wait3A_60 = arith.constant 0 : i32
        %dma_wait3A_61 = tpu.memref_slice %arg3[%add3A_15, %dma_wait3A_59, %dma_wait3A_60] : memref<26x16x1792xf32, #tpu.memory_space<hbm>> -> memref<1x8x896xf32, #tpu.memory_space<hbm>>
        %dma_wait3A_62 = tpu.memref_squeeze %dma_wait3A_61 : memref<1x8x896xf32, #tpu.memory_space<hbm>> -> memref<8x896xf32, #tpu.memory_space<hbm>>
        %dma_wait3A_63 = arith.constant 8 : i32
        %dma_wait3A_64 = arith.constant 0 : i32
        %dma_wait3A_65 = tpu.memref_slice %run_scoped3A[%dma_wait3A_63, %dma_wait3A_64] : memref<16x1024xf32, #tpu.memory_space<vmem>> -> memref<8x896xf32, #tpu.memory_space<vmem>>
        %dma_wait3A_66 = arith.constant 8 : i32
        %dma_wait3A_67 = arith.constant 0 : i32
        %dma_wait3A_68 = tpu.memref_slice %arg3[%add3A_15, %dma_wait3A_66, %dma_wait3A_67] : memref<26x16x1792xf32, #tpu.memory_space<hbm>> -> memref<1x8x896xf32, #tpu.memory_space<hbm>>
        %dma_wait3A_69 = tpu.memref_squeeze %dma_wait3A_68 : memref<1x8x896xf32, #tpu.memory_space<hbm>> -> memref<8x896xf32, #tpu.memory_space<hbm>>
        tpu.wait_dma2 semaphore(%arg7 : memref<!tpu.dma_semaphore, #tpu.memory_space<semaphore_mem>>) src(%dma_wait3A_69 : memref<8x896xf32, #tpu.memory_space<hbm>>) dst(%dma_wait3A_65 : memref<8x896xf32, #tpu.memory_space<vmem>>)
        %mul3A_70 = arith.constant 12512 : i32
        %mul3A_71 = arith.muli %add3A_15, %mul3A_70 : i32
        %add3A_72 = arith.constant 12288 : i32
        %add3A_73 = arith.addi %mul3A_71, %add3A_72 : i32
        %add3A_74 = arith.constant 0 : i32
        %add3A_75 = arith.addi %add3A_73, %add3A_74 : i32
        %scan3A_76 = arith.constant 0 : i32
        %scan3A_77 = arith.constant 0 : i32
        %scan3A_78 = arith.constant 112 : i32
        %scan3A_79 = arith.addi %scan3A_77, %scan3A_78 : i32
        %scan3A_80 = arith.constant 2 : i32
        scf.for %scan3A_192 = %scan3A_77 to %scan3A_79 step %scan3A_80  : i32 {
          %mul3A_193 = arith.constant 8 : i32
          %mul3A_194 = arith.muli %scan3A_192, %mul3A_193 : i32
          %add3A_195 = arith.constant 0 : i32
          %add3A_196 = arith.addi %mul3A_194, %add3A_195 : i32
          %broadcast_in_dim3A = vector.broadcast %add3A_196 : i32 to vector<16xi32>
          %gather3A = tpu.vector_load_idx %run_scoped3A[%iota3A, %broadcast_in_dim3A] : memref<16x1024xf32, #tpu.memory_space<vmem>>[vector<16xi32>, vector<16xi32>], vector<16xf32>,
          %add3A_197 = arith.constant 1 : i32
          %add3A_198 = arith.addi %mul3A_194, %add3A_197 : i32
          %broadcast_in_dim3A_199 = vector.broadcast %add3A_198 : i32 to vector<16xi32>
          %gather3A_200 = tpu.vector_load_idx %run_scoped3A[%iota3A, %broadcast_in_dim3A_199] : memref<16x1024xf32, #tpu.memory_space<vmem>>[vector<16xi32>, vector<16xi32>], vector<16xf32>,
          %add3A_201 = arith.constant 2 : i32
          %add3A_202 = arith.addi %mul3A_194, %add3A_201 : i32
          %broadcast_in_dim3A_203 = vector.broadcast %add3A_202 : i32 to vector<16xi32>
          %gather3A_204 = tpu.vector_load_idx %run_scoped3A[%iota3A, %broadcast_in_dim3A_203] : memref<16x1024xf32, #tpu.memory_space<vmem>>[vector<16xi32>, vector<16xi32>], vector<16xf32>,
          %add3A_205 = arith.constant 3 : i32
          %add3A_206 = arith.addi %mul3A_194, %add3A_205 : i32
          %broadcast_in_dim3A_207 = vector.broadcast %add3A_206 : i32 to vector<16xi32>
          %gather3A_208 = tpu.vector_load_idx %run_scoped3A[%iota3A, %broadcast_in_dim3A_207] : memref<16x1024xf32, #tpu.memory_space<vmem>>[vector<16xi32>, vector<16xi32>], vector<16xf32>,
          %add3A_209 = arith.constant 4 : i32
          %add3A_210 = arith.addi %mul3A_194, %add3A_209 : i32
          %broadcast_in_dim3A_211 = vector.broadcast %add3A_210 : i32 to vector<16xi32>
          %gather3A_212 = tpu.vector_load_idx %run_scoped3A[%iota3A, %broadcast_in_dim3A_211] : memref<16x1024xf32, #tpu.memory_space<vmem>>[vector<16xi32>, vector<16xi32>], vector<16xf32>,
          %add3A_213 = arith.constant 5 : i32
          %add3A_214 = arith.addi %mul3A_194, %add3A_213 : i32
          %broadcast_in_dim3A_215 = vector.broadcast %add3A_214 : i32 to vector<16xi32>
          %gather3A_216 = tpu.vector_load_idx %run_scoped3A[%iota3A, %broadcast_in_dim3A_215] : memref<16x1024xf32, #tpu.memory_space<vmem>>[vector<16xi32>, vector<16xi32>], vector<16xf32>,
          %add3A_217 = arith.constant 6 : i32
          %add3A_218 = arith.addi %mul3A_194, %add3A_217 : i32
          %broadcast_in_dim3A_219 = vector.broadcast %add3A_218 : i32 to vector<16xi32>
          %gather3A_220 = tpu.vector_load_idx %run_scoped3A[%iota3A, %broadcast_in_dim3A_219] : memref<16x1024xf32, #tpu.memory_space<vmem>>[vector<16xi32>, vector<16xi32>], vector<16xf32>,
          %add3A_221 = arith.constant 7 : i32
          %add3A_222 = arith.addi %mul3A_194, %add3A_221 : i32
          %broadcast_in_dim3A_223 = vector.broadcast %add3A_222 : i32 to vector<16xi32>
          %gather3A_224 = tpu.vector_load_idx %run_scoped3A[%iota3A, %broadcast_in_dim3A_223] : memref<16x1024xf32, #tpu.memory_space<vmem>>[vector<16xi32>, vector<16xi32>], vector<16xf32>,
          %swap3A = arith.index_cast %scan3A_192 : i32 to index
          %swap3A_225 = arith.constant 0 : index
          %swap3A_226 = tpu.vector_load %run_scoped3A_4[%swap3A, %swap3A_225] {strides = array<i32>} : memref<128x128xf32, #tpu.memory_space<vmem>>, vector<16xf32>,
          tpu.vector_store %run_scoped3A_4[%swap3A, %swap3A_225], %gather3A {strides = array<i32>} : memref<128x128xf32, #tpu.memory_space<vmem>>, vector<16xf32>,
          %swap3A_227 = arith.index_cast %scan3A_192 : i32 to index
          %swap3A_228 = arith.constant 16 : index
          %swap3A_229 = tpu.vector_load %run_scoped3A_4[%swap3A_227, %swap3A_228] {strides = array<i32>} : memref<128x128xf32, #tpu.memory_space<vmem>>, vector<16xf32>,
          tpu.vector_store %run_scoped3A_4[%swap3A_227, %swap3A_228], %gather3A_200 {strides = array<i32>} : memref<128x128xf32, #tpu.memory_space<vmem>>, vector<16xf32>,
          %swap3A_230 = arith.index_cast %scan3A_192 : i32 to index
          %swap3A_231 = arith.constant 32 : index
          %swap3A_232 = tpu.vector_load %run_scoped3A_4[%swap3A_230, %swap3A_231] {strides = array<i32>} : memref<128x128xf32, #tpu.memory_space<vmem>>, vector<16xf32>,
          tpu.vector_store %run_scoped3A_4[%swap3A_230, %swap3A_231], %gather3A_204 {strides = array<i32>} : memref<128x128xf32, #tpu.memory_space<vmem>>, vector<16xf32>,
          %swap3A_233 = arith.index_cast %scan3A_192 : i32 to index
          %swap3A_234 = arith.constant 48 : index
          %swap3A_235 = tpu.vector_load %run_scoped3A_4[%swap3A_233, %swap3A_234] {strides = array<i32>} : memref<128x128xf32, #tpu.memory_space<vmem>>, vector<16xf32>,
          tpu.vector_store %run_scoped3A_4[%swap3A_233, %swap3A_234], %gather3A_208 {strides = array<i32>} : memref<128x128xf32, #tpu.memory_space<vmem>>, vector<16xf32>,
          %swap3A_236 = arith.index_cast %scan3A_192 : i32 to index
          %swap3A_237 = arith.constant 64 : index
          %swap3A_238 = tpu.vector_load %run_scoped3A_4[%swap3A_236, %swap3A_237] {strides = array<i32>} : memref<128x128xf32, #tpu.memory_space<vmem>>, vector<16xf32>,
          tpu.vector_store %run_scoped3A_4[%swap3A_236, %swap3A_237], %gather3A_212 {strides = array<i32>} : memref<128x128xf32, #tpu.memory_space<vmem>>, vector<16xf32>,
          %swap3A_239 = arith.index_cast %scan3A_192 : i32 to index
          %swap3A_240 = arith.constant 80 : index
          %swap3A_241 = tpu.vector_load %run_scoped3A_4[%swap3A_239, %swap3A_240] {strides = array<i32>} : memref<128x128xf32, #tpu.memory_space<vmem>>, vector<16xf32>,
          tpu.vector_store %run_scoped3A_4[%swap3A_239, %swap3A_240], %gather3A_216 {strides = array<i32>} : memref<128x128xf32, #tpu.memory_space<vmem>>, vector<16xf32>,
          %swap3A_242 = arith.index_cast %scan3A_192 : i32 to index
          %swap3A_243 = arith.constant 96 : index
          %swap3A_244 = tpu.vector_load %run_scoped3A_4[%swap3A_242, %swap3A_243] {strides = array<i32>} : memref<128x128xf32, #tpu.memory_space<vmem>>, vector<16xf32>,
          tpu.vector_store %run_scoped3A_4[%swap3A_242, %swap3A_243], %gather3A_220 {strides = array<i32>} : memref<128x128xf32, #tpu.memory_space<vmem>>, vector<16xf32>,
          %swap3A_245 = arith.index_cast %scan3A_192 : i32 to index
          %swap3A_246 = arith.constant 112 : index
          %swap3A_247 = tpu.vector_load %run_scoped3A_4[%swap3A_245, %swap3A_246] {strides = array<i32>} : memref<128x128xf32, #tpu.memory_space<vmem>>, vector<16xf32>,
          tpu.vector_store %run_scoped3A_4[%swap3A_245, %swap3A_246], %gather3A_224 {strides = array<i32>} : memref<128x128xf32, #tpu.memory_space<vmem>>, vector<16xf32>,
          %scan3A_248 = arith.constant 1 : i32
          %scan3A_249 = arith.addi %scan3A_192, %scan3A_248 : i32
          %mul3A_250 = arith.constant 8 : i32
          %mul3A_251 = arith.muli %scan3A_249, %mul3A_250 : i32
          %add3A_252 = arith.constant 0 : i32
          %add3A_253 = arith.addi %mul3A_251, %add3A_252 : i32
          %broadcast_in_dim3A_254 = vector.broadcast %add3A_253 : i32 to vector<16xi32>
          %gather3A_255 = tpu.vector_load_idx %run_scoped3A[%iota3A, %broadcast_in_dim3A_254] : memref<16x1024xf32, #tpu.memory_space<vmem>>[vector<16xi32>, vector<16xi32>], vector<16xf32>,
          %add3A_256 = arith.constant 1 : i32
          %add3A_257 = arith.addi %mul3A_251, %add3A_256 : i32
          %broadcast_in_dim3A_258 = vector.broadcast %add3A_257 : i32 to vector<16xi32>
          %gather3A_259 = tpu.vector_load_idx %run_scoped3A[%iota3A, %broadcast_in_dim3A_258] : memref<16x1024xf32, #tpu.memory_space<vmem>>[vector<16xi32>, vector<16xi32>], vector<16xf32>,
          %add3A_260 = arith.constant 2 : i32
          %add3A_261 = arith.addi %mul3A_251, %add3A_260 : i32
          %broadcast_in_dim3A_262 = vector.broadcast %add3A_261 : i32 to vector<16xi32>
          %gather3A_263 = tpu.vector_load_idx %run_scoped3A[%iota3A, %broadcast_in_dim3A_262] : memref<16x1024xf32, #tpu.memory_space<vmem>>[vector<16xi32>, vector<16xi32>], vector<16xf32>,
          %add3A_264 = arith.constant 3 : i32
          %add3A_265 = arith.addi %mul3A_251, %add3A_264 : i32
          %broadcast_in_dim3A_266 = vector.broadcast %add3A_265 : i32 to vector<16xi32>
          %gather3A_267 = tpu.vector_load_idx %run_scoped3A[%iota3A, %broadcast_in_dim3A_266] : memref<16x1024xf32, #tpu.memory_space<vmem>>[vector<16xi32>, vector<16xi32>], vector<16xf32>,
          %add3A_268 = arith.constant 4 : i32
          %add3A_269 = arith.addi %mul3A_251, %add3A_268 : i32
          %broadcast_in_dim3A_270 = vector.broadcast %add3A_269 : i32 to vector<16xi32>
          %gather3A_271 = tpu.vector_load_idx %run_scoped3A[%iota3A, %broadcast_in_dim3A_270] : memref<16x1024xf32, #tpu.memory_space<vmem>>[vector<16xi32>, vector<16xi32>], vector<16xf32>,
          %add3A_272 = arith.constant 5 : i32
          %add3A_273 = arith.addi %mul3A_251, %add3A_272 : i32
          %broadcast_in_dim3A_274 = vector.broadcast %add3A_273 : i32 to vector<16xi32>
          %gather3A_275 = tpu.vector_load_idx %run_scoped3A[%iota3A, %broadcast_in_dim3A_274] : memref<16x1024xf32, #tpu.memory_space<vmem>>[vector<16xi32>, vector<16xi32>], vector<16xf32>,
          %add3A_276 = arith.constant 6 : i32
          %add3A_277 = arith.addi %mul3A_251, %add3A_276 : i32
          %broadcast_in_dim3A_278 = vector.broadcast %add3A_277 : i32 to vector<16xi32>
          %gather3A_279 = tpu.vector_load_idx %run_scoped3A[%iota3A, %broadcast_in_dim3A_278] : memref<16x1024xf32, #tpu.memory_space<vmem>>[vector<16xi32>, vector<16xi32>], vector<16xf32>,
          %add3A_280 = arith.constant 7 : i32
          %add3A_281 = arith.addi %mul3A_251, %add3A_280 : i32
          %broadcast_in_dim3A_282 = vector.broadcast %add3A_281 : i32 to vector<16xi32>
          %gather3A_283 = tpu.vector_load_idx %run_scoped3A[%iota3A, %broadcast_in_dim3A_282] : memref<16x1024xf32, #tpu.memory_space<vmem>>[vector<16xi32>, vector<16xi32>], vector<16xf32>,
          %swap3A_284 = arith.index_cast %scan3A_249 : i32 to index
          %swap3A_285 = arith.constant 0 : index
          %swap3A_286 = tpu.vector_load %run_scoped3A_4[%swap3A_284, %swap3A_285] {strides = array<i32>} : memref<128x128xf32, #tpu.memory_space<vmem>>, vector<16xf32>,
          tpu.vector_store %run_scoped3A_4[%swap3A_284, %swap3A_285], %gather3A_255 {strides = array<i32>} : memref<128x128xf32, #tpu.memory_space<vmem>>, vector<16xf32>,
          %swap3A_287 = arith.index_cast %scan3A_249 : i32 to index
          %swap3A_288 = arith.constant 16 : index
          %swap3A_289 = tpu.vector_load %run_scoped3A_4[%swap3A_287, %swap3A_288] {strides = array<i32>} : memref<128x128xf32, #tpu.memory_space<vmem>>, vector<16xf32>,
          tpu.vector_store %run_scoped3A_4[%swap3A_287, %swap3A_288], %gather3A_259 {strides = array<i32>} : memref<128x128xf32, #tpu.memory_space<vmem>>, vector<16xf32>,
          %swap3A_290 = arith.index_cast %scan3A_249 : i32 to index
          %swap3A_291 = arith.constant 32 : index
          %swap3A_292 = tpu.vector_load %run_scoped3A_4[%swap3A_290, %swap3A_291] {strides = array<i32>} : memref<128x128xf32, #tpu.memory_space<vmem>>, vector<16xf32>,
          tpu.vector_store %run_scoped3A_4[%swap3A_290, %swap3A_291], %gather3A_263 {strides = array<i32>} : memref<128x128xf32, #tpu.memory_space<vmem>>, vector<16xf32>,
          %swap3A_293 = arith.index_cast %scan3A_249 : i32 to index
          %swap3A_294 = arith.constant 48 : index
          %swap3A_295 = tpu.vector_load %run_scoped3A_4[%swap3A_293, %swap3A_294] {strides = array<i32>} : memref<128x128xf32, #tpu.memory_space<vmem>>, vector<16xf32>,
          tpu.vector_store %run_scoped3A_4[%swap3A_293, %swap3A_294], %gather3A_267 {strides = array<i32>} : memref<128x128xf32, #tpu.memory_space<vmem>>, vector<16xf32>,
          %swap3A_296 = arith.index_cast %scan3A_249 : i32 to index
          %swap3A_297 = arith.constant 64 : index
          %swap3A_298 = tpu.vector_load %run_scoped3A_4[%swap3A_296, %swap3A_297] {strides = array<i32>} : memref<128x128xf32, #tpu.memory_space<vmem>>, vector<16xf32>,
          tpu.vector_store %run_scoped3A_4[%swap3A_296, %swap3A_297], %gather3A_271 {strides = array<i32>} : memref<128x128xf32, #tpu.memory_space<vmem>>, vector<16xf32>,
          %swap3A_299 = arith.index_cast %scan3A_249 : i32 to index
          %swap3A_300 = arith.constant 80 : index
          %swap3A_301 = tpu.vector_load %run_scoped3A_4[%swap3A_299, %swap3A_300] {strides = array<i32>} : memref<128x128xf32, #tpu.memory_space<vmem>>, vector<16xf32>,
          tpu.vector_store %run_scoped3A_4[%swap3A_299, %swap3A_300], %gather3A_275 {strides = array<i32>} : memref<128x128xf32, #tpu.memory_space<vmem>>, vector<16xf32>,
          %swap3A_302 = arith.index_cast %scan3A_249 : i32 to index
          %swap3A_303 = arith.constant 96 : index
          %swap3A_304 = tpu.vector_load %run_scoped3A_4[%swap3A_302, %swap3A_303] {strides = array<i32>} : memref<128x128xf32, #tpu.memory_space<vmem>>, vector<16xf32>,
          tpu.vector_store %run_scoped3A_4[%swap3A_302, %swap3A_303], %gather3A_279 {strides = array<i32>} : memref<128x128xf32, #tpu.memory_space<vmem>>, vector<16xf32>,
          %swap3A_305 = arith.index_cast %scan3A_249 : i32 to index
          %swap3A_306 = arith.constant 112 : index
          %swap3A_307 = tpu.vector_load %run_scoped3A_4[%swap3A_305, %swap3A_306] {strides = array<i32>} : memref<128x128xf32, #tpu.memory_space<vmem>>, vector<16xf32>,
          tpu.vector_store %run_scoped3A_4[%swap3A_305, %swap3A_306], %gather3A_283 {strides = array<i32>} : memref<128x128xf32, #tpu.memory_space<vmem>>, vector<16xf32>,
        }
        %scan3A_81 = arith.constant 112 : i32
        %multiple_of3A_82 = tpu.assume_multiple %add3A_75, 8 : i32
        %dma_start3A_83 = arith.constant 0 : i32
        %dma_start3A_84 = arith.constant 0 : i32
        %dma_start3A_85 = tpu.memref_slice %run_scoped3A_4[%dma_start3A_83, %dma_start3A_84] : memref<128x128xf32, #tpu.memory_space<vmem>> -> memref<112x128xf32, #tpu.memory_space<vmem>>
        %dma_start3A_86 = arith.constant 0 : i32
        %dma_start3A_87 = tpu.memref_slice %arg6[%multiple_of3A_82, %dma_start3A_86] : memref<325312x128xf32, #tpu.memory_space<hbm>> -> memref<112x128xf32, #tpu.memory_space<hbm>>
        %dma_start3A_88 = arith.constant 0 : i32
        %dma_start3A_89 = tpu.memref_slice %arg6[%multiple_of3A_82, %dma_start3A_88] : memref<325312x128xf32, #tpu.memory_space<hbm>> -> memref<112x128xf32, #tpu.memory_space<hbm>>
        %dma_start3A_90 = arith.constant 0 : i32
        %dma_start3A_91 = arith.constant 0 : i32
        %dma_start3A_92 = tpu.memref_slice %run_scoped3A_4[%dma_start3A_90, %dma_start3A_91] : memref<128x128xf32, #tpu.memory_space<vmem>> -> memref<112x128xf32, #tpu.memory_space<vmem>>
        tpu.enqueue_dma source(%dma_start3A_92 : memref<112x128xf32, #tpu.memory_space<vmem>>) target(%dma_start3A_89 : memref<112x128xf32, #tpu.memory_space<hbm>>) target_semaphore(%arg9 : memref<!tpu.dma_semaphore, #tpu.memory_space<semaphore_mem>>)
        %dma_wait3A_93 = arith.constant 0 : i32
        %dma_wait3A_94 = arith.constant 0 : i32
        %dma_wait3A_95 = tpu.memref_slice %run_scoped3A_4[%dma_wait3A_93, %dma_wait3A_94] : memref<128x128xf32, #tpu.memory_space<vmem>> -> memref<112x128xf32, #tpu.memory_space<vmem>>
        %dma_wait3A_96 = arith.constant 0 : i32
        %dma_wait3A_97 = tpu.memref_slice %arg6[%multiple_of3A_82, %dma_wait3A_96] : memref<325312x128xf32, #tpu.memory_space<hbm>> -> memref<112x128xf32, #tpu.memory_space<hbm>>
        %dma_wait3A_98 = arith.constant 0 : i32
        %dma_wait3A_99 = tpu.memref_slice %arg6[%multiple_of3A_82, %dma_wait3A_98] : memref<325312x128xf32, #tpu.memory_space<hbm>> -> memref<112x128xf32, #tpu.memory_space<hbm>>
        %dma_wait3A_100 = arith.constant 0 : i32
        %dma_wait3A_101 = arith.constant 0 : i32
        %dma_wait3A_102 = tpu.memref_slice %run_scoped3A_4[%dma_wait3A_100, %dma_wait3A_101] : memref<128x128xf32, #tpu.memory_space<vmem>> -> memref<112x128xf32, #tpu.memory_space<vmem>>
        tpu.wait_dma2 semaphore(%arg9 : memref<!tpu.dma_semaphore, #tpu.memory_space<semaphore_mem>>) src(%dma_wait3A_102 : memref<112x128xf32, #tpu.memory_space<vmem>>) dst(%dma_wait3A_99 : memref<112x128xf32, #tpu.memory_space<hbm>>)
        %dma_start3A_103 = arith.constant 0 : i32
        %dma_start3A_104 = arith.constant 0 : i32
        %dma_start3A_105 = tpu.memref_slice %run_scoped3A[%dma_start3A_103, %dma_start3A_104] : memref<16x1024xf32, #tpu.memory_space<vmem>> -> memref<8x896xf32, #tpu.memory_space<vmem>>
        %dma_start3A_106 = arith.constant 0 : i32
        %dma_start3A_107 = arith.constant 896 : i32
        %dma_start3A_108 = tpu.memref_slice %arg3[%add3A_15, %dma_start3A_106, %dma_start3A_107] : memref<26x16x1792xf32, #tpu.memory_space<hbm>> -> memref<1x8x896xf32, #tpu.memory_space<hbm>>
        %dma_start3A_109 = tpu.memref_squeeze %dma_start3A_108 : memref<1x8x896xf32, #tpu.memory_space<hbm>> -> memref<8x896xf32, #tpu.memory_space<hbm>>
        %dma_start3A_110 = arith.constant 0 : i32
        %dma_start3A_111 = arith.constant 0 : i32
        %dma_start3A_112 = tpu.memref_slice %run_scoped3A[%dma_start3A_110, %dma_start3A_111] : memref<16x1024xf32, #tpu.memory_space<vmem>> -> memref<8x896xf32, #tpu.memory_space<vmem>>
        %dma_start3A_113 = arith.constant 0 : i32
        %dma_start3A_114 = arith.constant 896 : i32
        %dma_start3A_115 = tpu.memref_slice %arg3[%add3A_15, %dma_start3A_113, %dma_start3A_114] : memref<26x16x1792xf32, #tpu.memory_space<hbm>> -> memref<1x8x896xf32, #tpu.memory_space<hbm>>
        %dma_start3A_116 = tpu.memref_squeeze %dma_start3A_115 : memref<1x8x896xf32, #tpu.memory_space<hbm>> -> memref<8x896xf32, #tpu.memory_space<hbm>>
        tpu.enqueue_dma source(%dma_start3A_116 : memref<8x896xf32, #tpu.memory_space<hbm>>) target(%dma_start3A_112 : memref<8x896xf32, #tpu.memory_space<vmem>>) target_semaphore(%arg7 : memref<!tpu.dma_semaphore, #tpu.memory_space<semaphore_mem>>)
        %dma_start3A_117 = arith.constant 8 : i32
        %dma_start3A_118 = arith.constant 0 : i32
        %dma_start3A_119 = tpu.memref_slice %run_scoped3A[%dma_start3A_117, %dma_start3A_118] : memref<16x1024xf32, #tpu.memory_space<vmem>> -> memref<8x896xf32, #tpu.memory_space<vmem>>
        %dma_start3A_120 = arith.constant 8 : i32
        %dma_start3A_121 = arith.constant 896 : i32
        %dma_start3A_122 = tpu.memref_slice %arg3[%add3A_15, %dma_start3A_120, %dma_start3A_121] : memref<26x16x1792xf32, #tpu.memory_space<hbm>> -> memref<1x8x896xf32, #tpu.memory_space<hbm>>
        %dma_start3A_123 = tpu.memref_squeeze %dma_start3A_122 : memref<1x8x896xf32, #tpu.memory_space<hbm>> -> memref<8x896xf32, #tpu.memory_space<hbm>>
        %dma_start3A_124 = arith.constant 8 : i32
        %dma_start3A_125 = arith.constant 0 : i32
        %dma_start3A_126 = tpu.memref_slice %run_scoped3A[%dma_start3A_124, %dma_start3A_125] : memref<16x1024xf32, #tpu.memory_space<vmem>> -> memref<8x896xf32, #tpu.memory_space<vmem>>
        %dma_start3A_127 = arith.constant 8 : i32
        %dma_start3A_128 = arith.constant 896 : i32
        %dma_start3A_129 = tpu.memref_slice %arg3[%add3A_15, %dma_start3A_127, %dma_start3A_128] : memref<26x16x1792xf32, #tpu.memory_space<hbm>> -> memref<1x8x896xf32, #tpu.memory_space<hbm>>
        %dma_start3A_130 = tpu.memref_squeeze %dma_start3A_129 : memref<1x8x896xf32, #tpu.memory_space<hbm>> -> memref<8x896xf32, #tpu.memory_space<hbm>>
        tpu.enqueue_dma source(%dma_start3A_130 : memref<8x896xf32, #tpu.memory_space<hbm>>) target(%dma_start3A_126 : memref<8x896xf32, #tpu.memory_space<vmem>>) target_semaphore(%arg7 : memref<!tpu.dma_semaphore, #tpu.memory_space<semaphore_mem>>)
        %dma_wait3A_131 = arith.constant 0 : i32
        %dma_wait3A_132 = arith.constant 0 : i32
        %dma_wait3A_133 = tpu.memref_slice %run_scoped3A[%dma_wait3A_131, %dma_wait3A_132] : memref<16x1024xf32, #tpu.memory_space<vmem>> -> memref<8x896xf32, #tpu.memory_space<vmem>>
        %dma_wait3A_134 = arith.constant 0 : i32
        %dma_wait3A_135 = arith.constant 896 : i32
        %dma_wait3A_136 = tpu.memref_slice %arg3[%add3A_15, %dma_wait3A_134, %dma_wait3A_135] : memref<26x16x1792xf32, #tpu.memory_space<hbm>> -> memref<1x8x896xf32, #tpu.memory_space<hbm>>
        %dma_wait3A_137 = tpu.memref_squeeze %dma_wait3A_136 : memref<1x8x896xf32, #tpu.memory_space<hbm>> -> memref<8x896xf32, #tpu.memory_space<hbm>>
        %dma_wait3A_138 = arith.constant 0 : i32
        %dma_wait3A_139 = arith.constant 0 : i32
        %dma_wait3A_140 = tpu.memref_slice %run_scoped3A[%dma_wait3A_138, %dma_wait3A_139] : memref<16x1024xf32, #tpu.memory_space<vmem>> -> memref<8x896xf32, #tpu.memory_space<vmem>>
        %dma_wait3A_141 = arith.constant 0 : i32
        %dma_wait3A_142 = arith.constant 896 : i32
        %dma_wait3A_143 = tpu.memref_slice %arg3[%add3A_15, %dma_wait3A_141, %dma_wait3A_142] : memref<26x16x1792xf32, #tpu.memory_space<hbm>> -> memref<1x8x896xf32, #tpu.memory_space<hbm>>
        %dma_wait3A_144 = tpu.memref_squeeze %dma_wait3A_143 : memref<1x8x896xf32, #tpu.memory_space<hbm>> -> memref<8x896xf32, #tpu.memory_space<hbm>>
        tpu.wait_dma2 semaphore(%arg7 : memref<!tpu.dma_semaphore, #tpu.memory_space<semaphore_mem>>) src(%dma_wait3A_144 : memref<8x896xf32, #tpu.memory_space<hbm>>) dst(%dma_wait3A_140 : memref<8x896xf32, #tpu.memory_space<vmem>>)
        %dma_wait3A_145 = arith.constant 8 : i32
        %dma_wait3A_146 = arith.constant 0 : i32
        %dma_wait3A_147 = tpu.memref_slice %run_scoped3A[%dma_wait3A_145, %dma_wait3A_146] : memref<16x1024xf32, #tpu.memory_space<vmem>> -> memref<8x896xf32, #tpu.memory_space<vmem>>
        %dma_wait3A_148 = arith.constant 8 : i32
        %dma_wait3A_149 = arith.constant 896 : i32
        %dma_wait3A_150 = tpu.memref_slice %arg3[%add3A_15, %dma_wait3A_148, %dma_wait3A_149] : memref<26x16x1792xf32, #tpu.memory_space<hbm>> -> memref<1x8x896xf32, #tpu.memory_space<hbm>>
        %dma_wait3A_151 = tpu.memref_squeeze %dma_wait3A_150 : memref<1x8x896xf32, #tpu.memory_space<hbm>> -> memref<8x896xf32, #tpu.memory_space<hbm>>
        %dma_wait3A_152 = arith.constant 8 : i32
        %dma_wait3A_153 = arith.constant 0 : i32
        %dma_wait3A_154 = tpu.memref_slice %run_scoped3A[%dma_wait3A_152, %dma_wait3A_153] : memref<16x1024xf32, #tpu.memory_space<vmem>> -> memref<8x896xf32, #tpu.memory_space<vmem>>
        %dma_wait3A_155 = arith.constant 8 : i32
        %dma_wait3A_156 = arith.constant 896 : i32
        %dma_wait3A_157 = tpu.memref_slice %arg3[%add3A_15, %dma_wait3A_155, %dma_wait3A_156] : memref<26x16x1792xf32, #tpu.memory_space<hbm>> -> memref<1x8x896xf32, #tpu.memory_space<hbm>>
        %dma_wait3A_158 = tpu.memref_squeeze %dma_wait3A_157 : memref<1x8x896xf32, #tpu.memory_space<hbm>> -> memref<8x896xf32, #tpu.memory_space<hbm>>
        tpu.wait_dma2 semaphore(%arg7 : memref<!tpu.dma_semaphore, #tpu.memory_space<semaphore_mem>>) src(%dma_wait3A_158 : memref<8x896xf32, #tpu.memory_space<hbm>>) dst(%dma_wait3A_154 : memref<8x896xf32, #tpu.memory_space<vmem>>)
        %mul3A_159 = arith.constant 12512 : i32
        %mul3A_160 = arith.muli %add3A_15, %mul3A_159 : i32
        %add3A_161 = arith.constant 12288 : i32
        %add3A_162 = arith.addi %mul3A_160, %add3A_161 : i32
        %add3A_163 = arith.constant 112 : i32
        %add3A_164 = arith.addi %add3A_162, %add3A_163 : i32
        %scan3A_165 = arith.constant 0 : i32
        %scan3A_166 = arith.constant 0 : i32
        %scan3A_167 = arith.constant 112 : i32
        %scan3A_168 = arith.addi %scan3A_166, %scan3A_167 : i32
        %scan3A_169 = arith.constant 2 : i32
        scf.for %scan3A_192 = %scan3A_166 to %scan3A_168 step %scan3A_169  : i32 {
          %mul3A_193 = arith.constant 8 : i32
          %mul3A_194 = arith.muli %scan3A_192, %mul3A_193 : i32
          %add3A_195 = arith.constant 0 : i32
          %add3A_196 = arith.addi %mul3A_194, %add3A_195 : i32
          %broadcast_in_dim3A = vector.broadcast %add3A_196 : i32 to vector<16xi32>
          %gather3A = tpu.vector_load_idx %run_scoped3A[%iota3A, %broadcast_in_dim3A] : memref<16x1024xf32, #tpu.memory_space<vmem>>[vector<16xi32>, vector<16xi32>], vector<16xf32>,
          %add3A_197 = arith.constant 1 : i32
          %add3A_198 = arith.addi %mul3A_194, %add3A_197 : i32
          %broadcast_in_dim3A_199 = vector.broadcast %add3A_198 : i32 to vector<16xi32>
          %gather3A_200 = tpu.vector_load_idx %run_scoped3A[%iota3A, %broadcast_in_dim3A_199] : memref<16x1024xf32, #tpu.memory_space<vmem>>[vector<16xi32>, vector<16xi32>], vector<16xf32>,
          %add3A_201 = arith.constant 2 : i32
          %add3A_202 = arith.addi %mul3A_194, %add3A_201 : i32
          %broadcast_in_dim3A_203 = vector.broadcast %add3A_202 : i32 to vector<16xi32>
          %gather3A_204 = tpu.vector_load_idx %run_scoped3A[%iota3A, %broadcast_in_dim3A_203] : memref<16x1024xf32, #tpu.memory_space<vmem>>[vector<16xi32>, vector<16xi32>], vector<16xf32>,
          %add3A_205 = arith.constant 3 : i32
          %add3A_206 = arith.addi %mul3A_194, %add3A_205 : i32
          %broadcast_in_dim3A_207 = vector.broadcast %add3A_206 : i32 to vector<16xi32>
          %gather3A_208 = tpu.vector_load_idx %run_scoped3A[%iota3A, %broadcast_in_dim3A_207] : memref<16x1024xf32, #tpu.memory_space<vmem>>[vector<16xi32>, vector<16xi32>], vector<16xf32>,
          %add3A_209 = arith.constant 4 : i32
          %add3A_210 = arith.addi %mul3A_194, %add3A_209 : i32
          %broadcast_in_dim3A_211 = vector.broadcast %add3A_210 : i32 to vector<16xi32>
          %gather3A_212 = tpu.vector_load_idx %run_scoped3A[%iota3A, %broadcast_in_dim3A_211] : memref<16x1024xf32, #tpu.memory_space<vmem>>[vector<16xi32>, vector<16xi32>], vector<16xf32>,
          %add3A_213 = arith.constant 5 : i32
          %add3A_214 = arith.addi %mul3A_194, %add3A_213 : i32
          %broadcast_in_dim3A_215 = vector.broadcast %add3A_214 : i32 to vector<16xi32>
          %gather3A_216 = tpu.vector_load_idx %run_scoped3A[%iota3A, %broadcast_in_dim3A_215] : memref<16x1024xf32, #tpu.memory_space<vmem>>[vector<16xi32>, vector<16xi32>], vector<16xf32>,
          %add3A_217 = arith.constant 6 : i32
          %add3A_218 = arith.addi %mul3A_194, %add3A_217 : i32
          %broadcast_in_dim3A_219 = vector.broadcast %add3A_218 : i32 to vector<16xi32>
          %gather3A_220 = tpu.vector_load_idx %run_scoped3A[%iota3A, %broadcast_in_dim3A_219] : memref<16x1024xf32, #tpu.memory_space<vmem>>[vector<16xi32>, vector<16xi32>], vector<16xf32>,
          %add3A_221 = arith.constant 7 : i32
          %add3A_222 = arith.addi %mul3A_194, %add3A_221 : i32
          %broadcast_in_dim3A_223 = vector.broadcast %add3A_222 : i32 to vector<16xi32>
          %gather3A_224 = tpu.vector_load_idx %run_scoped3A[%iota3A, %broadcast_in_dim3A_223] : memref<16x1024xf32, #tpu.memory_space<vmem>>[vector<16xi32>, vector<16xi32>], vector<16xf32>,
          %swap3A = arith.index_cast %scan3A_192 : i32 to index
          %swap3A_225 = arith.constant 0 : index
          %swap3A_226 = tpu.vector_load %run_scoped3A_4[%swap3A, %swap3A_225] {strides = array<i32>} : memref<128x128xf32, #tpu.memory_space<vmem>>, vector<16xf32>,
          tpu.vector_store %run_scoped3A_4[%swap3A, %swap3A_225], %gather3A {strides = array<i32>} : memref<128x128xf32, #tpu.memory_space<vmem>>, vector<16xf32>,
          %swap3A_227 = arith.index_cast %scan3A_192 : i32 to index
          %swap3A_228 = arith.constant 16 : index
          %swap3A_229 = tpu.vector_load %run_scoped3A_4[%swap3A_227, %swap3A_228] {strides = array<i32>} : memref<128x128xf32, #tpu.memory_space<vmem>>, vector<16xf32>,
          tpu.vector_store %run_scoped3A_4[%swap3A_227, %swap3A_228], %gather3A_200 {strides = array<i32>} : memref<128x128xf32, #tpu.memory_space<vmem>>, vector<16xf32>,
          %swap3A_230 = arith.index_cast %scan3A_192 : i32 to index
          %swap3A_231 = arith.constant 32 : index
          %swap3A_232 = tpu.vector_load %run_scoped3A_4[%swap3A_230, %swap3A_231] {strides = array<i32>} : memref<128x128xf32, #tpu.memory_space<vmem>>, vector<16xf32>,
          tpu.vector_store %run_scoped3A_4[%swap3A_230, %swap3A_231], %gather3A_204 {strides = array<i32>} : memref<128x128xf32, #tpu.memory_space<vmem>>, vector<16xf32>,
          %swap3A_233 = arith.index_cast %scan3A_192 : i32 to index
          %swap3A_234 = arith.constant 48 : index
          %swap3A_235 = tpu.vector_load %run_scoped3A_4[%swap3A_233, %swap3A_234] {strides = array<i32>} : memref<128x128xf32, #tpu.memory_space<vmem>>, vector<16xf32>,
          tpu.vector_store %run_scoped3A_4[%swap3A_233, %swap3A_234], %gather3A_208 {strides = array<i32>} : memref<128x128xf32, #tpu.memory_space<vmem>>, vector<16xf32>,
          %swap3A_236 = arith.index_cast %scan3A_192 : i32 to index
          %swap3A_237 = arith.constant 64 : index
          %swap3A_238 = tpu.vector_load %run_scoped3A_4[%swap3A_236, %swap3A_237] {strides = array<i32>} : memref<128x128xf32, #tpu.memory_space<vmem>>, vector<16xf32>,
          tpu.vector_store %run_scoped3A_4[%swap3A_236, %swap3A_237], %gather3A_212 {strides = array<i32>} : memref<128x128xf32, #tpu.memory_space<vmem>>, vector<16xf32>,
          %swap3A_239 = arith.index_cast %scan3A_192 : i32 to index
          %swap3A_240 = arith.constant 80 : index
          %swap3A_241 = tpu.vector_load %run_scoped3A_4[%swap3A_239, %swap3A_240] {strides = array<i32>} : memref<128x128xf32, #tpu.memory_space<vmem>>, vector<16xf32>,
          tpu.vector_store %run_scoped3A_4[%swap3A_239, %swap3A_240], %gather3A_216 {strides = array<i32>} : memref<128x128xf32, #tpu.memory_space<vmem>>, vector<16xf32>,
          %swap3A_242 = arith.index_cast %scan3A_192 : i32 to index
          %swap3A_243 = arith.constant 96 : index
          %swap3A_244 = tpu.vector_load %run_scoped3A_4[%swap3A_242, %swap3A_243] {strides = array<i32>} : memref<128x128xf32, #tpu.memory_space<vmem>>, vector<16xf32>,
          tpu.vector_store %run_scoped3A_4[%swap3A_242, %swap3A_243], %gather3A_220 {strides = array<i32>} : memref<128x128xf32, #tpu.memory_space<vmem>>, vector<16xf32>,
          %swap3A_245 = arith.index_cast %scan3A_192 : i32 to index
          %swap3A_246 = arith.constant 112 : index
          %swap3A_247 = tpu.vector_load %run_scoped3A_4[%swap3A_245, %swap3A_246] {strides = array<i32>} : memref<128x128xf32, #tpu.memory_space<vmem>>, vector<16xf32>,
          tpu.vector_store %run_scoped3A_4[%swap3A_245, %swap3A_246], %gather3A_224 {strides = array<i32>} : memref<128x128xf32, #tpu.memory_space<vmem>>, vector<16xf32>,
          %scan3A_248 = arith.constant 1 : i32
          %scan3A_249 = arith.addi %scan3A_192, %scan3A_248 : i32
          %mul3A_250 = arith.constant 8 : i32
          %mul3A_251 = arith.muli %scan3A_249, %mul3A_250 : i32
          %add3A_252 = arith.constant 0 : i32
          %add3A_253 = arith.addi %mul3A_251, %add3A_252 : i32
          %broadcast_in_dim3A_254 = vector.broadcast %add3A_253 : i32 to vector<16xi32>
          %gather3A_255 = tpu.vector_load_idx %run_scoped3A[%iota3A, %broadcast_in_dim3A_254] : memref<16x1024xf32, #tpu.memory_space<vmem>>[vector<16xi32>, vector<16xi32>], vector<16xf32>,
          %add3A_256 = arith.constant 1 : i32
          %add3A_257 = arith.addi %mul3A_251, %add3A_256 : i32
          %broadcast_in_dim3A_258 = vector.broadcast %add3A_257 : i32 to vector<16xi32>
          %gather3A_259 = tpu.vector_load_idx %run_scoped3A[%iota3A, %broadcast_in_dim3A_258] : memref<16x1024xf32, #tpu.memory_space<vmem>>[vector<16xi32>, vector<16xi32>], vector<16xf32>,
          %add3A_260 = arith.constant 2 : i32
          %add3A_261 = arith.addi %mul3A_251, %add3A_260 : i32
          %broadcast_in_dim3A_262 = vector.broadcast %add3A_261 : i32 to vector<16xi32>
          %gather3A_263 = tpu.vector_load_idx %run_scoped3A[%iota3A, %broadcast_in_dim3A_262] : memref<16x1024xf32, #tpu.memory_space<vmem>>[vector<16xi32>, vector<16xi32>], vector<16xf32>,
          %add3A_264 = arith.constant 3 : i32
          %add3A_265 = arith.addi %mul3A_251, %add3A_264 : i32
          %broadcast_in_dim3A_266 = vector.broadcast %add3A_265 : i32 to vector<16xi32>
          %gather3A_267 = tpu.vector_load_idx %run_scoped3A[%iota3A, %broadcast_in_dim3A_266] : memref<16x1024xf32, #tpu.memory_space<vmem>>[vector<16xi32>, vector<16xi32>], vector<16xf32>,
          %add3A_268 = arith.constant 4 : i32
          %add3A_269 = arith.addi %mul3A_251, %add3A_268 : i32
          %broadcast_in_dim3A_270 = vector.broadcast %add3A_269 : i32 to vector<16xi32>
          %gather3A_271 = tpu.vector_load_idx %run_scoped3A[%iota3A, %broadcast_in_dim3A_270] : memref<16x1024xf32, #tpu.memory_space<vmem>>[vector<16xi32>, vector<16xi32>], vector<16xf32>,
          %add3A_272 = arith.constant 5 : i32
          %add3A_273 = arith.addi %mul3A_251, %add3A_272 : i32
          %broadcast_in_dim3A_274 = vector.broadcast %add3A_273 : i32 to vector<16xi32>
          %gather3A_275 = tpu.vector_load_idx %run_scoped3A[%iota3A, %broadcast_in_dim3A_274] : memref<16x1024xf32, #tpu.memory_space<vmem>>[vector<16xi32>, vector<16xi32>], vector<16xf32>,
          %add3A_276 = arith.constant 6 : i32
          %add3A_277 = arith.addi %mul3A_251, %add3A_276 : i32
          %broadcast_in_dim3A_278 = vector.broadcast %add3A_277 : i32 to vector<16xi32>
          %gather3A_279 = tpu.vector_load_idx %run_scoped3A[%iota3A, %broadcast_in_dim3A_278] : memref<16x1024xf32, #tpu.memory_space<vmem>>[vector<16xi32>, vector<16xi32>], vector<16xf32>,
          %add3A_280 = arith.constant 7 : i32
          %add3A_281 = arith.addi %mul3A_251, %add3A_280 : i32
          %broadcast_in_dim3A_282 = vector.broadcast %add3A_281 : i32 to vector<16xi32>
          %gather3A_283 = tpu.vector_load_idx %run_scoped3A[%iota3A, %broadcast_in_dim3A_282] : memref<16x1024xf32, #tpu.memory_space<vmem>>[vector<16xi32>, vector<16xi32>], vector<16xf32>,
          %swap3A_284 = arith.index_cast %scan3A_249 : i32 to index
          %swap3A_285 = arith.constant 0 : index
          %swap3A_286 = tpu.vector_load %run_scoped3A_4[%swap3A_284, %swap3A_285] {strides = array<i32>} : memref<128x128xf32, #tpu.memory_space<vmem>>, vector<16xf32>,
          tpu.vector_store %run_scoped3A_4[%swap3A_284, %swap3A_285], %gather3A_255 {strides = array<i32>} : memref<128x128xf32, #tpu.memory_space<vmem>>, vector<16xf32>,
          %swap3A_287 = arith.index_cast %scan3A_249 : i32 to index
          %swap3A_288 = arith.constant 16 : index
          %swap3A_289 = tpu.vector_load %run_scoped3A_4[%swap3A_287, %swap3A_288] {strides = array<i32>} : memref<128x128xf32, #tpu.memory_space<vmem>>, vector<16xf32>,
          tpu.vector_store %run_scoped3A_4[%swap3A_287, %swap3A_288], %gather3A_259 {strides = array<i32>} : memref<128x128xf32, #tpu.memory_space<vmem>>, vector<16xf32>,
          %swap3A_290 = arith.index_cast %scan3A_249 : i32 to index
          %swap3A_291 = arith.constant 32 : index
          %swap3A_292 = tpu.vector_load %run_scoped3A_4[%swap3A_290, %swap3A_291] {strides = array<i32>} : memref<128x128xf32, #tpu.memory_space<vmem>>, vector<16xf32>,
          tpu.vector_store %run_scoped3A_4[%swap3A_290, %swap3A_291], %gather3A_263 {strides = array<i32>} : memref<128x128xf32, #tpu.memory_space<vmem>>, vector<16xf32>,
          %swap3A_293 = arith.index_cast %scan3A_249 : i32 to index
          %swap3A_294 = arith.constant 48 : index
          %swap3A_295 = tpu.vector_load %run_scoped3A_4[%swap3A_293, %swap3A_294] {strides = array<i32>} : memref<128x128xf32, #tpu.memory_space<vmem>>, vector<16xf32>,
          tpu.vector_store %run_scoped3A_4[%swap3A_293, %swap3A_294], %gather3A_267 {strides = array<i32>} : memref<128x128xf32, #tpu.memory_space<vmem>>, vector<16xf32>,
          %swap3A_296 = arith.index_cast %scan3A_249 : i32 to index
          %swap3A_297 = arith.constant 64 : index
          %swap3A_298 = tpu.vector_load %run_scoped3A_4[%swap3A_296, %swap3A_297] {strides = array<i32>} : memref<128x128xf32, #tpu.memory_space<vmem>>, vector<16xf32>,
          tpu.vector_store %run_scoped3A_4[%swap3A_296, %swap3A_297], %gather3A_271 {strides = array<i32>} : memref<128x128xf32, #tpu.memory_space<vmem>>, vector<16xf32>,
          %swap3A_299 = arith.index_cast %scan3A_249 : i32 to index
          %swap3A_300 = arith.constant 80 : index
          %swap3A_301 = tpu.vector_load %run_scoped3A_4[%swap3A_299, %swap3A_300] {strides = array<i32>} : memref<128x128xf32, #tpu.memory_space<vmem>>, vector<16xf32>,
          tpu.vector_store %run_scoped3A_4[%swap3A_299, %swap3A_300], %gather3A_275 {strides = array<i32>} : memref<128x128xf32, #tpu.memory_space<vmem>>, vector<16xf32>,
          %swap3A_302 = arith.index_cast %scan3A_249 : i32 to index
          %swap3A_303 = arith.constant 96 : index
          %swap3A_304 = tpu.vector_load %run_scoped3A_4[%swap3A_302, %swap3A_303] {strides = array<i32>} : memref<128x128xf32, #tpu.memory_space<vmem>>, vector<16xf32>,
          tpu.vector_store %run_scoped3A_4[%swap3A_302, %swap3A_303], %gather3A_279 {strides = array<i32>} : memref<128x128xf32, #tpu.memory_space<vmem>>, vector<16xf32>,
          %swap3A_305 = arith.index_cast %scan3A_249 : i32 to index
          %swap3A_306 = arith.constant 112 : index
          %swap3A_307 = tpu.vector_load %run_scoped3A_4[%swap3A_305, %swap3A_306] {strides = array<i32>} : memref<128x128xf32, #tpu.memory_space<vmem>>, vector<16xf32>,
          tpu.vector_store %run_scoped3A_4[%swap3A_305, %swap3A_306], %gather3A_283 {strides = array<i32>} : memref<128x128xf32, #tpu.memory_space<vmem>>, vector<16xf32>,
        }
        %scan3A_170 = arith.constant 112 : i32
        %multiple_of3A_171 = tpu.assume_multiple %add3A_164, 8 : i32
        %dma_start3A_172 = arith.constant 0 : i32
        %dma_start3A_173 = arith.constant 0 : i32
        %dma_start3A_174 = tpu.memref_slice %run_scoped3A_4[%dma_start3A_172, %dma_start3A_173] : memref<128x128xf32, #tpu.memory_space<vmem>> -> memref<112x128xf32, #tpu.memory_space<vmem>>
        %dma_start3A_175 = arith.constant 0 : i32
        %dma_start3A_176 = tpu.memref_slice %arg6[%multiple_of3A_171, %dma_start3A_175] : memref<325312x128xf32, #tpu.memory_space<hbm>> -> memref<112x128xf32, #tpu.memory_space<hbm>>
        %dma_start3A_177 = arith.constant 0 : i32
        %dma_start3A_178 = tpu.memref_slice %arg6[%multiple_of3A_171, %dma_start3A_177] : memref<325312x128xf32, #tpu.memory_space<hbm>> -> memref<112x128xf32, #tpu.memory_space<hbm>>
        %dma_start3A_179 = arith.constant 0 : i32
        %dma_start3A_180 = arith.constant 0 : i32
        %dma_start3A_181 = tpu.memref_slice %run_scoped3A_4[%dma_start3A_179, %dma_start3A_180] : memref<128x128xf32, #tpu.memory_space<vmem>> -> memref<112x128xf32, #tpu.memory_space<vmem>>
        tpu.enqueue_dma source(%dma_start3A_181 : memref<112x128xf32, #tpu.memory_space<vmem>>) target(%dma_start3A_178 : memref<112x128xf32, #tpu.memory_space<hbm>>) target_semaphore(%arg9 : memref<!tpu.dma_semaphore, #tpu.memory_space<semaphore_mem>>)
        %dma_wait3A_182 = arith.constant 0 : i32
        %dma_wait3A_183 = arith.constant 0 : i32
        %dma_wait3A_184 = tpu.memref_slice %run_scoped3A_4[%dma_wait3A_182, %dma_wait3A_183] : memref<128x128xf32, #tpu.memory_space<vmem>> -> memref<112x128xf32, #tpu.memory_space<vmem>>
        %dma_wait3A_185 = arith.constant 0 : i32
        %dma_wait3A_186 = tpu.memref_slice %arg6[%multiple_of3A_171, %dma_wait3A_185] : memref<325312x128xf32, #tpu.memory_space<hbm>> -> memref<112x128xf32, #tpu.memory_space<hbm>>
        %dma_wait3A_187 = arith.constant 0 : i32
        %dma_wait3A_188 = tpu.memref_slice %arg6[%multiple_of3A_171, %dma_wait3A_187] : memref<325312x128xf32, #tpu.memory_space<hbm>> -> memref<112x128xf32, #tpu.memory_space<hbm>>
        %dma_wait3A_189 = arith.constant 0 : i32
        %dma_wait3A_190 = arith.constant 0 : i32
        %dma_wait3A_191 = tpu.memref_slice %run_scoped3A_4[%dma_wait3A_189, %dma_wait3A_190] : memref<128x128xf32, #tpu.memory_space<vmem>> -> memref<112x128xf32, #tpu.memory_space<vmem>>
        tpu.wait_dma2 semaphore(%arg9 : memref<!tpu.dma_semaphore, #tpu.memory_space<semaphore_mem>>) src(%dma_wait3A_191 : memref<112x128xf32, #tpu.memory_space<vmem>>) dst(%dma_wait3A_188 : memref<112x128xf32, #tpu.memory_space<hbm>>)
      } else {
      }
      tpu.yield
    }) : () -> ()
    %barrier3A = arith.constant 0 : index
    tpu.barrier barrier_id(%barrier3A)
    %mul3A = arith.constant 16 : i32
    %mul3A_0 = arith.muli %arg0, %mul3A : i32
    %add3A = arith.addi %mul3A_0, %arg1 : i32
    %mul3A_1 = arith.constant 16384 : i32
    %mul3A_2 = arith.muli %add3A, %mul3A_1 : i32
    %multiple_of3A = tpu.assume_multiple %mul3A_2, 16384 : i32
    "tpu.region"() ({
      %run_scoped3A = memref.alloca() : memref<256xi32, #tpu.memory_space<vmem>>
      %run_scoped3A_3 = memref.alloca() : memref<256xi32, #tpu.memory_space<vmem>>
      %run_scoped3A_4 = memref.alloca() : memref<256xi32, #tpu.memory_space<vmem>>
      %run_scoped3A_5 = memref.alloca() : memref<256xi32, #tpu.memory_space<vmem>>
      %run_scoped3A_6 = memref.alloca() : memref<256xi32, #tpu.memory_space<vmem>>
      %run_scoped3A_7 = memref.alloca() : memref<256xi32, #tpu.memory_space<vmem>>
      %run_scoped3A_8 = memref.alloca() : memref<256x128xf32, #tpu.memory_space<vmem>>
      %run_scoped3A_9 = memref.alloca() : memref<256x128xf32, #tpu.memory_space<vmem>>
      %run_scoped3A_10 = memref.alloca() : memref<32x128xf32, #tpu.memory_space<vmem>>
      %add3A_11 = arith.constant 0 : i32
      %add3A_12 = arith.addi %multiple_of3A, %add3A_11 : i32
      %dma_start3A = tpu.memref_slice %arg4[%add3A_12] : memref<524288xi32, #tpu.memory_space<hbm>> -> memref<256xi32, #tpu.memory_space<hbm>>
      %dma_start3A_13 = tpu.memref_slice %arg4[%add3A_12] : memref<524288xi32, #tpu.memory_space<hbm>> -> memref<256xi32, #tpu.memory_space<hbm>>
      tpu.enqueue_dma source(%dma_start3A_13 : memref<256xi32, #tpu.memory_space<hbm>>) target(%run_scoped3A : memref<256xi32, #tpu.memory_space<vmem>>) target_semaphore(%arg9 : memref<!tpu.dma_semaphore, #tpu.memory_space<semaphore_mem>>)
      %add3A_14 = arith.constant 256 : i32
      %add3A_15 = arith.addi %multiple_of3A, %add3A_14 : i32
      %dma_start3A_16 = tpu.memref_slice %arg4[%add3A_15] : memref<524288xi32, #tpu.memory_space<hbm>> -> memref<256xi32, #tpu.memory_space<hbm>>
      %dma_start3A_17 = tpu.memref_slice %arg4[%add3A_15] : memref<524288xi32, #tpu.memory_space<hbm>> -> memref<256xi32, #tpu.memory_space<hbm>>
      tpu.enqueue_dma source(%dma_start3A_17 : memref<256xi32, #tpu.memory_space<hbm>>) target(%run_scoped3A_3 : memref<256xi32, #tpu.memory_space<vmem>>) target_semaphore(%arg10 : memref<!tpu.dma_semaphore, #tpu.memory_space<semaphore_mem>>)
      %add3A_18 = arith.constant 0 : i32
      %add3A_19 = arith.addi %multiple_of3A, %add3A_18 : i32
      %dma_wait3A = tpu.memref_slice %arg4[%add3A_19] : memref<524288xi32, #tpu.memory_space<hbm>> -> memref<256xi32, #tpu.memory_space<hbm>>
      %dma_wait3A_20 = tpu.memref_slice %arg4[%add3A_19] : memref<524288xi32, #tpu.memory_space<hbm>> -> memref<256xi32, #tpu.memory_space<hbm>>
      tpu.wait_dma2 semaphore(%arg9 : memref<!tpu.dma_semaphore, #tpu.memory_space<semaphore_mem>>) src(%dma_wait3A_20 : memref<256xi32, #tpu.memory_space<hbm>>) dst(%run_scoped3A : memref<256xi32, #tpu.memory_space<vmem>>)
      %scan3A = arith.constant 0 : i32
      %scan3A_21 = arith.constant 0 : i32
      %scan3A_22 = arith.constant 16 : i32
      %scan3A_23 = arith.addi %scan3A_21, %scan3A_22 : i32
      %scan3A_24 = arith.constant 1 : i32
      scf.for %scan3A_42 = %scan3A_21 to %scan3A_23 step %scan3A_24  : i32 {
        %mul3A_43 = arith.constant 16 : i32
        %mul3A_44 = arith.muli %scan3A_42, %mul3A_43 : i32
        %get3A = arith.index_cast %mul3A_44 : i32 to index
        %get3A_45 = tpu.vector_load %run_scoped3A[%get3A] {strides = array<i32>} : memref<256xi32, #tpu.memory_space<vmem>>, vector<16xi32>,
        %shift_right_logical3A = arith.constant 3 : i32
        %shift_right_logical3A_46 = vector.broadcast %shift_right_logical3A : i32 to vector<16xi32>
        %shift_right_logical3A_47 = arith.shrui %get3A_45, %shift_right_logical3A_46 : vector<16xi32>
        %mul3A_48 = arith.constant 16 : i32
        %mul3A_49 = arith.muli %scan3A_42, %mul3A_48 : i32
        %swap3A = arith.index_cast %mul3A_49 : i32 to index
        %swap3A_50 = tpu.vector_load %run_scoped3A_4[%swap3A] {strides = array<i32>} : memref<256xi32, #tpu.memory_space<vmem>>, vector<16xi32>,
        tpu.vector_store %run_scoped3A_4[%swap3A], %shift_right_logical3A_47 {strides = array<i32>} : memref<256xi32, #tpu.memory_space<vmem>>, vector<16xi32>,
        %and3A = arith.constant 7 : i32
        %and3A_51 = vector.broadcast %and3A : i32 to vector<16xi32>
        %and3A_52 = arith.andi %get3A_45, %and3A_51 : vector<16xi32>
        %shift_left3A = arith.constant 4 : i32
        %shift_left3A_53 = vector.broadcast %shift_left3A : i32 to vector<16xi32>
        %shift_left3A_54 = arith.shli %and3A_52, %shift_left3A_53 : vector<16xi32>
        %mul3A_55 = arith.constant 16 : i32
        %mul3A_56 = arith.muli %scan3A_42, %mul3A_55 : i32
        %swap3A_57 = arith.index_cast %mul3A_56 : i32 to index
        %swap3A_58 = tpu.vector_load %run_scoped3A_6[%swap3A_57] {strides = array<i32>} : memref<256xi32, #tpu.memory_space<vmem>>, vector<16xi32>,
        tpu.vector_store %run_scoped3A_6[%swap3A_57], %shift_left3A_54 {strides = array<i32>} : memref<256xi32, #tpu.memory_space<vmem>>, vector<16xi32>,
      }
      %scan3A_25 = arith.constant 16 : i32
      %dma_start3A_26 = arith.constant 0 : i32
      %dma_start3A_27 = arith.constant 0 : i32
      %dma_start3A_28 = tpu.memref_slice %arg6[%dma_start3A_26, %dma_start3A_27] : memref<325312x128xf32, #tpu.memory_space<hbm>> -> memref<325312x128xf32, #tpu.memory_space<hbm>>
      tpu.enqueue_indirect_dma source(%dma_start3A_28 : memref<325312x128xf32, #tpu.memory_space<hbm>>) target(%run_scoped3A_8 : memref<256x128xf32, #tpu.memory_space<vmem>>) offsets(%run_scoped3A_4 : memref<256xi32, #tpu.memory_space<vmem>>) semaphore(%arg7 : memref<!tpu.dma_semaphore, #tpu.memory_space<semaphore_mem>>)
      %scan3A_29 = arith.constant 0 : i32
      %scan3A_30 = arith.constant 0 : i32
      %scan3A_31 = arith.constant 32 : i32
      %scan3A_32 = arith.addi %scan3A_30, %scan3A_31 : i32
      %scan3A_33 = arith.constant 1 : i32
      scf.for %scan3A_42 = %scan3A_30 to %scan3A_32 step %scan3A_33  : i32 {
        %mul3A_43 = arith.constant 2 : i32
        %mul3A_44 = arith.muli %scan3A_42, %mul3A_43 : i32
        %add3A_45 = arith.constant 1 : i32
        %add3A_46 = arith.addi %mul3A_44, %add3A_45 : i32
        %mul3A_47 = arith.constant 256 : i32
        %mul3A_48 = arith.muli %add3A_46, %mul3A_47 : i32
        %add3A_49 = arith.addi %multiple_of3A, %mul3A_48 : i32
        %dma_wait3A_50 = tpu.memref_slice %arg4[%add3A_49] : memref<524288xi32, #tpu.memory_space<hbm>> -> memref<256xi32, #tpu.memory_space<hbm>>
        %dma_wait3A_51 = tpu.memref_slice %arg4[%add3A_49] : memref<524288xi32, #tpu.memory_space<hbm>> -> memref<256xi32, #tpu.memory_space<hbm>>
        tpu.wait_dma2 semaphore(%arg10 : memref<!tpu.dma_semaphore, #tpu.memory_space<semaphore_mem>>) src(%dma_wait3A_51 : memref<256xi32, #tpu.memory_space<hbm>>) dst(%run_scoped3A_3 : memref<256xi32, #tpu.memory_space<vmem>>)
        %scan3A_52 = arith.constant 0 : i32
        %scan3A_53 = arith.constant 0 : i32
        %scan3A_54 = arith.constant 16 : i32
        %scan3A_55 = arith.addi %scan3A_53, %scan3A_54 : i32
        %scan3A_56 = arith.constant 1 : i32
        scf.for %scan3A_165 = %scan3A_53 to %scan3A_55 step %scan3A_56  : i32 {
          %mul3A_166 = arith.constant 16 : i32
          %mul3A_167 = arith.muli %scan3A_165, %mul3A_166 : i32
          %get3A = arith.index_cast %mul3A_167 : i32 to index
          %get3A_168 = tpu.vector_load %run_scoped3A_3[%get3A] {strides = array<i32>} : memref<256xi32, #tpu.memory_space<vmem>>, vector<16xi32>,
          %shift_right_logical3A = arith.constant 3 : i32
          %shift_right_logical3A_169 = vector.broadcast %shift_right_logical3A : i32 to vector<16xi32>
          %shift_right_logical3A_170 = arith.shrui %get3A_168, %shift_right_logical3A_169 : vector<16xi32>
          %mul3A_171 = arith.constant 16 : i32
          %mul3A_172 = arith.muli %scan3A_165, %mul3A_171 : i32
          %swap3A = arith.index_cast %mul3A_172 : i32 to index
          %swap3A_173 = tpu.vector_load %run_scoped3A_5[%swap3A] {strides = array<i32>} : memref<256xi32, #tpu.memory_space<vmem>>, vector<16xi32>,
          tpu.vector_store %run_scoped3A_5[%swap3A], %shift_right_logical3A_170 {strides = array<i32>} : memref<256xi32, #tpu.memory_space<vmem>>, vector<16xi32>,
          %and3A_174 = arith.constant 7 : i32
          %and3A_175 = vector.broadcast %and3A_174 : i32 to vector<16xi32>
          %and3A_176 = arith.andi %get3A_168, %and3A_175 : vector<16xi32>
          %shift_left3A = arith.constant 4 : i32
          %shift_left3A_177 = vector.broadcast %shift_left3A : i32 to vector<16xi32>
          %shift_left3A_178 = arith.shli %and3A_176, %shift_left3A_177 : vector<16xi32>
          %mul3A_179 = arith.constant 16 : i32
          %mul3A_180 = arith.muli %scan3A_165, %mul3A_179 : i32
          %swap3A_181 = arith.index_cast %mul3A_180 : i32 to index
          %swap3A_182 = tpu.vector_load %run_scoped3A_7[%swap3A_181] {strides = array<i32>} : memref<256xi32, #tpu.memory_space<vmem>>, vector<16xi32>,
          tpu.vector_store %run_scoped3A_7[%swap3A_181], %shift_left3A_178 {strides = array<i32>} : memref<256xi32, #tpu.memory_space<vmem>>, vector<16xi32>,
        }
        %scan3A_57 = arith.constant 16 : i32
        %dma_start3A_58 = arith.constant 0 : i32
        %dma_start3A_59 = arith.constant 0 : i32
        %dma_start3A_60 = tpu.memref_slice %arg6[%dma_start3A_58, %dma_start3A_59] : memref<325312x128xf32, #tpu.memory_space<hbm>> -> memref<325312x128xf32, #tpu.memory_space<hbm>>
        tpu.enqueue_indirect_dma source(%dma_start3A_60 : memref<325312x128xf32, #tpu.memory_space<hbm>>) target(%run_scoped3A_9 : memref<256x128xf32, #tpu.memory_space<vmem>>) offsets(%run_scoped3A_5 : memref<256xi32, #tpu.memory_space<vmem>>) semaphore(%arg8 : memref<!tpu.dma_semaphore, #tpu.memory_space<semaphore_mem>>)
        %add3A_61 = arith.constant 2 : i32
        %add3A_62 = arith.addi %mul3A_44, %add3A_61 : i32
        %rem3A = arith.constant 64 : i32
        %rem3A_63 = arith.remsi %add3A_62, %rem3A : i32
        %mul3A_64 = arith.constant 256 : i32
        %mul3A_65 = arith.muli %rem3A_63, %mul3A_64 : i32
        %add3A_66 = arith.addi %multiple_of3A, %mul3A_65 : i32
        %dma_start3A_67 = tpu.memref_slice %arg4[%add3A_66] : memref<524288xi32, #tpu.memory_space<hbm>> -> memref<256xi32, #tpu.memory_space<hbm>>
        %dma_start3A_68 = tpu.memref_slice %arg4[%add3A_66] : memref<524288xi32, #tpu.memory_space<hbm>> -> memref<256xi32, #tpu.memory_space<hbm>>
        tpu.enqueue_dma source(%dma_start3A_68 : memref<256xi32, #tpu.memory_space<hbm>>) target(%run_scoped3A : memref<256xi32, #tpu.memory_space<vmem>>) target_semaphore(%arg9 : memref<!tpu.dma_semaphore, #tpu.memory_space<semaphore_mem>>)
        %dma_wait3A_69 = arith.constant 0 : i32
        %dma_wait3A_70 = arith.constant 0 : i32
        %dma_wait3A_71 = tpu.memref_slice %arg6[%dma_wait3A_69, %dma_wait3A_70] : memref<325312x128xf32, #tpu.memory_space<hbm>> -> memref<325312x128xf32, #tpu.memory_space<hbm>>
        tpu.wait_indirect_dma semaphore(%arg7 : memref<!tpu.dma_semaphore, #tpu.memory_space<semaphore_mem>>) src(%dma_wait3A_71 : memref<325312x128xf32, #tpu.memory_space<hbm>>) dst(%run_scoped3A_8 : memref<256x128xf32, #tpu.memory_space<vmem>>)
        %scan3A_72 = arith.constant 0 : i32
        %scan3A_73 = arith.constant 0 : i32
        %scan3A_74 = arith.constant 16 : i32
        %scan3A_75 = arith.addi %scan3A_73, %scan3A_74 : i32
        %scan3A_76 = arith.constant 1 : i32
        scf.for %scan3A_165 = %scan3A_73 to %scan3A_75 step %scan3A_76  : i32 {
          %mul3A_166 = arith.constant 16 : i32
          %mul3A_167 = arith.muli %scan3A_165, %mul3A_166 : i32
          %add3A_168 = vector.broadcast %mul3A_167 : i32 to vector<16xi32>
          %add3A_169 = arith.addi %iota3A, %add3A_168 : vector<16xi32>
          %get3A = arith.index_cast %mul3A_167 : i32 to index
          %get3A_170 = tpu.vector_load %run_scoped3A_6[%get3A] {strides = array<i32>} : memref<256xi32, #tpu.memory_space<vmem>>, vector<16xi32>,
          %shift_right_logical3A = arith.constant 3 : i32
          %shift_right_logical3A_171 = vector.broadcast %shift_right_logical3A : i32 to vector<16xi32>
          %shift_right_logical3A_172 = arith.shrui %add3A_169, %shift_right_logical3A_171 : vector<16xi32>
          %and3A_173 = arith.constant 7 : i32
          %and3A_174 = vector.broadcast %and3A_173 : i32 to vector<16xi32>
          %and3A_175 = arith.andi %add3A_169, %and3A_174 : vector<16xi32>
          %shift_left3A = arith.constant 4 : i32
          %shift_left3A_176 = vector.broadcast %shift_left3A : i32 to vector<16xi32>
          %shift_left3A_177 = arith.shli %and3A_175, %shift_left3A_176 : vector<16xi32>
          %add3A_178 = arith.constant 0 : i32
          %add3A_179 = vector.broadcast %add3A_178 : i32 to vector<16xi32>
          %add3A_180 = arith.addi %get3A_170, %add3A_179 : vector<16xi32>
          %gather3A = tpu.vector_load_idx %run_scoped3A_8[%add3A_169, %add3A_180] : memref<256x128xf32, #tpu.memory_space<vmem>>[vector<16xi32>, vector<16xi32>], vector<16xf32>,
          %add3A_181 = arith.constant 1 : i32
          %add3A_182 = vector.broadcast %add3A_181 : i32 to vector<16xi32>
          %add3A_183 = arith.addi %get3A_170, %add3A_182 : vector<16xi32>
          %gather3A_184 = tpu.vector_load_idx %run_scoped3A_8[%add3A_169, %add3A_183] : memref<256x128xf32, #tpu.memory_space<vmem>>[vector<16xi32>, vector<16xi32>], vector<16xf32>,
          %add3A_185 = arith.constant 2 : i32
          %add3A_186 = vector.broadcast %add3A_185 : i32 to vector<16xi32>
          %add3A_187 = arith.addi %get3A_170, %add3A_186 : vector<16xi32>
          %gather3A_188 = tpu.vector_load_idx %run_scoped3A_8[%add3A_169, %add3A_187] : memref<256x128xf32, #tpu.memory_space<vmem>>[vector<16xi32>, vector<16xi32>], vector<16xf32>,
          %add3A_189 = arith.constant 3 : i32
          %add3A_190 = vector.broadcast %add3A_189 : i32 to vector<16xi32>
          %add3A_191 = arith.addi %get3A_170, %add3A_190 : vector<16xi32>
          %gather3A_192 = tpu.vector_load_idx %run_scoped3A_8[%add3A_169, %add3A_191] : memref<256x128xf32, #tpu.memory_space<vmem>>[vector<16xi32>, vector<16xi32>], vector<16xf32>,
          %add3A_193 = arith.constant 4 : i32
          %add3A_194 = vector.broadcast %add3A_193 : i32 to vector<16xi32>
          %add3A_195 = arith.addi %get3A_170, %add3A_194 : vector<16xi32>
          %gather3A_196 = tpu.vector_load_idx %run_scoped3A_8[%add3A_169, %add3A_195] : memref<256x128xf32, #tpu.memory_space<vmem>>[vector<16xi32>, vector<16xi32>], vector<16xf32>,
          %add3A_197 = arith.constant 5 : i32
          %add3A_198 = vector.broadcast %add3A_197 : i32 to vector<16xi32>
          %add3A_199 = arith.addi %get3A_170, %add3A_198 : vector<16xi32>
          %gather3A_200 = tpu.vector_load_idx %run_scoped3A_8[%add3A_169, %add3A_199] : memref<256x128xf32, #tpu.memory_space<vmem>>[vector<16xi32>, vector<16xi32>], vector<16xf32>,
          %add3A_201 = arith.constant 6 : i32
          %add3A_202 = vector.broadcast %add3A_201 : i32 to vector<16xi32>
          %add3A_203 = arith.addi %get3A_170, %add3A_202 : vector<16xi32>
          %gather3A_204 = tpu.vector_load_idx %run_scoped3A_8[%add3A_169, %add3A_203] : memref<256x128xf32, #tpu.memory_space<vmem>>[vector<16xi32>, vector<16xi32>], vector<16xf32>,
          %add3A_205 = arith.constant 7 : i32
          %add3A_206 = vector.broadcast %add3A_205 : i32 to vector<16xi32>
          %add3A_207 = arith.addi %get3A_170, %add3A_206 : vector<16xi32>
          %gather3A_208 = tpu.vector_load_idx %run_scoped3A_8[%add3A_169, %add3A_207] : memref<256x128xf32, #tpu.memory_space<vmem>>[vector<16xi32>, vector<16xi32>], vector<16xf32>,
          %add3A_209 = arith.constant 8 : i32
          %add3A_210 = vector.broadcast %add3A_209 : i32 to vector<16xi32>
          %add3A_211 = arith.addi %get3A_170, %add3A_210 : vector<16xi32>
          %gather3A_212 = tpu.vector_load_idx %run_scoped3A_8[%add3A_169, %add3A_211] : memref<256x128xf32, #tpu.memory_space<vmem>>[vector<16xi32>, vector<16xi32>], vector<16xf32>,
          %add3A_213 = arith.constant 9 : i32
          %add3A_214 = vector.broadcast %add3A_213 : i32 to vector<16xi32>
          %add3A_215 = arith.addi %get3A_170, %add3A_214 : vector<16xi32>
          %gather3A_216 = tpu.vector_load_idx %run_scoped3A_8[%add3A_169, %add3A_215] : memref<256x128xf32, #tpu.memory_space<vmem>>[vector<16xi32>, vector<16xi32>], vector<16xf32>,
          %add3A_217 = arith.constant 10 : i32
          %add3A_218 = vector.broadcast %add3A_217 : i32 to vector<16xi32>
          %add3A_219 = arith.addi %get3A_170, %add3A_218 : vector<16xi32>
          %gather3A_220 = tpu.vector_load_idx %run_scoped3A_8[%add3A_169, %add3A_219] : memref<256x128xf32, #tpu.memory_space<vmem>>[vector<16xi32>, vector<16xi32>], vector<16xf32>,
          %add3A_221 = arith.constant 11 : i32
          %add3A_222 = vector.broadcast %add3A_221 : i32 to vector<16xi32>
          %add3A_223 = arith.addi %get3A_170, %add3A_222 : vector<16xi32>
          %gather3A_224 = tpu.vector_load_idx %run_scoped3A_8[%add3A_169, %add3A_223] : memref<256x128xf32, #tpu.memory_space<vmem>>[vector<16xi32>, vector<16xi32>], vector<16xf32>,
          %add3A_225 = arith.constant 12 : i32
          %add3A_226 = vector.broadcast %add3A_225 : i32 to vector<16xi32>
          %add3A_227 = arith.addi %get3A_170, %add3A_226 : vector<16xi32>
          %gather3A_228 = tpu.vector_load_idx %run_scoped3A_8[%add3A_169, %add3A_227] : memref<256x128xf32, #tpu.memory_space<vmem>>[vector<16xi32>, vector<16xi32>], vector<16xf32>,
          %add3A_229 = arith.constant 13 : i32
          %add3A_230 = vector.broadcast %add3A_229 : i32 to vector<16xi32>
          %add3A_231 = arith.addi %get3A_170, %add3A_230 : vector<16xi32>
          %gather3A_232 = tpu.vector_load_idx %run_scoped3A_8[%add3A_169, %add3A_231] : memref<256x128xf32, #tpu.memory_space<vmem>>[vector<16xi32>, vector<16xi32>], vector<16xf32>,
          %add3A_233 = arith.constant 14 : i32
          %add3A_234 = vector.broadcast %add3A_233 : i32 to vector<16xi32>
          %add3A_235 = arith.addi %get3A_170, %add3A_234 : vector<16xi32>
          %gather3A_236 = tpu.vector_load_idx %run_scoped3A_8[%add3A_169, %add3A_235] : memref<256x128xf32, #tpu.memory_space<vmem>>[vector<16xi32>, vector<16xi32>], vector<16xf32>,
          %add3A_237 = arith.constant 15 : i32
          %add3A_238 = vector.broadcast %add3A_237 : i32 to vector<16xi32>
          %add3A_239 = arith.addi %get3A_170, %add3A_238 : vector<16xi32>
          %gather3A_240 = tpu.vector_load_idx %run_scoped3A_8[%add3A_169, %add3A_239] : memref<256x128xf32, #tpu.memory_space<vmem>>[vector<16xi32>, vector<16xi32>], vector<16xf32>,
          %add3A_241 = arith.constant 0 : i32
          %add3A_242 = vector.broadcast %add3A_241 : i32 to vector<16xi32>
          %add3A_243 = arith.addi %shift_left3A_177, %add3A_242 : vector<16xi32>
          tpu.vector_store_idx %run_scoped3A_10[%shift_right_logical3A_172, %add3A_243], %gather3A : memref<32x128xf32, #tpu.memory_space<vmem>>[vector<16xi32>, vector<16xi32>], vector<16xf32>,
          %add3A_244 = arith.constant 1 : i32
          %add3A_245 = vector.broadcast %add3A_244 : i32 to vector<16xi32>
          %add3A_246 = arith.addi %shift_left3A_177, %add3A_245 : vector<16xi32>
          tpu.vector_store_idx %run_scoped3A_10[%shift_right_logical3A_172, %add3A_246], %gather3A_184 : memref<32x128xf32, #tpu.memory_space<vmem>>[vector<16xi32>, vector<16xi32>], vector<16xf32>,
          %add3A_247 = arith.constant 2 : i32
          %add3A_248 = vector.broadcast %add3A_247 : i32 to vector<16xi32>
          %add3A_249 = arith.addi %shift_left3A_177, %add3A_248 : vector<16xi32>
          tpu.vector_store_idx %run_scoped3A_10[%shift_right_logical3A_172, %add3A_249], %gather3A_188 : memref<32x128xf32, #tpu.memory_space<vmem>>[vector<16xi32>, vector<16xi32>], vector<16xf32>,
          %add3A_250 = arith.constant 3 : i32
          %add3A_251 = vector.broadcast %add3A_250 : i32 to vector<16xi32>
          %add3A_252 = arith.addi %shift_left3A_177, %add3A_251 : vector<16xi32>
          tpu.vector_store_idx %run_scoped3A_10[%shift_right_logical3A_172, %add3A_252], %gather3A_192 : memref<32x128xf32, #tpu.memory_space<vmem>>[vector<16xi32>, vector<16xi32>], vector<16xf32>,
          %add3A_253 = arith.constant 4 : i32
          %add3A_254 = vector.broadcast %add3A_253 : i32 to vector<16xi32>
          %add3A_255 = arith.addi %shift_left3A_177, %add3A_254 : vector<16xi32>
          tpu.vector_store_idx %run_scoped3A_10[%shift_right_logical3A_172, %add3A_255], %gather3A_196 : memref<32x128xf32, #tpu.memory_space<vmem>>[vector<16xi32>, vector<16xi32>], vector<16xf32>,
          %add3A_256 = arith.constant 5 : i32
          %add3A_257 = vector.broadcast %add3A_256 : i32 to vector<16xi32>
          %add3A_258 = arith.addi %shift_left3A_177, %add3A_257 : vector<16xi32>
          tpu.vector_store_idx %run_scoped3A_10[%shift_right_logical3A_172, %add3A_258], %gather3A_200 : memref<32x128xf32, #tpu.memory_space<vmem>>[vector<16xi32>, vector<16xi32>], vector<16xf32>,
          %add3A_259 = arith.constant 6 : i32
          %add3A_260 = vector.broadcast %add3A_259 : i32 to vector<16xi32>
          %add3A_261 = arith.addi %shift_left3A_177, %add3A_260 : vector<16xi32>
          tpu.vector_store_idx %run_scoped3A_10[%shift_right_logical3A_172, %add3A_261], %gather3A_204 : memref<32x128xf32, #tpu.memory_space<vmem>>[vector<16xi32>, vector<16xi32>], vector<16xf32>,
          %add3A_262 = arith.constant 7 : i32
          %add3A_263 = vector.broadcast %add3A_262 : i32 to vector<16xi32>
          %add3A_264 = arith.addi %shift_left3A_177, %add3A_263 : vector<16xi32>
          tpu.vector_store_idx %run_scoped3A_10[%shift_right_logical3A_172, %add3A_264], %gather3A_208 : memref<32x128xf32, #tpu.memory_space<vmem>>[vector<16xi32>, vector<16xi32>], vector<16xf32>,
          %add3A_265 = arith.constant 8 : i32
          %add3A_266 = vector.broadcast %add3A_265 : i32 to vector<16xi32>
          %add3A_267 = arith.addi %shift_left3A_177, %add3A_266 : vector<16xi32>
          tpu.vector_store_idx %run_scoped3A_10[%shift_right_logical3A_172, %add3A_267], %gather3A_212 : memref<32x128xf32, #tpu.memory_space<vmem>>[vector<16xi32>, vector<16xi32>], vector<16xf32>,
          %add3A_268 = arith.constant 9 : i32
          %add3A_269 = vector.broadcast %add3A_268 : i32 to vector<16xi32>
          %add3A_270 = arith.addi %shift_left3A_177, %add3A_269 : vector<16xi32>
          tpu.vector_store_idx %run_scoped3A_10[%shift_right_logical3A_172, %add3A_270], %gather3A_216 : memref<32x128xf32, #tpu.memory_space<vmem>>[vector<16xi32>, vector<16xi32>], vector<16xf32>,
          %add3A_271 = arith.constant 10 : i32
          %add3A_272 = vector.broadcast %add3A_271 : i32 to vector<16xi32>
          %add3A_273 = arith.addi %shift_left3A_177, %add3A_272 : vector<16xi32>
          tpu.vector_store_idx %run_scoped3A_10[%shift_right_logical3A_172, %add3A_273], %gather3A_220 : memref<32x128xf32, #tpu.memory_space<vmem>>[vector<16xi32>, vector<16xi32>], vector<16xf32>,
          %add3A_274 = arith.constant 11 : i32
          %add3A_275 = vector.broadcast %add3A_274 : i32 to vector<16xi32>
          %add3A_276 = arith.addi %shift_left3A_177, %add3A_275 : vector<16xi32>
          tpu.vector_store_idx %run_scoped3A_10[%shift_right_logical3A_172, %add3A_276], %gather3A_224 : memref<32x128xf32, #tpu.memory_space<vmem>>[vector<16xi32>, vector<16xi32>], vector<16xf32>,
          %add3A_277 = arith.constant 12 : i32
          %add3A_278 = vector.broadcast %add3A_277 : i32 to vector<16xi32>
          %add3A_279 = arith.addi %shift_left3A_177, %add3A_278 : vector<16xi32>
          tpu.vector_store_idx %run_scoped3A_10[%shift_right_logical3A_172, %add3A_279], %gather3A_228 : memref<32x128xf32, #tpu.memory_space<vmem>>[vector<16xi32>, vector<16xi32>], vector<16xf32>,
          %add3A_280 = arith.constant 13 : i32
          %add3A_281 = vector.broadcast %add3A_280 : i32 to vector<16xi32>
          %add3A_282 = arith.addi %shift_left3A_177, %add3A_281 : vector<16xi32>
          tpu.vector_store_idx %run_scoped3A_10[%shift_right_logical3A_172, %add3A_282], %gather3A_232 : memref<32x128xf32, #tpu.memory_space<vmem>>[vector<16xi32>, vector<16xi32>], vector<16xf32>,
          %add3A_283 = arith.constant 14 : i32
          %add3A_284 = vector.broadcast %add3A_283 : i32 to vector<16xi32>
          %add3A_285 = arith.addi %shift_left3A_177, %add3A_284 : vector<16xi32>
          tpu.vector_store_idx %run_scoped3A_10[%shift_right_logical3A_172, %add3A_285], %gather3A_236 : memref<32x128xf32, #tpu.memory_space<vmem>>[vector<16xi32>, vector<16xi32>], vector<16xf32>,
          %add3A_286 = arith.constant 15 : i32
          %add3A_287 = vector.broadcast %add3A_286 : i32 to vector<16xi32>
          %add3A_288 = arith.addi %shift_left3A_177, %add3A_287 : vector<16xi32>
          tpu.vector_store_idx %run_scoped3A_10[%shift_right_logical3A_172, %add3A_288], %gather3A_240 : memref<32x128xf32, #tpu.memory_space<vmem>>[vector<16xi32>, vector<16xi32>], vector<16xf32>,
        }
        %scan3A_77 = arith.constant 16 : i32
        %mul3A_78 = arith.constant 256 : i32
        %mul3A_79 = arith.muli %mul3A_44, %mul3A_78 : i32
        %add3A_80 = arith.addi %multiple_of3A, %mul3A_79 : i32
        %jit3A = arith.constant 8 : i32
        %div3A = arith.divsi %add3A_80, %jit3A : i32
        %sign3A = arith.constant 0 : i32
        %sign3A_81 = arith.cmpi sgt, %add3A_80, %sign3A : i32
        %sign3A_82 = arith.extui %sign3A_81 : i1 to i32
        %sign3A_83 = arith.constant 0 : i32
        %sign3A_84 = arith.cmpi slt, %add3A_80, %sign3A_83 : i32
        %sign3A_85 = arith.extui %sign3A_84 : i1 to i32
        %sign3A_86 = arith.subi %sign3A_82, %sign3A_85 : i32
        %sign3A_87 = arith.constant 0 : i32
        %sign3A_88 = arith.cmpi sgt, %jit3A, %sign3A_87 : i32
        %sign3A_89 = arith.extui %sign3A_88 : i1 to i32
        %sign3A_90 = arith.constant 0 : i32
        %sign3A_91 = arith.cmpi slt, %jit3A, %sign3A_90 : i32
        %sign3A_92 = arith.extui %sign3A_91 : i1 to i32
        %sign3A_93 = arith.subi %sign3A_89, %sign3A_92 : i32
        %ne3A = arith.cmpi ne, %sign3A_86, %sign3A_93 : i32
        %rem3A_94 = arith.remsi %add3A_80, %jit3A : i32
        %ne3A_95 = arith.constant 0 : i32
        %ne3A_96 = arith.cmpi ne, %rem3A_94, %ne3A_95 : i32
        %and3A = arith.andi %ne3A, %ne3A_96 : i1
        %sub3A = arith.constant 1 : i32
        %sub3A_97 = arith.subi %div3A, %sub3A : i32
        %select_n3A = arith.select %and3A, %sub3A_97, %div3A : i32
        %multiple_of3A_98 = tpu.assume_multiple %select_n3A, 32 : i32
        "tpu.region"() ({
          %run_scoped3A_165 = tpu.sem_alloc : memref<!tpu.dma_semaphore, #tpu.memory_space<semaphore_mem>>
          %dma_start3A_166 = arith.constant 0 : i32
          %dma_start3A_167 = tpu.memref_slice %arg5[%multiple_of3A_98, %dma_start3A_166] : memref<65536x128xf32, #tpu.memory_space<hbm>> -> memref<32x128xf32, #tpu.memory_space<hbm>>
          %dma_start3A_168 = arith.constant 0 : i32
          %dma_start3A_169 = tpu.memref_slice %arg5[%multiple_of3A_98, %dma_start3A_168] : memref<65536x128xf32, #tpu.memory_space<hbm>> -> memref<32x128xf32, #tpu.memory_space<hbm>>
          tpu.enqueue_dma source(%run_scoped3A_10 : memref<32x128xf32, #tpu.memory_space<vmem>>) target(%dma_start3A_169 : memref<32x128xf32, #tpu.memory_space<hbm>>) target_semaphore(%run_scoped3A_165 : memref<!tpu.dma_semaphore, #tpu.memory_space<semaphore_mem>>)
          %dma_wait3A_170 = arith.constant 0 : i32
          %dma_wait3A_171 = tpu.memref_slice %arg5[%multiple_of3A_98, %dma_wait3A_170] : memref<65536x128xf32, #tpu.memory_space<hbm>> -> memref<32x128xf32, #tpu.memory_space<hbm>>
          %dma_wait3A_172 = arith.constant 0 : i32
          %dma_wait3A_173 = tpu.memref_slice %arg5[%multiple_of3A_98, %dma_wait3A_172] : memref<65536x128xf32, #tpu.memory_space<hbm>> -> memref<32x128xf32, #tpu.memory_space<hbm>>
          tpu.wait_dma2 semaphore(%run_scoped3A_165 : memref<!tpu.dma_semaphore, #tpu.memory_space<semaphore_mem>>) src(%run_scoped3A_10 : memref<32x128xf32, #tpu.memory_space<vmem>>) dst(%dma_wait3A_173 : memref<32x128xf32, #tpu.memory_space<hbm>>)
          tpu.yield
        }) : () -> ()
        %add3A_99 = arith.constant 2 : i32
        %add3A_100 = arith.addi %mul3A_44, %add3A_99 : i32
        %rem3A_101 = arith.constant 64 : i32
        %rem3A_102 = arith.remsi %add3A_100, %rem3A_101 : i32
        %mul3A_103 = arith.constant 256 : i32
        %mul3A_104 = arith.muli %rem3A_102, %mul3A_103 : i32
        %add3A_105 = arith.addi %multiple_of3A, %mul3A_104 : i32
        %dma_wait3A_106 = tpu.memref_slice %arg4[%add3A_105] : memref<524288xi32, #tpu.memory_space<hbm>> -> memref<256xi32, #tpu.memory_space<hbm>>
        %dma_wait3A_107 = tpu.memref_slice %arg4[%add3A_105] : memref<524288xi32, #tpu.memory_space<hbm>> -> memref<256xi32, #tpu.memory_space<hbm>>
        tpu.wait_dma2 semaphore(%arg9 : memref<!tpu.dma_semaphore, #tpu.memory_space<semaphore_mem>>) src(%dma_wait3A_107 : memref<256xi32, #tpu.memory_space<hbm>>) dst(%run_scoped3A : memref<256xi32, #tpu.memory_space<vmem>>)
        %scan3A_108 = arith.constant 0 : i32
        %scan3A_109 = arith.constant 0 : i32
        %scan3A_110 = arith.constant 16 : i32
        %scan3A_111 = arith.addi %scan3A_109, %scan3A_110 : i32
        %scan3A_112 = arith.constant 1 : i32
        scf.for %scan3A_165 = %scan3A_109 to %scan3A_111 step %scan3A_112  : i32 {
          %mul3A_166 = arith.constant 16 : i32
          %mul3A_167 = arith.muli %scan3A_165, %mul3A_166 : i32
          %get3A = arith.index_cast %mul3A_167 : i32 to index
          %get3A_168 = tpu.vector_load %run_scoped3A[%get3A] {strides = array<i32>} : memref<256xi32, #tpu.memory_space<vmem>>, vector<16xi32>,
          %shift_right_logical3A = arith.constant 3 : i32
          %shift_right_logical3A_169 = vector.broadcast %shift_right_logical3A : i32 to vector<16xi32>
          %shift_right_logical3A_170 = arith.shrui %get3A_168, %shift_right_logical3A_169 : vector<16xi32>
          %mul3A_171 = arith.constant 16 : i32
          %mul3A_172 = arith.muli %scan3A_165, %mul3A_171 : i32
          %swap3A = arith.index_cast %mul3A_172 : i32 to index
          %swap3A_173 = tpu.vector_load %run_scoped3A_4[%swap3A] {strides = array<i32>} : memref<256xi32, #tpu.memory_space<vmem>>, vector<16xi32>,
          tpu.vector_store %run_scoped3A_4[%swap3A], %shift_right_logical3A_170 {strides = array<i32>} : memref<256xi32, #tpu.memory_space<vmem>>, vector<16xi32>,
          %and3A_174 = arith.constant 7 : i32
          %and3A_175 = vector.broadcast %and3A_174 : i32 to vector<16xi32>
          %and3A_176 = arith.andi %get3A_168, %and3A_175 : vector<16xi32>
          %shift_left3A = arith.constant 4 : i32
          %shift_left3A_177 = vector.broadcast %shift_left3A : i32 to vector<16xi32>
          %shift_left3A_178 = arith.shli %and3A_176, %shift_left3A_177 : vector<16xi32>
          %mul3A_179 = arith.constant 16 : i32
          %mul3A_180 = arith.muli %scan3A_165, %mul3A_179 : i32
          %swap3A_181 = arith.index_cast %mul3A_180 : i32 to index
          %swap3A_182 = tpu.vector_load %run_scoped3A_6[%swap3A_181] {strides = array<i32>} : memref<256xi32, #tpu.memory_space<vmem>>, vector<16xi32>,
          tpu.vector_store %run_scoped3A_6[%swap3A_181], %shift_left3A_178 {strides = array<i32>} : memref<256xi32, #tpu.memory_space<vmem>>, vector<16xi32>,
        }
        %scan3A_113 = arith.constant 16 : i32
        %dma_start3A_114 = arith.constant 0 : i32
        %dma_start3A_115 = arith.constant 0 : i32
        %dma_start3A_116 = tpu.memref_slice %arg6[%dma_start3A_114, %dma_start3A_115] : memref<325312x128xf32, #tpu.memory_space<hbm>> -> memref<325312x128xf32, #tpu.memory_space<hbm>>
        tpu.enqueue_indirect_dma source(%dma_start3A_116 : memref<325312x128xf32, #tpu.memory_space<hbm>>) target(%run_scoped3A_8 : memref<256x128xf32, #tpu.memory_space<vmem>>) offsets(%run_scoped3A_4 : memref<256xi32, #tpu.memory_space<vmem>>) semaphore(%arg7 : memref<!tpu.dma_semaphore, #tpu.memory_space<semaphore_mem>>)
        %add3A_117 = arith.constant 3 : i32
        %add3A_118 = arith.addi %mul3A_44, %add3A_117 : i32
        %rem3A_119 = arith.constant 64 : i32
        %rem3A_120 = arith.remsi %add3A_118, %rem3A_119 : i32
        %mul3A_121 = arith.constant 256 : i32
        %mul3A_122 = arith.muli %rem3A_120, %mul3A_121 : i32
        %add3A_123 = arith.addi %multiple_of3A, %mul3A_122 : i32
        %dma_start3A_124 = tpu.memref_slice %arg4[%add3A_123] : memref<524288xi32, #tpu.memory_space<hbm>> -> memref<256xi32, #tpu.memory_space<hbm>>
        %dma_start3A_125 = tpu.memref_slice %arg4[%add3A_123] : memref<524288xi32, #tpu.memory_space<hbm>> -> memref<256xi32, #tpu.memory_space<hbm>>
        tpu.enqueue_dma source(%dma_start3A_125 : memref<256xi32, #tpu.memory_space<hbm>>) target(%run_scoped3A_3 : memref<256xi32, #tpu.memory_space<vmem>>) target_semaphore(%arg10 : memref<!tpu.dma_semaphore, #tpu.memory_space<semaphore_mem>>)
        %dma_wait3A_126 = arith.constant 0 : i32
        %dma_wait3A_127 = arith.constant 0 : i32
        %dma_wait3A_128 = tpu.memref_slice %arg6[%dma_wait3A_126, %dma_wait3A_127] : memref<325312x128xf32, #tpu.memory_space<hbm>> -> memref<325312x128xf32, #tpu.memory_space<hbm>>
        tpu.wait_indirect_dma semaphore(%arg8 : memref<!tpu.dma_semaphore, #tpu.memory_space<semaphore_mem>>) src(%dma_wait3A_128 : memref<325312x128xf32, #tpu.memory_space<hbm>>) dst(%run_scoped3A_9 : memref<256x128xf32, #tpu.memory_space<vmem>>)
        %add3A_129 = arith.constant 1 : i32
        %add3A_130 = arith.addi %mul3A_44, %add3A_129 : i32
        %scan3A_131 = arith.constant 0 : i32
        %scan3A_132 = arith.constant 0 : i32
        %scan3A_133 = arith.constant 16 : i32
        %scan3A_134 = arith.addi %scan3A_132, %scan3A_133 : i32
        %scan3A_135 = arith.constant 1 : i32
        scf.for %scan3A_165 = %scan3A_132 to %scan3A_134 step %scan3A_135  : i32 {
          %mul3A_166 = arith.constant 16 : i32
          %mul3A_167 = arith.muli %scan3A_165, %mul3A_166 : i32
          %add3A_168 = vector.broadcast %mul3A_167 : i32 to vector<16xi32>
          %add3A_169 = arith.addi %iota3A, %add3A_168 : vector<16xi32>
          %get3A = arith.index_cast %mul3A_167 : i32 to index
          %get3A_170 = tpu.vector_load %run_scoped3A_7[%get3A] {strides = array<i32>} : memref<256xi32, #tpu.memory_space<vmem>>, vector<16xi32>,
          %shift_right_logical3A = arith.constant 3 : i32
          %shift_right_logical3A_171 = vector.broadcast %shift_right_logical3A : i32 to vector<16xi32>
          %shift_right_logical3A_172 = arith.shrui %add3A_169, %shift_right_logical3A_171 : vector<16xi32>
          %and3A_173 = arith.constant 7 : i32
          %and3A_174 = vector.broadcast %and3A_173 : i32 to vector<16xi32>
          %and3A_175 = arith.andi %add3A_169, %and3A_174 : vector<16xi32>
          %shift_left3A = arith.constant 4 : i32
          %shift_left3A_176 = vector.broadcast %shift_left3A : i32 to vector<16xi32>
          %shift_left3A_177 = arith.shli %and3A_175, %shift_left3A_176 : vector<16xi32>
          %add3A_178 = arith.constant 0 : i32
          %add3A_179 = vector.broadcast %add3A_178 : i32 to vector<16xi32>
          %add3A_180 = arith.addi %get3A_170, %add3A_179 : vector<16xi32>
          %gather3A = tpu.vector_load_idx %run_scoped3A_9[%add3A_169, %add3A_180] : memref<256x128xf32, #tpu.memory_space<vmem>>[vector<16xi32>, vector<16xi32>], vector<16xf32>,
          %add3A_181 = arith.constant 1 : i32
          %add3A_182 = vector.broadcast %add3A_181 : i32 to vector<16xi32>
          %add3A_183 = arith.addi %get3A_170, %add3A_182 : vector<16xi32>
          %gather3A_184 = tpu.vector_load_idx %run_scoped3A_9[%add3A_169, %add3A_183] : memref<256x128xf32, #tpu.memory_space<vmem>>[vector<16xi32>, vector<16xi32>], vector<16xf32>,
          %add3A_185 = arith.constant 2 : i32
          %add3A_186 = vector.broadcast %add3A_185 : i32 to vector<16xi32>
          %add3A_187 = arith.addi %get3A_170, %add3A_186 : vector<16xi32>
          %gather3A_188 = tpu.vector_load_idx %run_scoped3A_9[%add3A_169, %add3A_187] : memref<256x128xf32, #tpu.memory_space<vmem>>[vector<16xi32>, vector<16xi32>], vector<16xf32>,
          %add3A_189 = arith.constant 3 : i32
          %add3A_190 = vector.broadcast %add3A_189 : i32 to vector<16xi32>
          %add3A_191 = arith.addi %get3A_170, %add3A_190 : vector<16xi32>
          %gather3A_192 = tpu.vector_load_idx %run_scoped3A_9[%add3A_169, %add3A_191] : memref<256x128xf32, #tpu.memory_space<vmem>>[vector<16xi32>, vector<16xi32>], vector<16xf32>,
          %add3A_193 = arith.constant 4 : i32
          %add3A_194 = vector.broadcast %add3A_193 : i32 to vector<16xi32>
          %add3A_195 = arith.addi %get3A_170, %add3A_194 : vector<16xi32>
          %gather3A_196 = tpu.vector_load_idx %run_scoped3A_9[%add3A_169, %add3A_195] : memref<256x128xf32, #tpu.memory_space<vmem>>[vector<16xi32>, vector<16xi32>], vector<16xf32>,
          %add3A_197 = arith.constant 5 : i32
          %add3A_198 = vector.broadcast %add3A_197 : i32 to vector<16xi32>
          %add3A_199 = arith.addi %get3A_170, %add3A_198 : vector<16xi32>
          %gather3A_200 = tpu.vector_load_idx %run_scoped3A_9[%add3A_169, %add3A_199] : memref<256x128xf32, #tpu.memory_space<vmem>>[vector<16xi32>, vector<16xi32>], vector<16xf32>,
          %add3A_201 = arith.constant 6 : i32
          %add3A_202 = vector.broadcast %add3A_201 : i32 to vector<16xi32>
          %add3A_203 = arith.addi %get3A_170, %add3A_202 : vector<16xi32>
          %gather3A_204 = tpu.vector_load_idx %run_scoped3A_9[%add3A_169, %add3A_203] : memref<256x128xf32, #tpu.memory_space<vmem>>[vector<16xi32>, vector<16xi32>], vector<16xf32>,
          %add3A_205 = arith.constant 7 : i32
          %add3A_206 = vector.broadcast %add3A_205 : i32 to vector<16xi32>
          %add3A_207 = arith.addi %get3A_170, %add3A_206 : vector<16xi32>
          %gather3A_208 = tpu.vector_load_idx %run_scoped3A_9[%add3A_169, %add3A_207] : memref<256x128xf32, #tpu.memory_space<vmem>>[vector<16xi32>, vector<16xi32>], vector<16xf32>,
          %add3A_209 = arith.constant 8 : i32
          %add3A_210 = vector.broadcast %add3A_209 : i32 to vector<16xi32>
          %add3A_211 = arith.addi %get3A_170, %add3A_210 : vector<16xi32>
          %gather3A_212 = tpu.vector_load_idx %run_scoped3A_9[%add3A_169, %add3A_211] : memref<256x128xf32, #tpu.memory_space<vmem>>[vector<16xi32>, vector<16xi32>], vector<16xf32>,
          %add3A_213 = arith.constant 9 : i32
          %add3A_214 = vector.broadcast %add3A_213 : i32 to vector<16xi32>
          %add3A_215 = arith.addi %get3A_170, %add3A_214 : vector<16xi32>
          %gather3A_216 = tpu.vector_load_idx %run_scoped3A_9[%add3A_169, %add3A_215] : memref<256x128xf32, #tpu.memory_space<vmem>>[vector<16xi32>, vector<16xi32>], vector<16xf32>,
          %add3A_217 = arith.constant 10 : i32
          %add3A_218 = vector.broadcast %add3A_217 : i32 to vector<16xi32>
          %add3A_219 = arith.addi %get3A_170, %add3A_218 : vector<16xi32>
          %gather3A_220 = tpu.vector_load_idx %run_scoped3A_9[%add3A_169, %add3A_219] : memref<256x128xf32, #tpu.memory_space<vmem>>[vector<16xi32>, vector<16xi32>], vector<16xf32>,
          %add3A_221 = arith.constant 11 : i32
          %add3A_222 = vector.broadcast %add3A_221 : i32 to vector<16xi32>
          %add3A_223 = arith.addi %get3A_170, %add3A_222 : vector<16xi32>
          %gather3A_224 = tpu.vector_load_idx %run_scoped3A_9[%add3A_169, %add3A_223] : memref<256x128xf32, #tpu.memory_space<vmem>>[vector<16xi32>, vector<16xi32>], vector<16xf32>,
          %add3A_225 = arith.constant 12 : i32
          %add3A_226 = vector.broadcast %add3A_225 : i32 to vector<16xi32>
          %add3A_227 = arith.addi %get3A_170, %add3A_226 : vector<16xi32>
          %gather3A_228 = tpu.vector_load_idx %run_scoped3A_9[%add3A_169, %add3A_227] : memref<256x128xf32, #tpu.memory_space<vmem>>[vector<16xi32>, vector<16xi32>], vector<16xf32>,
          %add3A_229 = arith.constant 13 : i32
          %add3A_230 = vector.broadcast %add3A_229 : i32 to vector<16xi32>
          %add3A_231 = arith.addi %get3A_170, %add3A_230 : vector<16xi32>
          %gather3A_232 = tpu.vector_load_idx %run_scoped3A_9[%add3A_169, %add3A_231] : memref<256x128xf32, #tpu.memory_space<vmem>>[vector<16xi32>, vector<16xi32>], vector<16xf32>,
          %add3A_233 = arith.constant 14 : i32
          %add3A_234 = vector.broadcast %add3A_233 : i32 to vector<16xi32>
          %add3A_235 = arith.addi %get3A_170, %add3A_234 : vector<16xi32>
          %gather3A_236 = tpu.vector_load_idx %run_scoped3A_9[%add3A_169, %add3A_235] : memref<256x128xf32, #tpu.memory_space<vmem>>[vector<16xi32>, vector<16xi32>], vector<16xf32>,
          %add3A_237 = arith.constant 15 : i32
          %add3A_238 = vector.broadcast %add3A_237 : i32 to vector<16xi32>
          %add3A_239 = arith.addi %get3A_170, %add3A_238 : vector<16xi32>
          %gather3A_240 = tpu.vector_load_idx %run_scoped3A_9[%add3A_169, %add3A_239] : memref<256x128xf32, #tpu.memory_space<vmem>>[vector<16xi32>, vector<16xi32>], vector<16xf32>,
          %add3A_241 = arith.constant 0 : i32
          %add3A_242 = vector.broadcast %add3A_241 : i32 to vector<16xi32>
          %add3A_243 = arith.addi %shift_left3A_177, %add3A_242 : vector<16xi32>
          tpu.vector_store_idx %run_scoped3A_10[%shift_right_logical3A_172, %add3A_243], %gather3A : memref<32x128xf32, #tpu.memory_space<vmem>>[vector<16xi32>, vector<16xi32>], vector<16xf32>,
          %add3A_244 = arith.constant 1 : i32
          %add3A_245 = vector.broadcast %add3A_244 : i32 to vector<16xi32>
          %add3A_246 = arith.addi %shift_left3A_177, %add3A_245 : vector<16xi32>
          tpu.vector_store_idx %run_scoped3A_10[%shift_right_logical3A_172, %add3A_246], %gather3A_184 : memref<32x128xf32, #tpu.memory_space<vmem>>[vector<16xi32>, vector<16xi32>], vector<16xf32>,
          %add3A_247 = arith.constant 2 : i32
          %add3A_248 = vector.broadcast %add3A_247 : i32 to vector<16xi32>
          %add3A_249 = arith.addi %shift_left3A_177, %add3A_248 : vector<16xi32>
          tpu.vector_store_idx %run_scoped3A_10[%shift_right_logical3A_172, %add3A_249], %gather3A_188 : memref<32x128xf32, #tpu.memory_space<vmem>>[vector<16xi32>, vector<16xi32>], vector<16xf32>,
          %add3A_250 = arith.constant 3 : i32
          %add3A_251 = vector.broadcast %add3A_250 : i32 to vector<16xi32>
          %add3A_252 = arith.addi %shift_left3A_177, %add3A_251 : vector<16xi32>
          tpu.vector_store_idx %run_scoped3A_10[%shift_right_logical3A_172, %add3A_252], %gather3A_192 : memref<32x128xf32, #tpu.memory_space<vmem>>[vector<16xi32>, vector<16xi32>], vector<16xf32>,
          %add3A_253 = arith.constant 4 : i32
          %add3A_254 = vector.broadcast %add3A_253 : i32 to vector<16xi32>
          %add3A_255 = arith.addi %shift_left3A_177, %add3A_254 : vector<16xi32>
          tpu.vector_store_idx %run_scoped3A_10[%shift_right_logical3A_172, %add3A_255], %gather3A_196 : memref<32x128xf32, #tpu.memory_space<vmem>>[vector<16xi32>, vector<16xi32>], vector<16xf32>,
          %add3A_256 = arith.constant 5 : i32
          %add3A_257 = vector.broadcast %add3A_256 : i32 to vector<16xi32>
          %add3A_258 = arith.addi %shift_left3A_177, %add3A_257 : vector<16xi32>
          tpu.vector_store_idx %run_scoped3A_10[%shift_right_logical3A_172, %add3A_258], %gather3A_200 : memref<32x128xf32, #tpu.memory_space<vmem>>[vector<16xi32>, vector<16xi32>], vector<16xf32>,
          %add3A_259 = arith.constant 6 : i32
          %add3A_260 = vector.broadcast %add3A_259 : i32 to vector<16xi32>
          %add3A_261 = arith.addi %shift_left3A_177, %add3A_260 : vector<16xi32>
          tpu.vector_store_idx %run_scoped3A_10[%shift_right_logical3A_172, %add3A_261], %gather3A_204 : memref<32x128xf32, #tpu.memory_space<vmem>>[vector<16xi32>, vector<16xi32>], vector<16xf32>,
          %add3A_262 = arith.constant 7 : i32
          %add3A_263 = vector.broadcast %add3A_262 : i32 to vector<16xi32>
          %add3A_264 = arith.addi %shift_left3A_177, %add3A_263 : vector<16xi32>
          tpu.vector_store_idx %run_scoped3A_10[%shift_right_logical3A_172, %add3A_264], %gather3A_208 : memref<32x128xf32, #tpu.memory_space<vmem>>[vector<16xi32>, vector<16xi32>], vector<16xf32>,
          %add3A_265 = arith.constant 8 : i32
          %add3A_266 = vector.broadcast %add3A_265 : i32 to vector<16xi32>
          %add3A_267 = arith.addi %shift_left3A_177, %add3A_266 : vector<16xi32>
          tpu.vector_store_idx %run_scoped3A_10[%shift_right_logical3A_172, %add3A_267], %gather3A_212 : memref<32x128xf32, #tpu.memory_space<vmem>>[vector<16xi32>, vector<16xi32>], vector<16xf32>,
          %add3A_268 = arith.constant 9 : i32
          %add3A_269 = vector.broadcast %add3A_268 : i32 to vector<16xi32>
          %add3A_270 = arith.addi %shift_left3A_177, %add3A_269 : vector<16xi32>
          tpu.vector_store_idx %run_scoped3A_10[%shift_right_logical3A_172, %add3A_270], %gather3A_216 : memref<32x128xf32, #tpu.memory_space<vmem>>[vector<16xi32>, vector<16xi32>], vector<16xf32>,
          %add3A_271 = arith.constant 10 : i32
          %add3A_272 = vector.broadcast %add3A_271 : i32 to vector<16xi32>
          %add3A_273 = arith.addi %shift_left3A_177, %add3A_272 : vector<16xi32>
          tpu.vector_store_idx %run_scoped3A_10[%shift_right_logical3A_172, %add3A_273], %gather3A_220 : memref<32x128xf32, #tpu.memory_space<vmem>>[vector<16xi32>, vector<16xi32>], vector<16xf32>,
          %add3A_274 = arith.constant 11 : i32
          %add3A_275 = vector.broadcast %add3A_274 : i32 to vector<16xi32>
          %add3A_276 = arith.addi %shift_left3A_177, %add3A_275 : vector<16xi32>
          tpu.vector_store_idx %run_scoped3A_10[%shift_right_logical3A_172, %add3A_276], %gather3A_224 : memref<32x128xf32, #tpu.memory_space<vmem>>[vector<16xi32>, vector<16xi32>], vector<16xf32>,
          %add3A_277 = arith.constant 12 : i32
          %add3A_278 = vector.broadcast %add3A_277 : i32 to vector<16xi32>
          %add3A_279 = arith.addi %shift_left3A_177, %add3A_278 : vector<16xi32>
          tpu.vector_store_idx %run_scoped3A_10[%shift_right_logical3A_172, %add3A_279], %gather3A_228 : memref<32x128xf32, #tpu.memory_space<vmem>>[vector<16xi32>, vector<16xi32>], vector<16xf32>,
          %add3A_280 = arith.constant 13 : i32
          %add3A_281 = vector.broadcast %add3A_280 : i32 to vector<16xi32>
          %add3A_282 = arith.addi %shift_left3A_177, %add3A_281 : vector<16xi32>
          tpu.vector_store_idx %run_scoped3A_10[%shift_right_logical3A_172, %add3A_282], %gather3A_232 : memref<32x128xf32, #tpu.memory_space<vmem>>[vector<16xi32>, vector<16xi32>], vector<16xf32>,
          %add3A_283 = arith.constant 14 : i32
          %add3A_284 = vector.broadcast %add3A_283 : i32 to vector<16xi32>
          %add3A_285 = arith.addi %shift_left3A_177, %add3A_284 : vector<16xi32>
          tpu.vector_store_idx %run_scoped3A_10[%shift_right_logical3A_172, %add3A_285], %gather3A_236 : memref<32x128xf32, #tpu.memory_space<vmem>>[vector<16xi32>, vector<16xi32>], vector<16xf32>,
          %add3A_286 = arith.constant 15 : i32
          %add3A_287 = vector.broadcast %add3A_286 : i32 to vector<16xi32>
          %add3A_288 = arith.addi %shift_left3A_177, %add3A_287 : vector<16xi32>
          tpu.vector_store_idx %run_scoped3A_10[%shift_right_logical3A_172, %add3A_288], %gather3A_240 : memref<32x128xf32, #tpu.memory_space<vmem>>[vector<16xi32>, vector<16xi32>], vector<16xf32>,
        }
        %scan3A_136 = arith.constant 16 : i32
        %mul3A_137 = arith.constant 256 : i32
        %mul3A_138 = arith.muli %add3A_130, %mul3A_137 : i32
        %add3A_139 = arith.addi %multiple_of3A, %mul3A_138 : i32
        %jit3A_140 = arith.constant 8 : i32
        %div3A_141 = arith.divsi %add3A_139, %jit3A_140 : i32
        %sign3A_142 = arith.constant 0 : i32
        %sign3A_143 = arith.cmpi sgt, %add3A_139, %sign3A_142 : i32
        %sign3A_144 = arith.extui %sign3A_143 : i1 to i32
        %sign3A_145 = arith.constant 0 : i32
        %sign3A_146 = arith.cmpi slt, %add3A_139, %sign3A_145 : i32
        %sign3A_147 = arith.extui %sign3A_146 : i1 to i32
        %sign3A_148 = arith.subi %sign3A_144, %sign3A_147 : i32
        %sign3A_149 = arith.constant 0 : i32
        %sign3A_150 = arith.cmpi sgt, %jit3A_140, %sign3A_149 : i32
        %sign3A_151 = arith.extui %sign3A_150 : i1 to i32
        %sign3A_152 = arith.constant 0 : i32
        %sign3A_153 = arith.cmpi slt, %jit3A_140, %sign3A_152 : i32
        %sign3A_154 = arith.extui %sign3A_153 : i1 to i32
        %sign3A_155 = arith.subi %sign3A_151, %sign3A_154 : i32
        %ne3A_156 = arith.cmpi ne, %sign3A_148, %sign3A_155 : i32
        %rem3A_157 = arith.remsi %add3A_139, %jit3A_140 : i32
        %ne3A_158 = arith.constant 0 : i32
        %ne3A_159 = arith.cmpi ne, %rem3A_157, %ne3A_158 : i32
        %and3A_160 = arith.andi %ne3A_156, %ne3A_159 : i1
        %sub3A_161 = arith.constant 1 : i32
        %sub3A_162 = arith.subi %div3A_141, %sub3A_161 : i32
        %select_n3A_163 = arith.select %and3A_160, %sub3A_162, %div3A_141 : i32
        %multiple_of3A_164 = tpu.assume_multiple %select_n3A_163, 32 : i32
        "tpu.region"() ({
          %run_scoped3A_165 = tpu.sem_alloc : memref<!tpu.dma_semaphore, #tpu.memory_space<semaphore_mem>>
          %dma_start3A_166 = arith.constant 0 : i32
          %dma_start3A_167 = tpu.memref_slice %arg5[%multiple_of3A_164, %dma_start3A_166] : memref<65536x128xf32, #tpu.memory_space<hbm>> -> memref<32x128xf32, #tpu.memory_space<hbm>>
          %dma_start3A_168 = arith.constant 0 : i32
          %dma_start3A_169 = tpu.memref_slice %arg5[%multiple_of3A_164, %dma_start3A_168] : memref<65536x128xf32, #tpu.memory_space<hbm>> -> memref<32x128xf32, #tpu.memory_space<hbm>>
          tpu.enqueue_dma source(%run_scoped3A_10 : memref<32x128xf32, #tpu.memory_space<vmem>>) target(%dma_start3A_169 : memref<32x128xf32, #tpu.memory_space<hbm>>) target_semaphore(%run_scoped3A_165 : memref<!tpu.dma_semaphore, #tpu.memory_space<semaphore_mem>>)
          %dma_wait3A_170 = arith.constant 0 : i32
          %dma_wait3A_171 = tpu.memref_slice %arg5[%multiple_of3A_164, %dma_wait3A_170] : memref<65536x128xf32, #tpu.memory_space<hbm>> -> memref<32x128xf32, #tpu.memory_space<hbm>>
          %dma_wait3A_172 = arith.constant 0 : i32
          %dma_wait3A_173 = tpu.memref_slice %arg5[%multiple_of3A_164, %dma_wait3A_172] : memref<65536x128xf32, #tpu.memory_space<hbm>> -> memref<32x128xf32, #tpu.memory_space<hbm>>
          tpu.wait_dma2 semaphore(%run_scoped3A_165 : memref<!tpu.dma_semaphore, #tpu.memory_space<semaphore_mem>>) src(%run_scoped3A_10 : memref<32x128xf32, #tpu.memory_space<vmem>>) dst(%dma_wait3A_173 : memref<32x128xf32, #tpu.memory_space<hbm>>)
          tpu.yield
        }) : () -> ()
      }
      %scan3A_34 = arith.constant 32 : i32
      %dma_wait3A_35 = arith.constant 0 : i32
      %dma_wait3A_36 = arith.constant 0 : i32
      %dma_wait3A_37 = tpu.memref_slice %arg6[%dma_wait3A_35, %dma_wait3A_36] : memref<325312x128xf32, #tpu.memory_space<hbm>> -> memref<325312x128xf32, #tpu.memory_space<hbm>>
      tpu.wait_indirect_dma semaphore(%arg7 : memref<!tpu.dma_semaphore, #tpu.memory_space<semaphore_mem>>) src(%dma_wait3A_37 : memref<325312x128xf32, #tpu.memory_space<hbm>>) dst(%run_scoped3A_8 : memref<256x128xf32, #tpu.memory_space<vmem>>)
      %add3A_38 = arith.constant 256 : i32
      %add3A_39 = arith.addi %multiple_of3A, %add3A_38 : i32
      %dma_wait3A_40 = tpu.memref_slice %arg4[%add3A_39] : memref<524288xi32, #tpu.memory_space<hbm>> -> memref<256xi32, #tpu.memory_space<hbm>>
      %dma_wait3A_41 = tpu.memref_slice %arg4[%add3A_39] : memref<524288xi32, #tpu.memory_space<hbm>> -> memref<256xi32, #tpu.memory_space<hbm>>
      tpu.wait_dma2 semaphore(%arg10 : memref<!tpu.dma_semaphore, #tpu.memory_space<semaphore_mem>>) src(%dma_wait3A_41 : memref<256xi32, #tpu.memory_space<hbm>>) dst(%run_scoped3A_3 : memref<256xi32, #tpu.memory_space<vmem>>)
      tpu.yield
    }) : () -> ()
    return
  }
}

module attributes {stable_mosaic.version = 14 : i64} {
  func.func @body(%arg0: i32, %arg1: memref<2048x13xf32, #tpu.memory_space<vmem>>, %arg2: memref<4x2048x128xf32, #tpu.memory_space<vmem>>, %arg3: memref<13x256xf32, #tpu.memory_space<vmem>>, %arg4: memref<4x128x256xf32, #tpu.memory_space<vmem>>, %arg5: memref<1x256xf32, #tpu.memory_space<vmem>>, %arg6: memref<256x128xf32, #tpu.memory_space<vmem>>, %arg7: memref<1x128xf32, #tpu.memory_space<vmem>>, %arg8: memref<128x64xf32, #tpu.memory_space<vmem>>, %arg9: memref<1x64xf32, #tpu.memory_space<vmem>>, %arg10: memref<64x2xf32, #tpu.memory_space<vmem>>, %arg11: memref<1x2xf32, #tpu.memory_space<vmem>>, %arg12: memref<2048x2xf32, #tpu.memory_space<vmem>>) attributes {dimension_semantics = [#tpu.dimension_semantics<arbitrary>], iteration_bounds = array<i64: 8>, scalar_prefetch = 0 : i64, scratch_operands = 0 : i64, tpu.core_type = #tpu.core_type<tc>, window_params = [{transform_indices = @transform_0, window_bounds = array<i64: 2048, 13>}, {transform_indices = @transform_1, window_bounds = array<i64: 4, 2048, 128>}, {pipeline_mode = #tpu.pipeline_mode<synchronous>, transform_indices = @transform_2, window_bounds = array<i64: 13, 256>}, {pipeline_mode = #tpu.pipeline_mode<synchronous>, transform_indices = @transform_3, window_bounds = array<i64: 4, 128, 256>}, {pipeline_mode = #tpu.pipeline_mode<synchronous>, transform_indices = @transform_4, window_bounds = array<i64: 1, 256>}, {pipeline_mode = #tpu.pipeline_mode<synchronous>, transform_indices = @transform_5, window_bounds = array<i64: 256, 128>}, {pipeline_mode = #tpu.pipeline_mode<synchronous>, transform_indices = @transform_6, window_bounds = array<i64: 1, 128>}, {pipeline_mode = #tpu.pipeline_mode<synchronous>, transform_indices = @transform_7, window_bounds = array<i64: 128, 64>}, {pipeline_mode = #tpu.pipeline_mode<synchronous>, transform_indices = @transform_8, window_bounds = array<i64: 1, 64>}, {pipeline_mode = #tpu.pipeline_mode<synchronous>, transform_indices = @transform_9, window_bounds = array<i64: 64, 2>}, {pipeline_mode = #tpu.pipeline_mode<synchronous>, transform_indices = @transform_10, window_bounds = array<i64: 1, 2>}, {transform_indices = @transform_11, window_bounds = array<i64: 2048, 2>}]} {
    %get3A = arith.constant 0 : index
    %get3A_0 = arith.constant 0 : index
    %get3A_1 = vector.load %arg1[%get3A, %get3A_0] : memref<2048x13xf32, #tpu.memory_space<vmem>>, vector<2048x13xf32>
    %get3A_2 = arith.constant 0 : index
    %get3A_3 = arith.constant 0 : index
    %get3A_4 = vector.load %arg3[%get3A_2, %get3A_3] : memref<13x256xf32, #tpu.memory_space<vmem>>, vector<13x256xf32>
    %dot_general3A = arith.constant dense<0.000000e+00> : vector<2048x256xf32>
    %dot_general3A_5 = tpu.matmul %get3A_1, %get3A_4, %dot_general3A {dimension_numbers = #tpu.dot_dimension_numbers<[1], [0], [0], [1], [0, 0, 1, 1], [], []>, transpose_lhs_hint = false} : vector<2048x13xf32>, vector<13x256xf32>, vector<2048x256xf32> -> vector<2048x256xf32>
    %get3A_6 = arith.constant 0 : index
    %get3A_7 = arith.constant 0 : index
    %get3A_8 = arith.constant 0 : index
    %get3A_9 = vector.load %arg2[%get3A_6, %get3A_7, %get3A_8] : memref<4x2048x128xf32, #tpu.memory_space<vmem>>, vector<1x2048x128xf32>
    %get3A_10 = vector.shape_cast %get3A_9 : vector<1x2048x128xf32> to vector<2048x128xf32>
    %get3A_11 = arith.constant 0 : index
    %get3A_12 = arith.constant 0 : index
    %get3A_13 = arith.constant 0 : index
    %get3A_14 = vector.load %arg4[%get3A_11, %get3A_12, %get3A_13] : memref<4x128x256xf32, #tpu.memory_space<vmem>>, vector<1x128x256xf32>
    %get3A_15 = vector.shape_cast %get3A_14 : vector<1x128x256xf32> to vector<128x256xf32>
    %dot_general3A_16 = arith.constant dense<0.000000e+00> : vector<2048x256xf32>
    %dot_general3A_17 = tpu.matmul %get3A_10, %get3A_15, %dot_general3A_16 {dimension_numbers = #tpu.dot_dimension_numbers<[1], [0], [0], [1], [0, 0, 1, 1], [], []>, transpose_lhs_hint = false} : vector<2048x128xf32>, vector<128x256xf32>, vector<2048x256xf32> -> vector<2048x256xf32>
    %add3A = arith.addf %dot_general3A_5, %dot_general3A_17 : vector<2048x256xf32>
    %get3A_18 = arith.constant 1 : index
    %get3A_19 = arith.constant 0 : index
    %get3A_20 = arith.constant 0 : index
    %get3A_21 = vector.load %arg2[%get3A_18, %get3A_19, %get3A_20] : memref<4x2048x128xf32, #tpu.memory_space<vmem>>, vector<1x2048x128xf32>
    %get3A_22 = vector.shape_cast %get3A_21 : vector<1x2048x128xf32> to vector<2048x128xf32>
    %get3A_23 = arith.constant 1 : index
    %get3A_24 = arith.constant 0 : index
    %get3A_25 = arith.constant 0 : index
    %get3A_26 = vector.load %arg4[%get3A_23, %get3A_24, %get3A_25] : memref<4x128x256xf32, #tpu.memory_space<vmem>>, vector<1x128x256xf32>
    %get3A_27 = vector.shape_cast %get3A_26 : vector<1x128x256xf32> to vector<128x256xf32>
    %dot_general3A_28 = arith.constant dense<0.000000e+00> : vector<2048x256xf32>
    %dot_general3A_29 = tpu.matmul %get3A_22, %get3A_27, %dot_general3A_28 {dimension_numbers = #tpu.dot_dimension_numbers<[1], [0], [0], [1], [0, 0, 1, 1], [], []>, transpose_lhs_hint = false} : vector<2048x128xf32>, vector<128x256xf32>, vector<2048x256xf32> -> vector<2048x256xf32>
    %add3A_30 = arith.addf %add3A, %dot_general3A_29 : vector<2048x256xf32>
    %get3A_31 = arith.constant 2 : index
    %get3A_32 = arith.constant 0 : index
    %get3A_33 = arith.constant 0 : index
    %get3A_34 = vector.load %arg2[%get3A_31, %get3A_32, %get3A_33] : memref<4x2048x128xf32, #tpu.memory_space<vmem>>, vector<1x2048x128xf32>
    %get3A_35 = vector.shape_cast %get3A_34 : vector<1x2048x128xf32> to vector<2048x128xf32>
    %get3A_36 = arith.constant 2 : index
    %get3A_37 = arith.constant 0 : index
    %get3A_38 = arith.constant 0 : index
    %get3A_39 = vector.load %arg4[%get3A_36, %get3A_37, %get3A_38] : memref<4x128x256xf32, #tpu.memory_space<vmem>>, vector<1x128x256xf32>
    %get3A_40 = vector.shape_cast %get3A_39 : vector<1x128x256xf32> to vector<128x256xf32>
    %dot_general3A_41 = arith.constant dense<0.000000e+00> : vector<2048x256xf32>
    %dot_general3A_42 = tpu.matmul %get3A_35, %get3A_40, %dot_general3A_41 {dimension_numbers = #tpu.dot_dimension_numbers<[1], [0], [0], [1], [0, 0, 1, 1], [], []>, transpose_lhs_hint = false} : vector<2048x128xf32>, vector<128x256xf32>, vector<2048x256xf32> -> vector<2048x256xf32>
    %add3A_43 = arith.addf %add3A_30, %dot_general3A_42 : vector<2048x256xf32>
    %get3A_44 = arith.constant 3 : index
    %get3A_45 = arith.constant 0 : index
    %get3A_46 = arith.constant 0 : index
    %get3A_47 = vector.load %arg2[%get3A_44, %get3A_45, %get3A_46] : memref<4x2048x128xf32, #tpu.memory_space<vmem>>, vector<1x2048x128xf32>
    %get3A_48 = vector.shape_cast %get3A_47 : vector<1x2048x128xf32> to vector<2048x128xf32>
    %get3A_49 = arith.constant 3 : index
    %get3A_50 = arith.constant 0 : index
    %get3A_51 = arith.constant 0 : index
    %get3A_52 = vector.load %arg4[%get3A_49, %get3A_50, %get3A_51] : memref<4x128x256xf32, #tpu.memory_space<vmem>>, vector<1x128x256xf32>
    %get3A_53 = vector.shape_cast %get3A_52 : vector<1x128x256xf32> to vector<128x256xf32>
    %dot_general3A_54 = arith.constant dense<0.000000e+00> : vector<2048x256xf32>
    %dot_general3A_55 = tpu.matmul %get3A_48, %get3A_53, %dot_general3A_54 {dimension_numbers = #tpu.dot_dimension_numbers<[1], [0], [0], [1], [0, 0, 1, 1], [], []>, transpose_lhs_hint = false} : vector<2048x128xf32>, vector<128x256xf32>, vector<2048x256xf32> -> vector<2048x256xf32>
    %add3A_56 = arith.addf %add3A_43, %dot_general3A_55 : vector<2048x256xf32>
    %get3A_57 = arith.constant 0 : index
    %get3A_58 = arith.constant 0 : index
    %get3A_59 = vector.load %arg5[%get3A_57, %get3A_58] : memref<1x256xf32, #tpu.memory_space<vmem>>, vector<1x256xf32>
    %add3A_60 = vector.broadcast %get3A_59 : vector<1x256xf32> to vector<2048x256xf32>
    %add3A_61 = arith.addf %add3A_56, %add3A_60 : vector<2048x256xf32>
    %max3A = arith.constant 0.000000e+00 : f32
    %max3A_62 = vector.broadcast %max3A : f32 to vector<2048x256xf32>
    %max3A_63 = arith.maximumf %add3A_61, %max3A_62 : vector<2048x256xf32>
    %get3A_64 = arith.constant 0 : index
    %get3A_65 = arith.constant 0 : index
    %get3A_66 = vector.load %arg6[%get3A_64, %get3A_65] : memref<256x128xf32, #tpu.memory_space<vmem>>, vector<256x128xf32>
    %dot_general3A_67 = arith.constant dense<0.000000e+00> : vector<2048x128xf32>
    %dot_general3A_68 = tpu.matmul %max3A_63, %get3A_66, %dot_general3A_67 {dimension_numbers = #tpu.dot_dimension_numbers<[1], [0], [0], [1], [0, 0, 1, 1], [], []>, transpose_lhs_hint = false} : vector<2048x256xf32>, vector<256x128xf32>, vector<2048x128xf32> -> vector<2048x128xf32>
    %get3A_69 = arith.constant 0 : index
    %get3A_70 = arith.constant 0 : index
    %get3A_71 = vector.load %arg7[%get3A_69, %get3A_70] : memref<1x128xf32, #tpu.memory_space<vmem>>, vector<1x128xf32>
    %add3A_72 = vector.broadcast %get3A_71 : vector<1x128xf32> to vector<2048x128xf32>
    %add3A_73 = arith.addf %dot_general3A_68, %add3A_72 : vector<2048x128xf32>
    %max3A_74 = arith.constant 0.000000e+00 : f32
    %max3A_75 = vector.broadcast %max3A_74 : f32 to vector<2048x128xf32>
    %max3A_76 = arith.maximumf %add3A_73, %max3A_75 : vector<2048x128xf32>
    %get3A_77 = arith.constant 0 : index
    %get3A_78 = arith.constant 0 : index
    %get3A_79 = vector.load %arg8[%get3A_77, %get3A_78] : memref<128x64xf32, #tpu.memory_space<vmem>>, vector<128x64xf32>
    %dot_general3A_80 = arith.constant dense<0.000000e+00> : vector<2048x64xf32>
    %dot_general3A_81 = tpu.matmul %max3A_76, %get3A_79, %dot_general3A_80 {dimension_numbers = #tpu.dot_dimension_numbers<[1], [0], [0], [1], [0, 0, 1, 1], [], []>, transpose_lhs_hint = false} : vector<2048x128xf32>, vector<128x64xf32>, vector<2048x64xf32> -> vector<2048x64xf32>
    %get3A_82 = arith.constant 0 : index
    %get3A_83 = arith.constant 0 : index
    %get3A_84 = vector.load %arg9[%get3A_82, %get3A_83] : memref<1x64xf32, #tpu.memory_space<vmem>>, vector<1x64xf32>
    %add3A_85 = vector.broadcast %get3A_84 : vector<1x64xf32> to vector<2048x64xf32>
    %add3A_86 = arith.addf %dot_general3A_81, %add3A_85 : vector<2048x64xf32>
    %max3A_87 = arith.constant 0.000000e+00 : f32
    %max3A_88 = vector.broadcast %max3A_87 : f32 to vector<2048x64xf32>
    %max3A_89 = arith.maximumf %add3A_86, %max3A_88 : vector<2048x64xf32>
    %get3A_90 = arith.constant 0 : index
    %get3A_91 = arith.constant 0 : index
    %get3A_92 = vector.load %arg10[%get3A_90, %get3A_91] : memref<64x2xf32, #tpu.memory_space<vmem>>, vector<64x2xf32>
    %dot_general3A_93 = arith.constant dense<0.000000e+00> : vector<2048x2xf32>
    %dot_general3A_94 = tpu.matmul %max3A_89, %get3A_92, %dot_general3A_93 {dimension_numbers = #tpu.dot_dimension_numbers<[1], [0], [0], [1], [0, 0, 1, 1], [], []>, transpose_lhs_hint = false} : vector<2048x64xf32>, vector<64x2xf32>, vector<2048x2xf32> -> vector<2048x2xf32>
    %get3A_95 = arith.constant 0 : index
    %get3A_96 = arith.constant 0 : index
    %get3A_97 = vector.load %arg11[%get3A_95, %get3A_96] : memref<1x2xf32, #tpu.memory_space<vmem>>, vector<1x2xf32>
    %add3A_98 = vector.broadcast %get3A_97 : vector<1x2xf32> to vector<2048x2xf32>
    %add3A_99 = arith.addf %dot_general3A_94, %add3A_98 : vector<2048x2xf32>
    %swap3A = arith.constant 0 : index
    %swap3A_100 = arith.constant 0 : index
    %swap3A_101 = vector.load %arg12[%swap3A, %swap3A_100] : memref<2048x2xf32, #tpu.memory_space<vmem>>, vector<2048x2xf32>
    tpu.vector_store %arg12[%swap3A, %swap3A_100], %add3A_99 {strides = array<i32>} : memref<2048x2xf32, #tpu.memory_space<vmem>>, vector<2048x2xf32>,
    return
  }
  func.func @transform_0(%arg0: i32) -> (i32, i32) {
    %c0_i32 = arith.constant 0 : i32
    %c0_i32_0 = arith.constant 0 : i32
    return %arg0, %c0_i32 : i32, i32
  }
  func.func @transform_1(%arg0: i32) -> (i32, i32, i32) {
    %c0_i32 = arith.constant 0 : i32
    %c0_i32_0 = arith.constant 0 : i32
    %c0_i32_1 = arith.constant 0 : i32
    return %c0_i32, %arg0, %c0_i32_0 : i32, i32, i32
  }
  func.func @transform_2(%arg0: i32) -> (i32, i32) {
    %c0_i32 = arith.constant 0 : i32
    %c0_i32_0 = arith.constant 0 : i32
    %c0_i32_1 = arith.constant 0 : i32
    return %c0_i32, %c0_i32_0 : i32, i32
  }
  func.func @transform_3(%arg0: i32) -> (i32, i32, i32) {
    %c0_i32 = arith.constant 0 : i32
    %c0_i32_0 = arith.constant 0 : i32
    %c0_i32_1 = arith.constant 0 : i32
    %c0_i32_2 = arith.constant 0 : i32
    return %c0_i32, %c0_i32_0, %c0_i32_1 : i32, i32, i32
  }
  func.func @transform_4(%arg0: i32) -> (i32, i32) {
    %c0_i32 = arith.constant 0 : i32
    %c0_i32_0 = arith.constant 0 : i32
    %c0_i32_1 = arith.constant 0 : i32
    return %c0_i32, %c0_i32_0 : i32, i32
  }
  func.func @transform_5(%arg0: i32) -> (i32, i32) {
    %c0_i32 = arith.constant 0 : i32
    %c0_i32_0 = arith.constant 0 : i32
    %c0_i32_1 = arith.constant 0 : i32
    return %c0_i32, %c0_i32_0 : i32, i32
  }
  func.func @transform_6(%arg0: i32) -> (i32, i32) {
    %c0_i32 = arith.constant 0 : i32
    %c0_i32_0 = arith.constant 0 : i32
    %c0_i32_1 = arith.constant 0 : i32
    return %c0_i32, %c0_i32_0 : i32, i32
  }
  func.func @transform_7(%arg0: i32) -> (i32, i32) {
    %c0_i32 = arith.constant 0 : i32
    %c0_i32_0 = arith.constant 0 : i32
    %c0_i32_1 = arith.constant 0 : i32
    return %c0_i32, %c0_i32_0 : i32, i32
  }
  func.func @transform_8(%arg0: i32) -> (i32, i32) {
    %c0_i32 = arith.constant 0 : i32
    %c0_i32_0 = arith.constant 0 : i32
    %c0_i32_1 = arith.constant 0 : i32
    return %c0_i32, %c0_i32_0 : i32, i32
  }
  func.func @transform_9(%arg0: i32) -> (i32, i32) {
    %c0_i32 = arith.constant 0 : i32
    %c0_i32_0 = arith.constant 0 : i32
    %c0_i32_1 = arith.constant 0 : i32
    return %c0_i32, %c0_i32_0 : i32, i32
  }
  func.func @transform_10(%arg0: i32) -> (i32, i32) {
    %c0_i32 = arith.constant 0 : i32
    %c0_i32_0 = arith.constant 0 : i32
    %c0_i32_1 = arith.constant 0 : i32
    return %c0_i32, %c0_i32_0 : i32, i32
  }
  func.func @transform_11(%arg0: i32) -> (i32, i32) {
    %c0_i32 = arith.constant 0 : i32
    %c0_i32_0 = arith.constant 0 : i32
    return %arg0, %c0_i32 : i32, i32
  }
}

</mosaic_0001>

<sc_bundles>
// kernel: kernel.4.cloned.1.call-start
scs
__scs_entry_jumppad:
0x0: {  	(pc) =	sbr.rel $0x88, $3  }
0x1: {  	(tag) =	ssettag $0x0;
	lr =	simm.s32 $0x1  }
0x2: {  	[smem:$0x3F94] =	sst lr;
	_ =	strace $0xD0000000  }
0x3: {  	_ = 	snop  }
0x4: {  	_ = 	snop  }
0x5: {  	_ = 	snop  }
0x6: {  	_ = 	snop  }
0x7: {  	_ = 	snop  }
__scs_overlays_trampoline_lowered:
0x8: {  	[smem:$0x3FA3] =	sst s0  }
0x9: {  	[smem:$0x3FA4] =	sst s1  }
0xa: {  	[smem:$0x3FA5] =	sst s2  }
0xb: {  	[smem:$0x3FA6] =	sst s3  }
0xc: {  	[smem:$0x3FA7] =	sst s4  }
0xd: {  	[smem:$0x3FA8] =	sst s5  }
0xe: {  	[smem:$0x3FA9] =	sst s6  }
0xf: {  	[smem:$0x3FAA] =	sst s7  }
0x10: {  	[smem:$0x3FAB] =	sst s8  }
0x11: {  	[smem:$0x3FAC] =	sst s9;
	s0 =	simm.s32 @!p0 $0x0  }
0x12: {  	s1 =	sld [smem:$0x3F92];
	s0 =	simm.s32 @p0 $0x1  }
0x13: {  	[smem:$0x3FAD] =	sst s0;
	s0 =	simm.s32 @!p1 $0x0  }
0x14: {  	s2 =	sld [smem:$0x3F91];
	s0 =	simm.s32 @p1 $0x1  }
0x15: {  	[smem:$0x3FAE] =	sst s0;
	s0 =	simm.s32 @!p2 $0x0  }
0x16: {  	s3 =	sld [smem:$0x3FDB];
	s0 =	simm.s32 @p2 $0x1  }
0x17: {  	s4 =	simm.s32 $0x1BF5;
	[smem:$0x3FB0] =	sst s0  }
0x18: {  	s0 =	sld [smem:$0x3F93];
	_ =	swait.ge [sflag:s4], $0x0  }
0x19: {  	s7 =	sld [smem:$0x3F94]  }
0x1a: {  	s8 =	sadd.s32 $0xFFFFE003, lr  }
0x1b: {  	s9 =	sadd.s32 $0xFFFFFEF7, lr;
	s5 =	simm.s32 $0xFFFFFFFF;
	p2 =	slt.u32 s8, $0xFFFFF086  }
0x1c: {  	p1 =	slt.u32 s9, $0xF7A;
	s5 =	simm.s32 @!p2 $0x0  }
0x1d: {  	s5 =	simm.s32 @p1 $0x1;
	p0 =	seq.s32 s7, s2  }
0x1e: {  	s7 =	smul.u32 @!p0 $0xF7A, s2;
	p2 =	seq.s32 @!p0 s5, $0x0  }
0x1f: {  	s9 =	smul.u32 $0xF7A, s1;
	s8 =	simm.s32 @!p0 $0x1BF5;
	p2 =	por !p2, p0  }
0x20: {  	[sflag:s8] =	ssyncset.s32 @!p0 $0xFFFFF086;
	s6 =	sadd.s32 @!p0 s3, s7;
	s7 =	simm.s32 @!p0 $0x108  }
0x21: {  	s3 =	sadd.s32 s3, s9;
	s6 =	sadd.s32 @!p0 $0x88, s6;
	s7 =	simm.s32 @p2 $0x1082  }
0x22: {  	[simem:s7], [sflag:s8] =	dma.local @!p0 [hbm:s6], $0xF7A  }
0x23: {  	s9 =	sor.u32 $0xD0000000, s2;
	s6 =	simm.s32 $0x108;
	_ =	swait.ge @!p0 [sflag:s8], $0x0  }
0x24: {  	s3 =	sadd.s32 $0x88, s3;
	s6 =	simm.s32 @!p1 $0x1082;
	[sflag:s4] =	ssyncset.s32 $0xFFFFF086  }
0x25: {  	[simem:s6], [sflag:s4] =	dma.local [hbm:s3], $0xF7A  }
0x26: {  	[smem:$0x3F94] =	sst s1;
	(tag) =	ssettag s2;
	_ =	strace s9  }
0x27: {  	s1 =	sld [smem:$0x3FA4]  }
0x28: {  	s2 =	sld [smem:$0x3FA5]  }
0x29: {  	s4 =	sld [smem:$0x3FA7]  }
0x2a: {  	p0 =	seq.s32 s5, $0x0;
	s5 =	sld [smem:$0x3FA8]  }
0x2b: {  	s6 =	sld [smem:$0x3FA9]  }
0x2c: {  	s7 =	sld [smem:$0x3FAA]  }
0x2d: {  	s3 =	simm.s32 $0x108;
	s8 =	sld [smem:$0x3FAB]  }
0x2e: {  	s3 =	simm.s32 @!p0 $0x1082;
	s9 =	sld [smem:$0x3FAC]  }
0x2f: {  	lr =	sadd.s32 s0, s3;
	s0 =	sld [smem:$0x3FA3]  }
0x30: {  	s3 =	sld [smem:$0x3FA6]  }
0x31: {  	[smem:$0x3FAF] =	sst s10  }
0x32: {  	s10 =	sld [smem:$0x3FAD];
	_ =	sdelay $0x3  }
0x33: {  	p0 =	seq.s32 s10, $0x1;
	s10 =	sld [smem:$0x3FAF];
	_ =	sdelay $0x3  }
0x34: {  	[smem:$0x3FAF] =	sst s10  }
0x35: {  	s10 =	sld [smem:$0x3FAE];
	_ =	sdelay $0x3  }
0x36: {  	p1 =	seq.s32 s10, $0x1;
	s10 =	sld [smem:$0x3FAF];
	_ =	sdelay $0x3  }
0x37: {  	[smem:$0x3FAF] =	sst s10  }
0x38: {  	s10 =	sld [smem:$0x3FB0]  }
0x39: {  	_ = 	snop;
	(pc) =	sbr.ind lr, $3  }
0x3a: {  	_ = 	snop  }
0x3b: {  	_ = 	snop  }
0x3c: {  	p2 =	seq.s32 s10, $0x1;
	s10 =	sld [smem:$0x3FAF]  }
0x3d: {  	_ =	shalt  }
0x3e: {  	_ =	shalt  }
0x3f: {  	_ =	shalt  }
0x40: {  	_ =	shalt  }
0x41: {  	_ =	shalt  }
0x42: {  	_ =	shalt  }
0x43: {  	_ =	shalt  }
0x44: {  	_ =	shalt  }
0x45: {  	_ =	shalt  }
0x46: {  	_ =	shalt  }
0x47: {  	_ =	shalt  }
0x48: {  	_ =	shalt  }
0x49: {  	_ =	shalt  }
0x4a: {  	_ =	shalt  }
0x4b: {  	_ =	shalt  }
0x4c: {  	_ =	shalt  }
0x4d: {  	_ =	shalt  }
0x4e: {  	_ =	shalt  }
0x4f: {  	_ =	shalt  }
0x50: {  	_ =	shalt  }
0x51: {  	_ =	shalt  }
0x52: {  	_ =	shalt  }
0x53: {  	_ =	shalt  }
0x54: {  	_ =	shalt  }
0x55: {  	_ =	shalt  }
0x56: {  	_ =	shalt  }
0x57: {  	_ =	shalt  }
0x58: {  	_ =	shalt  }
0x59: {  	_ =	shalt  }
0x5a: {  	_ =	shalt  }
0x5b: {  	_ =	shalt  }
0x5c: {  	_ =	shalt  }
0x5d: {  	_ =	shalt  }
0x5e: {  	_ =	shalt  }
0x5f: {  	_ =	shalt  }
0x60: {  	_ =	shalt  }
0x61: {  	_ =	shalt  }
0x62: {  	_ =	shalt  }
0x63: {  	_ =	shalt  }
0x64: {  	_ =	shalt  }
0x65: {  	_ =	shalt  }
0x66: {  	_ =	shalt  }
0x67: {  	_ =	shalt  }
0x68: {  	_ =	shalt  }
0x69: {  	_ =	shalt  }
0x6a: {  	_ =	shalt  }
0x6b: {  	_ =	shalt  }
0x6c: {  	_ =	shalt  }
0x6d: {  	_ =	shalt  }
0x6e: {  	_ =	shalt  }
0x6f: {  	_ =	shalt  }
0x70: {  	_ =	shalt  }
0x71: {  	_ =	shalt  }
0x72: {  	_ =	shalt  }
0x73: {  	_ =	shalt  }
0x74: {  	_ =	shalt  }
0x75: {  	_ =	shalt  }
0x76: {  	_ =	shalt  }
0x77: {  	_ =	shalt  }
0x78: {  	_ =	shalt  }
0x79: {  	_ =	shalt  }
0x7a: {  	_ =	shalt  }
0x7b: {  	_ =	shalt  }
0x7c: {  	_ =	shalt  }
0x7d: {  	_ =	shalt  }
0x7e: {  	_ =	shalt  }
0x7f: {  	_ =	shalt  }
0x80: {  	_ =	shalt  }
0x81: {  	_ =	shalt  }
0x82: {  	_ =	shalt  }
0x83: {  	_ =	shalt  }
0x84: {  	_ =	shalt  }
0x85: {  	_ =	shalt  }
0x86: {  	_ =	shalt  }
0x87: {  	_ =	shalt  }
.Lfunc_end0:
.L_simem_size_0:
called_computation_lowered:
.L_overlay_start_0:
0x88: {  	s2 =	sld [smem:$0x3FD9]  }
0x89: {  	s3 =	sld [smem:$0x3FFE];
	_ =	sdelay $0x1  }
0x8a: {  	s1 =	srdreg.scid  }
0x8b: {  	s0 =	sand.u32 $0x1, s1  }
0x8c: {  	s17 =	sshll.u32 s0, $0xA;
	s2 =	sadd.s32 s3, s2  }
0x8d: {  	s2 =	sadd.s32 s2, s17  }
0x8e: {  	[smem:$0x3FBB] =	sst s2  }
0x8f: {  	_ = 	snop  }
0x90: {  	s2 =	sld [smem:$0x3FC7];
	(tm) =	ssettm $0x1  }
0x91: {  	s18 =	sld [smem:$0x3FFB];
	_ =	sdelay $0x3  }
0x92: {  	_ =	strace s18  }
0x93: {  	s3 =	sld [smem:$0x3FFC];
	_ =	sdelay $0x3  }
0x94: {  	_ =	strace s3  }
0x95: {  	s3 =	sld [smem:$0x3FFD];
	_ =	sdelay $0x3  }
0x96: {  	_ =	strace s3  }
0x97: {  	_ =	strace $0x8FFFFFFF  }
0x98: {  	s19 =	sld [smem:$0x3FDB];
	_ =	sdelay $0x1  }
0x99: {  	s4 =	simm.s32 $_scs_section_size  }
0x9a: {  	s5 =	simm.s32 $_size__tile_overlayer_lowered;
	s6 =	simm.s32 $_tile_overlayer_lowered  }
0x9b: {  	s22 =	simm.s32 $0x1BFF;
	s21 =	sshll.u32 s6, $0x1;
	s3 =	sadd.s32 s4, s19  }
0x9c: {  	s7 =	simm.s32 $0x0;
	s20 =	sshll.u32 s5, $0x1;
	s5 =	sadd.s32 s21, s3  }
0x9d: {  	[timem:s7], [sflag:s22] =	dma.local [hbm:s5], s20  }
0x9e: {  	_ =	swait.ge [sflag:s22], s20  }
0x9f: {  	s4 =	ssub.s32 $0x0, s20;
	[sflag:s22] =	ssyncset.done $0x0  }
0xa0: {  	[sflag:s22] =	ssyncadd.s32 s4;
	_ =	sdelay $0x1  }
0xa1: {  	s23 =	simm.s32 $0x1B8B  }
0xa2: {  	_ =	swait.ge [sflag:s23], $0x1  }
0xa3: {  	[sflag:s23] =	ssyncset.done $0x0  }
0xa4: {  	s25 =	simm.s32 $0x1B8E;
	s24 =	sld [smem:$0x3FFE];
	[sflag:s23] =	ssyncadd.s32 $0xFFFFFFFF  }
0xa5: {  	s26 =	simm.s32 $execute0_lowered;
	[smem:$0x3FD2] =	sst s25  }
0xa6: {  	s5 =	sshll.u32 s26, $0x1;
	_ =	strace $0x80000046;
	[dreg:$0x1] =	wrdreg $0xFFFFFFFF  }
0xa7: {  	s28 =	simm.s32 $_size_execute0_lowered;
	s3 =	sadd.s32 s3, s5;
	[dreg:$0x0] =	wrdreg $0x0  }
0xa8: {  	s5 =	sshll.u32 s28, $0x1;
	[dreg:$0x2] =	wrdreg s3  }
0xa9: {  	[dreg:$0x3] =	wrdreg s5  }
0xaa: {  	[dreg:$0x4] =	wrdreg $0xC0  }
0xab: {  	_ =	task [dreg:s7], $0x5FFFF  }
0xac: {  	[dreg:$0x1] =	wrdreg $0xFFFFFFFF  }
0xad: {  	[dreg:$0x0] =	wrdreg $0x60  }
0xae: {  	[dreg:$0x2] =	wrdreg s2  }
0xaf: {  	[dreg:$0x3] =	wrdreg s24  }
0xb0: {  	[dreg:$0x4] =	wrdreg $0x9  }
0xb1: {  	_ =	task.clear_ibuf [dreg:s7], $0x5FFFF;
	_ =	strace $0x90000046  }
0xb2: {  	s29 =	simm.s32 $0x9;
	_ =	strace $0x80000048  }
0xb3: {  	_ =	swait.ge [sflag:s29], $0x1  }
0xb4: {  	[sflag:s29] =	ssyncadd.s32 $0xFFFFFFFF  }
0xb5: {  	_ =	strace $0x90000048  }
0xb6: {  	_ =	sfence  }
0xb7: {  	s30 =	sld [smem:$0x0];
	_ =	sdelay $0x2  }
0xb8: {  	s31 =	sshll.u32 s1, $0xD;
	s1 =	sshrl.u32 s1, $0x2  }
0xb9: {  	s3 =	sand.u32 $0x4000, s31;
	s1 =	sadd.s32 s1, s30  }
0xba: {  	s0 =	sor.u32 s3, s0;
	s1 =	sshll.u32 s1, $0x11  }
0xbb: {  	s0 =	sor.u32 s1, s0  }
0xbc: {  	s0 =	sadd.s32 $0x8F2B, s0  }
0xbd: {  	[sflag:s0] =	ssyncadd.remote.s32 $0x1  }
0xbe: {  	_ =	sfence.sel $0xFFFF  }
0xbf: {  	[dreg:$0x0] =	wrdreg $0xFFFFFFFF;
	(pc) =	sbr.abs _section_cstart, $3  }
0xc0: {  	[dreg:$0x1] =	wrdreg $0xFFFFFFFF  }
0xc1: {  	_ =	task.clear_ibuf [dreg:s7], $0x2FFFF;
	_ =	strace $0x9FFFFFFF  }
0xc2: {  	(tm) =	ssettm $0x7FFFFFFF  }
0xc3: {  	_ =	shalt  }
tec
execute0_lowered:
.L_overlay_start_1:
0x0: {  	(tag) =	ssettag $0x1  }
0x1: {  	s0 =	srdreg.scid;
	s3 =	rddreg [dreg:$0x0]  }
0x2: {  	s11 =	stileid.u32;
	s2 =	rddreg [dreg:$0x1];
	s0 =	sand.u32 $0x1, s0  }
0x3: {  	s4 =	simm.s32 $0x0;
	s29 =	simm.s32 $0x100;
	s1 =	smul.u32 $0xD, s0  }
0x4: {  	[smem:$0x7FF] =	sst s4;
	s25 =	sor.u32 $0x10, s11;
	s28 =	sor.u32 $0x20, s11  }
0x5: {  	s30 =	sor.u32 $0x30, s11;
	s26 =	sshll.u32 s25, $0xD;
	[dreg:$0x3] =	wrdreg s1  }
0x6: {  	s10 =	sshll.u32 s28, $0xD;
	_ =	strace $0x80000047;
	[dreg:$0x5] =	wrdreg s26  }
0x7: {  	s15 =	sor.u32 $0x40, s11;
	s13 =	sshll.u32 s30, $0xD;
	[dreg:$0x7] =	wrdreg s10  }
0x8: {  	s17 =	sor.u32 $0x50, s11;
	s16 =	sshll.u32 s15, $0xD;
	[dreg:$0x9] =	wrdreg s13  }
0x9: {  	s14 =	sadd.s32 $0x608800, s2;
	s18 =	sshll.u32 s17, $0xD;
	[dreg:$0xb] =	wrdreg s16  }
0xa: {  	s19 =	sshll.u32 s15, $0xE;
	s1 =	sadd.s32 s11, s1;
	[dreg:$0xd] =	wrdreg s18  }
0xb: {  	s20 =	sshll.u32 s17, $0xE;
	s5 =	smul.u32 $0x7000, s1;
	[dreg:$0xe] =	wrdreg s19  }
0xc: {  	s7 =	sadd.s32 $0x111C00, s2;
	s12 =	sshll.u32 s11, $0xE;
	[dreg:$0xf] =	wrdreg s20  }
0xd: {  	s8 =	ssub.s32 $0x2, s0;
	[dreg:$0x6] =	wrdreg s12;
	s5 =	sshrl.u32 s5, $0x3  }
0xe: {  	s9 =	sshrl.u32 s8, $0x1;
	[dreg:$0x4] =	wrdreg s14;
	s6 =	sadd.s32 s5, s2  }
0xf: {  	s5 =	sadd.s32 $0x101C00, s2;
	s2 =	ssub.s32 s8, s9;
	s8 =	sshll.u32 s25, $0xE  }
0x10: {  	v0 =	vimm.s32 $0x2380;
	vm0 =	vcmask $0x300;
	s31 =	simm.s32 $0x4;
	s9 =	sshll.u32 s28, $0xE;
	[dreg:$0x8] =	wrdreg s8  }
0x11: {  	vm14 =	vcmask $0x704;
	v0 =	vsel vm0, $0x0, v0;
	p0 =	sgt.u32 s11, $0xC;
	[dreg:$0xa] =	wrdreg s9;
	s8 =	sshll.u32 s30, $0xE  }
0x12: {  	vm15 =	vcmask $0xB08;
	v0 =	vsel vm14, $0x80, v0;
	s1 =	smul.u32 $0x187000, s1;
	s21 =	sadd.s32 $0x1C00, s6;
	[dreg:$0xc] =	wrdreg s8  }
0x13: {  	vm4 =	vcmask $0xF0C;
	s0 =	sshll.u32 s0, $0x12;
	v0 =	vsel vm15, $0x100, v0;
	s22 =	sadd.s32 $0x2300, s6;
	[dreg:$0x10] =	wrdreg s21  }
0x14: {  	vm5 =	vcmask $0x1310;
	v0 =	vsel vm4, $0x180, v0;
	s1 =	sshrl.u32 s1, $0x3;
	s23 =	sadd.s32 $0x1F80, s6;
	[dreg:$0x11] =	wrdreg s22  }
0x15: {  	vm6 =	vcmask $0x1714;
	v0 =	vsel vm5, $0x200, v0;
	s1 =	sadd.s32 s7, s1;
	s6 =	sadd.s32 $0x2680, s6;
	[dreg:$0x12] =	wrdreg s23  }
0x16: {  	vm7 =	vcmask $0x1B18;
	s20 =	simm.s32 $0x1;
	v0 =	vsel vm6, $0x280, v0;
	s24 =	sadd.s32 $0x30000, s1;
	[dreg:$0x13] =	wrdreg s6  }
0x17: {  	vm8 =	vcmask $0x1F1C;
	s10 =	simm.s32 $0x0;
	v0 =	vsel vm7, $0x300, v0;
	s1 =	sadd.s32 $0x30700, s1;
	[dreg:$0x14] =	wrdreg s24  }
0x18: {  	vm9 =	vcmask $0x2320;
	v0 =	vsel vm8, $0x380, v0;
	s28 =	smax.u32 s2, $0x1;
	s30 =	sshll.u32 s11, $0xD;
	[dreg:$0x15] =	wrdreg s1  }
0x19: {  	vm10 =	vcmask $0x2724;
	v0 =	vsel vm9, $0x2000, v0;
	s2 =	simm.s32 $0x8600;
	s23 =	sor.u32 s12, s0;
	[dreg:$0x18] =	wrdreg s28  }
0x1a: {  	vm11 =	vcmask $0x2B28;
	[dreg:$0x19] =	wrdreg s30;
	v0 =	vsel vm10, $0x2080, v0;
	s1 =	simm.s32 $0x2000;
	s21 =	simm.s32 $0x8000  }
0x1b: {  	vm12 =	vcmask $0x2F2C;
	s22 =	simm.s32 $0x2;
	s24 =	simm.s32 $0xC000;
	s25 =	sshrl.u32 s23, $0x3;
	v0 =	vsel vm11, $0x2100, v0  }
0x1c: {  	vm13 =	vcmask $0x3330;
	s6 =	simm.s32 $0x10600;
	s26 =	sshll.u32 s23, $0x1;
	s0 =	sadd.s32 s5, s25;
	v0 =	vsel vm12, $0x2180, v0  }
0x1d: {  	vm14 =	vcmask $0x3734;
	s8 =	simm.s32 $0x5;
	s15 =	sadd.s32 s14, s26;
	[dreg:$0x16] =	wrdreg s0;
	v0 =	vsel vm13, $0x2200, v0  }
0x1e: {  	vm15 =	vcmask $0x3B38;
	s25 =	simm.s32 $0x3;
	s0 =	sadd.s32 $0x20, s0;
	[dreg:$0x17] =	wrdreg s15;
	v0 =	vsel vm14, $0x2280, v0  }
0x1f: {  	v1 =	vlaneseq.u32;
	s26 =	simm.s32 $0x600;
	[dreg:$0x1a] =	wrdreg s0;
	s0 =	simm.s32 $0x4000;
	v0 =	vsel vm15, $0x2300, v0  }
.LBB2_1:
0x20: {  	[dreg:$0x1b] =	wrdreg s10;
	s10 =	simm.s32 $0x0  }
.LBB2_2:
0x21: {  	s9 =	simm.s32 $0xF;
	s11 =	simm.s32 $0x1  }
0x22: {  	s12 =	simm.s32 $0xE;
	s14 =	simm.s32 $0x2;
	s15 =	simm.s32 $0x3;
	v2 =	vmov s9  }
0x23: {  	s16 =	simm.s32 $0x4;
	s17 =	rddreg [dreg:$0x3];
	s18 =	simm.s32 $0x5;
	v3 =	vmov s11;
	v4 =	vmov s12;
	v6 =	vmov s14  }
0x24: {  	s13 =	simm.s32 $0x6;
	s28 =	simm.s32 $0x9;
	s30 =	simm.s32 $0xA;
	v7 =	vmov s15;
	v9 =	vmov s16;
	v10 =	vmov s18  }
0x25: {  	s11 =	sadd.s32 s17, s10;
	v11 =	vmov s13;
	v14 =	vmov s28;
	v15 =	vmov s30  }
0x26: {  	s14 =	simm.s32 $0x8;
	s15 =	simm.s32 $0x0;
	s17 =	simm.s32 $0xC;
	v5 =	vshll.u32 v2, $0x3;
	v8 =	vshll.u32 v4, $0x3;
	v4 =	vand.u32 $0x7E, v4  }
0x27: {  	s16 =	simm.s32 $0xD;
	v12 =	vmov s14;
	v13 =	vmov s15;
	v17 =	vmov s17  }
0x28: {  	s11 =	smul.u32 $0x187000, s11;
	v18 =	vmov s16;
	v20 =	vshll.u32 v3, $0x3;
	v21 =	vshll.u32 v6, $0x3  }
0x29: {  	s18 =	rddreg [dreg:$0x19];
	v22 =	vshll.u32 v7, $0x3;
	v23 =	vshll.u32 v9, $0x3;
	v24 =	vshll.u32 v10, $0x3  }
0x2a: {  	s19 =	simm.s32 $0x7;
	v25 =	vshll.u32 v11, $0x3;
	v28 =	vshll.u32 v14, $0x3;
	v8 =	vand.u32 $0x7FFFFC00, v8;
	s12 =	sadd.s32 s18, s11  }
0x2b: {  	v29 =	vshll.u32 v15, $0x3;
	v4 =	vor.u32 v4, v8;
	v8 =	vmov s19;
	s19 =	sshrl.u32 s12, $0x3  }
0x2c: {  	v3 =	vand.u32 $0x71, v3;
	v6 =	vand.u32 $0x72, v6;
	v7 =	vand.u32 $0x73, v7;
	s9 =	sadd.s32 s3, s19  }
0x2d: {  	v9 =	vand.u32 $0x74, v9;
	v10 =	vand.u32 $0x75, v10;
	v11 =	vand.u32 $0x76, v11;
	[tilespmem:s4], [sflag:$0x1] =	stream.linear.gather [hbm4b:s9+s4], $0x2000, $0x38;
	[tilespmem:$0x11600] =	vst v63  }
0x2e: {  	s28 =	rddreg [dreg:$0x5];
	s14 =	simm.s32 $0xB;
	v14 =	vand.u32 $0x79, v14;
	v15 =	vand.u32 $0x7A, v15;
	v2 =	vand.u32 $0x7F, v2;
	s9 =	sadd.s32 $0x18700, s9  }
0x2f: {  	v16 =	vmov s14;
	v19 =	vshll.u32 v13, $0x3;
	v27 =	vshll.u32 v12, $0x3;
	[tilespmem:s1], [sflag:$0x1] =	stream.linear.gather [hbm4b:s9+s4], $0x2000, $0x38;
	[tilespmem:$0x11600] =	vst v63  }
0x30: {  	v31 =	vshll.u32 v17, $0x3;
	v32 =	vshll.u32 v18, $0x3;
	v20 =	vand.u32 $0x1C00, v20;
	s9 =	sadd.s32 s28, s11  }
0x31: {  	v21 =	vand.u32 $0x1C00, v21;
	v22 =	vand.u32 $0x1C00, v22;
	v23 =	vand.u32 $0x1C00, v23;
	s9 =	sshrl.u32 s9, $0x3  }
0x32: {  	v24 =	vand.u32 $0x1C00, v24;
	v28 =	vand.u32 $0x7FFFFC00, v28;
	v29 =	vand.u32 $0x7FFFFC00, v29;
	s9 =	sadd.s32 s3, s9  }
0x33: {  	v25 =	vand.u32 $0x1C00, v25;
	v13 =	vand.u32 $0x70, v13;
	v12 =	vand.u32 $0x78, v12;
	[tilespmem:s0], [sflag:$0x2] =	stream.linear.gather [hbm4b:s9+s4], $0x2000, $0x38;
	[tilespmem:$0x11600] =	vst v63  }
0x34: {  	s30 =	simm.s32 $0x6000;
	v17 =	vand.u32 $0x7C, v17;
	v18 =	vand.u32 $0x7D, v18;
	v5 =	vand.u32 $0x7FFFFC00, v5;
	s9 =	sadd.s32 $0x18700, s9  }
0x35: {  	v30 =	vshll.u32 v16, $0x3;
	v19 =	vand.u32 $0x1C00, v19;
	v27 =	vand.u32 $0x1C00, v27;
	[tilespmem:s30], [sflag:$0x2] =	stream.linear.gather [hbm4b:s9+s4], $0x2000, $0x38;
	[tilespmem:$0x11600] =	vst v63  }
0x36: {  	v31 =	vand.u32 $0x7FFFFC00, v31;
	v32 =	vand.u32 $0x7FFFFC00, v32;
	v16 =	vand.u32 $0x7B, v16;
	_ =	swait.ge [sflag:s20], $0x2000  }
0x37: {  	v3 =	vor.u32 v20, v3;
	v6 =	vor.u32 v21, v6;
	v4 =	vadd.s32 v0, v4;
	[sflag:s20] =	ssyncset.done $0x0  }
0x38: {  	v7 =	vor.u32 v22, v7;
	v9 =	vor.u32 v23, v9;
	v10 =	vor.u32 v24, v10;
	[sflag:s20] =	ssyncadd.s32 $0xFFFFE000  }
0x39: {  	v60 =	vor.u32 v14, v28;
	v61 =	vor.u32 v15, v29;
	v26 =	vshll.u32 v8, $0x3;
	_ =	swait.ge [sflag:s20], $0x2000  }
0x3a: {  	v30 =	vand.u32 $0x7FFFFC00, v30;
	v8 =	vand.u32 $0x77, v8;
	v13 =	vor.u32 v19, v13;
	[sflag:s20] =	ssyncset.done $0x0  }
0x3b: {  	v19 =	vor.u32 v25, v11;
	v59 =	vor.u32 v27, v12;
	v63 =	vor.u32 v17, v31;
	[sflag:s20] =	ssyncadd.s32 $0xFFFFE000  }
0x3c: {  	v15 =	vor.u32 v18, v32;
	v14 =	vor.u32 v0, v6;
	v12 =	vor.u32 v0, v7;
	v4 =	vld.idx.msk [tilespmem:v4+s4+$0x0], $0xffff  }
0x3d: {  	v11 =	vor.u32 v0, v9;
	v10 =	vor.u32 v0, v10;
	v17 =	vor.u32 v0, v13  }
0x3e: {  	v6 =	vadd.s32 v0, v60;
	v62 =	vor.u32 v16, v30;
	v16 =	vor.u32 v0, v3  }
0x3f: {  	v26 =	vand.u32 $0x1C00, v26;
	v13 =	vor.u32 v2, v5;
	v9 =	vor.u32 v0, v19  }
0x40: {  	s12 =	simm.s32 $0x8080;
	v7 =	vor.u32 v0, v59;
	v5 =	vadd.s32 v0, v61;
	v8 =	vor.u32 v26, v8  }
0x41: {  	s13 =	simm.s32 $0x0;
	s14 =	simm.s32 $0x1F;
	v3 =	vadd.s32 v0, v63;
	v8 =	vor.u32 v0, v8;
	s9 =	simm.s32 $0x8080;
	[tilespmem:s12+$0x60] =	vst v4;
	v4 =	vadd.s32 v0, v62  }
.LBB2_3:
0x42: {  	s15 =	sadd.s32 $0xFFFFFFF2, s14;
	s16 =	sadd.s32 $0xFFFFFFFF, s14;
	v2 =	vmov s14;
	s13 =	sadd.s32 $0x2, s13;
	v17 =	vld.idx.msk [tilespmem:v17+s4+$0x0], $0xffff;
	v15 =	vadd.s32 v0, v15;
	v13 =	vadd.s32 v0, v13  }
0x43: {  	s17 =	sadd.s32 $0xFFFFFFF4, s14;
	v18 =	vmov s15;
	s15 =	sadd.s32 $0xFFFFFFF3, s14;
	v19 =	vmov s16;
	v20 =	vshll.u32 v2, $0x3;
	p1 =	slt.u32 s13, $0x7E;
	v16 =	vld.idx.msk [tilespmem:v16+s4+$0x0], $0xffff  }
0x44: {  	v22 =	vmov s17;
	s16 =	sadd.s32 $0xFFFFFFF6, s14;
	s17 =	sadd.s32 $0xFFFFFFF7, s14;
	v21 =	vmov s15;
	s15 =	sadd.s32 $0xFFFFFFF5, s14;
	v23 =	vshll.u32 v19, $0x3;
	v14 =	vld.idx.msk [tilespmem:v14+s4+$0x0], $0xffff  }
0x45: {  	s18 =	sadd.s32 $0xFFFFFFF9, s14;
	s28 =	sadd.s32 $0xFFFFFFFA, s14;
	v19 =	vand.u32 $0x7E, v19;
	v24 =	vmov s15;
	s15 =	sadd.s32 $0xFFFFFFF8, s14;
	v23 =	vand.u32 $0x7FFFFC00, v23;
	v12 =	vld.idx.msk [tilespmem:v12+s4+$0x0], $0xffff  }
0x46: {  	s30 =	sadd.s32 $0xFFFFFFFD, s14;
	v25 =	vmov s16;
	v26 =	vmov s17;
	s16 =	sadd.s32 $0xFFFFFFFB, s14;
	s17 =	sadd.s32 $0xFFFFFFFC, s14;
	v19 =	vor.u32 v19, v23;
	v11 =	vld.idx.msk [tilespmem:v11+s4+$0x0], $0xffff  }
0x47: {  	s19 =	sadd.s32 $0xFFFFFFF1, s14;
	v27 =	vmov s18;
	v23 =	vmov s15;
	s15 =	sadd.s32 $0xFFFFFFFE, s14;
	v19 =	vadd.s32 v0, v19;
	v10 =	vld.idx.msk [tilespmem:v10+s4+$0x0], $0xffff  }
0x48: {  	v28 =	vmov s19;
	v29 =	vmov s28;
	v30 =	vmov s16;
	v9 =	vld.idx.msk [tilespmem:v9+s4+$0x0], $0xffff  }
0x49: {  	v32 =	vmov s30;
	v31 =	vmov s17;
	v33 =	vmov s15;
	v8 =	vld.idx.msk [tilespmem:v8+s4+$0x0], $0xffff  }
0x4a: {  	v34 =	vshll.u32 v28, $0x3;
	v35 =	vshll.u32 v18, $0x3;
	v36 =	vshll.u32 v21, $0x3;
	[tilespmem:s12+$0xFFFFFF80] =	vst v17;
	v7 =	vld.idx.msk [tilespmem:v7+s4+$0x0], $0xffff  }
0x4b: {  	v38 =	vshll.u32 v25, $0x3;
	v37 =	vshll.u32 v24, $0x3;
	v17 =	vshll.u32 v22, $0x3;
	[tilespmem:s12+$0xFFFFFF90] =	vst v16;
	v6 =	vld.idx.msk [tilespmem:v6+s4+$0x0], $0xffff  }
0x4c: {  	v40 =	vshll.u32 v27, $0x3;
	v39 =	vshll.u32 v23, $0x3;
	v16 =	vshll.u32 v26, $0x3;
	v19 =	vld.idx.msk [tilespmem:v19+s4+$0x0], $0xffff;
	[tilespmem:s12+$0xFFFFFFA0] =	vst v14  }
0x4d: {  	v41 =	vshll.u32 v30, $0x3;
	v42 =	vshll.u32 v31, $0x3;
	v14 =	vshll.u32 v29, $0x3;
	[tilespmem:s12+$0xFFFFFFB0] =	vst v12;
	v5 =	vld.idx.msk [tilespmem:v5+s4+$0x0], $0xffff  }
0x4e: {  	v43 =	vshll.u32 v33, $0x3;
	v12 =	vand.u32 $0x1C00, v34;
	v34 =	vshll.u32 v32, $0x3;
	[tilespmem:s12+$0xFFFFFFC0] =	vst v11;
	v4 =	vld.idx.msk [tilespmem:v4+s4+$0x0], $0xffff  }
0x4f: {  	v17 =	vand.u32 $0x1C00, v17;
	v11 =	vand.u32 $0x1C00, v35;
	v35 =	vand.u32 $0x1C00, v36;
	[tilespmem:s12+$0xFFFFFFD0] =	vst v10;
	v3 =	vld.idx.msk [tilespmem:v3+s4+$0x0], $0xffff  }
0x50: {  	v16 =	vand.u32 $0x1C00, v16;
	v36 =	vand.u32 $0x1C00, v38;
	v10 =	vand.u32 $0x1C00, v37;
	[tilespmem:s12+$0xFFFFFFE0] =	vst v9;
	v9 =	vld.idx.msk [tilespmem:v15+s4+$0x0], $0xffff  }
0x51: {  	v14 =	vand.u32 $0x7FFFFC00, v14;
	v37 =	vand.u32 $0x1C00, v40;
	v15 =	vand.u32 $0x1C00, v39;
	s12 =	sadd.s32 $0x100, s12;
	[tilespmem:s9+$0xFFFFFFF0] =	vst v8;
	v8 =	vld.idx.msk [tilespmem:v13+s4+$0x0], $0xffff  }
0x52: {  	v38 =	vand.u32 $0x7FFFFC00, v42;
	v34 =	vand.u32 $0x7FFFFC00, v34;
	v13 =	vand.u32 $0x7FFFFC00, v41;
	[tilespmem:s12+$0x60] =	vst v19  }
0x53: {  	v18 =	vand.u32 $0x71, v18;
	v19 =	vand.u32 $0x70, v28;
	v28 =	vand.u32 $0x7FFFFC00, v43;
	[tilespmem:s9+$0x0] =	vst v7  }
0x54: {  	v7 =	vand.u32 $0x72, v21;
	v21 =	vand.u32 $0x73, v22;
	v22 =	vand.u32 $0x74, v24;
	[tilespmem:s9+$0x10] =	vst v6  }
0x55: {  	v23 =	vand.u32 $0x77, v23;
	v24 =	vand.u32 $0x76, v26;
	v6 =	vand.u32 $0x75, v25;
	[tilespmem:s9+$0x20] =	vst v5  }
0x56: {  	v26 =	vand.u32 $0x7A, v30;
	v25 =	vand.u32 $0x79, v29;
	v5 =	vand.u32 $0x78, v27;
	[tilespmem:s9+$0x30] =	vst v4  }
0x57: {  	v29 =	vand.u32 $0x7D, v33;
	v27 =	vand.u32 $0x7C, v32;
	v4 =	vand.u32 $0x7B, v31;
	[tilespmem:s9+$0x40] =	vst v3  }
0x58: {  	v2 =	vand.u32 $0x7F, v2;
	v3 =	vor.u32 v12, v19;
	v12 =	vand.u32 $0x7FFFFC00, v20;
	[tilespmem:s9+$0x50] =	vst v9  }
0x59: {  	v7 =	vor.u32 v35, v7;
	v9 =	vor.u32 v11, v18;
	v11 =	vor.u32 v17, v21;
	[tilespmem:s9+$0x70] =	vst v8;
	s9 =	smov.u32 s12  }
0x5a: {  	v6 =	vor.u32 v36, v6;
	v18 =	vor.u32 v16, v24;
	v8 =	vor.u32 v10, v22  }
0x5b: {  	v5 =	vor.u32 v37, v5;
	v19 =	vor.u32 v15, v23;
	v20 =	vor.u32 v25, v14  }
0x5c: {  	v4 =	vor.u32 v4, v38;
	v21 =	vor.u32 v26, v13;
	v22 =	vor.u32 v27, v34  }
.Ltmp0:
0x5d: {  	v15 =	vor.u32 v29, v28;
	v17 =	vor.u32 v0, v3;
	v13 =	vor.u32 v2, v12;
	(pc) =	sbr.rel @p1 .LBB2_3-.Ltmp0, $4  }
0x5e: {  	v14 =	vor.u32 v0, v7;
	v16 =	vor.u32 v0, v9;
	v12 =	vor.u32 v0, v11  }
0x5f: {  	v10 =	vor.u32 v0, v6;
	v9 =	vor.u32 v0, v18;
	v11 =	vor.u32 v0, v8  }
0x60: {  	v7 =	vor.u32 v0, v5;
	v6 =	vadd.s32 v0, v20;
	v8 =	vor.u32 v0, v19  }
0x61: {  	s14 =	sadd.s32 $0x10, s14;
	v4 =	vadd.s32 v0, v4;
	v5 =	vadd.s32 v0, v21;
	v3 =	vadd.s32 v0, v22  }
0x62: {  	_ =	sdelay $0x3  }
0x63: {  	v2 =	vld.idx.msk [tilespmem:v17+s4+$0x0], $0xffff  }
0x64: {  	v16 =	vld.idx.msk [tilespmem:v16+s4+$0x0], $0xffff  }
0x65: {  	v14 =	vld.idx.msk [tilespmem:v14+s4+$0x0], $0xffff  }
0x66: {  	v12 =	vld.idx.msk [tilespmem:v12+s4+$0x0], $0xffff  }
0x67: {  	v11 =	vld.idx.msk [tilespmem:v11+s4+$0x0], $0xffff  }
0x68: {  	v10 =	vld.idx.msk [tilespmem:v10+s4+$0x0], $0xffff;
	s17 =	simm.s32 $0x6  }
0x69: {  	v9 =	vld.idx.msk [tilespmem:v9+s4+$0x0], $0xffff;
	v18 =	vmov s17;
	s17 =	simm.s32 $0xD;
	[tilespmem:s12+$0xFFFFFF80] =	vst v2  }
0x6a: {  	v7 =	vld.idx.msk [tilespmem:v7+s4+$0x0], $0xffff;
	v22 =	vmov s17;
	[tilespmem:s12+$0xFFFFFF90] =	vst v16  }
0x6b: {  	v5 =	vld.idx.msk [tilespmem:v5+s4+$0x0], $0xffff;
	v32 =	vshll.u32 v22, $0x3;
	[tilespmem:s12+$0xFFFFFFA0] =	vst v14  }
0x6c: {  	s13 =	simm.s32 $0xF;
	v13 =	vadd.s32 v0, v13;
	s14 =	simm.s32 $0x1;
	v3 =	vld.idx.msk [tilespmem:v3+s4+$0x0], $0xffff;
	v22 =	vand.u32 $0x7D, v22;
	v32 =	vand.u32 $0x7FFFFC00, v32;
	[tilespmem:s12+$0xFFFFFFB0] =	vst v12  }
0x6d: {  	s15 =	simm.s32 $0xE;
	s28 =	simm.s32 $0x2;
	s30 =	simm.s32 $0x3;
	v2 =	vld.idx.msk [tilespmem:v8+s4+$0x0], $0xffff;
	v8 =	vadd.s32 v0, v15;
	v12 =	vmov s13;
	[tilespmem:s12+$0xFFFFFFC0] =	vst v11;
	v11 =	vmov s14  }
0x6e: {  	v14 =	vmov s15;
	[tilespmem:s12+$0xFFFFFFD0] =	vst v10;
	v10 =	vmov s28;
	v16 =	vmov s30;
	s15 =	simm.s32 $0x4  }
0x6f: {  	v4 =	vld.idx.msk [tilespmem:v4+s4+$0x0], $0xffff;
	s18 =	simm.s32 $0x7;
	[tilespmem:s12+$0xFFFFFFE0] =	vst v9;
	s28 =	simm.s32 $0x9;
	v15 =	vshll.u32 v12, $0x3;
	v17 =	vshll.u32 v14, $0x3;
	v9 =	vmov s15  }
0x70: {  	v6 =	vld.idx.msk [tilespmem:v6+s4+$0x0], $0xffff;
	s30 =	simm.s32 $0xA;
	v14 =	vand.u32 $0x7E, v14;
	[tilespmem:s9+$0x0] =	vst v7;
	v7 =	vmov s18;
	v19 =	vmov s28  }
0x71: {  	v20 =	vmov s30;
	v23 =	vshll.u32 v11, $0x3;
	v24 =	vshll.u32 v10, $0x3  }
0x72: {  	v13 =	vld.idx.msk [tilespmem:v13+s4+$0x0], $0xffff;
	[tilespmem:s9+$0x40] =	vst v3;
	s15 =	simm.s32 $0xB;
	v3 =	vshll.u32 v16, $0x3;
	v11 =	vand.u32 $0x71, v11;
	v10 =	vand.u32 $0x72, v10  }
0x73: {  	[tilespmem:s9+$0x20] =	vst v5;
	s18 =	simm.s32 $0xC;
	v16 =	vand.u32 $0x73, v16;
	v17 =	vand.u32 $0x7FFFFC00, v17;
	v5 =	vmov s15;
	v8 =	vld.idx.msk [tilespmem:v8+s4+$0x0], $0xffff  }
0x74: {  	s19 =	simm.s32 $0x8;
	[tilespmem:s9+$0x30] =	vst v4;
	v21 =	vmov s18;
	v25 =	vshll.u32 v9, $0x3;
	v27 =	vshll.u32 v7, $0x3  }
0x75: {  	[tilespmem:s9+$0x10] =	vst v6;
	v29 =	vshll.u32 v20, $0x3;
	v14 =	vor.u32 v14, v17;
	v17 =	vmov s19;
	s19 =	rddreg [dreg:$0x6]  }
0x76: {  	v23 =	vand.u32 $0x1C00, v23;
	v24 =	vand.u32 $0x1C00, v24;
	v3 =	vand.u32 $0x1C00, v3;
	s12 =	sadd.s32 s19, s11;
	[tilespmem:s9+$0xFFFFFFF0] =	vst v2  }
0x77: {  	s30 =	rddreg [dreg:$0x7];
	v9 =	vand.u32 $0x74, v9;
	v7 =	vand.u32 $0x77, v7;
	v20 =	vand.u32 $0x7A, v20;
	s12 =	sshrl.u32 s12, $0x3;
	[tilespmem:s9+$0x70] =	vst v13  }
0x78: {  	v30 =	vshll.u32 v5, $0x3;
	v25 =	vand.u32 $0x1C00, v25;
	v27 =	vand.u32 $0x1C00, v27;
	s28 =	sadd.s32 s7, s12;
	[tilespmem:s9+$0x50] =	vst v8;
	s9 =	sadd.s32 s30, s11  }
0x79: {  	v31 =	vshll.u32 v21, $0x3;
	v29 =	vand.u32 $0x7FFFFC00, v29;
	v5 =	vand.u32 $0x7B, v5;
	[hbm4b:s28+s4] =	stream.linear.scatter [tilespmem:s21], [sflag:$0x3], $0x4000, $0x38;
	[tilespmem:$0x11600] =	vst v63  }
0x7a: {  	v21 =	vand.u32 $0x7C, v21;
	v11 =	vor.u32 v23, v11;
	v10 =	vor.u32 v24, v10;
	s9 =	sshrl.u32 s9, $0x3  }
0x7b: {  	v3 =	vor.u32 v3, v16;
	v14 =	vadd.s32 v0, v14;
	v28 =	vshll.u32 v17, $0x3;
	s9 =	sadd.s32 s3, s9  }
0x7c: {  	v30 =	vand.u32 $0x7FFFFC00, v30;
	v31 =	vand.u32 $0x7FFFFC00, v31;
	v17 =	vand.u32 $0x78, v17;
	[tilespmem:s4], [sflag:$0x1] =	stream.linear.gather [hbm4b:s9+s4], $0x2000, $0x38;
	[tilespmem:$0x11600] =	vst v63  }
0x7d: {  	s16 =	simm.s32 $0x5;
	v9 =	vor.u32 v25, v9;
	v7 =	vor.u32 v27, v7;
	v20 =	vor.u32 v20, v29;
	s9 =	sadd.s32 $0x18700, s9  }
0x7e: {  	v16 =	vor.u32 v0, v11;
	v2 =	vmov s16;
	v13 =	vshll.u32 v19, $0x3;
	[tilespmem:s1], [sflag:$0x1] =	stream.linear.gather [hbm4b:s9+s4], $0x2000, $0x38;
	[tilespmem:$0x11600] =	vst v63  }
0x7f: {  	v28 =	vand.u32 $0x1C00, v28;
	v19 =	vand.u32 $0x79, v19;
	v63 =	vor.u32 v5, v30;
	_ =	swait.ge [sflag:s22], $0x2000  }
0x80: {  	s16 =	simm.s32 $0x0;
	v21 =	vor.u32 v21, v31;
	v11 =	vor.u32 v0, v9;
	v5 =	vadd.s32 v0, v20;
	[sflag:s22] =	ssyncset.done $0x0  }
0x81: {  	v6 =	vmov s16;
	v26 =	vshll.u32 v2, $0x3;
	v13 =	vand.u32 $0x7FFFFC00, v13;
	[sflag:s22] =	ssyncadd.s32 $0xFFFFE000  }
0x82: {  	v2 =	vand.u32 $0x75, v2;
	v4 =	vshll.u32 v6, $0x3;
	v26 =	vand.u32 $0x1C00, v26;
	_ =	swait.ge [sflag:s22], $0x2000  }
0x83: {  	v6 =	vand.u32 $0x70, v6;
	v19 =	vor.u32 v19, v13;
	v4 =	vand.u32 $0x1C00, v4;
	[sflag:s22] =	ssyncset.done $0x0  }
0x84: {  	v4 =	vor.u32 v4, v6;
	v6 =	vand.u32 $0x7F, v12;
	v8 =	vshll.u32 v18, $0x3;
	[sflag:s22] =	ssyncadd.s32 $0xFFFFE000  }
0x85: {  	v12 =	vand.u32 $0x7FFFFC00, v15;
	v18 =	vand.u32 $0x76, v18;
	v8 =	vand.u32 $0x1C00, v8;
	v62 =	vld.idx.msk [tilespmem:v14+s0+$0x0], $0xffff  }
0x86: {  	v8 =	vor.u32 v8, v18;
	v18 =	vor.u32 v28, v17;
	v17 =	vor.u32 v0, v4  }
0x87: {  	v2 =	vor.u32 v26, v2;
	v15 =	vor.u32 v22, v32;
	v13 =	vor.u32 v6, v12  }
0x88: {  	v12 =	vor.u32 v0, v3;
	v6 =	vadd.s32 v0, v19;
	v14 =	vor.u32 v0, v10  }
0x89: {  	s12 =	simm.s32 $0xC080;
	v3 =	vadd.s32 v0, v21;
	v4 =	vadd.s32 v0, v63;
	v9 =	vor.u32 v0, v8  }
0x8a: {  	s13 =	simm.s32 $0x0;
	s14 =	simm.s32 $0x1F;
	v8 =	vor.u32 v0, v7;
	v7 =	vor.u32 v0, v18;
	s9 =	simm.s32 $0xC080;
	v10 =	vor.u32 v0, v2;
	[tilespmem:s12+$0x60] =	vst v62  }
.LBB2_5:
0x8b: {  	s15 =	sadd.s32 $0xFFFFFFF2, s14;
	s16 =	sadd.s32 $0xFFFFFFFF, s14;
	v2 =	vmov s14;
	s13 =	sadd.s32 $0x2, s13;
	v17 =	vld.idx.msk [tilespmem:v17+s0+$0x0], $0xffff;
	v15 =	vadd.s32 v0, v15;
	v13 =	vadd.s32 v0, v13  }
0x8c: {  	s17 =	sadd.s32 $0xFFFFFFF4, s14;
	v18 =	vmov s15;
	s15 =	sadd.s32 $0xFFFFFFF3, s14;
	v19 =	vmov s16;
	v20 =	vshll.u32 v2, $0x3;
	p1 =	slt.u32 s13, $0x7E;
	v16 =	vld.idx.msk [tilespmem:v16+s0+$0x0], $0xffff  }
0x8d: {  	v22 =	vmov s17;
	s16 =	sadd.s32 $0xFFFFFFF6, s14;
	s17 =	sadd.s32 $0xFFFFFFF7, s14;
	v21 =	vmov s15;
	s15 =	sadd.s32 $0xFFFFFFF5, s14;
	v23 =	vshll.u32 v19, $0x3;
	v14 =	vld.idx.msk [tilespmem:v14+s0+$0x0], $0xffff  }
0x8e: {  	s18 =	sadd.s32 $0xFFFFFFF9, s14;
	s19 =	sadd.s32 $0xFFFFFFFA, s14;
	v19 =	vand.u32 $0x7E, v19;
	v24 =	vmov s15;
	s15 =	sadd.s32 $0xFFFFFFF8, s14;
	v23 =	vand.u32 $0x7FFFFC00, v23;
	v12 =	vld.idx.msk [tilespmem:v12+s0+$0x0], $0xffff  }
0x8f: {  	s28 =	sadd.s32 $0xFFFFFFFD, s14;
	v25 =	vmov s16;
	v26 =	vmov s17;
	s16 =	sadd.s32 $0xFFFFFFFB, s14;
	s17 =	sadd.s32 $0xFFFFFFFC, s14;
	v19 =	vor.u32 v19, v23;
	v11 =	vld.idx.msk [tilespmem:v11+s0+$0x0], $0xffff  }
0x90: {  	s30 =	sadd.s32 $0xFFFFFFF1, s14;
	v27 =	vmov s18;
	v23 =	vmov s15;
	s15 =	sadd.s32 $0xFFFFFFFE, s14;
	v19 =	vadd.s32 v0, v19;
	v10 =	vld.idx.msk [tilespmem:v10+s0+$0x0], $0xffff  }
0x91: {  	v28 =	vmov s30;
	v29 =	vmov s19;
	v30 =	vmov s16;
	v9 =	vld.idx.msk [tilespmem:v9+s0+$0x0], $0xffff  }
0x92: {  	v32 =	vmov s28;
	v31 =	vmov s17;
	v33 =	vmov s15;
	v8 =	vld.idx.msk [tilespmem:v8+s0+$0x0], $0xffff  }
0x93: {  	v34 =	vshll.u32 v28, $0x3;
	v35 =	vshll.u32 v18, $0x3;
	v36 =	vshll.u32 v21, $0x3;
	[tilespmem:s12+$0xFFFFFF80] =	vst v17;
	v7 =	vld.idx.msk [tilespmem:v7+s0+$0x0], $0xffff  }
0x94: {  	v38 =	vshll.u32 v25, $0x3;
	v37 =	vshll.u32 v24, $0x3;
	v17 =	vshll.u32 v22, $0x3;
	[tilespmem:s12+$0xFFFFFF90] =	vst v16;
	v6 =	vld.idx.msk [tilespmem:v6+s0+$0x0], $0xffff  }
0x95: {  	v40 =	vshll.u32 v27, $0x3;
	v39 =	vshll.u32 v23, $0x3;
	v16 =	vshll.u32 v26, $0x3;
	v19 =	vld.idx.msk [tilespmem:v19+s0+$0x0], $0xffff;
	[tilespmem:s12+$0xFFFFFFA0] =	vst v14  }
0x96: {  	v41 =	vshll.u32 v30, $0x3;
	v42 =	vshll.u32 v31, $0x3;
	v14 =	vshll.u32 v29, $0x3;
	[tilespmem:s12+$0xFFFFFFB0] =	vst v12;
	v5 =	vld.idx.msk [tilespmem:v5+s0+$0x0], $0xffff  }
0x97: {  	v43 =	vshll.u32 v33, $0x3;
	v12 =	vand.u32 $0x1C00, v34;
	v34 =	vshll.u32 v32, $0x3;
	[tilespmem:s12+$0xFFFFFFC0] =	vst v11;
	v4 =	vld.idx.msk [tilespmem:v4+s0+$0x0], $0xffff  }
0x98: {  	v17 =	vand.u32 $0x1C00, v17;
	v11 =	vand.u32 $0x1C00, v35;
	v35 =	vand.u32 $0x1C00, v36;
	[tilespmem:s12+$0xFFFFFFD0] =	vst v10;
	v3 =	vld.idx.msk [tilespmem:v3+s0+$0x0], $0xffff  }
0x99: {  	v16 =	vand.u32 $0x1C00, v16;
	v36 =	vand.u32 $0x1C00, v38;
	v10 =	vand.u32 $0x1C00, v37;
	[tilespmem:s12+$0xFFFFFFE0] =	vst v9;
	v9 =	vld.idx.msk [tilespmem:v15+s0+$0x0], $0xffff  }
0x9a: {  	v14 =	vand.u32 $0x7FFFFC00, v14;
	v37 =	vand.u32 $0x1C00, v40;
	v15 =	vand.u32 $0x1C00, v39;
	s12 =	sadd.s32 $0x100, s12;
	[tilespmem:s9+$0xFFFFFFF0] =	vst v8;
	v8 =	vld.idx.msk [tilespmem:v13+s0+$0x0], $0xffff  }
0x9b: {  	v38 =	vand.u32 $0x7FFFFC00, v42;
	v34 =	vand.u32 $0x7FFFFC00, v34;
	v13 =	vand.u32 $0x7FFFFC00, v41;
	[tilespmem:s12+$0x60] =	vst v19  }
0x9c: {  	v18 =	vand.u32 $0x71, v18;
	v19 =	vand.u32 $0x70, v28;
	v28 =	vand.u32 $0x7FFFFC00, v43;
	[tilespmem:s9+$0x0] =	vst v7  }
0x9d: {  	v7 =	vand.u32 $0x72, v21;
	v21 =	vand.u32 $0x73, v22;
	v22 =	vand.u32 $0x74, v24;
	[tilespmem:s9+$0x10] =	vst v6  }
0x9e: {  	v23 =	vand.u32 $0x77, v23;
	v24 =	vand.u32 $0x76, v26;
	v6 =	vand.u32 $0x75, v25;
	[tilespmem:s9+$0x20] =	vst v5  }
0x9f: {  	v26 =	vand.u32 $0x7A, v30;
	v25 =	vand.u32 $0x79, v29;
	v5 =	vand.u32 $0x78, v27;
	[tilespmem:s9+$0x30] =	vst v4  }
0xa0: {  	v29 =	vand.u32 $0x7D, v33;
	v27 =	vand.u32 $0x7C, v32;
	v4 =	vand.u32 $0x7B, v31;
	[tilespmem:s9+$0x40] =	vst v3  }
0xa1: {  	v2 =	vand.u32 $0x7F, v2;
	v3 =	vor.u32 v12, v19;
	v12 =	vand.u32 $0x7FFFFC00, v20;
	[tilespmem:s9+$0x50] =	vst v9  }
0xa2: {  	v7 =	vor.u32 v35, v7;
	v9 =	vor.u32 v11, v18;
	v11 =	vor.u32 v17, v21;
	[tilespmem:s9+$0x70] =	vst v8;
	s9 =	smov.u32 s12  }
0xa3: {  	v6 =	vor.u32 v36, v6;
	v18 =	vor.u32 v16, v24;
	v8 =	vor.u32 v10, v22  }
0xa4: {  	v5 =	vor.u32 v37, v5;
	v19 =	vor.u32 v15, v23;
	v20 =	vor.u32 v25, v14  }
0xa5: {  	v4 =	vor.u32 v4, v38;
	v21 =	vor.u32 v26, v13;
	v22 =	vor.u32 v27, v34  }
.Ltmp1:
0xa6: {  	v15 =	vor.u32 v29, v28;
	v17 =	vor.u32 v0, v3;
	v13 =	vor.u32 v2, v12;
	(pc) =	sbr.rel @p1 .LBB2_5-.Ltmp1, $4  }
0xa7: {  	v14 =	vor.u32 v0, v7;
	v16 =	vor.u32 v0, v9;
	v12 =	vor.u32 v0, v11  }
0xa8: {  	v10 =	vor.u32 v0, v6;
	v9 =	vor.u32 v0, v18;
	v11 =	vor.u32 v0, v8  }
0xa9: {  	v7 =	vor.u32 v0, v5;
	v6 =	vadd.s32 v0, v20;
	v8 =	vor.u32 v0, v19  }
0xaa: {  	s14 =	sadd.s32 $0x10, s14;
	v4 =	vadd.s32 v0, v4;
	v5 =	vadd.s32 v0, v21;
	v3 =	vadd.s32 v0, v22  }
0xab: {  	_ =	sdelay $0x3  }
0xac: {  	v2 =	vld.idx.msk [tilespmem:v17+s0+$0x0], $0xffff  }
0xad: {  	v16 =	vld.idx.msk [tilespmem:v16+s0+$0x0], $0xffff  }
0xae: {  	v14 =	vld.idx.msk [tilespmem:v14+s0+$0x0], $0xffff  }
0xaf: {  	v12 =	vld.idx.msk [tilespmem:v12+s0+$0x0], $0xffff  }
0xb0: {  	v11 =	vld.idx.msk [tilespmem:v11+s0+$0x0], $0xffff  }
0xb1: {  	v10 =	vld.idx.msk [tilespmem:v10+s0+$0x0], $0xffff  }
0xb2: {  	v5 =	vld.idx.msk [tilespmem:v5+s0+$0x0], $0xffff;
	[tilespmem:s12+$0xFFFFFF80] =	vst v2  }
0xb3: {  	v4 =	vld.idx.msk [tilespmem:v4+s0+$0x0], $0xffff;
	[tilespmem:s12+$0xFFFFFF90] =	vst v16  }
0xb4: {  	v3 =	vld.idx.msk [tilespmem:v3+s0+$0x0], $0xffff;
	[tilespmem:s12+$0xFFFFFFA0] =	vst v14  }
0xb5: {  	s13 =	simm.s32 $0xF;
	v2 =	vld.idx.msk [tilespmem:v9+s0+$0x0], $0xffff;
	v9 =	vadd.s32 v0, v15;
	[tilespmem:s12+$0xFFFFFFB0] =	vst v12  }
0xb6: {  	v8 =	vld.idx.msk [tilespmem:v8+s0+$0x0], $0xffff;
	s15 =	simm.s32 $0xE;
	s18 =	simm.s32 $0x3;
	s30 =	simm.s32 $0x6;
	v12 =	vadd.s32 v0, v13;
	[tilespmem:s12+$0xFFFFFFD0] =	vst v10;
	v10 =	vmov s13  }
0xb7: {  	s16 =	simm.s32 $0x0;
	[tilespmem:s12+$0xFFFFFFC0] =	vst v11;
	v11 =	vmov s15;
	v14 =	vmov s18;
	v16 =	vmov s30  }
0xb8: {  	v7 =	vld.idx.msk [tilespmem:v7+s0+$0x0], $0xffff;
	s15 =	simm.s32 $0x7;
	s18 =	simm.s32 $0x9;
	[tilespmem:s9+$0x30] =	vst v4;
	v4 =	vmov s16;
	v13 =	vshll.u32 v10, $0x3;
	v15 =	vshll.u32 v11, $0x3  }
0xb9: {  	v6 =	vld.idx.msk [tilespmem:v6+s0+$0x0], $0xffff;
	[tilespmem:s9+$0x20] =	vst v5;
	s30 =	simm.s32 $0xC;
	v11 =	vand.u32 $0x7E, v11;
	v5 =	vmov s15;
	v17 =	vmov s18  }
0xba: {  	[tilespmem:s9+$0x40] =	vst v3;
	v19 =	vmov s30;
	v25 =	vshll.u32 v16, $0x3;
	v16 =	vand.u32 $0x76, v16;
	v9 =	vld.idx.msk [tilespmem:v9+s0+$0x0], $0xffff  }
0xbb: {  	v15 =	vand.u32 $0x7FFFFC00, v15;
	v26 =	vshll.u32 v5, $0x3;
	v28 =	vshll.u32 v17, $0x3;
	[tilespmem:s12+$0xFFFFFFE0] =	vst v2;
	v12 =	vld.idx.msk [tilespmem:v12+s0+$0x0], $0xffff  }
0xbc: {  	v31 =	vshll.u32 v19, $0x3;
	v25 =	vand.u32 $0x1C00, v25;
	v5 =	vand.u32 $0x77, v5;
	[tilespmem:s9+$0xFFFFFFF0] =	vst v8  }
0xbd: {  	s14 =	simm.s32 $0x1;
	s28 =	simm.s32 $0x5;
	s16 =	rddreg [dreg:$0x8];
	v17 =	vand.u32 $0x79, v17;
	v19 =	vand.u32 $0x7C, v19;
	v11 =	vor.u32 v11, v15;
	[tilespmem:s9+$0x0] =	vst v7  }
0xbe: {  	s19 =	simm.s32 $0x4;
	s13 =	sadd.s32 s16, s11;
	v26 =	vand.u32 $0x1C00, v26;
	v28 =	vand.u32 $0x7FFFFC00, v28;
	[tilespmem:s9+$0x10] =	vst v6;
	v6 =	vmov s28;
	s28 =	simm.s32 $0xB  }
0xbf: {  	s18 =	sshrl.u32 s13, $0x3;
	v31 =	vand.u32 $0x7FFFFC00, v31;
	v7 =	vmov s19;
	s19 =	simm.s32 $0xA;
	v3 =	vmov s28;
	s28 =	rddreg [dreg:$0x9];
	[tilespmem:s9+$0x50] =	vst v9  }
0xc0: {  	s17 =	simm.s32 $0x2;
	v60 =	vor.u32 v25, v16;
	v11 =	vadd.s32 v0, v11;
	v18 =	vmov s19;
	s19 =	sadd.s32 s7, s18;
	[tilespmem:s9+$0x70] =	vst v12;
	s9 =	sadd.s32 s28, s11  }
0xc1: {  	v5 =	vor.u32 v26, v5;
	v62 =	vor.u32 v17, v28;
	v2 =	vmov s14;
	[hbm4b:s19+s4] =	stream.linear.scatter [tilespmem:s24], [sflag:$0x3], $0x4000, $0x38;
	[tilespmem:$0x11600] =	vst v63  }
0xc2: {  	v19 =	vor.u32 v19, v31;
	v8 =	vmov s17;
	s17 =	simm.s32 $0x8;
	v21 =	vshll.u32 v2, $0x3;
	s9 =	sshrl.u32 s9, $0x3  }
0xc3: {  	v2 =	vand.u32 $0x71, v2;
	v15 =	vmov s17;
	v22 =	vshll.u32 v8, $0x3;
	s9 =	sadd.s32 s3, s9  }
0xc4: {  	v23 =	vshll.u32 v7, $0x3;
	v24 =	vshll.u32 v6, $0x3;
	v21 =	vand.u32 $0x1C00, v21;
	[tilespmem:s0], [sflag:$0x2] =	stream.linear.gather [hbm4b:s9+s4], $0x2000, $0x38;
	[tilespmem:$0x11600] =	vst v63  }
0xc5: {  	s30 =	simm.s32 $0x6000;
	s17 =	simm.s32 $0xD;
	v8 =	vand.u32 $0x72, v8;
	v7 =	vand.u32 $0x74, v7;
	v6 =	vand.u32 $0x75, v6;
	s9 =	sadd.s32 $0x18700, s9  }
0xc6: {  	v20 =	vmov s17;
	v27 =	vshll.u32 v15, $0x3;
	v29 =	vshll.u32 v18, $0x3;
	[tilespmem:s30], [sflag:$0x2] =	stream.linear.gather [hbm4b:s9+s4], $0x2000, $0x38;
	[tilespmem:$0x11600] =	vst v63  }
0xc7: {  	v30 =	vshll.u32 v3, $0x3;
	v22 =	vand.u32 $0x1C00, v22;
	v23 =	vand.u32 $0x1C00, v23;
	_ =	swait.ge [sflag:s20], $0x2000  }
0xc8: {  	v24 =	vand.u32 $0x1C00, v24;
	v15 =	vand.u32 $0x78, v15;
	v18 =	vand.u32 $0x7A, v18;
	[sflag:s20] =	ssyncset.done $0x0  }
0xc9: {  	v3 =	vand.u32 $0x7B, v3;
	v2 =	vor.u32 v21, v2;
	v32 =	vshll.u32 v20, $0x3;
	[sflag:s20] =	ssyncadd.s32 $0xFFFFE000  }
0xca: {  	v27 =	vand.u32 $0x1C00, v27;
	v29 =	vand.u32 $0x7FFFFC00, v29;
	v30 =	vand.u32 $0x7FFFFC00, v30;
	_ =	swait.ge [sflag:s20], $0x2000  }
0xcb: {  	v20 =	vand.u32 $0x7D, v20;
	v8 =	vor.u32 v22, v8;
	v7 =	vor.u32 v23, v7;
	[sflag:s20] =	ssyncset.done $0x0  }
0xcc: {  	v6 =	vor.u32 v24, v6;
	v16 =	vor.u32 v0, v2;
	v9 =	vshll.u32 v4, $0x3;
	[sflag:s20] =	ssyncadd.s32 $0xFFFFE000  }
0xcd: {  	v12 =	vshll.u32 v14, $0x3;
	v4 =	vand.u32 $0x70, v4;
	v32 =	vand.u32 $0x7FFFFC00, v32;
	_ =	swait.ge [sflag:s25], $0x4000  }
0xce: {  	v14 =	vand.u32 $0x73, v14;
	v61 =	vor.u32 v27, v15;
	v18 =	vor.u32 v18, v29;
	[sflag:s25] =	ssyncset.done $0x0  }
0xcf: {  	v3 =	vor.u32 v3, v30;
	v9 =	vand.u32 $0x1C00, v9;
	v12 =	vand.u32 $0x1C00, v12;
	[sflag:s25] =	ssyncadd.s32 $0xFFFFC000  }
0xd0: {  	v15 =	vor.u32 v20, v32;
	v4 =	vor.u32 v9, v4;
	v9 =	vand.u32 $0x7F, v10;
	v63 =	vld.idx.msk [tilespmem:v11+s4+$0x0], $0xffff  }
0xd1: {  	v10 =	vand.u32 $0x7FFFFC00, v13;
	v12 =	vor.u32 v12, v14;
	v17 =	vor.u32 v0, v4  }
0xd2: {  	v14 =	vor.u32 v0, v8;
	v8 =	vor.u32 v0, v5;
	v5 =	vadd.s32 v0, v18  }
0xd3: {  	v13 =	vor.u32 v9, v10;
	v12 =	vor.u32 v0, v12;
	v10 =	vor.u32 v0, v6  }
0xd4: {  	s12 =	simm.s32 $0x8080;
	v9 =	vor.u32 v0, v60;
	v6 =	vadd.s32 v0, v62;
	v4 =	vadd.s32 v0, v3  }
0xd5: {  	s13 =	simm.s32 $0x0;
	s14 =	simm.s32 $0x1F;
	v3 =	vadd.s32 v0, v19;
	s9 =	simm.s32 $0x8080;
	v11 =	vor.u32 v0, v7;
	v7 =	vor.u32 v0, v61;
	[tilespmem:s12+$0x60] =	vst v63  }
.LBB2_7:
0xd6: {  	s15 =	sadd.s32 $0xFFFFFFF2, s14;
	s16 =	sadd.s32 $0xFFFFFFFF, s14;
	v2 =	vmov s14;
	s13 =	sadd.s32 $0x2, s13;
	v17 =	vld.idx.msk [tilespmem:v17+s4+$0x0], $0xffff;
	v15 =	vadd.s32 v0, v15;
	v13 =	vadd.s32 v0, v13  }
0xd7: {  	s17 =	sadd.s32 $0xFFFFFFF4, s14;
	v18 =	vmov s15;
	s15 =	sadd.s32 $0xFFFFFFF3, s14;
	v19 =	vmov s16;
	v20 =	vshll.u32 v2, $0x3;
	p1 =	slt.u32 s13, $0x7E;
	v16 =	vld.idx.msk [tilespmem:v16+s4+$0x0], $0xffff  }
0xd8: {  	v22 =	vmov s17;
	s16 =	sadd.s32 $0xFFFFFFF6, s14;
	s17 =	sadd.s32 $0xFFFFFFF7, s14;
	v21 =	vmov s15;
	s15 =	sadd.s32 $0xFFFFFFF5, s14;
	v23 =	vshll.u32 v19, $0x3;
	v14 =	vld.idx.msk [tilespmem:v14+s4+$0x0], $0xffff  }
0xd9: {  	s18 =	sadd.s32 $0xFFFFFFF9, s14;
	s19 =	sadd.s32 $0xFFFFFFFA, s14;
	v19 =	vand.u32 $0x7E, v19;
	v24 =	vmov s15;
	s15 =	sadd.s32 $0xFFFFFFF8, s14;
	v23 =	vand.u32 $0x7FFFFC00, v23;
	v12 =	vld.idx.msk [tilespmem:v12+s4+$0x0], $0xffff  }
0xda: {  	s28 =	sadd.s32 $0xFFFFFFFD, s14;
	v25 =	vmov s16;
	v26 =	vmov s17;
	s16 =	sadd.s32 $0xFFFFFFFB, s14;
	s17 =	sadd.s32 $0xFFFFFFFC, s14;
	v19 =	vor.u32 v19, v23;
	v11 =	vld.idx.msk [tilespmem:v11+s4+$0x0], $0xffff  }
0xdb: {  	s30 =	sadd.s32 $0xFFFFFFF1, s14;
	v27 =	vmov s18;
	v23 =	vmov s15;
	s15 =	sadd.s32 $0xFFFFFFFE, s14;
	v19 =	vadd.s32 v0, v19;
	v10 =	vld.idx.msk [tilespmem:v10+s4+$0x0], $0xffff  }
0xdc: {  	v28 =	vmov s30;
	v29 =	vmov s19;
	v30 =	vmov s16;
	v9 =	vld.idx.msk [tilespmem:v9+s4+$0x0], $0xffff  }
0xdd: {  	v32 =	vmov s28;
	v31 =	vmov s17;
	v33 =	vmov s15;
	v8 =	vld.idx.msk [tilespmem:v8+s4+$0x0], $0xffff  }
0xde: {  	v34 =	vshll.u32 v28, $0x3;
	v35 =	vshll.u32 v18, $0x3;
	v36 =	vshll.u32 v21, $0x3;
	[tilespmem:s12+$0xFFFFFF80] =	vst v17;
	v7 =	vld.idx.msk [tilespmem:v7+s4+$0x0], $0xffff  }
0xdf: {  	v38 =	vshll.u32 v25, $0x3;
	v37 =	vshll.u32 v24, $0x3;
	v17 =	vshll.u32 v22, $0x3;
	[tilespmem:s12+$0xFFFFFF90] =	vst v16;
	v6 =	vld.idx.msk [tilespmem:v6+s4+$0x0], $0xffff  }
0xe0: {  	v40 =	vshll.u32 v27, $0x3;
	v39 =	vshll.u32 v23, $0x3;
	v16 =	vshll.u32 v26, $0x3;
	v19 =	vld.idx.msk [tilespmem:v19+s4+$0x0], $0xffff;
	[tilespmem:s12+$0xFFFFFFA0] =	vst v14  }
0xe1: {  	v41 =	vshll.u32 v30, $0x3;
	v42 =	vshll.u32 v31, $0x3;
	v14 =	vshll.u32 v29, $0x3;
	[tilespmem:s12+$0xFFFFFFB0] =	vst v12;
	v5 =	vld.idx.msk [tilespmem:v5+s4+$0x0], $0xffff  }
0xe2: {  	v43 =	vshll.u32 v33, $0x3;
	v12 =	vand.u32 $0x1C00, v34;
	v34 =	vshll.u32 v32, $0x3;
	[tilespmem:s12+$0xFFFFFFC0] =	vst v11;
	v4 =	vld.idx.msk [tilespmem:v4+s4+$0x0], $0xffff  }
0xe3: {  	v17 =	vand.u32 $0x1C00, v17;
	v11 =	vand.u32 $0x1C00, v35;
	v35 =	vand.u32 $0x1C00, v36;
	[tilespmem:s12+$0xFFFFFFD0] =	vst v10;
	v3 =	vld.idx.msk [tilespmem:v3+s4+$0x0], $0xffff  }
0xe4: {  	v16 =	vand.u32 $0x1C00, v16;
	v36 =	vand.u32 $0x1C00, v38;
	v10 =	vand.u32 $0x1C00, v37;
	[tilespmem:s12+$0xFFFFFFE0] =	vst v9;
	v9 =	vld.idx.msk [tilespmem:v15+s4+$0x0], $0xffff  }
0xe5: {  	v14 =	vand.u32 $0x7FFFFC00, v14;
	v37 =	vand.u32 $0x1C00, v40;
	v15 =	vand.u32 $0x1C00, v39;
	s12 =	sadd.s32 $0x100, s12;
	[tilespmem:s9+$0xFFFFFFF0] =	vst v8;
	v8 =	vld.idx.msk [tilespmem:v13+s4+$0x0], $0xffff  }
0xe6: {  	v38 =	vand.u32 $0x7FFFFC00, v42;
	v34 =	vand.u32 $0x7FFFFC00, v34;
	v13 =	vand.u32 $0x7FFFFC00, v41;
	[tilespmem:s12+$0x60] =	vst v19  }
0xe7: {  	v18 =	vand.u32 $0x71, v18;
	v19 =	vand.u32 $0x70, v28;
	v28 =	vand.u32 $0x7FFFFC00, v43;
	[tilespmem:s9+$0x0] =	vst v7  }
0xe8: {  	v7 =	vand.u32 $0x72, v21;
	v21 =	vand.u32 $0x73, v22;
	v22 =	vand.u32 $0x74, v24;
	[tilespmem:s9+$0x10] =	vst v6  }
0xe9: {  	v23 =	vand.u32 $0x77, v23;
	v24 =	vand.u32 $0x76, v26;
	v6 =	vand.u32 $0x75, v25;
	[tilespmem:s9+$0x20] =	vst v5  }
0xea: {  	v26 =	vand.u32 $0x7A, v30;
	v25 =	vand.u32 $0x79, v29;
	v5 =	vand.u32 $0x78, v27;
	[tilespmem:s9+$0x30] =	vst v4  }
0xeb: {  	v29 =	vand.u32 $0x7D, v33;
	v27 =	vand.u32 $0x7C, v32;
	v4 =	vand.u32 $0x7B, v31;
	[tilespmem:s9+$0x40] =	vst v3  }
0xec: {  	v2 =	vand.u32 $0x7F, v2;
	v3 =	vor.u32 v12, v19;
	v12 =	vand.u32 $0x7FFFFC00, v20;
	[tilespmem:s9+$0x50] =	vst v9  }
0xed: {  	v7 =	vor.u32 v35, v7;
	v9 =	vor.u32 v11, v18;
	v11 =	vor.u32 v17, v21;
	[tilespmem:s9+$0x70] =	vst v8;
	s9 =	smov.u32 s12  }
0xee: {  	v6 =	vor.u32 v36, v6;
	v18 =	vor.u32 v16, v24;
	v8 =	vor.u32 v10, v22  }
0xef: {  	v5 =	vor.u32 v37, v5;
	v19 =	vor.u32 v15, v23;
	v20 =	vor.u32 v25, v14  }
0xf0: {  	v4 =	vor.u32 v4, v38;
	v21 =	vor.u32 v26, v13;
	v22 =	vor.u32 v27, v34  }
.Ltmp2:
0xf1: {  	v15 =	vor.u32 v29, v28;
	v17 =	vor.u32 v0, v3;
	v13 =	vor.u32 v2, v12;
	(pc) =	sbr.rel @p1 .LBB2_7-.Ltmp2, $4  }
0xf2: {  	v14 =	vor.u32 v0, v7;
	v16 =	vor.u32 v0, v9;
	v12 =	vor.u32 v0, v11  }
0xf3: {  	v10 =	vor.u32 v0, v6;
	v9 =	vor.u32 v0, v18;
	v11 =	vor.u32 v0, v8  }
0xf4: {  	v7 =	vor.u32 v0, v5;
	v6 =	vadd.s32 v0, v20;
	v8 =	vor.u32 v0, v19  }
0xf5: {  	s14 =	sadd.s32 $0x10, s14;
	v4 =	vadd.s32 v0, v4;
	v5 =	vadd.s32 v0, v21;
	v3 =	vadd.s32 v0, v22  }
0xf6: {  	_ =	sdelay $0x3  }
0xf7: {  	v2 =	vld.idx.msk [tilespmem:v17+s4+$0x0], $0xffff  }
0xf8: {  	v16 =	vld.idx.msk [tilespmem:v16+s4+$0x0], $0xffff  }
0xf9: {  	v14 =	vld.idx.msk [tilespmem:v14+s4+$0x0], $0xffff  }
0xfa: {  	v12 =	vld.idx.msk [tilespmem:v12+s4+$0x0], $0xffff  }
0xfb: {  	v11 =	vld.idx.msk [tilespmem:v11+s4+$0x0], $0xffff  }
0xfc: {  	v10 =	vld.idx.msk [tilespmem:v10+s4+$0x0], $0xffff  }
0xfd: {  	v5 =	vld.idx.msk [tilespmem:v5+s4+$0x0], $0xffff;
	[tilespmem:s12+$0xFFFFFF80] =	vst v2  }
0xfe: {  	v4 =	vld.idx.msk [tilespmem:v4+s4+$0x0], $0xffff;
	[tilespmem:s12+$0xFFFFFF90] =	vst v16  }
0xff: {  	v3 =	vld.idx.msk [tilespmem:v3+s4+$0x0], $0xffff;
	[tilespmem:s12+$0xFFFFFFA0] =	vst v14  }
0x100: {  	s13 =	simm.s32 $0xF;
	v2 =	vld.idx.msk [tilespmem:v9+s4+$0x0], $0xffff;
	v9 =	vadd.s32 v0, v15;
	[tilespmem:s12+$0xFFFFFFB0] =	vst v12  }
0x101: {  	v8 =	vld.idx.msk [tilespmem:v8+s4+$0x0], $0xffff;
	s15 =	simm.s32 $0xE;
	s18 =	simm.s32 $0x3;
	s30 =	simm.s32 $0x6;
	v12 =	vadd.s32 v0, v13;
	[tilespmem:s12+$0xFFFFFFD0] =	vst v10;
	v10 =	vmov s13  }
0x102: {  	s16 =	simm.s32 $0x0;
	[tilespmem:s12+$0xFFFFFFC0] =	vst v11;
	v11 =	vmov s15;
	v14 =	vmov s18;
	v16 =	vmov s30  }
0x103: {  	v7 =	vld.idx.msk [tilespmem:v7+s4+$0x0], $0xffff;
	s15 =	simm.s32 $0x7;
	s18 =	simm.s32 $0x9;
	[tilespmem:s9+$0x30] =	vst v4;
	v4 =	vmov s16;
	v13 =	vshll.u32 v10, $0x3;
	v15 =	vshll.u32 v11, $0x3  }
0x104: {  	v6 =	vld.idx.msk [tilespmem:v6+s4+$0x0], $0xffff;
	[tilespmem:s9+$0x20] =	vst v5;
	s30 =	simm.s32 $0xC;
	v11 =	vand.u32 $0x7E, v11;
	v5 =	vmov s15;
	v17 =	vmov s18  }
0x105: {  	[tilespmem:s9+$0x40] =	vst v3;
	v19 =	vmov s30;
	v25 =	vshll.u32 v16, $0x3;
	v16 =	vand.u32 $0x76, v16;
	v9 =	vld.idx.msk [tilespmem:v9+s4+$0x0], $0xffff  }
0x106: {  	v15 =	vand.u32 $0x7FFFFC00, v15;
	v26 =	vshll.u32 v5, $0x3;
	v28 =	vshll.u32 v17, $0x3;
	[tilespmem:s12+$0xFFFFFFE0] =	vst v2;
	v12 =	vld.idx.msk [tilespmem:v12+s4+$0x0], $0xffff  }
0x107: {  	v31 =	vshll.u32 v19, $0x3;
	v25 =	vand.u32 $0x1C00, v25;
	v5 =	vand.u32 $0x77, v5;
	[tilespmem:s9+$0xFFFFFFF0] =	vst v8  }
0x108: {  	s14 =	simm.s32 $0x1;
	s19 =	simm.s32 $0x4;
	s18 =	rddreg [dreg:$0xa];
	v17 =	vand.u32 $0x79, v17;
	v19 =	vand.u32 $0x7C, v19;
	v11 =	vor.u32 v11, v15;
	[tilespmem:s9+$0x0] =	vst v7  }
0x109: {  	s28 =	simm.s32 $0x5;
	s13 =	sadd.s32 s18, s11;
	v26 =	vand.u32 $0x1C00, v26;
	v28 =	vand.u32 $0x7FFFFC00, v28;
	v7 =	vmov s19;
	[tilespmem:s9+$0x10] =	vst v6;
	s19 =	simm.s32 $0xA  }
0x10a: {  	s30 =	rddreg [dreg:$0xb];
	v31 =	vand.u32 $0x7FFFFC00, v31;
	v6 =	vmov s28;
	s28 =	simm.s32 $0xB;
	v18 =	vmov s19;
	s19 =	sshrl.u32 s13, $0x3;
	[tilespmem:s9+$0x50] =	vst v9  }
0x10b: {  	s17 =	simm.s32 $0x2;
	v60 =	vor.u32 v25, v16;
	v11 =	vadd.s32 v0, v11;
	v3 =	vmov s28;
	s28 =	sadd.s32 s7, s19;
	[tilespmem:s9+$0x70] =	vst v12;
	s9 =	sadd.s32 s30, s11  }
0x10c: {  	v5 =	vor.u32 v26, v5;
	v62 =	vor.u32 v17, v28;
	v2 =	vmov s14;
	[hbm4b:s28+s4] =	stream.linear.scatter [tilespmem:s21], [sflag:$0x3], $0x4000, $0x38;
	[tilespmem:$0x11600] =	vst v63  }
0x10d: {  	v19 =	vor.u32 v19, v31;
	v8 =	vmov s17;
	s17 =	simm.s32 $0x8;
	v21 =	vshll.u32 v2, $0x3;
	s9 =	sshrl.u32 s9, $0x3  }
0x10e: {  	v2 =	vand.u32 $0x71, v2;
	v15 =	vmov s17;
	v22 =	vshll.u32 v8, $0x3;
	s9 =	sadd.s32 s3, s9  }
0x10f: {  	v23 =	vshll.u32 v7, $0x3;
	v24 =	vshll.u32 v6, $0x3;
	v21 =	vand.u32 $0x1C00, v21;
	[tilespmem:s4], [sflag:$0x1] =	stream.linear.gather [hbm4b:s9+s4], $0x2000, $0x38;
	[tilespmem:$0x11600] =	vst v63  }
0x110: {  	s17 =	simm.s32 $0xD;
	v8 =	vand.u32 $0x72, v8;
	v7 =	vand.u32 $0x74, v7;
	v6 =	vand.u32 $0x75, v6;
	s9 =	sadd.s32 $0x18700, s9  }
0x111: {  	v20 =	vmov s17;
	v27 =	vshll.u32 v15, $0x3;
	v29 =	vshll.u32 v18, $0x3;
	[tilespmem:s1], [sflag:$0x1] =	stream.linear.gather [hbm4b:s9+s4], $0x2000, $0x38;
	[tilespmem:$0x11600] =	vst v63  }
0x112: {  	v30 =	vshll.u32 v3, $0x3;
	v22 =	vand.u32 $0x1C00, v22;
	v23 =	vand.u32 $0x1C00, v23;
	_ =	swait.ge [sflag:s22], $0x2000  }
0x113: {  	v24 =	vand.u32 $0x1C00, v24;
	v15 =	vand.u32 $0x78, v15;
	v18 =	vand.u32 $0x7A, v18;
	[sflag:s22] =	ssyncset.done $0x0  }
0x114: {  	v3 =	vand.u32 $0x7B, v3;
	v2 =	vor.u32 v21, v2;
	v32 =	vshll.u32 v20, $0x3;
	[sflag:s22] =	ssyncadd.s32 $0xFFFFE000  }
0x115: {  	v27 =	vand.u32 $0x1C00, v27;
	v29 =	vand.u32 $0x7FFFFC00, v29;
	v30 =	vand.u32 $0x7FFFFC00, v30;
	_ =	swait.ge [sflag:s22], $0x2000  }
0x116: {  	v20 =	vand.u32 $0x7D, v20;
	v8 =	vor.u32 v22, v8;
	v7 =	vor.u32 v23, v7;
	[sflag:s22] =	ssyncset.done $0x0  }
0x117: {  	v6 =	vor.u32 v24, v6;
	v16 =	vor.u32 v0, v2;
	v9 =	vshll.u32 v4, $0x3;
	[sflag:s22] =	ssyncadd.s32 $0xFFFFE000  }
0x118: {  	v12 =	vshll.u32 v14, $0x3;
	v4 =	vand.u32 $0x70, v4;
	v32 =	vand.u32 $0x7FFFFC00, v32;
	_ =	swait.ge [sflag:s25], $0x4000  }
0x119: {  	v14 =	vand.u32 $0x73, v14;
	v61 =	vor.u32 v27, v15;
	v18 =	vor.u32 v18, v29;
	[sflag:s25] =	ssyncset.done $0x0  }
0x11a: {  	v3 =	vor.u32 v3, v30;
	v9 =	vand.u32 $0x1C00, v9;
	v12 =	vand.u32 $0x1C00, v12;
	[sflag:s25] =	ssyncadd.s32 $0xFFFFC000  }
0x11b: {  	v15 =	vor.u32 v20, v32;
	v4 =	vor.u32 v9, v4;
	v9 =	vand.u32 $0x7F, v10;
	v63 =	vld.idx.msk [tilespmem:v11+s0+$0x0], $0xffff  }
0x11c: {  	v10 =	vand.u32 $0x7FFFFC00, v13;
	v12 =	vor.u32 v12, v14;
	v17 =	vor.u32 v0, v4  }
0x11d: {  	v14 =	vor.u32 v0, v8;
	v8 =	vor.u32 v0, v5;
	v5 =	vadd.s32 v0, v18  }
0x11e: {  	v13 =	vor.u32 v9, v10;
	v12 =	vor.u32 v0, v12;
	v10 =	vor.u32 v0, v6  }
0x11f: {  	s12 =	simm.s32 $0xC080;
	v9 =	vor.u32 v0, v60;
	v6 =	vadd.s32 v0, v62;
	v4 =	vadd.s32 v0, v3  }
0x120: {  	s14 =	simm.s32 $0x1F;
	s13 =	simm.s32 $0x0;
	v3 =	vadd.s32 v0, v19;
	s9 =	simm.s32 $0xC080;
	v11 =	vor.u32 v0, v7;
	v7 =	vor.u32 v0, v61;
	[tilespmem:s12+$0x60] =	vst v63  }
.LBB2_9:
0x121: {  	s15 =	sadd.s32 $0xFFFFFFF2, s14;
	s16 =	sadd.s32 $0xFFFFFFFF, s14;
	v2 =	vmov s14;
	s13 =	sadd.s32 $0x2, s13;
	v17 =	vld.idx.msk [tilespmem:v17+s0+$0x0], $0xffff;
	v15 =	vadd.s32 v0, v15;
	v13 =	vadd.s32 v0, v13  }
0x122: {  	s17 =	sadd.s32 $0xFFFFFFF4, s14;
	v18 =	vmov s15;
	s15 =	sadd.s32 $0xFFFFFFF3, s14;
	v19 =	vmov s16;
	v20 =	vshll.u32 v2, $0x3;
	p1 =	slt.u32 s13, $0x7E;
	v16 =	vld.idx.msk [tilespmem:v16+s0+$0x0], $0xffff  }
0x123: {  	v22 =	vmov s17;
	s16 =	sadd.s32 $0xFFFFFFF6, s14;
	s17 =	sadd.s32 $0xFFFFFFF7, s14;
	v21 =	vmov s15;
	s15 =	sadd.s32 $0xFFFFFFF5, s14;
	v23 =	vshll.u32 v19, $0x3;
	v14 =	vld.idx.msk [tilespmem:v14+s0+$0x0], $0xffff  }
0x124: {  	s18 =	sadd.s32 $0xFFFFFFF9, s14;
	s19 =	sadd.s32 $0xFFFFFFFA, s14;
	v19 =	vand.u32 $0x7E, v19;
	v24 =	vmov s15;
	s15 =	sadd.s32 $0xFFFFFFF8, s14;
	v23 =	vand.u32 $0x7FFFFC00, v23;
	v12 =	vld.idx.msk [tilespmem:v12+s0+$0x0], $0xffff  }
0x125: {  	s28 =	sadd.s32 $0xFFFFFFFD, s14;
	v25 =	vmov s16;
	v26 =	vmov s17;
	s16 =	sadd.s32 $0xFFFFFFFB, s14;
	s17 =	sadd.s32 $0xFFFFFFFC, s14;
	v19 =	vor.u32 v19, v23;
	v11 =	vld.idx.msk [tilespmem:v11+s0+$0x0], $0xffff  }
0x126: {  	s30 =	sadd.s32 $0xFFFFFFF1, s14;
	v27 =	vmov s18;
	v23 =	vmov s15;
	s15 =	sadd.s32 $0xFFFFFFFE, s14;
	v19 =	vadd.s32 v0, v19;
	v10 =	vld.idx.msk [tilespmem:v10+s0+$0x0], $0xffff  }
0x127: {  	v28 =	vmov s30;
	v29 =	vmov s19;
	v30 =	vmov s16;
	v9 =	vld.idx.msk [tilespmem:v9+s0+$0x0], $0xffff  }
0x128: {  	v32 =	vmov s28;
	v31 =	vmov s17;
	v33 =	vmov s15;
	v8 =	vld.idx.msk [tilespmem:v8+s0+$0x0], $0xffff  }
0x129: {  	v34 =	vshll.u32 v28, $0x3;
	v35 =	vshll.u32 v18, $0x3;
	v36 =	vshll.u32 v21, $0x3;
	[tilespmem:s12+$0xFFFFFF80] =	vst v17;
	v7 =	vld.idx.msk [tilespmem:v7+s0+$0x0], $0xffff  }
0x12a: {  	v38 =	vshll.u32 v25, $0x3;
	v37 =	vshll.u32 v24, $0x3;
	v17 =	vshll.u32 v22, $0x3;
	[tilespmem:s12+$0xFFFFFF90] =	vst v16;
	v6 =	vld.idx.msk [tilespmem:v6+s0+$0x0], $0xffff  }
0x12b: {  	v40 =	vshll.u32 v27, $0x3;
	v39 =	vshll.u32 v23, $0x3;
	v16 =	vshll.u32 v26, $0x3;
	v19 =	vld.idx.msk [tilespmem:v19+s0+$0x0], $0xffff;
	[tilespmem:s12+$0xFFFFFFA0] =	vst v14  }
0x12c: {  	v41 =	vshll.u32 v30, $0x3;
	v42 =	vshll.u32 v31, $0x3;
	v14 =	vshll.u32 v29, $0x3;
	[tilespmem:s12+$0xFFFFFFB0] =	vst v12;
	v5 =	vld.idx.msk [tilespmem:v5+s0+$0x0], $0xffff  }
0x12d: {  	v43 =	vshll.u32 v33, $0x3;
	v12 =	vand.u32 $0x1C00, v34;
	v34 =	vshll.u32 v32, $0x3;
	[tilespmem:s12+$0xFFFFFFC0] =	vst v11;
	v4 =	vld.idx.msk [tilespmem:v4+s0+$0x0], $0xffff  }
0x12e: {  	v17 =	vand.u32 $0x1C00, v17;
	v11 =	vand.u32 $0x1C00, v35;
	v35 =	vand.u32 $0x1C00, v36;
	[tilespmem:s12+$0xFFFFFFD0] =	vst v10;
	v3 =	vld.idx.msk [tilespmem:v3+s0+$0x0], $0xffff  }
0x12f: {  	v16 =	vand.u32 $0x1C00, v16;
	v36 =	vand.u32 $0x1C00, v38;
	v10 =	vand.u32 $0x1C00, v37;
	[tilespmem:s12+$0xFFFFFFE0] =	vst v9;
	v9 =	vld.idx.msk [tilespmem:v15+s0+$0x0], $0xffff  }
0x130: {  	v14 =	vand.u32 $0x7FFFFC00, v14;
	v37 =	vand.u32 $0x1C00, v40;
	v15 =	vand.u32 $0x1C00, v39;
	s12 =	sadd.s32 $0x100, s12;
	[tilespmem:s9+$0xFFFFFFF0] =	vst v8;
	v8 =	vld.idx.msk [tilespmem:v13+s0+$0x0], $0xffff  }
0x131: {  	v38 =	vand.u32 $0x7FFFFC00, v42;
	v34 =	vand.u32 $0x7FFFFC00, v34;
	v13 =	vand.u32 $0x7FFFFC00, v41;
	[tilespmem:s12+$0x60] =	vst v19  }
0x132: {  	v18 =	vand.u32 $0x71, v18;
	v19 =	vand.u32 $0x70, v28;
	v28 =	vand.u32 $0x7FFFFC00, v43;
	[tilespmem:s9+$0x0] =	vst v7  }
0x133: {  	v7 =	vand.u32 $0x72, v21;
	v21 =	vand.u32 $0x73, v22;
	v22 =	vand.u32 $0x74, v24;
	[tilespmem:s9+$0x10] =	vst v6  }
0x134: {  	v23 =	vand.u32 $0x77, v23;
	v24 =	vand.u32 $0x76, v26;
	v6 =	vand.u32 $0x75, v25;
	[tilespmem:s9+$0x20] =	vst v5  }
0x135: {  	v26 =	vand.u32 $0x7A, v30;
	v25 =	vand.u32 $0x79, v29;
	v5 =	vand.u32 $0x78, v27;
	[tilespmem:s9+$0x30] =	vst v4  }
0x136: {  	v29 =	vand.u32 $0x7D, v33;
	v27 =	vand.u32 $0x7C, v32;
	v4 =	vand.u32 $0x7B, v31;
	[tilespmem:s9+$0x40] =	vst v3  }
0x137: {  	v2 =	vand.u32 $0x7F, v2;
	v3 =	vor.u32 v12, v19;
	v12 =	vand.u32 $0x7FFFFC00, v20;
	[tilespmem:s9+$0x50] =	vst v9  }
0x138: {  	v7 =	vor.u32 v35, v7;
	v9 =	vor.u32 v11, v18;
	v11 =	vor.u32 v17, v21;
	[tilespmem:s9+$0x70] =	vst v8;
	s9 =	smov.u32 s12  }
0x139: {  	v6 =	vor.u32 v36, v6;
	v18 =	vor.u32 v16, v24;
	v8 =	vor.u32 v10, v22  }
0x13a: {  	v5 =	vor.u32 v37, v5;
	v19 =	vor.u32 v15, v23;
	v20 =	vor.u32 v25, v14  }
0x13b: {  	v4 =	vor.u32 v4, v38;
	v21 =	vor.u32 v26, v13;
	v22 =	vor.u32 v27, v34  }
.Ltmp3:
0x13c: {  	v15 =	vor.u32 v29, v28;
	v17 =	vor.u32 v0, v3;
	v13 =	vor.u32 v2, v12;
	(pc) =	sbr.rel @p1 .LBB2_9-.Ltmp3, $4  }
0x13d: {  	v14 =	vor.u32 v0, v7;
	v16 =	vor.u32 v0, v9;
	v12 =	vor.u32 v0, v11  }
0x13e: {  	v10 =	vor.u32 v0, v6;
	v9 =	vor.u32 v0, v18;
	v11 =	vor.u32 v0, v8  }
0x13f: {  	v7 =	vor.u32 v0, v5;
	v6 =	vadd.s32 v0, v20;
	v8 =	vor.u32 v0, v19  }
0x140: {  	s14 =	sadd.s32 $0x10, s14;
	v4 =	vadd.s32 v0, v4;
	v5 =	vadd.s32 v0, v21;
	v3 =	vadd.s32 v0, v22  }
0x141: {  	_ =	sdelay $0x3  }
0x142: {  	v2 =	vld.idx.msk [tilespmem:v17+s0+$0x0], $0xffff  }
0x143: {  	v16 =	vld.idx.msk [tilespmem:v16+s0+$0x0], $0xffff  }
0x144: {  	v14 =	vld.idx.msk [tilespmem:v14+s0+$0x0], $0xffff  }
0x145: {  	v12 =	vld.idx.msk [tilespmem:v12+s0+$0x0], $0xffff  }
0x146: {  	v11 =	vld.idx.msk [tilespmem:v11+s0+$0x0], $0xffff  }
0x147: {  	v10 =	vld.idx.msk [tilespmem:v10+s0+$0x0], $0xffff  }
0x148: {  	v5 =	vld.idx.msk [tilespmem:v5+s0+$0x0], $0xffff;
	[tilespmem:s12+$0xFFFFFF80] =	vst v2  }
0x149: {  	v4 =	vld.idx.msk [tilespmem:v4+s0+$0x0], $0xffff;
	[tilespmem:s12+$0xFFFFFF90] =	vst v16  }
0x14a: {  	v3 =	vld.idx.msk [tilespmem:v3+s0+$0x0], $0xffff;
	[tilespmem:s12+$0xFFFFFFA0] =	vst v14  }
0x14b: {  	s13 =	simm.s32 $0xF;
	v2 =	vld.idx.msk [tilespmem:v9+s0+$0x0], $0xffff;
	v9 =	vadd.s32 v0, v15;
	[tilespmem:s12+$0xFFFFFFB0] =	vst v12  }
0x14c: {  	v8 =	vld.idx.msk [tilespmem:v8+s0+$0x0], $0xffff;
	s15 =	simm.s32 $0xE;
	s18 =	simm.s32 $0x3;
	s30 =	simm.s32 $0x6;
	v12 =	vadd.s32 v0, v13;
	[tilespmem:s12+$0xFFFFFFD0] =	vst v10;
	v10 =	vmov s13  }
0x14d: {  	s16 =	simm.s32 $0x0;
	[tilespmem:s12+$0xFFFFFFC0] =	vst v11;
	v11 =	vmov s15;
	v14 =	vmov s18;
	v16 =	vmov s30  }
0x14e: {  	v7 =	vld.idx.msk [tilespmem:v7+s0+$0x0], $0xffff;
	s15 =	simm.s32 $0x7;
	s18 =	simm.s32 $0x9;
	[tilespmem:s9+$0x30] =	vst v4;
	v4 =	vmov s16;
	v13 =	vshll.u32 v10, $0x3;
	v15 =	vshll.u32 v11, $0x3  }
0x14f: {  	v6 =	vld.idx.msk [tilespmem:v6+s0+$0x0], $0xffff;
	[tilespmem:s9+$0x20] =	vst v5;
	s30 =	simm.s32 $0xC;
	v11 =	vand.u32 $0x7E, v11;
	v5 =	vmov s15;
	v17 =	vmov s18  }
0x150: {  	[tilespmem:s9+$0x40] =	vst v3;
	v19 =	vmov s30;
	v25 =	vshll.u32 v16, $0x3;
	v16 =	vand.u32 $0x76, v16;
	v9 =	vld.idx.msk [tilespmem:v9+s0+$0x0], $0xffff  }
0x151: {  	v15 =	vand.u32 $0x7FFFFC00, v15;
	v26 =	vshll.u32 v5, $0x3;
	v28 =	vshll.u32 v17, $0x3;
	[tilespmem:s12+$0xFFFFFFE0] =	vst v2;
	v12 =	vld.idx.msk [tilespmem:v12+s0+$0x0], $0xffff  }
0x152: {  	v31 =	vshll.u32 v19, $0x3;
	v25 =	vand.u32 $0x1C00, v25;
	v5 =	vand.u32 $0x77, v5;
	[tilespmem:s9+$0xFFFFFFF0] =	vst v8  }
0x153: {  	s14 =	simm.s32 $0x1;
	s28 =	simm.s32 $0x5;
	s16 =	rddreg [dreg:$0xc];
	v17 =	vand.u32 $0x79, v17;
	v19 =	vand.u32 $0x7C, v19;
	v11 =	vor.u32 v11, v15;
	[tilespmem:s9+$0x0] =	vst v7  }
0x154: {  	s19 =	simm.s32 $0x4;
	s13 =	sadd.s32 s16, s11;
	v26 =	vand.u32 $0x1C00, v26;
	v28 =	vand.u32 $0x7FFFFC00, v28;
	[tilespmem:s9+$0x10] =	vst v6;
	v6 =	vmov s28;
	s28 =	simm.s32 $0xB  }
0x155: {  	s18 =	sshrl.u32 s13, $0x3;
	v31 =	vand.u32 $0x7FFFFC00, v31;
	v7 =	vmov s19;
	s19 =	simm.s32 $0xA;
	v3 =	vmov s28;
	s28 =	rddreg [dreg:$0xd];
	[tilespmem:s9+$0x50] =	vst v9  }
0x156: {  	s17 =	simm.s32 $0x2;
	v60 =	vor.u32 v25, v16;
	v11 =	vadd.s32 v0, v11;
	v18 =	vmov s19;
	s19 =	sadd.s32 s7, s18;
	[tilespmem:s9+$0x70] =	vst v12;
	s9 =	sadd.s32 s28, s11  }
0x157: {  	v5 =	vor.u32 v26, v5;
	v62 =	vor.u32 v17, v28;
	v2 =	vmov s14;
	[hbm4b:s19+s4] =	stream.linear.scatter [tilespmem:s24], [sflag:$0x3], $0x4000, $0x38;
	[tilespmem:$0x11600] =	vst v63  }
0x158: {  	v19 =	vor.u32 v19, v31;
	v8 =	vmov s17;
	s17 =	simm.s32 $0x8;
	v21 =	vshll.u32 v2, $0x3;
	s9 =	sshrl.u32 s9, $0x3  }
0x159: {  	v2 =	vand.u32 $0x71, v2;
	v15 =	vmov s17;
	v22 =	vshll.u32 v8, $0x3;
	s9 =	sadd.s32 s3, s9  }
0x15a: {  	v23 =	vshll.u32 v7, $0x3;
	v24 =	vshll.u32 v6, $0x3;
	v21 =	vand.u32 $0x1C00, v21;
	[tilespmem:s0], [sflag:$0x2] =	stream.linear.gather [hbm4b:s9+s4], $0x2000, $0x38;
	[tilespmem:$0x11600] =	vst v63  }
0x15b: {  	s30 =	simm.s32 $0x6000;
	s17 =	simm.s32 $0xD;
	v8 =	vand.u32 $0x72, v8;
	v7 =	vand.u32 $0x74, v7;
	v6 =	vand.u32 $0x75, v6;
	s9 =	sadd.s32 $0x18700, s9  }
0x15c: {  	v20 =	vmov s17;
	v27 =	vshll.u32 v15, $0x3;
	v29 =	vshll.u32 v18, $0x3;
	[tilespmem:s30], [sflag:$0x2] =	stream.linear.gather [hbm4b:s9+s4], $0x2000, $0x38;
	[tilespmem:$0x11600] =	vst v63  }
0x15d: {  	v30 =	vshll.u32 v3, $0x3;
	v22 =	vand.u32 $0x1C00, v22;
	v23 =	vand.u32 $0x1C00, v23;
	_ =	swait.ge [sflag:s20], $0x2000  }
0x15e: {  	v24 =	vand.u32 $0x1C00, v24;
	v15 =	vand.u32 $0x78, v15;
	v18 =	vand.u32 $0x7A, v18;
	[sflag:s20] =	ssyncset.done $0x0  }
0x15f: {  	v3 =	vand.u32 $0x7B, v3;
	v2 =	vor.u32 v21, v2;
	v32 =	vshll.u32 v20, $0x3;
	[sflag:s20] =	ssyncadd.s32 $0xFFFFE000  }
0x160: {  	v27 =	vand.u32 $0x1C00, v27;
	v29 =	vand.u32 $0x7FFFFC00, v29;
	v30 =	vand.u32 $0x7FFFFC00, v30;
	_ =	swait.ge [sflag:s20], $0x2000  }
0x161: {  	v20 =	vand.u32 $0x7D, v20;
	v8 =	vor.u32 v22, v8;
	v7 =	vor.u32 v23, v7;
	[sflag:s20] =	ssyncset.done $0x0  }
0x162: {  	v6 =	vor.u32 v24, v6;
	v16 =	vor.u32 v0, v2;
	v2 =	vadd.s32 v0, v19;
	[sflag:s20] =	ssyncadd.s32 $0xFFFFE000  }
0x163: {  	v9 =	vshll.u32 v4, $0x3;
	v12 =	vshll.u32 v14, $0x3;
	v4 =	vand.u32 $0x70, v4;
	_ =	swait.ge [sflag:s25], $0x4000  }
0x164: {  	v32 =	vand.u32 $0x7FFFFC00, v32;
	v14 =	vand.u32 $0x73, v14;
	v61 =	vor.u32 v27, v15;
	[sflag:s25] =	ssyncset.done $0x0  }
0x165: {  	v18 =	vor.u32 v18, v29;
	v3 =	vor.u32 v3, v30;
	v9 =	vand.u32 $0x1C00, v9;
	[sflag:s25] =	ssyncadd.s32 $0xFFFFC000  }
0x166: {  	v12 =	vand.u32 $0x1C00, v12;
	v3 =	vadd.s32 v0, v3;
	v4 =	vor.u32 v9, v4;
	v63 =	vld.idx.msk [tilespmem:v11+s4+$0x0], $0xffff  }
0x167: {  	v9 =	vand.u32 $0x7F, v10;
	v10 =	vand.u32 $0x7FFFFC00, v13;
	v17 =	vor.u32 v0, v4  }
0x168: {  	v12 =	vor.u32 v12, v14;
	v14 =	vor.u32 v20, v32;
	v13 =	vor.u32 v0, v8  }
0x169: {  	v8 =	vor.u32 v0, v5;
	v5 =	vadd.s32 v0, v18;
	v15 =	vor.u32 v9, v10  }
0x16a: {  	s12 =	simm.s32 $0x8080;
	v12 =	vor.u32 v0, v12;
	v10 =	vor.u32 v0, v6;
	v9 =	vor.u32 v0, v60  }
0x16b: {  	s13 =	simm.s32 $0x0;
	s14 =	simm.s32 $0x1F;
	v6 =	vadd.s32 v0, v62;
	s9 =	simm.s32 $0x8080;
	v11 =	vor.u32 v0, v7;
	v7 =	vor.u32 v0, v61;
	[tilespmem:s12+$0x60] =	vst v63  }
.LBB2_11:
0x16c: {  	s15 =	sadd.s32 $0xFFFFFFF2, s14;
	s16 =	sadd.s32 $0xFFFFFFFF, s14;
	v4 =	vmov s14;
	s13 =	sadd.s32 $0x2, s13;
	v17 =	vld.idx.msk [tilespmem:v17+s4+$0x0], $0xffff;
	v14 =	vadd.s32 v0, v14;
	v15 =	vadd.s32 v0, v15  }
0x16d: {  	s17 =	sadd.s32 $0xFFFFFFF4, s14;
	v18 =	vmov s15;
	s15 =	sadd.s32 $0xFFFFFFF3, s14;
	v19 =	vmov s16;
	v20 =	vshll.u32 v4, $0x3;
	p1 =	slt.u32 s13, $0x7E;
	v16 =	vld.idx.msk [tilespmem:v16+s4+$0x0], $0xffff  }
0x16e: {  	v22 =	vmov s17;
	s16 =	sadd.s32 $0xFFFFFFF6, s14;
	s17 =	sadd.s32 $0xFFFFFFF7, s14;
	v21 =	vmov s15;
	s15 =	sadd.s32 $0xFFFFFFF5, s14;
	v23 =	vshll.u32 v19, $0x3;
	v13 =	vld.idx.msk [tilespmem:v13+s4+$0x0], $0xffff  }
0x16f: {  	s18 =	sadd.s32 $0xFFFFFFF9, s14;
	s19 =	sadd.s32 $0xFFFFFFFA, s14;
	v19 =	vand.u32 $0x7E, v19;
	v24 =	vmov s15;
	s15 =	sadd.s32 $0xFFFFFFF8, s14;
	v23 =	vand.u32 $0x7FFFFC00, v23;
	v12 =	vld.idx.msk [tilespmem:v12+s4+$0x0], $0xffff  }
0x170: {  	s28 =	sadd.s32 $0xFFFFFFFD, s14;
	v25 =	vmov s16;
	v26 =	vmov s17;
	s16 =	sadd.s32 $0xFFFFFFFB, s14;
	s17 =	sadd.s32 $0xFFFFFFFC, s14;
	v19 =	vor.u32 v19, v23;
	v11 =	vld.idx.msk [tilespmem:v11+s4+$0x0], $0xffff  }
0x171: {  	s30 =	sadd.s32 $0xFFFFFFF1, s14;
	v27 =	vmov s18;
	v23 =	vmov s15;
	s15 =	sadd.s32 $0xFFFFFFFE, s14;
	v19 =	vadd.s32 v0, v19;
	v10 =	vld.idx.msk [tilespmem:v10+s4+$0x0], $0xffff  }
0x172: {  	v28 =	vmov s30;
	v29 =	vmov s19;
	v30 =	vmov s16;
	v9 =	vld.idx.msk [tilespmem:v9+s4+$0x0], $0xffff  }
0x173: {  	v32 =	vmov s28;
	v31 =	vmov s17;
	v33 =	vmov s15;
	v8 =	vld.idx.msk [tilespmem:v8+s4+$0x0], $0xffff  }
0x174: {  	v34 =	vshll.u32 v28, $0x3;
	v35 =	vshll.u32 v18, $0x3;
	v36 =	vshll.u32 v21, $0x3;
	[tilespmem:s12+$0xFFFFFF80] =	vst v17;
	v7 =	vld.idx.msk [tilespmem:v7+s4+$0x0], $0xffff  }
0x175: {  	v38 =	vshll.u32 v25, $0x3;
	v37 =	vshll.u32 v24, $0x3;
	v17 =	vshll.u32 v22, $0x3;
	[tilespmem:s12+$0xFFFFFF90] =	vst v16;
	v6 =	vld.idx.msk [tilespmem:v6+s4+$0x0], $0xffff  }
0x176: {  	v40 =	vshll.u32 v27, $0x3;
	v39 =	vshll.u32 v23, $0x3;
	v16 =	vshll.u32 v26, $0x3;
	v19 =	vld.idx.msk [tilespmem:v19+s4+$0x0], $0xffff;
	[tilespmem:s12+$0xFFFFFFA0] =	vst v13  }
0x177: {  	v41 =	vshll.u32 v30, $0x3;
	v42 =	vshll.u32 v31, $0x3;
	v13 =	vshll.u32 v29, $0x3;
	[tilespmem:s12+$0xFFFFFFB0] =	vst v12;
	v5 =	vld.idx.msk [tilespmem:v5+s4+$0x0], $0xffff  }
0x178: {  	v43 =	vshll.u32 v33, $0x3;
	v12 =	vand.u32 $0x1C00, v34;
	v34 =	vshll.u32 v32, $0x3;
	[tilespmem:s12+$0xFFFFFFC0] =	vst v11;
	v3 =	vld.idx.msk [tilespmem:v3+s4+$0x0], $0xffff  }
0x179: {  	v17 =	vand.u32 $0x1C00, v17;
	v11 =	vand.u32 $0x1C00, v35;
	v35 =	vand.u32 $0x1C00, v36;
	[tilespmem:s12+$0xFFFFFFD0] =	vst v10;
	v2 =	vld.idx.msk [tilespmem:v2+s4+$0x0], $0xffff  }
0x17a: {  	v16 =	vand.u32 $0x1C00, v16;
	v36 =	vand.u32 $0x1C00, v38;
	v10 =	vand.u32 $0x1C00, v37;
	[tilespmem:s12+$0xFFFFFFE0] =	vst v9;
	v9 =	vld.idx.msk [tilespmem:v14+s4+$0x0], $0xffff  }
0x17b: {  	v13 =	vand.u32 $0x7FFFFC00, v13;
	v37 =	vand.u32 $0x1C00, v40;
	v14 =	vand.u32 $0x1C00, v39;
	s12 =	sadd.s32 $0x100, s12;
	[tilespmem:s9+$0xFFFFFFF0] =	vst v8;
	v8 =	vld.idx.msk [tilespmem:v15+s4+$0x0], $0xffff  }
0x17c: {  	v38 =	vand.u32 $0x7FFFFC00, v42;
	v34 =	vand.u32 $0x7FFFFC00, v34;
	v15 =	vand.u32 $0x7FFFFC00, v41;
	[tilespmem:s12+$0x60] =	vst v19  }
0x17d: {  	v18 =	vand.u32 $0x71, v18;
	v19 =	vand.u32 $0x70, v28;
	v28 =	vand.u32 $0x7FFFFC00, v43;
	[tilespmem:s9+$0x0] =	vst v7  }
0x17e: {  	v7 =	vand.u32 $0x72, v21;
	v21 =	vand.u32 $0x73, v22;
	v22 =	vand.u32 $0x74, v24;
	[tilespmem:s9+$0x10] =	vst v6  }
0x17f: {  	v23 =	vand.u32 $0x77, v23;
	v24 =	vand.u32 $0x76, v26;
	v6 =	vand.u32 $0x75, v25;
	[tilespmem:s9+$0x20] =	vst v5  }
0x180: {  	v26 =	vand.u32 $0x7A, v30;
	v25 =	vand.u32 $0x79, v29;
	v5 =	vand.u32 $0x78, v27;
	[tilespmem:s9+$0x30] =	vst v3  }
0x181: {  	v29 =	vand.u32 $0x7D, v33;
	v27 =	vand.u32 $0x7C, v32;
	v3 =	vand.u32 $0x7B, v31;
	[tilespmem:s9+$0x40] =	vst v2  }
0x182: {  	v4 =	vand.u32 $0x7F, v4;
	v2 =	vor.u32 v12, v19;
	v12 =	vand.u32 $0x7FFFFC00, v20;
	[tilespmem:s9+$0x50] =	vst v9  }
0x183: {  	v7 =	vor.u32 v35, v7;
	v9 =	vor.u32 v11, v18;
	v11 =	vor.u32 v17, v21;
	[tilespmem:s9+$0x70] =	vst v8;
	s9 =	smov.u32 s12  }
0x184: {  	v6 =	vor.u32 v36, v6;
	v18 =	vor.u32 v16, v24;
	v8 =	vor.u32 v10, v22  }
0x185: {  	v5 =	vor.u32 v37, v5;
	v19 =	vor.u32 v14, v23;
	v20 =	vor.u32 v25, v13  }
0x186: {  	v3 =	vor.u32 v3, v38;
	v21 =	vor.u32 v26, v15;
	v22 =	vor.u32 v27, v34  }
.Ltmp4:
0x187: {  	v14 =	vor.u32 v29, v28;
	v17 =	vor.u32 v0, v2;
	v15 =	vor.u32 v4, v12;
	(pc) =	sbr.rel @p1 .LBB2_11-.Ltmp4, $4  }
0x188: {  	v13 =	vor.u32 v0, v7;
	v16 =	vor.u32 v0, v9;
	v12 =	vor.u32 v0, v11  }
0x189: {  	v10 =	vor.u32 v0, v6;
	v9 =	vor.u32 v0, v18;
	v11 =	vor.u32 v0, v8  }
0x18a: {  	v7 =	vor.u32 v0, v5;
	v6 =	vadd.s32 v0, v20;
	v8 =	vor.u32 v0, v19  }
0x18b: {  	s14 =	sadd.s32 $0x10, s14;
	v3 =	vadd.s32 v0, v3;
	v5 =	vadd.s32 v0, v21;
	v2 =	vadd.s32 v0, v22  }
0x18c: {  	_ =	sdelay $0x3  }
0x18d: {  	v4 =	vld.idx.msk [tilespmem:v17+s4+$0x0], $0xffff  }
0x18e: {  	v16 =	vld.idx.msk [tilespmem:v16+s4+$0x0], $0xffff  }
0x18f: {  	v13 =	vld.idx.msk [tilespmem:v13+s4+$0x0], $0xffff  }
0x190: {  	v12 =	vld.idx.msk [tilespmem:v12+s4+$0x0], $0xffff  }
0x191: {  	v11 =	vld.idx.msk [tilespmem:v11+s4+$0x0], $0xffff  }
0x192: {  	v10 =	vld.idx.msk [tilespmem:v10+s4+$0x0], $0xffff  }
0x193: {  	s13 =	simm.s32 $0xF;
	v9 =	vld.idx.msk [tilespmem:v9+s4+$0x0], $0xffff  }
0x194: {  	v14 =	vadd.s32 v0, v14;
	v15 =	vadd.s32 v0, v15;
	s15 =	simm.s32 $0xE;
	v8 =	vld.idx.msk [tilespmem:v8+s4+$0x0], $0xffff;
	s30 =	simm.s32 $0x3;
	s18 =	simm.s32 $0x6;
	v17 =	vmov s13  }
0x195: {  	v18 =	vmov s15;
	v20 =	vmov s30;
	v22 =	vmov s18;
	[tilespmem:s12+$0xFFFFFF80] =	vst v4  }
0x196: {  	v7 =	vld.idx.msk [tilespmem:v7+s4+$0x0], $0xffff;
	s30 =	simm.s32 $0xA;
	s18 =	simm.s32 $0xD;
	v19 =	vshll.u32 v17, $0x3;
	v21 =	vshll.u32 v18, $0x3;
	v18 =	vand.u32 $0x7E, v18;
	[tilespmem:s12+$0xFFFFFF90] =	vst v16  }
0x197: {  	v5 =	vld.idx.msk [tilespmem:v5+s4+$0x0], $0xffff;
	v24 =	vmov s30;
	v26 =	vmov s18;
	v21 =	vand.u32 $0x7FFFFC00, v21;
	[tilespmem:s12+$0xFFFFFFA0] =	vst v13  }
0x198: {  	v3 =	vld.idx.msk [tilespmem:v3+s4+$0x0], $0xffff;
	v33 =	vshll.u32 v24, $0x3;
	v35 =	vshll.u32 v26, $0x3;
	v24 =	vand.u32 $0x7A, v24;
	[tilespmem:s12+$0xFFFFFFB0] =	vst v12  }
0x199: {  	s14 =	simm.s32 $0x1;
	v2 =	vld.idx.msk [tilespmem:v2+s4+$0x0], $0xffff;
	v26 =	vand.u32 $0x7D, v26;
	v19 =	vand.u32 $0x7FFFFC00, v19;
	v18 =	vor.u32 v18, v21;
	[tilespmem:s12+$0xFFFFFFC0] =	vst v11  }
0x19a: {  	s28 =	simm.s32 $0x2;
	s16 =	simm.s32 $0x4;
	v6 =	vld.idx.msk [tilespmem:v6+s4+$0x0], $0xffff;
	s17 =	simm.s32 $0x5;
	v56 =	vand.u32 $0x7FFFFC00, v33;
	v58 =	vand.u32 $0x7FFFFC00, v35;
	v4 =	vmov s14;
	[tilespmem:s12+$0xFFFFFFD0] =	vst v10  }
0x19b: {  	s19 =	simm.s32 $0x7;
	v16 =	vmov s28;
	v13 =	vmov s16;
	v12 =	vmov s17;
	[tilespmem:s12+$0xFFFFFFE0] =	vst v9  }
0x19c: {  	s16 =	simm.s32 $0x8;
	s28 =	simm.s32 $0x9;
	s17 =	simm.s32 $0x0;
	v11 =	vmov s19;
	v18 =	vadd.s32 v0, v18;
	v14 =	vld.idx.msk [tilespmem:v14+s4+$0x0], $0xffff;
	[tilespmem:s9+$0x20] =	vst v5;
	v62 =	vor.u32 v24, v56  }
0x19d: {  	s19 =	simm.s32 $0xC;
	[tilespmem:s9+$0x30] =	vst v3;
	v52 =	vmov s16;
	v10 =	vmov s17;
	v23 =	vmov s28  }
0x19e: {  	v15 =	vld.idx.msk [tilespmem:v15+s4+$0x0], $0xffff;
	[tilespmem:s9+$0x40] =	vst v2;
	v25 =	vmov s19;
	v27 =	vshll.u32 v4, $0x3;
	v28 =	vshll.u32 v16, $0x3  }
0x19f: {  	[tilespmem:s9+$0x0] =	vst v7;
	v7 =	vshll.u32 v20, $0x3;
	v29 =	vshll.u32 v13, $0x3;
	v30 =	vshll.u32 v12, $0x3  }
0x1a0: {  	[tilespmem:s9+$0x10] =	vst v6;
	v6 =	vshll.u32 v22, $0x3;
	v31 =	vshll.u32 v11, $0x3;
	s28 =	rddreg [dreg:$0xe];
	v4 =	vand.u32 $0x71, v4  }
0x1a1: {  	[tilespmem:s9+$0xFFFFFFF0] =	vst v8;
	v16 =	vand.u32 $0x72, v16;
	v20 =	vand.u32 $0x73, v20;
	v13 =	vand.u32 $0x74, v13;
	s12 =	sadd.s32 s28, s11  }
0x1a2: {  	s16 =	simm.s32 $0xB;
	v12 =	vand.u32 $0x75, v12;
	v22 =	vand.u32 $0x76, v22;
	v11 =	vand.u32 $0x77, v11;
	s12 =	sshrl.u32 s12, $0x3;
	[tilespmem:s9+$0x50] =	vst v14  }
0x1a3: {  	v9 =	vmov s16;
	v8 =	vshll.u32 v10, $0x3;
	v32 =	vshll.u32 v52, $0x3;
	s30 =	sadd.s32 s7, s12;
	[tilespmem:s9+$0x70] =	vst v15  }
0x1a4: {  	v5 =	vshll.u32 v23, $0x3;
	v2 =	vand.u32 $0x1C00, v27;
	v53 =	vand.u32 $0x1C00, v28;
	[hbm4b:s30+s4] =	stream.linear.scatter [tilespmem:s21], [sflag:$0x3], $0x4000, $0x38;
	[tilespmem:$0x11600] =	vst v63  }
0x1a5: {  	v7 =	vand.u32 $0x1C00, v7;
	v54 =	vand.u32 $0x1C00, v30;
	v6 =	vand.u32 $0x1C00, v6;
	_ =	swait.ge [sflag:s22], $0x2000  }
0x1a6: {  	v10 =	vand.u32 $0x70, v10;
	v21 =	vand.u32 $0x78, v52;
	v23 =	vand.u32 $0x79, v23;
	[sflag:s22] =	ssyncset.done $0x0  }
0x1a7: {  	v34 =	vshll.u32 v9, $0x3;
	v3 =	vand.u32 $0x1C00, v8;
	v8 =	vshll.u32 v25, $0x3;
	[sflag:s22] =	ssyncadd.s32 $0xFFFFE000  }
0x1a8: {  	v55 =	vand.u32 $0x1C00, v32;
	v5 =	vand.u32 $0x7FFFFC00, v5;
	v9 =	vand.u32 $0x7B, v9;
	_ =	swait.ge [sflag:s22], $0x2000  }
0x1a9: {  	v25 =	vand.u32 $0x7C, v25;
	v2 =	vor.u32 v2, v4;
	v4 =	vor.u32 v53, v16;
	[sflag:s22] =	ssyncset.done $0x0  }
0x1aa: {  	v7 =	vor.u32 v7, v20;
	v60 =	vor.u32 v54, v12;
	v6 =	vor.u32 v6, v22;
	[sflag:s22] =	ssyncadd.s32 $0xFFFFE000  }
0x1ab: {  	v57 =	vand.u32 $0x7FFFFC00, v34;
	v8 =	vand.u32 $0x7FFFFC00, v8;
	v3 =	vor.u32 v3, v10;
	_ =	swait.ge [sflag:s25], $0x4000  }
0x1ac: {  	v10 =	vand.u32 $0x7F, v17;
	v21 =	vor.u32 v55, v21;
	v5 =	vor.u32 v23, v5;
	[sflag:s25] =	ssyncset.done $0x0  }
0x1ad: {  	v16 =	vor.u32 v0, v2;
	v12 =	vor.u32 v0, v7;
	v14 =	vand.u32 $0x1C00, v29;
	[sflag:s25] =	ssyncadd.s32 $0xFFFFC000  }
0x1ae: {  	v15 =	vand.u32 $0x1C00, v31;
	v63 =	vor.u32 v9, v57;
	v25 =	vor.u32 v25, v8;
	v18 =	vld.idx.msk [tilespmem:v18+s0+$0x0], $0xffff  }
0x1af: {  	v17 =	vor.u32 v0, v3;
	v9 =	vor.u32 v0, v6;
	v7 =	vor.u32 v0, v21  }
0x1b0: {  	v6 =	vadd.s32 v0, v5;
	v5 =	vadd.s32 v0, v62;
	v59 =	vor.u32 v14, v13  }
0x1b1: {  	v61 =	vor.u32 v15, v11;
	v15 =	vor.u32 v26, v58;
	v14 =	vor.u32 v0, v4  }
0x1b2: {  	s12 =	simm.s32 $0xC080;
	v13 =	vor.u32 v10, v19;
	v10 =	vor.u32 v0, v60;
	v4 =	vadd.s32 v0, v63  }
0x1b3: {  	s13 =	simm.s32 $0x0;
	s14 =	simm.s32 $0x1F;
	s9 =	simm.s32 $0xC080;
	v3 =	vadd.s32 v0, v25;
	v11 =	vor.u32 v0, v59;
	v8 =	vor.u32 v0, v61;
	[tilespmem:s12+$0x60] =	vst v18  }
.LBB2_13:
0x1b4: {  	s15 =	sadd.s32 $0xFFFFFFF2, s14;
	s16 =	sadd.s32 $0xFFFFFFFF, s14;
	v2 =	vmov s14;
	s13 =	sadd.s32 $0x2, s13;
	v17 =	vld.idx.msk [tilespmem:v17+s0+$0x0], $0xffff;
	v15 =	vadd.s32 v0, v15;
	v13 =	vadd.s32 v0, v13  }
0x1b5: {  	s17 =	sadd.s32 $0xFFFFFFF4, s14;
	v18 =	vmov s15;
	s15 =	sadd.s32 $0xFFFFFFF3, s14;
	v19 =	vmov s16;
	v20 =	vshll.u32 v2, $0x3;
	p1 =	slt.u32 s13, $0x7E;
	v16 =	vld.idx.msk [tilespmem:v16+s0+$0x0], $0xffff  }
0x1b6: {  	v22 =	vmov s17;
	s16 =	sadd.s32 $0xFFFFFFF6, s14;
	s17 =	sadd.s32 $0xFFFFFFF7, s14;
	v21 =	vmov s15;
	s15 =	sadd.s32 $0xFFFFFFF5, s14;
	v23 =	vshll.u32 v19, $0x3;
	v14 =	vld.idx.msk [tilespmem:v14+s0+$0x0], $0xffff  }
0x1b7: {  	s18 =	sadd.s32 $0xFFFFFFF9, s14;
	s19 =	sadd.s32 $0xFFFFFFFA, s14;
	v19 =	vand.u32 $0x7E, v19;
	v24 =	vmov s15;
	s15 =	sadd.s32 $0xFFFFFFF8, s14;
	v23 =	vand.u32 $0x7FFFFC00, v23;
	v12 =	vld.idx.msk [tilespmem:v12+s0+$0x0], $0xffff  }
0x1b8: {  	s28 =	sadd.s32 $0xFFFFFFFD, s14;
	v25 =	vmov s16;
	v26 =	vmov s17;
	s16 =	sadd.s32 $0xFFFFFFFB, s14;
	s17 =	sadd.s32 $0xFFFFFFFC, s14;
	v19 =	vor.u32 v19, v23;
	v11 =	vld.idx.msk [tilespmem:v11+s0+$0x0], $0xffff  }
0x1b9: {  	s30 =	sadd.s32 $0xFFFFFFF1, s14;
	v27 =	vmov s18;
	v23 =	vmov s15;
	s15 =	sadd.s32 $0xFFFFFFFE, s14;
	v19 =	vadd.s32 v0, v19;
	v10 =	vld.idx.msk [tilespmem:v10+s0+$0x0], $0xffff  }
0x1ba: {  	v28 =	vmov s30;
	v29 =	vmov s19;
	v30 =	vmov s16;
	v9 =	vld.idx.msk [tilespmem:v9+s0+$0x0], $0xffff  }
0x1bb: {  	v32 =	vmov s28;
	v31 =	vmov s17;
	v33 =	vmov s15;
	v8 =	vld.idx.msk [tilespmem:v8+s0+$0x0], $0xffff  }
0x1bc: {  	v34 =	vshll.u32 v28, $0x3;
	v35 =	vshll.u32 v18, $0x3;
	v36 =	vshll.u32 v21, $0x3;
	[tilespmem:s12+$0xFFFFFF80] =	vst v17;
	v7 =	vld.idx.msk [tilespmem:v7+s0+$0x0], $0xffff  }
0x1bd: {  	v38 =	vshll.u32 v25, $0x3;
	v37 =	vshll.u32 v24, $0x3;
	v17 =	vshll.u32 v22, $0x3;
	[tilespmem:s12+$0xFFFFFF90] =	vst v16;
	v6 =	vld.idx.msk [tilespmem:v6+s0+$0x0], $0xffff  }
0x1be: {  	v40 =	vshll.u32 v27, $0x3;
	v39 =	vshll.u32 v23, $0x3;
	v16 =	vshll.u32 v26, $0x3;
	v19 =	vld.idx.msk [tilespmem:v19+s0+$0x0], $0xffff;
	[tilespmem:s12+$0xFFFFFFA0] =	vst v14  }
0x1bf: {  	v41 =	vshll.u32 v30, $0x3;
	v42 =	vshll.u32 v31, $0x3;
	v14 =	vshll.u32 v29, $0x3;
	[tilespmem:s12+$0xFFFFFFB0] =	vst v12;
	v5 =	vld.idx.msk [tilespmem:v5+s0+$0x0], $0xffff  }
0x1c0: {  	v43 =	vshll.u32 v33, $0x3;
	v12 =	vand.u32 $0x1C00, v34;
	v34 =	vshll.u32 v32, $0x3;
	[tilespmem:s12+$0xFFFFFFC0] =	vst v11;
	v4 =	vld.idx.msk [tilespmem:v4+s0+$0x0], $0xffff  }
0x1c1: {  	v17 =	vand.u32 $0x1C00, v17;
	v11 =	vand.u32 $0x1C00, v35;
	v35 =	vand.u32 $0x1C00, v36;
	[tilespmem:s12+$0xFFFFFFD0] =	vst v10;
	v3 =	vld.idx.msk [tilespmem:v3+s0+$0x0], $0xffff  }
0x1c2: {  	v16 =	vand.u32 $0x1C00, v16;
	v36 =	vand.u32 $0x1C00, v38;
	v10 =	vand.u32 $0x1C00, v37;
	[tilespmem:s12+$0xFFFFFFE0] =	vst v9;
	v9 =	vld.idx.msk [tilespmem:v15+s0+$0x0], $0xffff  }
0x1c3: {  	v14 =	vand.u32 $0x7FFFFC00, v14;
	v37 =	vand.u32 $0x1C00, v40;
	v15 =	vand.u32 $0x1C00, v39;
	s12 =	sadd.s32 $0x100, s12;
	[tilespmem:s9+$0xFFFFFFF0] =	vst v8;
	v8 =	vld.idx.msk [tilespmem:v13+s0+$0x0], $0xffff  }
0x1c4: {  	v38 =	vand.u32 $0x7FFFFC00, v42;
	v34 =	vand.u32 $0x7FFFFC00, v34;
	v13 =	vand.u32 $0x7FFFFC00, v41;
	[tilespmem:s12+$0x60] =	vst v19  }
0x1c5: {  	v18 =	vand.u32 $0x71, v18;
	v19 =	vand.u32 $0x70, v28;
	v28 =	vand.u32 $0x7FFFFC00, v43;
	[tilespmem:s9+$0x0] =	vst v7  }
0x1c6: {  	v7 =	vand.u32 $0x72, v21;
	v21 =	vand.u32 $0x73, v22;
	v22 =	vand.u32 $0x74, v24;
	[tilespmem:s9+$0x10] =	vst v6  }
0x1c7: {  	v23 =	vand.u32 $0x77, v23;
	v24 =	vand.u32 $0x76, v26;
	v6 =	vand.u32 $0x75, v25;
	[tilespmem:s9+$0x20] =	vst v5  }
0x1c8: {  	v26 =	vand.u32 $0x7A, v30;
	v25 =	vand.u32 $0x79, v29;
	v5 =	vand.u32 $0x78, v27;
	[tilespmem:s9+$0x30] =	vst v4  }
0x1c9: {  	v29 =	vand.u32 $0x7D, v33;
	v27 =	vand.u32 $0x7C, v32;
	v4 =	vand.u32 $0x7B, v31;
	[tilespmem:s9+$0x40] =	vst v3  }
0x1ca: {  	v2 =	vand.u32 $0x7F, v2;
	v3 =	vor.u32 v12, v19;
	v12 =	vand.u32 $0x7FFFFC00, v20;
	[tilespmem:s9+$0x50] =	vst v9  }
0x1cb: {  	v7 =	vor.u32 v35, v7;
	v9 =	vor.u32 v11, v18;
	v11 =	vor.u32 v17, v21;
	[tilespmem:s9+$0x70] =	vst v8;
	s9 =	smov.u32 s12  }
0x1cc: {  	v6 =	vor.u32 v36, v6;
	v18 =	vor.u32 v16, v24;
	v8 =	vor.u32 v10, v22  }
0x1cd: {  	v5 =	vor.u32 v37, v5;
	v19 =	vor.u32 v15, v23;
	v20 =	vor.u32 v25, v14  }
0x1ce: {  	v4 =	vor.u32 v4, v38;
	v21 =	vor.u32 v26, v13;
	v22 =	vor.u32 v27, v34  }
.Ltmp5:
0x1cf: {  	v15 =	vor.u32 v29, v28;
	v17 =	vor.u32 v0, v3;
	v13 =	vor.u32 v2, v12;
	(pc) =	sbr.rel @p1 .LBB2_13-.Ltmp5, $4  }
0x1d0: {  	v14 =	vor.u32 v0, v7;
	v16 =	vor.u32 v0, v9;
	v12 =	vor.u32 v0, v11  }
0x1d1: {  	v10 =	vor.u32 v0, v6;
	v9 =	vor.u32 v0, v18;
	v11 =	vor.u32 v0, v8  }
0x1d2: {  	v7 =	vor.u32 v0, v5;
	v6 =	vadd.s32 v0, v20;
	v8 =	vor.u32 v0, v19  }
0x1d3: {  	s14 =	sadd.s32 $0x10, s14;
	v4 =	vadd.s32 v0, v4;
	v5 =	vadd.s32 v0, v21;
	v3 =	vadd.s32 v0, v22  }
0x1d4: {  	_ =	sdelay $0x3  }
0x1d5: {  	v2 =	vld.idx.msk [tilespmem:v17+s0+$0x0], $0xffff  }
0x1d6: {  	v16 =	vld.idx.msk [tilespmem:v16+s0+$0x0], $0xffff  }
0x1d7: {  	v14 =	vld.idx.msk [tilespmem:v14+s0+$0x0], $0xffff  }
0x1d8: {  	v12 =	vld.idx.msk [tilespmem:v12+s0+$0x0], $0xffff  }
0x1d9: {  	v11 =	vld.idx.msk [tilespmem:v11+s0+$0x0], $0xffff;
	v62 =	vadd.s32 v0, v13  }
0x1da: {  	v10 =	vld.idx.msk [tilespmem:v10+s0+$0x0], $0xffff;
	[tilespmem:s12+$0xFFFFFF80] =	vst v2  }
0x1db: {  	v5 =	vld.idx.msk [tilespmem:v5+s0+$0x0], $0xffff;
	[tilespmem:s12+$0xFFFFFF90] =	vst v16  }
0x1dc: {  	v4 =	vld.idx.msk [tilespmem:v4+s0+$0x0], $0xffff;
	[tilespmem:s12+$0xFFFFFFA0] =	vst v14  }
0x1dd: {  	v2 =	vld.idx.msk [tilespmem:v9+s0+$0x0], $0xffff;
	[tilespmem:s12+$0xFFFFFFB0] =	vst v12  }
0x1de: {  	v61 =	vadd.s32 v0, v15;
	[tilespmem:s12+$0xFFFFFFC0] =	vst v11;
	v63 =	vld.idx.msk [tilespmem:v62+s0+$0x0], $0xffff  }
0x1df: {  	v8 =	vld.idx.msk [tilespmem:v8+s0+$0x0], $0xffff;
	[tilespmem:s12+$0xFFFFFFD0] =	vst v10  }
0x1e0: {  	v7 =	vld.idx.msk [tilespmem:v7+s0+$0x0], $0xffff;
	[tilespmem:s9+$0x20] =	vst v5  }
0x1e1: {  	v6 =	vld.idx.msk [tilespmem:v6+s0+$0x0], $0xffff;
	[tilespmem:s9+$0x30] =	vst v4  }
0x1e2: {  	[tilespmem:s12+$0xFFFFFFE0] =	vst v2;
	v2 =	vld.idx.msk [tilespmem:v3+s0+$0x0], $0xffff  }
0x1e3: {  	v3 =	vld.idx.msk [tilespmem:v61+s0+$0x0], $0xffff;
	[tilespmem:s9+$0x70] =	vst v63  }
0x1e4: {  	[tilespmem:s9+$0xFFFFFFF0] =	vst v8  }
0x1e5: {  	s28 =	rddreg [dreg:$0xf];
	[tilespmem:s9+$0x0] =	vst v7  }
0x1e6: {  	s11 =	sadd.s32 s28, s11;
	[tilespmem:s9+$0x10] =	vst v6  }
0x1e7: {  	s11 =	sshrl.u32 s11, $0x3;
	[tilespmem:s9+$0x40] =	vst v2  }
0x1e8: {  	s10 =	sadd.s32 $0x1, s10;
	s30 =	sadd.s32 s7, s11;
	[tilespmem:s9+$0x50] =	vst v3  }
0x1e9: {  	[hbm4b:s30+s4] =	stream.linear.scatter [tilespmem:s24], [sflag:$0x3], $0x4000, $0x38;
	[tilespmem:$0x11600] =	vst v63  }
0x1ea: {  	p1 =	sne.s32 s10, $0xD;
	_ =	swait.ge [sflag:s25], $0x4000  }
.Ltmp6:
0x1eb: {  	[sflag:s25] =	ssyncset.done $0x0;
	(pc) =	sbr.rel @p1 .LBB2_2-.Ltmp6, $4  }
0x1ec: {  	[sflag:s25] =	ssyncadd.s32 $0xFFFFC000  }
0x1ed: {  	_ =	swait.ge [sflag:s25], $0x4000  }
0x1ee: {  	[sflag:s25] =	ssyncset.done $0x0  }
0x1ef: {  	[sflag:s25] =	ssyncadd.s32 $0xFFFFC000  }
.Ltmp7:
0x1f0: {  	(pc) =	sbr.rel @p0 .LBB2_21-.Ltmp7, $1  }
0x1f1: {  	_ =	sdelay $0x3  }
0x1f2: {  	s9 =	simm.s32 $0xF  }
0x1f3: {  	s10 =	simm.s32 $0x1;
	s11 =	simm.s32 $0xE;
	s28 =	simm.s32 $0x2;
	v2 =	vmov s9  }
0x1f4: {  	s30 =	simm.s32 $0x3;
	s12 =	simm.s32 $0x4;
	s13 =	simm.s32 $0x5;
	v3 =	vmov s10;
	v4 =	vmov s11;
	v6 =	vmov s28  }
0x1f5: {  	s14 =	simm.s32 $0x6;
	s16 =	simm.s32 $0x9;
	s17 =	simm.s32 $0xA;
	v7 =	vmov s30;
	v9 =	vmov s12;
	v10 =	vmov s13  }
0x1f6: {  	s18 =	simm.s32 $0xB;
	s19 =	simm.s32 $0xC;
	v11 =	vmov s14;
	v14 =	vmov s16;
	v15 =	vmov s17  }
0x1f7: {  	s12 =	simm.s32 $0x8;
	v16 =	vmov s18;
	v17 =	vmov s19;
	v5 =	vshll.u32 v2, $0x3  }
0x1f8: {  	s13 =	simm.s32 $0x0;
	s14 =	simm.s32 $0xD;
	v8 =	vshll.u32 v4, $0x3;
	v4 =	vand.u32 $0x7E, v4;
	v12 =	vmov s12  }
0x1f9: {  	v13 =	vmov s13;
	v18 =	vmov s14;
	v20 =	vshll.u32 v3, $0x3  }
0x1fa: {  	v21 =	vshll.u32 v6, $0x3;
	v22 =	vshll.u32 v7, $0x3;
	v23 =	vshll.u32 v9, $0x3  }
0x1fb: {  	v24 =	vshll.u32 v10, $0x3;
	v25 =	vshll.u32 v11, $0x3;
	v28 =	vshll.u32 v14, $0x3  }
0x1fc: {  	v29 =	vshll.u32 v15, $0x3;
	v30 =	vshll.u32 v16, $0x3;
	v31 =	vshll.u32 v17, $0x3  }
0x1fd: {  	v3 =	vand.u32 $0x71, v3;
	v6 =	vand.u32 $0x72, v6;
	v7 =	vand.u32 $0x73, v7  }
0x1fe: {  	v9 =	vand.u32 $0x74, v9;
	v10 =	vand.u32 $0x75, v10;
	v11 =	vand.u32 $0x76, v11  }
0x1ff: {  	v14 =	vand.u32 $0x79, v14;
	v15 =	vand.u32 $0x7A, v15;
	v16 =	vand.u32 $0x7B, v16  }
0x200: {  	v17 =	vand.u32 $0x7C, v17;
	v2 =	vand.u32 $0x7F, v2;
	v8 =	vand.u32 $0x7FFFFC00, v8  }
0x201: {  	v19 =	vshll.u32 v13, $0x3;
	v27 =	vshll.u32 v12, $0x3;
	v32 =	vshll.u32 v18, $0x3  }
0x202: {  	v20 =	vand.u32 $0x1C00, v20;
	v21 =	vand.u32 $0x1C00, v21;
	v22 =	vand.u32 $0x1C00, v22  }
0x203: {  	s28 =	rddreg [dreg:$0x10];
	v23 =	vand.u32 $0x1C00, v23;
	v24 =	vand.u32 $0x1C00, v24;
	v25 =	vand.u32 $0x1C00, v25  }
0x204: {  	[tilespmem:s4], [sflag:$0x1] =	stream.linear.gather [hbm4b:s28+s4], $0x1C00, $0x38;
	v28 =	vand.u32 $0x7FFFFC00, v28;
	v29 =	vand.u32 $0x7FFFFC00, v29;
	v30 =	vand.u32 $0x7FFFFC00, v30;
	[tilespmem:$0x11600] =	vst v63  }
0x205: {  	s15 =	simm.s32 $0x7;
	s30 =	rddreg [dreg:$0x11];
	v31 =	vand.u32 $0x7FFFFC00, v31;
	v13 =	vand.u32 $0x70, v13;
	v12 =	vand.u32 $0x78, v12  }
0x206: {  	v18 =	vand.u32 $0x7D, v18;
	v5 =	vand.u32 $0x7FFFFC00, v5;
	v4 =	vor.u32 v4, v8;
	[tilespmem:s1], [sflag:$0x1] =	stream.linear.gather [hbm4b:s30+s4], $0x1C00, $0x38;
	[tilespmem:$0x11600] =	vst v63  }
0x207: {  	v8 =	vmov s15;
	v19 =	vand.u32 $0x1C00, v19;
	v27 =	vand.u32 $0x1C00, v27;
	_ =	swait.ge [sflag:s20], $0x1C00  }
0x208: {  	v32 =	vand.u32 $0x7FFFFC00, v32;
	v3 =	vor.u32 v20, v3;
	v4 =	vadd.s32 v0, v4;
	[sflag:s20] =	ssyncset.done $0x0  }
0x209: {  	v6 =	vor.u32 v21, v6;
	v7 =	vor.u32 v22, v7;
	v9 =	vor.u32 v23, v9;
	[sflag:s20] =	ssyncadd.s32 $0xFFFFE400  }
0x20a: {  	v10 =	vor.u32 v24, v10;
	v60 =	vor.u32 v14, v28;
	v61 =	vor.u32 v15, v29;
	_ =	swait.ge [sflag:s20], $0x1C00  }
0x20b: {  	v62 =	vor.u32 v16, v30;
	v63 =	vor.u32 v17, v31;
	v26 =	vshll.u32 v8, $0x3;
	[sflag:s20] =	ssyncset.done $0x0  }
0x20c: {  	v8 =	vand.u32 $0x77, v8;
	v13 =	vor.u32 v19, v13;
	v19 =	vor.u32 v25, v11;
	[sflag:s20] =	ssyncadd.s32 $0xFFFFE400  }
0x20d: {  	v59 =	vor.u32 v27, v12;
	v15 =	vor.u32 v18, v32;
	v16 =	vor.u32 v0, v3;
	v4 =	vld.idx.msk [tilespmem:v4+s4+$0x0], $0xffff  }
0x20e: {  	v14 =	vor.u32 v0, v6;
	v12 =	vor.u32 v0, v7;
	v17 =	vor.u32 v0, v13  }
0x20f: {  	v11 =	vor.u32 v0, v9;
	v10 =	vor.u32 v0, v10;
	v6 =	vadd.s32 v0, v60  }
0x210: {  	v3 =	vadd.s32 v0, v63;
	v26 =	vand.u32 $0x1C00, v26;
	v13 =	vor.u32 v2, v5  }
0x211: {  	s10 =	simm.s32 $0x8080;
	v9 =	vor.u32 v0, v19;
	v7 =	vor.u32 v0, v59;
	v8 =	vor.u32 v26, v8  }
0x212: {  	s11 =	simm.s32 $0x0;
	s9 =	simm.s32 $0x8080;
	s12 =	simm.s32 $0x1F;
	v5 =	vadd.s32 v0, v61;
	v8 =	vor.u32 v0, v8;
	[tilespmem:s10+$0x60] =	vst v4;
	v4 =	vadd.s32 v0, v62  }
.LBB2_17:
0x213: {  	s13 =	sadd.s32 $0xFFFFFFF2, s12;
	s14 =	sadd.s32 $0xFFFFFFFF, s12;
	v2 =	vmov s12;
	s11 =	sadd.s32 $0x2, s11;
	v17 =	vld.idx.msk [tilespmem:v17+s4+$0x0], $0xffff;
	v15 =	vadd.s32 v0, v15;
	v13 =	vadd.s32 v0, v13  }
0x214: {  	s15 =	sadd.s32 $0xFFFFFFF4, s12;
	v18 =	vmov s13;
	s13 =	sadd.s32 $0xFFFFFFF3, s12;
	v19 =	vmov s14;
	v20 =	vshll.u32 v2, $0x3;
	p1 =	slt.u32 s11, $0x6E;
	v16 =	vld.idx.msk [tilespmem:v16+s4+$0x0], $0xffff  }
0x215: {  	v22 =	vmov s15;
	s14 =	sadd.s32 $0xFFFFFFF6, s12;
	s15 =	sadd.s32 $0xFFFFFFF7, s12;
	v21 =	vmov s13;
	s13 =	sadd.s32 $0xFFFFFFF5, s12;
	v23 =	vshll.u32 v19, $0x3;
	v14 =	vld.idx.msk [tilespmem:v14+s4+$0x0], $0xffff  }
0x216: {  	s16 =	sadd.s32 $0xFFFFFFF9, s12;
	s17 =	sadd.s32 $0xFFFFFFFA, s12;
	v19 =	vand.u32 $0x7E, v19;
	v24 =	vmov s13;
	s13 =	sadd.s32 $0xFFFFFFF8, s12;
	v23 =	vand.u32 $0x7FFFFC00, v23;
	v12 =	vld.idx.msk [tilespmem:v12+s4+$0x0], $0xffff  }
0x217: {  	s18 =	sadd.s32 $0xFFFFFFFD, s12;
	v25 =	vmov s14;
	v26 =	vmov s15;
	s14 =	sadd.s32 $0xFFFFFFFB, s12;
	s15 =	sadd.s32 $0xFFFFFFFC, s12;
	v19 =	vor.u32 v19, v23;
	v11 =	vld.idx.msk [tilespmem:v11+s4+$0x0], $0xffff  }
0x218: {  	s19 =	sadd.s32 $0xFFFFFFF1, s12;
	v27 =	vmov s16;
	v23 =	vmov s13;
	s13 =	sadd.s32 $0xFFFFFFFE, s12;
	v19 =	vadd.s32 v0, v19;
	v10 =	vld.idx.msk [tilespmem:v10+s4+$0x0], $0xffff  }
0x219: {  	v28 =	vmov s19;
	v29 =	vmov s17;
	v30 =	vmov s14;
	v9 =	vld.idx.msk [tilespmem:v9+s4+$0x0], $0xffff  }
0x21a: {  	v32 =	vmov s18;
	v31 =	vmov s15;
	v33 =	vmov s13;
	v8 =	vld.idx.msk [tilespmem:v8+s4+$0x0], $0xffff  }
0x21b: {  	v34 =	vshll.u32 v28, $0x3;
	v35 =	vshll.u32 v18, $0x3;
	v36 =	vshll.u32 v21, $0x3;
	[tilespmem:s10+$0xFFFFFF80] =	vst v17;
	v7 =	vld.idx.msk [tilespmem:v7+s4+$0x0], $0xffff  }
0x21c: {  	v38 =	vshll.u32 v25, $0x3;
	v37 =	vshll.u32 v24, $0x3;
	v17 =	vshll.u32 v22, $0x3;
	[tilespmem:s10+$0xFFFFFF90] =	vst v16;
	v6 =	vld.idx.msk [tilespmem:v6+s4+$0x0], $0xffff  }
0x21d: {  	v40 =	vshll.u32 v27, $0x3;
	v39 =	vshll.u32 v23, $0x3;
	v16 =	vshll.u32 v26, $0x3;
	v19 =	vld.idx.msk [tilespmem:v19+s4+$0x0], $0xffff;
	[tilespmem:s10+$0xFFFFFFA0] =	vst v14  }
0x21e: {  	v41 =	vshll.u32 v30, $0x3;
	v42 =	vshll.u32 v31, $0x3;
	v14 =	vshll.u32 v29, $0x3;
	[tilespmem:s10+$0xFFFFFFB0] =	vst v12;
	v5 =	vld.idx.msk [tilespmem:v5+s4+$0x0], $0xffff  }
0x21f: {  	v43 =	vshll.u32 v33, $0x3;
	v12 =	vand.u32 $0x1C00, v34;
	v34 =	vshll.u32 v32, $0x3;
	[tilespmem:s10+$0xFFFFFFC0] =	vst v11;
	v4 =	vld.idx.msk [tilespmem:v4+s4+$0x0], $0xffff  }
0x220: {  	v17 =	vand.u32 $0x1C00, v17;
	v11 =	vand.u32 $0x1C00, v35;
	v35 =	vand.u32 $0x1C00, v36;
	[tilespmem:s10+$0xFFFFFFD0] =	vst v10;
	v3 =	vld.idx.msk [tilespmem:v3+s4+$0x0], $0xffff  }
0x221: {  	v16 =	vand.u32 $0x1C00, v16;
	v36 =	vand.u32 $0x1C00, v38;
	v10 =	vand.u32 $0x1C00, v37;
	[tilespmem:s10+$0xFFFFFFE0] =	vst v9;
	v9 =	vld.idx.msk [tilespmem:v15+s4+$0x0], $0xffff  }
0x222: {  	v14 =	vand.u32 $0x7FFFFC00, v14;
	v37 =	vand.u32 $0x1C00, v40;
	v15 =	vand.u32 $0x1C00, v39;
	s10 =	sadd.s32 $0x100, s10;
	[tilespmem:s9+$0xFFFFFFF0] =	vst v8;
	v8 =	vld.idx.msk [tilespmem:v13+s4+$0x0], $0xffff  }
0x223: {  	v38 =	vand.u32 $0x7FFFFC00, v42;
	v34 =	vand.u32 $0x7FFFFC00, v34;
	v13 =	vand.u32 $0x7FFFFC00, v41;
	[tilespmem:s10+$0x60] =	vst v19  }
0x224: {  	v18 =	vand.u32 $0x71, v18;
	v19 =	vand.u32 $0x70, v28;
	v28 =	vand.u32 $0x7FFFFC00, v43;
	[tilespmem:s9+$0x0] =	vst v7  }
0x225: {  	v7 =	vand.u32 $0x72, v21;
	v21 =	vand.u32 $0x73, v22;
	v22 =	vand.u32 $0x74, v24;
	[tilespmem:s9+$0x10] =	vst v6  }
0x226: {  	v23 =	vand.u32 $0x77, v23;
	v24 =	vand.u32 $0x76, v26;
	v6 =	vand.u32 $0x75, v25;
	[tilespmem:s9+$0x20] =	vst v5  }
0x227: {  	v26 =	vand.u32 $0x7A, v30;
	v25 =	vand.u32 $0x79, v29;
	v5 =	vand.u32 $0x78, v27;
	[tilespmem:s9+$0x30] =	vst v4  }
0x228: {  	v29 =	vand.u32 $0x7D, v33;
	v27 =	vand.u32 $0x7C, v32;
	v4 =	vand.u32 $0x7B, v31;
	[tilespmem:s9+$0x40] =	vst v3  }
0x229: {  	v2 =	vand.u32 $0x7F, v2;
	v3 =	vor.u32 v12, v19;
	v12 =	vand.u32 $0x7FFFFC00, v20;
	[tilespmem:s9+$0x50] =	vst v9  }
0x22a: {  	v7 =	vor.u32 v35, v7;
	v9 =	vor.u32 v11, v18;
	v11 =	vor.u32 v17, v21;
	[tilespmem:s9+$0x70] =	vst v8;
	s9 =	smov.u32 s10  }
0x22b: {  	v6 =	vor.u32 v36, v6;
	v18 =	vor.u32 v16, v24;
	v8 =	vor.u32 v10, v22  }
0x22c: {  	v5 =	vor.u32 v37, v5;
	v19 =	vor.u32 v15, v23;
	v20 =	vor.u32 v25, v14  }
0x22d: {  	v4 =	vor.u32 v4, v38;
	v21 =	vor.u32 v26, v13;
	v22 =	vor.u32 v27, v34  }
.Ltmp8:
0x22e: {  	v15 =	vor.u32 v29, v28;
	v17 =	vor.u32 v0, v3;
	v13 =	vor.u32 v2, v12;
	(pc) =	sbr.rel @p1 .LBB2_17-.Ltmp8, $4  }
0x22f: {  	v14 =	vor.u32 v0, v7;
	v16 =	vor.u32 v0, v9;
	v12 =	vor.u32 v0, v11  }
0x230: {  	v10 =	vor.u32 v0, v6;
	v9 =	vor.u32 v0, v18;
	v11 =	vor.u32 v0, v8  }
0x231: {  	v7 =	vor.u32 v0, v5;
	v6 =	vadd.s32 v0, v20;
	v8 =	vor.u32 v0, v19  }
0x232: {  	s12 =	sadd.s32 $0x10, s12;
	v4 =	vadd.s32 v0, v4;
	v5 =	vadd.s32 v0, v21;
	v3 =	vadd.s32 v0, v22  }
0x233: {  	_ =	sdelay $0x3  }
0x234: {  	v2 =	vld.idx.msk [tilespmem:v17+s4+$0x0], $0xffff  }
0x235: {  	v16 =	vld.idx.msk [tilespmem:v16+s4+$0x0], $0xffff  }
0x236: {  	v14 =	vld.idx.msk [tilespmem:v14+s4+$0x0], $0xffff  }
0x237: {  	v12 =	vld.idx.msk [tilespmem:v12+s4+$0x0], $0xffff  }
0x238: {  	v11 =	vld.idx.msk [tilespmem:v11+s4+$0x0], $0xffff  }
0x239: {  	v10 =	vld.idx.msk [tilespmem:v10+s4+$0x0], $0xffff  }
0x23a: {  	v9 =	vld.idx.msk [tilespmem:v9+s4+$0x0], $0xffff  }
0x23b: {  	v7 =	vld.idx.msk [tilespmem:v7+s4+$0x0], $0xffff;
	[tilespmem:s10+$0xFFFFFF80] =	vst v2  }
0x23c: {  	v6 =	vld.idx.msk [tilespmem:v6+s4+$0x0], $0xffff;
	[tilespmem:s10+$0xFFFFFF90] =	vst v16  }
0x23d: {  	v5 =	vld.idx.msk [tilespmem:v5+s4+$0x0], $0xffff;
	[tilespmem:s10+$0xFFFFFFA0] =	vst v14  }
0x23e: {  	v3 =	vld.idx.msk [tilespmem:v3+s4+$0x0], $0xffff;
	s19 =	simm.s32 $0x6;
	[tilespmem:s10+$0xFFFFFFB0] =	vst v12  }
0x23f: {  	s11 =	simm.s32 $0xF;
	v13 =	vadd.s32 v0, v13;
	s12 =	simm.s32 $0x1;
	s13 =	simm.s32 $0xE;
	v18 =	vmov s19;
	v2 =	vld.idx.msk [tilespmem:v8+s4+$0x0], $0xffff;
	v8 =	vadd.s32 v0, v15;
	[tilespmem:s10+$0xFFFFFFC0] =	vst v11  }
0x240: {  	s15 =	simm.s32 $0x2;
	s16 =	simm.s32 $0x3;
	s17 =	simm.s32 $0x4;
	v12 =	vmov s11;
	v11 =	vmov s12;
	v14 =	vmov s13;
	[tilespmem:s10+$0xFFFFFFD0] =	vst v10  }
0x241: {  	v10 =	vmov s15;
	v16 =	vmov s16;
	[tilespmem:s10+$0xFFFFFFE0] =	vst v9;
	v9 =	vmov s17  }
0x242: {  	v4 =	vld.idx.msk [tilespmem:v4+s4+$0x0], $0xffff;
	s28 =	simm.s32 $0x7;
	s14 =	simm.s32 $0x0;
	s12 =	simm.s32 $0x9;
	v15 =	vshll.u32 v12, $0x3;
	v17 =	vshll.u32 v14, $0x3;
	v14 =	vand.u32 $0x7E, v14;
	[tilespmem:s9+$0x0] =	vst v7  }
0x243: {  	s16 =	simm.s32 $0xA;
	s17 =	simm.s32 $0xB;
	s15 =	simm.s32 $0xD;
	v7 =	vmov s28;
	[tilespmem:s9+$0x10] =	vst v6;
	v6 =	vmov s14;
	v19 =	vmov s12  }
0x244: {  	[tilespmem:s9+$0x20] =	vst v5;
	v20 =	vmov s16;
	v5 =	vmov s17;
	v22 =	vmov s15  }
0x245: {  	v13 =	vld.idx.msk [tilespmem:v13+s4+$0x0], $0xffff;
	[tilespmem:s9+$0x40] =	vst v3;
	v23 =	vshll.u32 v11, $0x3;
	v24 =	vshll.u32 v10, $0x3;
	v3 =	vshll.u32 v16, $0x3  }
0x246: {  	v25 =	vshll.u32 v9, $0x3;
	v11 =	vand.u32 $0x71, v11;
	v10 =	vand.u32 $0x72, v10;
	v8 =	vld.idx.msk [tilespmem:v8+s4+$0x0], $0xffff  }
0x247: {  	v16 =	vand.u32 $0x73, v16;
	v9 =	vand.u32 $0x74, v9;
	v17 =	vand.u32 $0x7FFFFC00, v17  }
0x248: {  	[tilespmem:s9+$0x30] =	vst v4;
	v4 =	vshll.u32 v6, $0x3;
	v27 =	vshll.u32 v7, $0x3;
	v29 =	vshll.u32 v20, $0x3  }
0x249: {  	v30 =	vshll.u32 v5, $0x3;
	v32 =	vshll.u32 v22, $0x3;
	v23 =	vand.u32 $0x1C00, v23;
	[tilespmem:s9+$0xFFFFFFF0] =	vst v2  }
0x24a: {  	v24 =	vand.u32 $0x1C00, v24;
	v3 =	vand.u32 $0x1C00, v3;
	v25 =	vand.u32 $0x1C00, v25;
	[tilespmem:s9+$0x70] =	vst v13  }
0x24b: {  	s30 =	simm.s32 $0x8;
	s19 =	rddreg [dreg:$0x14];
	v6 =	vand.u32 $0x70, v6;
	v7 =	vand.u32 $0x77, v7;
	v20 =	vand.u32 $0x7A, v20;
	[tilespmem:s9+$0x50] =	vst v8  }
0x24c: {  	v5 =	vand.u32 $0x7B, v5;
	v22 =	vand.u32 $0x7D, v22;
	v14 =	vor.u32 v14, v17;
	[hbm4b:s19+s4] =	stream.linear.scatter [tilespmem:s21], [sflag:$0x3], $0x3800, $0x38;
	[tilespmem:$0x11600] =	vst v63  }
0x24d: {  	v17 =	vmov s30;
	v4 =	vand.u32 $0x1C00, v4;
	v27 =	vand.u32 $0x1C00, v27;
	_ =	swait.ge [sflag:s25], $0x3800  }
0x24e: {  	v29 =	vand.u32 $0x7FFFFC00, v29;
	v30 =	vand.u32 $0x7FFFFC00, v30;
	v32 =	vand.u32 $0x7FFFFC00, v32;
	[sflag:s25] =	ssyncset.done $0x0  }
0x24f: {  	v11 =	vor.u32 v23, v11;
	v10 =	vor.u32 v24, v10;
	v3 =	vor.u32 v3, v16;
	s28 =	rddreg [dreg:$0x12];
	[sflag:s25] =	ssyncadd.s32 $0xFFFFC800  }
0x250: {  	v9 =	vor.u32 v25, v9;
	v14 =	vadd.s32 v0, v14;
	v28 =	vshll.u32 v17, $0x3;
	[tilespmem:s4], [sflag:$0x1] =	stream.linear.gather [hbm4b:s28+s4], $0x1C00, $0x38;
	[tilespmem:$0x11600] =	vst v63  }
0x251: {  	v17 =	vand.u32 $0x78, v17;
	v4 =	vor.u32 v4, v6;
	v6 =	vand.u32 $0x7F, v12;
	s30 =	rddreg [dreg:$0x13]  }
0x252: {  	v12 =	vand.u32 $0x7FFFFC00, v15;
	v7 =	vor.u32 v27, v7;
	v20 =	vor.u32 v20, v29;
	[tilespmem:s1], [sflag:$0x1] =	stream.linear.gather [hbm4b:s30+s4], $0x1C00, $0x38;
	[tilespmem:$0x11600] =	vst v63  }
0x253: {  	s18 =	simm.s32 $0x5;
	v63 =	vor.u32 v5, v30;
	v15 =	vor.u32 v22, v32;
	v16 =	vor.u32 v0, v11;
	_ =	swait.ge [sflag:s20], $0x1C00  }
0x254: {  	v11 =	vor.u32 v0, v9;
	v2 =	vmov s18;
	v13 =	vshll.u32 v19, $0x3;
	[sflag:s20] =	ssyncset.done $0x0  }
0x255: {  	s18 =	simm.s32 $0xC;
	v28 =	vand.u32 $0x1C00, v28;
	v19 =	vand.u32 $0x79, v19;
	v5 =	vadd.s32 v0, v20;
	[sflag:s20] =	ssyncadd.s32 $0xFFFFE400  }
0x256: {  	v21 =	vmov s18;
	v26 =	vshll.u32 v2, $0x3;
	v13 =	vand.u32 $0x7FFFFC00, v13;
	_ =	swait.ge [sflag:s20], $0x1C00  }
0x257: {  	v2 =	vand.u32 $0x75, v2;
	v31 =	vshll.u32 v21, $0x3;
	v26 =	vand.u32 $0x1C00, v26;
	[sflag:s20] =	ssyncset.done $0x0  }
0x258: {  	v21 =	vand.u32 $0x7C, v21;
	v19 =	vor.u32 v19, v13;
	v8 =	vshll.u32 v18, $0x3;
	[sflag:s20] =	ssyncadd.s32 $0xFFFFE400  }
0x259: {  	v13 =	vor.u32 v6, v12;
	v18 =	vand.u32 $0x76, v18;
	v8 =	vand.u32 $0x1C00, v8;
	v62 =	vld.idx.msk [tilespmem:v14+s4+$0x0], $0xffff  }
0x25a: {  	v8 =	vor.u32 v8, v18;
	v18 =	vor.u32 v28, v17;
	v17 =	vor.u32 v0, v4  }
0x25b: {  	v12 =	vor.u32 v0, v3;
	v31 =	vand.u32 $0x7FFFFC00, v31;
	v2 =	vor.u32 v26, v2  }
0x25c: {  	v6 =	vadd.s32 v0, v19;
	v21 =	vor.u32 v21, v31;
	v14 =	vor.u32 v0, v10  }
0x25d: {  	s10 =	simm.s32 $0x8080;
	v3 =	vadd.s32 v0, v21;
	v4 =	vadd.s32 v0, v63;
	v9 =	vor.u32 v0, v8  }
0x25e: {  	s11 =	simm.s32 $0x0;
	s12 =	simm.s32 $0x1F;
	s9 =	simm.s32 $0x8080;
	v8 =	vor.u32 v0, v7;
	v7 =	vor.u32 v0, v18;
	v10 =	vor.u32 v0, v2;
	[tilespmem:s10+$0x60] =	vst v62  }
.LBB2_19:
0x25f: {  	s13 =	sadd.s32 $0xFFFFFFF2, s12;
	s14 =	sadd.s32 $0xFFFFFFFF, s12;
	v2 =	vmov s12;
	s11 =	sadd.s32 $0x2, s11;
	v17 =	vld.idx.msk [tilespmem:v17+s4+$0x0], $0xffff;
	v15 =	vadd.s32 v0, v15;
	v13 =	vadd.s32 v0, v13  }
0x260: {  	s15 =	sadd.s32 $0xFFFFFFF4, s12;
	v18 =	vmov s13;
	s13 =	sadd.s32 $0xFFFFFFF3, s12;
	v19 =	vmov s14;
	v20 =	vshll.u32 v2, $0x3;
	p1 =	slt.u32 s11, $0x6E;
	v16 =	vld.idx.msk [tilespmem:v16+s4+$0x0], $0xffff  }
0x261: {  	v22 =	vmov s15;
	s14 =	sadd.s32 $0xFFFFFFF6, s12;
	s15 =	sadd.s32 $0xFFFFFFF7, s12;
	v21 =	vmov s13;
	s13 =	sadd.s32 $0xFFFFFFF5, s12;
	v23 =	vshll.u32 v19, $0x3;
	v14 =	vld.idx.msk [tilespmem:v14+s4+$0x0], $0xffff  }
0x262: {  	s16 =	sadd.s32 $0xFFFFFFF9, s12;
	s17 =	sadd.s32 $0xFFFFFFFA, s12;
	v19 =	vand.u32 $0x7E, v19;
	v24 =	vmov s13;
	s13 =	sadd.s32 $0xFFFFFFF8, s12;
	v23 =	vand.u32 $0x7FFFFC00, v23;
	v12 =	vld.idx.msk [tilespmem:v12+s4+$0x0], $0xffff  }
0x263: {  	s18 =	sadd.s32 $0xFFFFFFFD, s12;
	v25 =	vmov s14;
	v26 =	vmov s15;
	s14 =	sadd.s32 $0xFFFFFFFB, s12;
	s15 =	sadd.s32 $0xFFFFFFFC, s12;
	v19 =	vor.u32 v19, v23;
	v11 =	vld.idx.msk [tilespmem:v11+s4+$0x0], $0xffff  }
0x264: {  	s19 =	sadd.s32 $0xFFFFFFF1, s12;
	v27 =	vmov s16;
	v23 =	vmov s13;
	s13 =	sadd.s32 $0xFFFFFFFE, s12;
	v19 =	vadd.s32 v0, v19;
	v10 =	vld.idx.msk [tilespmem:v10+s4+$0x0], $0xffff  }
0x265: {  	v28 =	vmov s19;
	v29 =	vmov s17;
	v30 =	vmov s14;
	v9 =	vld.idx.msk [tilespmem:v9+s4+$0x0], $0xffff  }
0x266: {  	v32 =	vmov s18;
	v31 =	vmov s15;
	v33 =	vmov s13;
	v8 =	vld.idx.msk [tilespmem:v8+s4+$0x0], $0xffff  }
0x267: {  	v34 =	vshll.u32 v28, $0x3;
	v35 =	vshll.u32 v18, $0x3;
	v36 =	vshll.u32 v21, $0x3;
	[tilespmem:s10+$0xFFFFFF80] =	vst v17;
	v7 =	vld.idx.msk [tilespmem:v7+s4+$0x0], $0xffff  }
0x268: {  	v38 =	vshll.u32 v25, $0x3;
	v37 =	vshll.u32 v24, $0x3;
	v17 =	vshll.u32 v22, $0x3;
	[tilespmem:s10+$0xFFFFFF90] =	vst v16;
	v6 =	vld.idx.msk [tilespmem:v6+s4+$0x0], $0xffff  }
0x269: {  	v40 =	vshll.u32 v27, $0x3;
	v39 =	vshll.u32 v23, $0x3;
	v16 =	vshll.u32 v26, $0x3;
	v19 =	vld.idx.msk [tilespmem:v19+s4+$0x0], $0xffff;
	[tilespmem:s10+$0xFFFFFFA0] =	vst v14  }
0x26a: {  	v41 =	vshll.u32 v30, $0x3;
	v42 =	vshll.u32 v31, $0x3;
	v14 =	vshll.u32 v29, $0x3;
	[tilespmem:s10+$0xFFFFFFB0] =	vst v12;
	v5 =	vld.idx.msk [tilespmem:v5+s4+$0x0], $0xffff  }
0x26b: {  	v43 =	vshll.u32 v33, $0x3;
	v12 =	vand.u32 $0x1C00, v34;
	v34 =	vshll.u32 v32, $0x3;
	[tilespmem:s10+$0xFFFFFFC0] =	vst v11;
	v4 =	vld.idx.msk [tilespmem:v4+s4+$0x0], $0xffff  }
0x26c: {  	v17 =	vand.u32 $0x1C00, v17;
	v11 =	vand.u32 $0x1C00, v35;
	v35 =	vand.u32 $0x1C00, v36;
	[tilespmem:s10+$0xFFFFFFD0] =	vst v10;
	v3 =	vld.idx.msk [tilespmem:v3+s4+$0x0], $0xffff  }
0x26d: {  	v16 =	vand.u32 $0x1C00, v16;
	v36 =	vand.u32 $0x1C00, v38;
	v10 =	vand.u32 $0x1C00, v37;
	[tilespmem:s10+$0xFFFFFFE0] =	vst v9;
	v9 =	vld.idx.msk [tilespmem:v15+s4+$0x0], $0xffff  }
0x26e: {  	v14 =	vand.u32 $0x7FFFFC00, v14;
	v37 =	vand.u32 $0x1C00, v40;
	v15 =	vand.u32 $0x1C00, v39;
	s10 =	sadd.s32 $0x100, s10;
	[tilespmem:s9+$0xFFFFFFF0] =	vst v8;
	v8 =	vld.idx.msk [tilespmem:v13+s4+$0x0], $0xffff  }
0x26f: {  	v38 =	vand.u32 $0x7FFFFC00, v42;
	v34 =	vand.u32 $0x7FFFFC00, v34;
	v13 =	vand.u32 $0x7FFFFC00, v41;
	[tilespmem:s10+$0x60] =	vst v19  }
0x270: {  	v18 =	vand.u32 $0x71, v18;
	v19 =	vand.u32 $0x70, v28;
	v28 =	vand.u32 $0x7FFFFC00, v43;
	[tilespmem:s9+$0x0] =	vst v7  }
0x271: {  	v7 =	vand.u32 $0x72, v21;
	v21 =	vand.u32 $0x73, v22;
	v22 =	vand.u32 $0x74, v24;
	[tilespmem:s9+$0x10] =	vst v6  }
0x272: {  	v23 =	vand.u32 $0x77, v23;
	v24 =	vand.u32 $0x76, v26;
	v6 =	vand.u32 $0x75, v25;
	[tilespmem:s9+$0x20] =	vst v5  }
0x273: {  	v26 =	vand.u32 $0x7A, v30;
	v25 =	vand.u32 $0x79, v29;
	v5 =	vand.u32 $0x78, v27;
	[tilespmem:s9+$0x30] =	vst v4  }
0x274: {  	v29 =	vand.u32 $0x7D, v33;
	v27 =	vand.u32 $0x7C, v32;
	v4 =	vand.u32 $0x7B, v31;
	[tilespmem:s9+$0x40] =	vst v3  }
0x275: {  	v2 =	vand.u32 $0x7F, v2;
	v3 =	vor.u32 v12, v19;
	v12 =	vand.u32 $0x7FFFFC00, v20;
	[tilespmem:s9+$0x50] =	vst v9  }
0x276: {  	v7 =	vor.u32 v35, v7;
	v9 =	vor.u32 v11, v18;
	v11 =	vor.u32 v17, v21;
	[tilespmem:s9+$0x70] =	vst v8;
	s9 =	smov.u32 s10  }
0x277: {  	v6 =	vor.u32 v36, v6;
	v18 =	vor.u32 v16, v24;
	v8 =	vor.u32 v10, v22  }
0x278: {  	v5 =	vor.u32 v37, v5;
	v19 =	vor.u32 v15, v23;
	v20 =	vor.u32 v25, v14  }
0x279: {  	v4 =	vor.u32 v4, v38;
	v21 =	vor.u32 v26, v13;
	v22 =	vor.u32 v27, v34  }
.Ltmp9:
0x27a: {  	v15 =	vor.u32 v29, v28;
	v17 =	vor.u32 v0, v3;
	v13 =	vor.u32 v2, v12;
	(pc) =	sbr.rel @p1 .LBB2_19-.Ltmp9, $4  }
0x27b: {  	v14 =	vor.u32 v0, v7;
	v16 =	vor.u32 v0, v9;
	v12 =	vor.u32 v0, v11  }
0x27c: {  	v10 =	vor.u32 v0, v6;
	v9 =	vor.u32 v0, v18;
	v11 =	vor.u32 v0, v8  }
0x27d: {  	v7 =	vor.u32 v0, v5;
	v6 =	vadd.s32 v0, v20;
	v8 =	vor.u32 v0, v19  }
0x27e: {  	s12 =	sadd.s32 $0x10, s12;
	v4 =	vadd.s32 v0, v4;
	v5 =	vadd.s32 v0, v21;
	v3 =	vadd.s32 v0, v22  }
0x27f: {  	_ =	sdelay $0x3  }
0x280: {  	v2 =	vld.idx.msk [tilespmem:v17+s4+$0x0], $0xffff  }
0x281: {  	v16 =	vld.idx.msk [tilespmem:v16+s4+$0x0], $0xffff  }
0x282: {  	v14 =	vld.idx.msk [tilespmem:v14+s4+$0x0], $0xffff  }
0x283: {  	v12 =	vld.idx.msk [tilespmem:v12+s4+$0x0], $0xffff  }
0x284: {  	v11 =	vld.idx.msk [tilespmem:v11+s4+$0x0], $0xffff;
	v62 =	vadd.s32 v0, v13  }
0x285: {  	v10 =	vld.idx.msk [tilespmem:v10+s4+$0x0], $0xffff;
	[tilespmem:s10+$0xFFFFFF80] =	vst v2  }
0x286: {  	v5 =	vld.idx.msk [tilespmem:v5+s4+$0x0], $0xffff;
	[tilespmem:s10+$0xFFFFFF90] =	vst v16  }
0x287: {  	v4 =	vld.idx.msk [tilespmem:v4+s4+$0x0], $0xffff;
	[tilespmem:s10+$0xFFFFFFA0] =	vst v14  }
0x288: {  	v2 =	vld.idx.msk [tilespmem:v9+s4+$0x0], $0xffff;
	[tilespmem:s10+$0xFFFFFFB0] =	vst v12  }
0x289: {  	v61 =	vadd.s32 v0, v15;
	[tilespmem:s10+$0xFFFFFFC0] =	vst v11;
	v63 =	vld.idx.msk [tilespmem:v62+s4+$0x0], $0xffff  }
0x28a: {  	v8 =	vld.idx.msk [tilespmem:v8+s4+$0x0], $0xffff;
	[tilespmem:s10+$0xFFFFFFD0] =	vst v10  }
0x28b: {  	v7 =	vld.idx.msk [tilespmem:v7+s4+$0x0], $0xffff;
	[tilespmem:s9+$0x20] =	vst v5  }
0x28c: {  	v6 =	vld.idx.msk [tilespmem:v6+s4+$0x0], $0xffff;
	[tilespmem:s9+$0x30] =	vst v4  }
0x28d: {  	[tilespmem:s10+$0xFFFFFFE0] =	vst v2;
	v2 =	vld.idx.msk [tilespmem:v3+s4+$0x0], $0xffff  }
0x28e: {  	v3 =	vld.idx.msk [tilespmem:v61+s4+$0x0], $0xffff;
	[tilespmem:s9+$0x70] =	vst v63  }
0x28f: {  	[tilespmem:s9+$0xFFFFFFF0] =	vst v8  }
0x290: {  	[tilespmem:s9+$0x0] =	vst v7  }
0x291: {  	[tilespmem:s9+$0x10] =	vst v6  }
0x292: {  	[tilespmem:s9+$0x40] =	vst v2  }
0x293: {  	s30 =	rddreg [dreg:$0x15];
	[tilespmem:s9+$0x50] =	vst v3  }
0x294: {  	[hbm4b:s30+s4] =	stream.linear.scatter [tilespmem:s21], [sflag:$0x3], $0x3800, $0x38;
	[tilespmem:$0x11600] =	vst v63  }
0x295: {  	_ =	swait.ge [sflag:s25], $0x3800  }
0x296: {  	[sflag:s25] =	ssyncset.done $0x0  }
0x297: {  	[sflag:s25] =	ssyncadd.s32 $0xFFFFC800  }
.LBB2_21:
0x298: {  	[bflag:$0x0] =	sbarrier.arrive $0xFFFF  }
0x299: {  	s9 =	simm.s32 $0x0;
	s10 =	rddreg [dreg:$0x16]  }
0x29a: {  	[tilespmem:s9], [sflag:$0x3] =	stream.linear.gather [hbm4b:s10+s9], $0x100, $0x38;
	[tilespmem:$0x11600] =	vst v63  }
0x29b: {  	s30 =	rddreg [dreg:$0x1a]  }
0x29c: {  	[tilespmem:s29], [sflag:$0x4] =	stream.linear.gather [hbm4b:s30+s9], $0x100, $0x38;
	[tilespmem:$0x11600] =	vst v63  }
0x29d: {  	_ =	swait.ge [sflag:s25], $0x100  }
0x29e: {  	[sflag:s25] =	ssyncset.done $0x0  }
0x29f: {  	s9 =	simm.s32 $0x0;
	[sflag:s25] =	ssyncadd.s32 $0xFFFFFF00  }
0x2a0: {  	s14 =	rddreg [dreg:$0x4];
	v2 =	vld [tilespmem:s9+$0x0]  }
0x2a1: {  	s17 =	simm.s32 $0x300;
	s10 =	simm.s32 $0x40;
	s15 =	rddreg [dreg:$0x17]  }
.LBB2_22:
0x2a2: {  	p1 =	sne.s32 s10, $0x3C0  }
.Ltmp10:
0x2a3: {  	_ = 	snop;
	(pc) =	sbr.rel @p1 .LBB2_22-.Ltmp10, $4  }
0x2a4: {  	_ = 	snop  }
0x2a5: {  	s11 =	sshra.s32 s10, $0x2;
	s10 =	sadd.s32 $0x40, s10;
	v3 =	vshrl.u32 v2, $0x3;
	v4 =	vshll.u32 v2, $0x4  }
0x2a6: {  	v2 =	vld [tilespmem:s11+$0x0];
	[tilespmem:s9+$0x200] =	vst v3;
	v3 =	vand.u32 $0x70, v4  }
0x2a7: {  	[tilespmem:s9+$0x400] =	vst v3;
	s9 =	smov.u32 s11  }
0x2a8: {  	_ =	sdelay $0x2  }
0x2a9: {  	v3 =	vshrl.u32 v2, $0x3;
	v2 =	vshll.u32 v2, $0x4  }
0x2aa: {  	[tilespmem:s9+$0x200] =	vst v3;
	v2 =	vand.u32 $0x70, v2  }
0x2ab: {  	s16 =	simm.s32 $0x200;
	s10 =	simm.s32 $0x0;
	[tilespmem:s9+$0x400] =	vst v2  }
0x2ac: {  	[tilespmem:s26], [sflag:$0x1] =	stream.indirect.gather [hbm4b:s7+s29], $0x80, s16, s29, $0xb8;
	[tilespmem:$0x11600] =	vst v63  }
.LBB2_24:
0x2ad: {  	_ =	swait.ge [sflag:s31], $0x100  }
0x2ae: {  	[sflag:s31] =	ssyncset.done $0x0  }
0x2af: {  	s9 =	simm.s32 $0x0;
	[sflag:s31] =	ssyncadd.s32 $0xFFFFFF00  }
0x2b0: {  	v2 =	vld [tilespmem:s9+$0x100]  }
0x2b1: {  	s11 =	simm.s32 $0x40  }
.LBB2_25:
0x2b2: {  	p1 =	sne.s32 s11, $0x3C0  }
.Ltmp11:
0x2b3: {  	_ = 	snop;
	(pc) =	sbr.rel @p1 .LBB2_25-.Ltmp11, $4  }
0x2b4: {  	_ = 	snop  }
0x2b5: {  	s12 =	sshra.s32 s11, $0x2;
	s11 =	sadd.s32 $0x40, s11;
	v3 =	vshrl.u32 v2, $0x3;
	v4 =	vshll.u32 v2, $0x4  }
0x2b6: {  	v2 =	vld [tilespmem:s12+$0x100];
	[tilespmem:s9+$0x300] =	vst v3;
	v3 =	vand.u32 $0x70, v4  }
0x2b7: {  	[tilespmem:s9+$0x500] =	vst v3;
	s9 =	smov.u32 s12  }
0x2b8: {  	_ =	sdelay $0x2  }
0x2b9: {  	s11 =	sshll.u32 s10, $0x9;
	v3 =	vshrl.u32 v2, $0x3;
	v2 =	vshll.u32 v2, $0x4  }
0x2ba: {  	s28 =	sadd.s32 $0x200, s11;
	[tilespmem:s9+$0x300] =	vst v3;
	v2 =	vand.u32 $0x70, v2  }
0x2bb: {  	[tilespmem:s9+$0x500] =	vst v2;
	s9 =	sand.u32 $0x3E00, s28  }
0x2bc: {  	[tilespmem:s2], [sflag:$0x2] =	stream.indirect.gather [hbm4b:s7+s29], $0x80, s17, s29, $0xb8;
	[tilespmem:$0x11600] =	vst v63  }
0x2bd: {  	s9 =	sor.u32 s23, s9  }
0x2be: {  	s9 =	sshrl.u32 s9, $0x3  }
0x2bf: {  	s12 =	simm.s32 $0x0;
	s9 =	sadd.s32 s5, s9  }
0x2c0: {  	[tilespmem:s12], [sflag:$0x3] =	stream.linear.gather [hbm4b:s9+s12], $0x100, $0x38;
	[tilespmem:$0x11600] =	vst v63  }
0x2c1: {  	_ =	swait.ge [sflag:s20], $0x8000  }
0x2c2: {  	[sflag:s20] =	ssyncset.done $0x0  }
0x2c3: {  	s30 =	simm.s32 $0x400;
	[sflag:s20] =	ssyncadd.s32 $0xFFFF8000  }
0x2c4: {  	v19 =	vld [tilespmem:s30+$0x0]  }
0x2c5: {  	v2 =	vor.u32 s12, v1  }
0x2c6: {  	v17 =	vshll.u32 v2, $0x7;
	v5 =	vshll.u32 v2, $0x4;
	v2 =	vand.u32 $0x7, v1  }
0x2c7: {  	v2 =	vmul.u32 $0x10, v2  }
0x2c8: {  	v21 =	vand.u32 $0xF80, v5  }
0x2c9: {  	v31 =	vor.u32 v2, v21;
	v3 =	vand.u32 $0xFFFFFF80, v19;
	v4 =	vadd.s32 $0x1, v19  }
0x2ca: {  	v18 =	vadd.s32 $0xC, v19;
	v7 =	vand.u32 $0x7F, v19;
	v10 =	vadd.s32 $0xD, v19  }
0x2cb: {  	v8 =	vadd.s32 $0x8, v19;
	v11 =	vadd.s32 $0xB, v19;
	v12 =	vadd.s32 $0x5, v19  }
0x2cc: {  	v23 =	vadd.s32 $0x2, v19;
	v22 =	vadd.s32 $0x6, v19;
	v47 =	vadd.s32 $0xE, v19  }
0x2cd: {  	v3 =	vadd.s32 v17, v3;
	v6 =	vand.u32 $0xFFFFFF80, v4;
	v4 =	vand.u32 $0x7F, v4  }
0x2ce: {  	v15 =	vand.u32 $0xFFFFFF80, v18;
	v16 =	vand.u32 $0x7F, v11;
	v20 =	vand.u32 $0xFFFFFF80, v12  }
0x2cf: {  	v12 =	vand.u32 $0x7F, v12;
	v25 =	vand.u32 $0xFFFFFF80, v8;
	v5 =	vand.u32 $0xFFFFFF80, v23  }
0x2d0: {  	v26 =	vand.u32 $0x7F, v22;
	v8 =	vand.u32 $0x7F, v8;
	v23 =	vand.u32 $0x7F, v23  }
0x2d1: {  	v11 =	vand.u32 $0xFFFFFF80, v11;
	v45 =	vand.u32 $0x7F, v10;
	v63 =	vand.u32 $0xFFFFFF80, v10  }
0x2d2: {  	v10 =	vor.u32 $0xB, v2;
	v6 =	vadd.s32 v17, v6;
	v13 =	vor.u32 v7, v3  }
0x2d3: {  	v7 =	vadd.s32 $0x4, v19;
	v20 =	vadd.s32 v17, v20;
	v25 =	vadd.s32 v17, v25  }
0x2d4: {  	v11 =	vadd.s32 v17, v11;
	v44 =	vadd.s32 v17, v15;
	v49 =	vadd.s32 v17, v63  }
0x2d5: {  	v9 =	vor.u32 v4, v6;
	v4 =	vadd.s32 $0x3, v19;
	v24 =	vor.u32 v12, v20  }
0x2d6: {  	v12 =	vand.u32 $0xFFFFFF80, v22;
	v20 =	vadd.s32 $0x7, v19;
	v25 =	vor.u32 v8, v25  }
0x2d7: {  	v6 =	vand.u32 $0xFFFFFF80, v4;
	v3 =	vand.u32 $0x7F, v4;
	v4 =	vor.u32 $0xD, v2  }
0x2d8: {  	v12 =	vadd.s32 v17, v12;
	v27 =	vand.u32 $0xFFFFFF80, v20;
	v28 =	vand.u32 $0x7F, v20  }
0x2d9: {  	v6 =	vadd.s32 v17, v6;
	v27 =	vadd.s32 v17, v27;
	v20 =	vor.u32 v4, v21  }
0x2da: {  	v35 =	vor.u32 v26, v12;
	v12 =	vadd.s32 $0x9, v19;
	v26 =	vadd.s32 $0xA, v19  }
0x2db: {  	v14 =	vor.u32 v3, v6;
	v3 =	vor.u32 $0x1, v2;
	v6 =	vand.u32 $0x7F, v7  }
0x2dc: {  	v7 =	vand.u32 $0xFFFFFF80, v7;
	v8 =	vand.u32 $0xFFFFFF80, v12;
	v39 =	vor.u32 v28, v27  }
0x2dd: {  	v12 =	vand.u32 $0x7F, v12;
	v27 =	vand.u32 $0xFFFFFF80, v26;
	v28 =	vadd.s32 v17, v5  }
0x2de: {  	v26 =	vand.u32 $0x7F, v26;
	v5 =	vor.u32 $0x2, v2;
	v22 =	vor.u32 v3, v21  }
0x2df: {  	v7 =	vadd.s32 v17, v7;
	v8 =	vadd.s32 v17, v8;
	v27 =	vadd.s32 v17, v27  }
0x2e0: {  	v36 =	vor.u32 v5, v21;
	v46 =	vld.idx.msk [tilespmem:v13+s26+$0x0], $0xffff;
	v48 =	vor.u32 v23, v28;
	v13 =	vor.u32 $0x9, v2  }
0x2e1: {  	v43 =	vor.u32 v6, v7;
	v42 =	vor.u32 v12, v8;
	v6 =	vor.u32 $0x3, v2;
	v41 =	vld.idx.msk [tilespmem:v9+s26+$0x0], $0xffff  }
0x2e2: {  	v7 =	vor.u32 $0x4, v2;
	v40 =	vor.u32 v26, v27;
	v8 =	vor.u32 $0x5, v2;
	v23 =	vld.idx.msk [tilespmem:v25+s26+$0x0], $0xffff  }
0x2e3: {  	v26 =	vor.u32 v16, v11;
	v9 =	vor.u32 $0x6, v2;
	v11 =	vor.u32 $0x7, v2;
	v34 =	vld.idx.msk [tilespmem:v24+s26+$0x0], $0xffff  }
0x2e4: {  	v12 =	vor.u32 $0x8, v2;
	v24 =	vor.u32 v13, v21;
	v16 =	vor.u32 $0xC, v2;
	v38 =	vld.idx.msk [tilespmem:v35+s26+$0x0], $0xffff  }
0x2e5: {  	v33 =	vor.u32 v6, v21;
	v32 =	vor.u32 v7, v21;
	v27 =	vor.u32 v8, v21;
	v37 =	vld.idx.msk [tilespmem:v14+s26+$0x0], $0xffff  }
0x2e6: {  	v28 =	vor.u32 v9, v21;
	v29 =	vor.u32 v11, v21;
	v30 =	vor.u32 v12, v21;
	v39 =	vld.idx.msk [tilespmem:v39+s26+$0x0], $0xffff  }
0x2e7: {  	v15 =	vor.u32 $0xE, v2;
	v35 =	vor.u32 v16, v21;
	v14 =	vor.u32 $0xA, v2;
	[tilespmem:v31+s6+$0x0] =	vst.idx.msk $0xffff, v46;
	v46 =	vld.idx.msk [tilespmem:v48+s26+$0x0], $0xffff  }
0x2e8: {  	s9 =	simm.s32 $0x10;
	s12 =	simm.s32 $0x410;
	v25 =	vor.u32 v14, v21;
	v31 =	vor.u32 v10, v21;
	v48 =	vand.u32 $0xFFFFFF80, v47;
	v43 =	vld.idx.msk [tilespmem:v43+s26+$0x0], $0xffff  }
.LBB2_27:
0x2e9: {  	p1 =	sne.s32 s9, $0xF0;
	v42 =	vld.idx.msk [tilespmem:v42+s26+$0x0], $0xffff;
	v45 =	vor.u32 v45, v49;
	v47 =	vand.u32 $0x7F, v47;
	v48 =	vadd.s32 v17, v48;
	s13 =	smov.u32 s9;
	s9 =	sadd.s32 $0x10, s9  }
0x2ea: {  	v49 =	vld [tilespmem:s12+$0x0];
	v47 =	vor.u32 v47, v48;
	[tilespmem:v22+s6+$0x0] =	vst.idx.msk $0xffff, v41;
	v22 =	vor.u32 v15, v21;
	v41 =	vor.u32 $0xF, v2  }
0x2eb: {  	v18 =	vand.u32 $0x7F, v18;
	v19 =	vadd.s32 $0xF, v19;
	v21 =	vor.u32 v41, v21  }
0x2ec: {  	v44 =	vor.u32 v18, v44;
	v18 =	vand.u32 $0xFFFFFF80, v19;
	v41 =	vor.u32 s13, v1;
	v40 =	vld.idx.msk [tilespmem:v40+s26+$0x0], $0xffff  }
0x2ed: {  	v48 =	vshll.u32 v41, $0x7;
	v41 =	vshll.u32 v41, $0x4;
	[tilespmem:v36+s6+$0x0] =	vst.idx.msk $0xffff, v46  }
0x2ee: {  	v19 =	vand.u32 $0x7F, v19;
	v18 =	vadd.s32 v17, v18;
	v17 =	vmov v48;
	v36 =	vld.idx.msk [tilespmem:v45+s26+$0x0], $0xffff;
	[tilespmem:v33+s6+$0x0] =	vst.idx.msk $0xffff, v37  }
0x2ef: {  	v46 =	vor.u32 v19, v18;
	v33 =	vand.u32 $0xFFFFFF80, v49;
	v37 =	vadd.s32 $0x1, v49;
	v45 =	vld.idx.msk [tilespmem:v47+s26+$0x0], $0xffff;
	[tilespmem:v32+s6+$0x0] =	vst.idx.msk $0xffff, v43  }
0x2f0: {  	v18 =	vadd.s32 $0xC, v49;
	v32 =	vadd.s32 v17, v33;
	v43 =	vand.u32 $0xFFFFFF80, v37;
	v26 =	vld.idx.msk [tilespmem:v26+s26+$0x0], $0xffff;
	[tilespmem:v27+s6+$0x0] =	vst.idx.msk $0xffff, v34  }
0x2f1: {  	v27 =	vand.u32 $0x7F, v49;
	v33 =	vand.u32 $0x7F, v37;
	v37 =	vadd.s32 v17, v43;
	v34 =	vld.idx.msk [tilespmem:v44+s26+$0x0], $0xffff;
	[tilespmem:v28+s6+$0x0] =	vst.idx.msk $0xffff, v38  }
0x2f2: {  	v47 =	vadd.s32 $0xD, v49;
	v19 =	vmovc v49;
	v28 =	vor.u32 v33, v37;
	v33 =	vadd.s32 $0x3, v49;
	[tilespmem:v29+s6+$0x0] =	vst.idx.msk $0xffff, v39  }
0x2f3: {  	v38 =	vadd.s32 $0xB, v19;
	v37 =	vadd.s32 $0x8, v19;
	v29 =	vand.u32 $0xFFFFFF80, v33;
	[tilespmem:v30+s6+$0x0] =	vst.idx.msk $0xffff, v23  }
0x2f4: {  	v23 =	vadd.s32 v17, v29;
	v29 =	vadd.s32 $0x5, v19;
	v30 =	vld.idx.msk [tilespmem:v46+s26+$0x0], $0xffff;
	[tilespmem:v24+s6+$0x0] =	vst.idx.msk $0xffff, v42  }
0x2f5: {  	v24 =	vor.u32 v27, v32;
	v27 =	vand.u32 $0x7F, v33;
	v32 =	vadd.s32 $0x4, v19;
	[tilespmem:v25+s6+$0x0] =	vst.idx.msk $0xffff, v40  }
0x2f6: {  	v23 =	vor.u32 v27, v23;
	v25 =	vand.u32 $0xFFFFFF80, v18;
	[tilespmem:v31+s6+$0x0] =	vst.idx.msk $0xffff, v26  }
0x2f7: {  	v27 =	vand.u32 $0x7F, v38;
	v26 =	vand.u32 $0x7F, v32;
	[tilespmem:v35+s6+$0x0] =	vst.idx.msk $0xffff, v34  }
0x2f8: {  	v33 =	vand.u32 $0xFFFFFF80, v29;
	v29 =	vand.u32 $0x7F, v29;
	v31 =	vadd.s32 $0x2, v19;
	[tilespmem:v20+s6+$0x0] =	vst.idx.msk $0xffff, v36  }
0x2f9: {  	v32 =	vand.u32 $0xFFFFFF80, v32;
	v20 =	vadd.s32 v17, v33;
	v33 =	vadd.s32 $0x6, v19;
	[tilespmem:v22+s6+$0x0] =	vst.idx.msk $0xffff, v45  }
0x2fa: {  	v34 =	vadd.s32 $0x7, v19;
	v29 =	vor.u32 v29, v20;
	v20 =	vand.u32 $0xFFFFFF80, v33;
	[tilespmem:v21+s6+$0x0] =	vst.idx.msk $0xffff, v30  }
0x2fb: {  	v30 =	vadd.s32 v17, v20;
	v20 =	vand.u32 $0xFFFFFF80, v37;
	v21 =	vand.u32 $0xF80, v41;
	v24 =	vld.idx.msk [tilespmem:v24+s26+$0x0], $0xffff  }
0x2fc: {  	v35 =	vand.u32 $0xFFFFFF80, v31;
	v33 =	vand.u32 $0x7F, v33;
	v36 =	vor.u32 v2, v21  }
0x2fd: {  	v39 =	vand.u32 $0xFFFFFF80, v34;
	v40 =	vadd.s32 v17, v20;
	v22 =	vor.u32 v3, v21  }
0x2fe: {  	v34 =	vand.u32 $0x7F, v34;
	v39 =	vadd.s32 v17, v39;
	v20 =	vor.u32 v4, v21  }
0x2ff: {  	v30 =	vor.u32 v33, v30;
	v33 =	vand.u32 $0x7F, v37;
	v37 =	vadd.s32 $0x9, v19  }
0x300: {  	v32 =	vadd.s32 v17, v32;
	v33 =	vor.u32 v33, v40;
	v40 =	vand.u32 $0xFFFFFF80, v37  }
0x301: {  	v39 =	vor.u32 v34, v39;
	v34 =	vadd.s32 v17, v40;
	v40 =	vadd.s32 $0xA, v19;
	[tilespmem:v36+s6+$0x0] =	vst.idx.msk $0xffff, v24  }
0x302: {  	v24 =	vand.u32 $0x7F, v31;
	v31 =	vand.u32 $0x7F, v37;
	v36 =	vand.u32 $0xFFFFFF80, v40  }
0x303: {  	v38 =	vand.u32 $0xFFFFFF80, v38;
	v41 =	vld.idx.msk [tilespmem:v28+s26+$0x0], $0xffff;
	v28 =	vadd.s32 v17, v35;
	v35 =	vadd.s32 v17, v36  }
0x304: {  	v43 =	vor.u32 v26, v32;
	v26 =	vand.u32 $0x7F, v40  }
0x305: {  	v42 =	vor.u32 v31, v34;
	v36 =	vor.u32 v5, v21;
	v37 =	vld.idx.msk [tilespmem:v23+s26+$0x0], $0xffff  }
0x306: {  	v31 =	vadd.s32 v17, v38;
	v23 =	vld.idx.msk [tilespmem:v33+s26+$0x0], $0xffff;
	v33 =	vor.u32 v6, v21  }
0x307: {  	v32 =	vor.u32 v7, v21;
	v40 =	vor.u32 v26, v35;
	v34 =	vld.idx.msk [tilespmem:v29+s26+$0x0], $0xffff  }
0x308: {  	v26 =	vor.u32 v27, v31;
	v27 =	vor.u32 v8, v21  }
0x309: {  	v31 =	vor.u32 v24, v28;
	v28 =	vor.u32 v9, v21;
	v38 =	vld.idx.msk [tilespmem:v30+s26+$0x0], $0xffff  }
0x30a: {  	v44 =	vadd.s32 v17, v25;
	v29 =	vor.u32 v11, v21  }
.Ltmp12:
0x30b: {  	v45 =	vand.u32 $0x7F, v47;
	v30 =	vor.u32 v12, v21;
	v39 =	vld.idx.msk [tilespmem:v39+s26+$0x0], $0xffff;
	(pc) =	sbr.rel @p1 .LBB2_27-.Ltmp12, $4  }
0x30c: {  	v24 =	vor.u32 v13, v21;
	v43 =	vld.idx.msk [tilespmem:v43+s26+$0x0], $0xffff  }
0x30d: {  	v25 =	vor.u32 v14, v21;
	v35 =	vand.u32 $0xFFFFFF80, v47  }
0x30e: {  	v47 =	vadd.s32 $0xE, v19;
	v46 =	vld.idx.msk [tilespmem:v31+s26+$0x0], $0xffff;
	v31 =	vor.u32 v10, v21  }
0x30f: {  	s12 =	sadd.s32 $0x10, s12;
	v49 =	vadd.s32 v17, v35;
	v48 =	vand.u32 $0xFFFFFF80, v47;
	v35 =	vor.u32 v16, v21  }
0x310: {  	_ =	sdelay $0x3  }
0x311: {  	[tilespmem:v22+s6+$0x0] =	vst.idx.msk $0xffff, v41;
	v18 =	vand.u32 $0x7F, v18  }
0x312: {  	v54 =	vor.u32 v45, v49;
	v19 =	vadd.s32 $0xF, v19;
	v18 =	vor.u32 v18, v44;
	[tilespmem:v36+s6+$0x0] =	vst.idx.msk $0xffff, v46  }
0x313: {  	v55 =	vld.idx.msk [tilespmem:v42+s26+$0x0], $0xffff;
	v56 =	vand.u32 $0x7F, v47;
	v57 =	vadd.s32 v17, v48;
	v58 =	vand.u32 $0xFFFFFF80, v19;
	[tilespmem:v33+s6+$0x0] =	vst.idx.msk $0xffff, v37  }
0x314: {  	v59 =	vor.u32 v56, v57;
	v19 =	vand.u32 $0x7F, v19;
	v17 =	vadd.s32 v17, v58;
	[tilespmem:v32+s6+$0x0] =	vst.idx.msk $0xffff, v43  }
0x315: {  	v60 =	vld.idx.msk [tilespmem:v40+s26+$0x0], $0xffff;
	v19 =	vor.u32 v19, v17;
	[tilespmem:v27+s6+$0x0] =	vst.idx.msk $0xffff, v34  }
0x316: {  	v26 =	vld.idx.msk [tilespmem:v26+s26+$0x0], $0xffff;
	[tilespmem:v28+s6+$0x0] =	vst.idx.msk $0xffff, v38  }
0x317: {  	v18 =	vld.idx.msk [tilespmem:v18+s26+$0x0], $0xffff;
	[tilespmem:v29+s6+$0x0] =	vst.idx.msk $0xffff, v39  }
0x318: {  	v22 =	vld.idx.msk [tilespmem:v54+s26+$0x0], $0xffff;
	[tilespmem:v30+s6+$0x0] =	vst.idx.msk $0xffff, v23  }
0x319: {  	v61 =	vor.u32 v15, v21;
	v17 =	vor.u32 $0xF, v2;
	v62 =	vld.idx.msk [tilespmem:v59+s26+$0x0], $0xffff;
	[tilespmem:v24+s6+$0x0] =	vst.idx.msk $0xffff, v55  }
0x31a: {  	v63 =	vor.u32 v17, v21;
	v19 =	vld.idx.msk [tilespmem:v19+s26+$0x0], $0xffff;
	[tilespmem:v25+s6+$0x0] =	vst.idx.msk $0xffff, v60  }
0x31b: {  	[tilespmem:v31+s6+$0x0] =	vst.idx.msk $0xffff, v26  }
0x31c: {  	[tilespmem:v35+s6+$0x0] =	vst.idx.msk $0xffff, v18  }
0x31d: {  	[tilespmem:v20+s6+$0x0] =	vst.idx.msk $0xffff, v22  }
0x31e: {  	s9 =	sshll.u32 s10, $0xA;
	[tilespmem:v61+s6+$0x0] =	vst.idx.msk $0xffff, v62  }
0x31f: {  	s12 =	simm.s32 $0x0;
	s9 =	sadd.s32 s9, s15;
	[tilespmem:v63+s6+$0x0] =	vst.idx.msk $0xffff, v19  }
0x320: {  	[hbm4b:s9+s12] =	stream.linear.scatter [tilespmem:s6], [sflag:$0x5], $0x1000, $0x38;
	[tilespmem:$0x11600] =	vst v63  }
0x321: {  	_ =	swait.ge [sflag:s8], $0x1000  }
0x322: {  	[sflag:s8] =	ssyncset.done $0x0  }
0x323: {  	[sflag:s8] =	ssyncadd.s32 $0xFFFFF000  }
0x324: {  	_ =	swait.ge [sflag:s25], $0x100  }
0x325: {  	[sflag:s25] =	ssyncset.done $0x0  }
0x326: {  	s9 =	simm.s32 $0x0;
	[sflag:s25] =	ssyncadd.s32 $0xFFFFFF00  }
0x327: {  	v18 =	vld [tilespmem:s9+$0x0]  }
0x328: {  	s12 =	simm.s32 $0x40  }
.LBB2_29:
0x329: {  	p1 =	sne.s32 s12, $0x3C0  }
.Ltmp13:
0x32a: {  	_ = 	snop;
	(pc) =	sbr.rel @p1 .LBB2_29-.Ltmp13, $4  }
0x32b: {  	_ = 	snop  }
0x32c: {  	s13 =	sshra.s32 s12, $0x2;
	s12 =	sadd.s32 $0x40, s12;
	v19 =	vshrl.u32 v18, $0x3;
	v20 =	vshll.u32 v18, $0x4  }
0x32d: {  	v18 =	vld [tilespmem:s13+$0x0];
	[tilespmem:s9+$0x200] =	vst v19;
	v19 =	vand.u32 $0x70, v20  }
0x32e: {  	[tilespmem:s9+$0x400] =	vst v19;
	s9 =	smov.u32 s13  }
0x32f: {  	_ =	sdelay $0x2  }
0x330: {  	v19 =	vshrl.u32 v18, $0x3;
	v18 =	vshll.u32 v18, $0x4  }
0x331: {  	s28 =	sadd.s32 $0x300, s11;
	[tilespmem:s9+$0x200] =	vst v19;
	v18 =	vand.u32 $0x70, v18  }
0x332: {  	[tilespmem:s9+$0x400] =	vst v18;
	s9 =	sand.u32 $0x3F00, s28  }
0x333: {  	[tilespmem:s26], [sflag:$0x1] =	stream.indirect.gather [hbm4b:s7+s29], $0x80, s16, s29, $0xb8;
	[tilespmem:$0x11600] =	vst v63  }
0x334: {  	s9 =	sor.u32 s23, s9  }
0x335: {  	s9 =	sshrl.u32 s9, $0x3  }
0x336: {  	s12 =	simm.s32 $0x0;
	s9 =	sadd.s32 s5, s9  }
0x337: {  	[tilespmem:s29], [sflag:$0x4] =	stream.linear.gather [hbm4b:s9+s12], $0x100, $0x38;
	[tilespmem:$0x11600] =	vst v63  }
0x338: {  	_ =	swait.ge [sflag:s22], $0x8000  }
0x339: {  	[sflag:s22] =	ssyncset.done $0x0  }
0x33a: {  	s30 =	simm.s32 $0x500;
	[sflag:s22] =	ssyncadd.s32 $0xFFFF8000  }
0x33b: {  	v19 =	vld [tilespmem:s30+$0x0]  }
0x33c: {  	v20 =	vor.u32 s12, v1  }
0x33d: {  	v18 =	vshll.u32 v20, $0x7;
	v20 =	vshll.u32 v20, $0x4  }
0x33e: {  	v31 =	vand.u32 $0xF80, v20  }
0x33f: {  	v42 =	vor.u32 v2, v31;
	v46 =	vor.u32 v3, v31;
	v33 =	vor.u32 v5, v31  }
0x340: {  	v32 =	vor.u32 v6, v31;
	v30 =	vor.u32 v7, v31;
	v21 =	vand.u32 $0xFFFFFF80, v19  }
0x341: {  	v22 =	vadd.s32 $0x1, v19;
	v23 =	vadd.s32 $0x3, v19;
	v24 =	vand.u32 $0x7F, v19  }
0x342: {  	v41 =	vadd.s32 $0xC, v19;
	v21 =	vadd.s32 v18, v21;
	v25 =	vand.u32 $0xFFFFFF80, v22  }
0x343: {  	v22 =	vand.u32 $0x7F, v22;
	v21 =	vor.u32 v24, v21;
	v24 =	vadd.s32 v18, v25  }
0x344: {  	v27 =	vadd.s32 $0x5, v19;
	v22 =	vor.u32 v22, v24;
	v24 =	vadd.s32 $0x2, v19  }
0x345: {  	v26 =	vand.u32 $0xFFFFFF80, v23;
	v23 =	vand.u32 $0x7F, v23;
	v25 =	vand.u32 $0xFFFFFF80, v24  }
0x346: {  	v34 =	vadd.s32 v18, v25;
	v25 =	vadd.s32 v18, v26;
	v26 =	vadd.s32 $0x4, v19  }
0x347: {  	v28 =	vadd.s32 $0x7, v19;
	v25 =	vor.u32 v23, v25;
	v23 =	vand.u32 $0xFFFFFF80, v26  }
0x348: {  	v29 =	vadd.s32 $0x8, v19;
	v26 =	vand.u32 $0x7F, v26;
	v23 =	vadd.s32 v18, v23  }
0x349: {  	v44 =	vadd.s32 $0xB, v19;
	v36 =	vor.u32 v26, v23;
	v23 =	vand.u32 $0xFFFFFF80, v27  }
0x34a: {  	v26 =	vand.u32 $0x7F, v27;
	v27 =	vadd.s32 $0x6, v19;
	v23 =	vadd.s32 v18, v23  }
0x34b: {  	v60 =	vadd.s32 $0xD, v19;
	v37 =	vor.u32 v26, v23;
	v23 =	vand.u32 $0xFFFFFF80, v27  }
0x34c: {  	v26 =	vand.u32 $0x7F, v27;
	v27 =	vand.u32 $0xFFFFFF80, v28;
	v23 =	vadd.s32 v18, v23  }
0x34d: {  	v38 =	vor.u32 v26, v23;
	v23 =	vand.u32 $0x7F, v28;
	v26 =	vadd.s32 v18, v27  }
0x34e: {  	v20 =	vand.u32 $0x7F, v29;
	v40 =	vor.u32 v23, v26;
	v23 =	vand.u32 $0xFFFFFF80, v29  }
0x34f: {  	v58 =	vand.u32 $0xFFFFFF80, v44;
	v50 =	vand.u32 $0x7F, v44;
	v23 =	vadd.s32 v18, v23  }
0x350: {  	v59 =	vand.u32 $0xFFFFFF80, v41;
	v48 =	vld.idx.msk [tilespmem:v21+s2+$0x0], $0xffff;
	v45 =	vor.u32 v20, v23;
	v23 =	vadd.s32 $0x9, v19  }
0x351: {  	v61 =	vand.u32 $0x7F, v41;
	v62 =	vadd.s32 v18, v59;
	v35 =	vand.u32 $0xFFFFFF80, v23  }
0x352: {  	v24 =	vand.u32 $0x7F, v24;
	v47 =	vld.idx.msk [tilespmem:v22+s2+$0x0], $0xffff;
	v22 =	vand.u32 $0x7F, v23;
	v35 =	vadd.s32 v18, v35  }
0x353: {  	v44 =	vor.u32 v24, v34;
	v24 =	vor.u32 v17, v31;
	v43 =	vor.u32 v22, v35  }
0x354: {  	v21 =	vor.u32 v4, v31;
	v27 =	vor.u32 v9, v31;
	v36 =	vld.idx.msk [tilespmem:v36+s2+$0x0], $0xffff;
	v22 =	vadd.s32 $0xA, v19  }
0x355: {  	v63 =	vand.u32 $0xFFFFFF80, v60;
	v28 =	vor.u32 v11, v31;
	[tilespmem:v42+s6+$0x0] =	vst.idx.msk $0xffff, v48;
	v37 =	vld.idx.msk [tilespmem:v37+s2+$0x0], $0xffff;
	v39 =	vand.u32 $0xFFFFFF80, v22  }
0x356: {  	v42 =	vor.u32 v61, v62;
	v38 =	vld.idx.msk [tilespmem:v38+s2+$0x0], $0xffff;
	v49 =	vand.u32 $0x7F, v22;
	v39 =	vadd.s32 v18, v39  }
0x357: {  	v29 =	vor.u32 v8, v31;
	v35 =	vld.idx.msk [tilespmem:v25+s2+$0x0], $0xffff;
	v39 =	vor.u32 v49, v39;
	v49 =	vadd.s32 v18, v58  }
0x358: {  	v26 =	vor.u32 v12, v31;
	[tilespmem:v46+s6+$0x0] =	vst.idx.msk $0xffff, v47;
	v34 =	vld.idx.msk [tilespmem:v43+s2+$0x0], $0xffff;
	v43 =	vor.u32 v50, v49  }
0x359: {  	v46 =	vadd.s32 v18, v63;
	v20 =	vor.u32 v13, v31;
	v23 =	vor.u32 v14, v31;
	v40 =	vld.idx.msk [tilespmem:v40+s2+$0x0], $0xffff  }
0x35a: {  	s9 =	simm.s32 $0x10;
	s12 =	simm.s32 $0x510;
	v25 =	vor.u32 v16, v31;
	v22 =	vor.u32 v15, v31;
	v41 =	vld.idx.msk [tilespmem:v45+s2+$0x0], $0xffff;
	v45 =	vand.u32 $0x7F, v60  }
.LBB2_31:
0x35b: {  	p1 =	sne.s32 s9, $0xF0;
	v45 =	vor.u32 v45, v46;
	v46 =	vadd.s32 $0xE, v19;
	v47 =	vadd.s32 $0xF, v19;
	v19 =	vld [tilespmem:s12+$0x0];
	s13 =	smov.u32 s9;
	s9 =	sadd.s32 $0x10, s9  }
0x35c: {  	v44 =	vld.idx.msk [tilespmem:v44+s2+$0x0], $0xffff;
	v48 =	vand.u32 $0xFFFFFF80, v46;
	v49 =	vand.u32 $0xFFFFFF80, v47;
	v47 =	vand.u32 $0x7F, v47  }
0x35d: {  	v46 =	vand.u32 $0x7F, v46;
	v43 =	vld.idx.msk [tilespmem:v43+s2+$0x0], $0xffff;
	v48 =	vadd.s32 v18, v48;
	v49 =	vadd.s32 v18, v49  }
0x35e: {  	v31 =	vor.u32 v10, v31;
	v50 =	vor.u32 s13, v1;
	v46 =	vor.u32 v46, v48  }
0x35f: {  	v18 =	vshll.u32 v50, $0x7;
	v48 =	vshll.u32 v50, $0x4;
	v47 =	vor.u32 v47, v49  }
0x360: {  	v49 =	vand.u32 $0xFFFFFF80, v19;
	v50 =	vadd.s32 $0x1, v19;
	v51 =	vadd.s32 $0x3, v19  }
0x361: {  	v52 =	vand.u32 $0x7F, v19;
	v49 =	vadd.s32 v18, v49;
	v53 =	vand.u32 $0xFFFFFF80, v50  }
0x362: {  	v50 =	vand.u32 $0x7F, v50;
	v49 =	vor.u32 v52, v49;
	v52 =	vadd.s32 v18, v53;
	[tilespmem:v33+s6+$0x0] =	vst.idx.msk $0xffff, v44  }
0x363: {  	v33 =	vadd.s32 $0x2, v19;
	v44 =	vor.u32 v50, v52;
	v50 =	vadd.s32 $0xC, v19;
	[tilespmem:v32+s6+$0x0] =	vst.idx.msk $0xffff, v35  }
0x364: {  	v32 =	vand.u32 $0xFFFFFF80, v33;
	v35 =	vand.u32 $0xFFFFFF80, v51;
	v51 =	vand.u32 $0x7F, v51;
	v39 =	vld.idx.msk [tilespmem:v39+s2+$0x0], $0xffff;
	[tilespmem:v30+s6+$0x0] =	vst.idx.msk $0xffff, v36  }
0x365: {  	v52 =	vadd.s32 v18, v32;
	v30 =	vadd.s32 v18, v35;
	v32 =	vadd.s32 $0x4, v19;
	[tilespmem:v29+s6+$0x0] =	vst.idx.msk $0xffff, v37  }
0x366: {  	v53 =	vand.u32 $0x7F, v33;
	v35 =	vor.u32 v51, v30;
	v29 =	vand.u32 $0xFFFFFF80, v32;
	v30 =	vld.idx.msk [tilespmem:v42+s2+$0x0], $0xffff;
	[tilespmem:v27+s6+$0x0] =	vst.idx.msk $0xffff, v38  }
0x367: {  	v27 =	vand.u32 $0x7F, v32;
	v29 =	vadd.s32 v18, v29;
	v32 =	vadd.s32 $0x5, v19;
	v33 =	vld.idx.msk [tilespmem:v45+s2+$0x0], $0xffff;
	[tilespmem:v28+s6+$0x0] =	vst.idx.msk $0xffff, v40  }
0x368: {  	v36 =	vor.u32 v27, v29;
	v27 =	vand.u32 $0xFFFFFF80, v32;
	v28 =	vand.u32 $0x7F, v32;
	v29 =	vld.idx.msk [tilespmem:v46+s2+$0x0], $0xffff;
	[tilespmem:v26+s6+$0x0] =	vst.idx.msk $0xffff, v41  }
0x369: {  	v32 =	vadd.s32 $0x7, v19;
	v26 =	vadd.s32 v18, v27;
	v27 =	vadd.s32 $0x6, v19;
	[tilespmem:v20+s6+$0x0] =	vst.idx.msk $0xffff, v34  }
0x36a: {  	v34 =	vor.u32 v28, v26;
	v20 =	vand.u32 $0xFFFFFF80, v27;
	v26 =	vand.u32 $0x7F, v27;
	[tilespmem:v23+s6+$0x0] =	vst.idx.msk $0xffff, v39  }
0x36b: {  	v27 =	vadd.s32 $0x8, v19;
	v20 =	vadd.s32 v18, v20;
	v23 =	vand.u32 $0xFFFFFF80, v32;
	v28 =	vld.idx.msk [tilespmem:v47+s2+$0x0], $0xffff;
	[tilespmem:v31+s6+$0x0] =	vst.idx.msk $0xffff, v43  }
0x36c: {  	v38 =	vor.u32 v26, v20;
	v20 =	vand.u32 $0x7F, v32;
	v23 =	vadd.s32 v18, v23;
	[tilespmem:v25+s6+$0x0] =	vst.idx.msk $0xffff, v30  }
0x36d: {  	v31 =	vand.u32 $0xF80, v48;
	v40 =	vor.u32 v20, v23;
	v20 =	vand.u32 $0xFFFFFF80, v27;
	[tilespmem:v21+s6+$0x0] =	vst.idx.msk $0xffff, v33  }
0x36e: {  	v41 =	vor.u32 v2, v31;
	v21 =	vand.u32 $0x7F, v27;
	v20 =	vadd.s32 v18, v20;
	[tilespmem:v22+s6+$0x0] =	vst.idx.msk $0xffff, v29  }
0x36f: {  	v45 =	vor.u32 v3, v31;
	v33 =	vor.u32 v5, v31;
	v42 =	vor.u32 v21, v20  }
0x370: {  	v32 =	vor.u32 v6, v31;
	v30 =	vor.u32 v7, v31;
	v29 =	vor.u32 v8, v31  }
0x371: {  	v27 =	vor.u32 v9, v31;
	v21 =	vadd.s32 $0x9, v19;
	v20 =	vor.u32 v13, v31;
	[tilespmem:v24+s6+$0x0] =	vst.idx.msk $0xffff, v28  }
0x372: {  	v26 =	vor.u32 v12, v31;
	v22 =	vand.u32 $0xFFFFFF80, v21;
	v28 =	vor.u32 v11, v31;
	v46 =	vld.idx.msk [tilespmem:v44+s2+$0x0], $0xffff  }
0x373: {  	v23 =	vor.u32 v14, v31;
	v21 =	vand.u32 $0x7F, v21;
	v22 =	vadd.s32 v18, v22;
	v47 =	vld.idx.msk [tilespmem:v49+s2+$0x0], $0xffff  }
0x374: {  	v43 =	vor.u32 v21, v22;
	v22 =	vadd.s32 $0xA, v19;
	v21 =	vor.u32 v4, v31;
	v35 =	vld.idx.msk [tilespmem:v35+s2+$0x0], $0xffff  }
0x375: {  	v25 =	vor.u32 v16, v31;
	v24 =	vand.u32 $0xFFFFFF80, v22;
	v44 =	vadd.s32 $0xB, v19  }
0x376: {  	v39 =	vand.u32 $0x7F, v22;
	v22 =	vor.u32 v15, v31;
	v24 =	vadd.s32 v18, v24;
	v36 =	vld.idx.msk [tilespmem:v36+s2+$0x0], $0xffff  }
.Ltmp14:
0x377: {  	v48 =	vand.u32 $0x7F, v44;
	v39 =	vor.u32 v39, v24;
	v24 =	vand.u32 $0xFFFFFF80, v44;
	v37 =	vld.idx.msk [tilespmem:v34+s2+$0x0], $0xffff;
	(pc) =	sbr.rel @p1 .LBB2_31-.Ltmp14, $4  }
0x378: {  	v44 =	vor.u32 v53, v52;
	v49 =	vadd.s32 v18, v24;
	v24 =	vor.u32 v17, v31;
	v38 =	vld.idx.msk [tilespmem:v38+s2+$0x0], $0xffff  }
0x379: {  	v34 =	vld.idx.msk [tilespmem:v43+s2+$0x0], $0xffff;
	v43 =	vor.u32 v48, v49;
	v48 =	vand.u32 $0xFFFFFF80, v50;
	v49 =	vadd.s32 $0xD, v19;
	[tilespmem:v41+s6+$0x0] =	vst.idx.msk $0xffff, v47  }
0x37a: {  	v47 =	vand.u32 $0x7F, v50;
	v40 =	vld.idx.msk [tilespmem:v40+s2+$0x0], $0xffff;
	v48 =	vadd.s32 v18, v48;
	v50 =	vand.u32 $0xFFFFFF80, v49;
	[tilespmem:v45+s6+$0x0] =	vst.idx.msk $0xffff, v46  }
0x37b: {  	s12 =	sadd.s32 $0x10, s12;
	v45 =	vand.u32 $0x7F, v49;
	v41 =	vld.idx.msk [tilespmem:v42+s2+$0x0], $0xffff;
	v42 =	vor.u32 v47, v48;
	v46 =	vadd.s32 v18, v50  }
0x37c: {  	_ =	sdelay $0x3  }
0x37d: {  	v2 =	vld.idx.msk [tilespmem:v44+s2+$0x0], $0xffff;
	_ =	sdelay $0x3  }
0x37e: {  	v3 =	vadd.s32 $0xE, v19  }
0x37f: {  	v4 =	vor.u32 v45, v46;
	v5 =	vadd.s32 $0xF, v19;
	v6 =	vand.u32 $0xFFFFFF80, v3;
	[tilespmem:v33+s6+$0x0] =	vst.idx.msk $0xffff, v2  }
0x380: {  	v3 =	vand.u32 $0x7F, v3;
	v6 =	vadd.s32 v18, v6;
	v2 =	vand.u32 $0xFFFFFF80, v5;
	[tilespmem:v32+s6+$0x0] =	vst.idx.msk $0xffff, v35  }
0x381: {  	v3 =	vor.u32 v3, v6;
	v5 =	vand.u32 $0x7F, v5;
	v2 =	vadd.s32 v18, v2;
	[tilespmem:v30+s6+$0x0] =	vst.idx.msk $0xffff, v36  }
0x382: {  	v62 =	vld.idx.msk [tilespmem:v39+s2+$0x0], $0xffff;
	v2 =	vor.u32 v5, v2;
	[tilespmem:v29+s6+$0x0] =	vst.idx.msk $0xffff, v37  }
0x383: {  	v63 =	vld.idx.msk [tilespmem:v43+s2+$0x0], $0xffff;
	v7 =	vor.u32 v10, v31;
	[tilespmem:v27+s6+$0x0] =	vst.idx.msk $0xffff, v38  }
0x384: {  	v8 =	vld.idx.msk [tilespmem:v42+s2+$0x0], $0xffff;
	[tilespmem:v28+s6+$0x0] =	vst.idx.msk $0xffff, v40  }
0x385: {  	v4 =	vld.idx.msk [tilespmem:v4+s2+$0x0], $0xffff;
	[tilespmem:v26+s6+$0x0] =	vst.idx.msk $0xffff, v41  }
0x386: {  	v3 =	vld.idx.msk [tilespmem:v3+s2+$0x0], $0xffff;
	[tilespmem:v20+s6+$0x0] =	vst.idx.msk $0xffff, v34  }
0x387: {  	v2 =	vld.idx.msk [tilespmem:v2+s2+$0x0], $0xffff;
	[tilespmem:v23+s6+$0x0] =	vst.idx.msk $0xffff, v62  }
0x388: {  	[tilespmem:v7+s6+$0x0] =	vst.idx.msk $0xffff, v63  }
0x389: {  	s9 =	sadd.s32 s11, s23;
	[tilespmem:v25+s6+$0x0] =	vst.idx.msk $0xffff, v8  }
0x38a: {  	s10 =	sadd.s32 $0x1, s10;
	s9 =	sshll.u32 s9, $0x1;
	[tilespmem:v21+s6+$0x0] =	vst.idx.msk $0xffff, v4  }
0x38b: {  	p1 =	sne.s32 s10, $0x20;
	s9 =	sadd.s32 s14, s9;
	[tilespmem:v22+s6+$0x0] =	vst.idx.msk $0xffff, v3  }
.Ltmp15:
0x38c: {  	s9 =	sadd.s32 $0x200, s9;
	[tilespmem:v24+s6+$0x0] =	vst.idx.msk $0xffff, v2;
	(pc) =	sbr.rel @p1 .LBB2_24-.Ltmp15, $4  }
0x38d: {  	[hbm4b:s9+s4] =	stream.linear.scatter [tilespmem:s6], [sflag:$0x5], $0x1000, $0x38;
	[tilespmem:$0x11600] =	vst v63  }
0x38e: {  	_ =	swait.ge [sflag:s8], $0x1000  }
0x38f: {  	[sflag:s8] =	ssyncset.done $0x0  }
0x390: {  	[sflag:s8] =	ssyncadd.s32 $0xFFFFF000  }
0x391: {  	_ =	swait.ge [sflag:s20], $0x8000  }
0x392: {  	[sflag:s20] =	ssyncset.done $0x0  }
0x393: {  	[sflag:s20] =	ssyncadd.s32 $0xFFFF8000  }
0x394: {  	_ =	swait.ge [sflag:s31], $0x100  }
0x395: {  	s10 =	rddreg [dreg:$0x1b]  }
0x396: {  	s9 =	rddreg [dreg:$0x18];
	s10 =	sadd.s32 $0x1, s10  }
0x397: {  	p1 =	sne.s32 s10, s9  }
.Ltmp16:
0x398: {  	_ = 	snop;
	(pc) =	sbr.rel @p1 .LBB2_1-.Ltmp16, $3  }
0x399: {  	_ =	sdelay $0x1  }
0x39a: {  	[sflag:s31] =	ssyncset.done $0x0  }
0x39b: {  	[sflag:s31] =	ssyncadd.s32 $0xFFFFFF00  }
0x39c: {  	_ =	sfence.sel $0x180000  }
0x39d: {  	[bflag:$0x0] =	sbarrier.arrive $0xFFFF  }
0x39e: {  	_ =	strace $0x90000047  }
0x39f: {  	s0 =	stileid.u32;
	[bflag:$0x2] =	sbarrier.arrive $0xFFFF  }
0x3a0: {  	p0 =	sne.s32 s0, $0x0;
	s0 =	rddreg [dreg:$0x2]  }
0x3a1: {  	s0 =	sadd.s32 @!p0 $0x100000, s0  }
0x3a2: {  	[sflag:s0] =	ssyncadd.tile.s32 @!p0 $0x1;
	_ =	shalt  }
.Lfunc_end2:
_tile_overlayer_lowered:
.L_overlay_start_2:
0x3a3: {  	(tag) =	ssettag $0x2  }
0x3a4: {  	s0 =	rddreg [dreg:$0x0];
	s2 =	stileid.u32  }
0x3a5: {  	s1 =	rddreg [dreg:$0x1];
	p0 =	sne.s32 s2, $0x0  }
0x3a6: {  	s3 =	rddreg [dreg:$0x2];
	[bflag:$0x3] =	sbarrier.arrive $0xFFFF;
	s2 =	simm.s32 @!p0 $0x1C05  }
0x3a7: {  	[timem:s3], [sflag:s2] =	dma.local @!p0 [hbm:s0], s1  }
0x3a8: {  	s0 =	simm.s32 @!p0 $0x5  }
0x3a9: {  	_ =	swait.ge @!p0 [sflag:s0], s1  }
0x3aa: {  	s1 =	ssub.s32 @!p0 $0x0, s1;
	[sflag:s0] =	ssyncset.done @!p0 $0x0  }
0x3ab: {  	[sflag:s0] =	ssyncadd.s32 @!p0 s1  }
0x3ac: {  	[bflag:$0x3] =	sbarrier.arrive $0xFFFF  }
0x3ad: {  	_ =	shalt  }

</sc_bundles>
